<compile_context>
chip_gen: v7x
topology: tpu7x:2x2x1
jax: 0.10.2.dev20260603
libtpu: 0.0.44.dev20260713+nightly
codegen_flags: <defaults>
</compile_context>

<pallas_src>
import functools

import jax
import jax.numpy as jnp
from jax import lax
from jax.experimental import pallas as pl
from jax.experimental.pallas import tpu as pltpu
from jax.experimental.pallas import tpu_sc as plsc

N = 10000
HIDDEN = 64
NFILT = 64
NINT = 3
NG = 50
CUTOFF = 10.0
MAXNB = 16
NGRAPH = 16

_INF = float("inf")
_BIG = 2**30
_LOG2 = 0.6931471805599453


def _ssp(x):
    return jnp.maximum(x, 0.0) + jnp.log(1.0 + jnp.exp(-jnp.abs(x))) - _LOG2



def _edge_body(posr, posT, batr, batc, c0s, c1s, idx_out, val_out, d2buf,
               *, R, W, n):
    i = pl.program_id(0)
    c0 = c0s[i]
    c1 = c1s[i]
    n2r = jnp.sum(posr[...] * posr[...], axis=1, keepdims=True)
    row_ids = i * R + lax.broadcasted_iota(jnp.int32, (R, 1), 0)
    br = batr[...]

    def fill(c, _):
        colT = posT[:, pl.ds(c * W, W)]
        bc = batc[:, pl.ds(c * W, W)]
        n2c = jnp.sum(colT * colT, axis=0, keepdims=True)
        d2 = n2r + n2c - 2.0 * jnp.dot(posr[...], colT,
                                       preferred_element_type=jnp.float32)
        d2 = jnp.maximum(d2, 0.0)
        col_ids = c * W + lax.broadcasted_iota(jnp.int32, (R, W), 1)
        ok = (br == bc) & (row_ids != col_ids) & (d2 <= CUTOFF * CUTOFF)
        d2buf[:, pl.ds(c * W, W)] = jnp.where(ok, d2, _INF)
        return 0

    lax.fori_loop(c0, c1, fill, 0)

    iota_f = lax.broadcasted_iota(jnp.int32, (R, W), 1).astype(jnp.float32)
    last_v = jnp.full((R, 1), -_INF, jnp.float32)
    last_i = jnp.full((R, 1), -1.0, jnp.float32)
    cols_i = []
    cols_v = []
    for _ in range(MAXNB):
        def sweep(c, acc):
            acc_v, acc_i = acc
            v = d2buf[:, pl.ds(c * W, W)]
            cf = (c * W).astype(jnp.float32) + iota_f
            cand = (v > last_v) | ((v == last_v) & (cf > last_i))
            vm = jnp.where(cand, v, _INF)
            m2 = vm[:, :128]
            i2 = cf[:, :128]
            for k in range(1, W // 128):
                vk = vm[:, k * 128:(k + 1) * 128]
                ik = cf[:, k * 128:(k + 1) * 128]
                take = (vk < m2) | ((vk == m2) & (ik < i2))
                m2 = jnp.where(take, vk, m2)
                i2 = jnp.where(take, ik, i2)
            m = jnp.min(m2, axis=1, keepdims=True)
            im = jnp.min(jnp.where(m2 == m, i2, float(_BIG)), axis=1,
                         keepdims=True)
            better = (m < acc_v) | ((m == acc_v) & (im < acc_i))
            return (jnp.where(better, m, acc_v), jnp.where(better, im, acc_i))

        acc_v, acc_i = lax.fori_loop(
            c0, c1, sweep,
            (jnp.full((R, 1), _INF, jnp.float32),
             jnp.full((R, 1), float(_BIG), jnp.float32)))
        last_v, last_i = acc_v, acc_i
        cols_i.append(jnp.clip(acc_i.astype(jnp.int32), 0, n - 1))
        cols_v.append((acc_v <= CUTOFF * CUTOFF).astype(jnp.float32))
    idx_out[...] = jnp.concatenate(cols_i, axis=1)
    val_out[...] = jnp.concatenate(cols_v, axis=1)


def _build_edges(pos8, posT, batT, batC, c0s, c1s, *, n, R, W, nch):
    nt = n // R
    body = functools.partial(_edge_body, R=R, W=W, n=n)
    return pl.pallas_call(
        body,
        grid=(nt,),
        in_specs=[
            pl.BlockSpec((R, 8), lambda i: (i, 0)),
            pl.BlockSpec((8, nch * W), lambda i: (0, 0)),
            pl.BlockSpec((R, 1), lambda i: (i, 0)),
            pl.BlockSpec((1, nch * W), lambda i: (0, 0)),
            pl.BlockSpec(memory_space=pltpu.SMEM),
            pl.BlockSpec(memory_space=pltpu.SMEM),
        ],
        out_specs=[
            pl.BlockSpec((R, MAXNB), lambda i: (i, 0)),
            pl.BlockSpec((R, MAXNB), lambda i: (i, 0)),
        ],
        out_shape=[
            jax.ShapeDtypeStruct((n, MAXNB), jnp.int32),
            jax.ShapeDtypeStruct((n, MAXNB), jnp.float32),
        ],
        scratch_shapes=[pltpu.VMEM((R, nch * W), jnp.float32)],
    )(pos8, posT, batT, batC, c0s, c1s)



def _sc_gather(table, idx, req_chunk):
    B = idx.shape[0]
    D = table.shape[1]
    b_per_w = B // 32
    chunk = 8
    for cand in range(8, min(req_chunk, b_per_w) + 1, 8):
        if b_per_w % cand == 0:
            chunk = cand
    npairs = b_per_w // (2 * chunk) if (b_per_w // chunk) % 2 == 0 else 0
    mesh = plsc.VectorSubcoreMesh(core_axis_name="c", subcore_axis_name="s")

    @functools.partial(
        pl.kernel, mesh=mesh,
        compiler_params=pltpu.CompilerParams(use_tc_tiling_on_sc=False),
        out_type=jax.ShapeDtypeStruct((B, D), jnp.float32),
        scratch_types=[
            pltpu.VMEM((chunk,), jnp.int32),
            pltpu.VMEM((chunk,), jnp.int32),
            pltpu.VMEM((chunk, D), jnp.float32),
            pltpu.VMEM((chunk, D), jnp.float32),
            pltpu.SemaphoreType.DMA,
            pltpu.SemaphoreType.DMA,
            pltpu.SemaphoreType.DMA,
            pltpu.SemaphoreType.DMA,
            pltpu.SemaphoreType.DMA,
            pltpu.SemaphoreType.DMA,
        ],
    )
    def k(table_hbm, idx_hbm, out_hbm, idx0, idx1, rows0, rows1,
          si0, si1, sg0, sg1, so0, so1):
        wid = lax.axis_index("s") * 2 + lax.axis_index("c")
        base = wid * b_per_w

        def pair(p, _):
            off0 = base + 2 * p * chunk
            off1 = off0 + chunk
            ci0 = pltpu.async_copy(idx_hbm.at[pl.ds(off0, chunk)], idx0, si0)
            ci1 = pltpu.async_copy(idx_hbm.at[pl.ds(off1, chunk)], idx1, si1)
            ci0.wait()
            g0 = pltpu.async_copy(table_hbm.at[idx0], rows0, sg0)
            ci1.wait()
            g1 = pltpu.async_copy(table_hbm.at[idx1], rows1, sg1)
            g0.wait()
            o0 = pltpu.async_copy(rows0, out_hbm.at[pl.ds(off0, chunk)], so0)
            g1.wait()
            o1 = pltpu.async_copy(rows1, out_hbm.at[pl.ds(off1, chunk)], so1)
            o0.wait()
            o1.wait()
            return 0

        def step(j, _):
            off = base + j * chunk
            pltpu.async_copy(idx_hbm.at[pl.ds(off, chunk)], idx0, si0).wait()
            pltpu.async_copy(table_hbm.at[idx0], rows0, sg0).wait()
            pltpu.async_copy(rows0, out_hbm.at[pl.ds(off, chunk)], so0).wait()
            return 0

        if npairs:
            lax.fori_loop(0, npairs, pair, 0)
        else:
            lax.fori_loop(0, b_per_w // chunk, step, 0)

    return k(table, idx)



def _agg_block(gpos, dpos, g, vld, Wg1, bg1, Wg2, bg2, offs, P, *, E_T):
    nd = E_T // MAXNB
    dp = jnp.broadcast_to(dpos[...].reshape(nd, 1, 16), (nd, MAXNB, 16))
    diff = gpos[...] - dp.reshape(E_T, 16)
    d2 = jnp.sum(diff * diff, axis=1, keepdims=True)
    valid = vld[...]
    dn = jnp.sqrt(jnp.where(valid > 0, d2, 1.0))
    d = jnp.broadcast_to(dn, (E_T, 64))
    coeff = -0.5 / (CUTOFF / (NG - 1)) ** 2
    rbf = jnp.exp(coeff * (d - offs[...]) ** 2)
    t1 = _ssp(jnp.dot(rbf, Wg1[...], preferred_element_type=jnp.float32)
              + bg1[...])
    Wf = jnp.dot(t1, Wg2[...], preferred_element_type=jnp.float32) + bg2[...]
    cn = 0.5 * (jnp.cos(dn * (jnp.pi / CUTOFF)) + 1.0) * valid
    m = g[...] * Wf * jnp.broadcast_to(cn, (E_T, 64))
    return jnp.dot(P[...], m, preferred_element_type=jnp.float32)


def _mu_body(gpos, dpos, g, vld, Wg1, bg1, Wg2, bg2, offs, P, h, Wc2, bc2,
             Wl, bl, Wc1n, hout, xout, *, E_T):
    agg = _agg_block(gpos, dpos, g, vld, Wg1, bg1, Wg2, bg2, offs, P, E_T=E_T)
    x = _ssp(jnp.dot(agg, Wc2[...], preferred_element_type=jnp.float32)
             + bc2[...])
    x = jnp.dot(x, Wl[...], preferred_element_type=jnp.float32) + bl[...]
    hn = h[...] + x
    hout[...] = hn
    xout[...] = jnp.dot(hn, Wc1n[...], preferred_element_type=jnp.float32)


def _mu_pool_body(gpos, dpos, g, vld, Wg1, bg1, Wg2, bg2, offs, P, h, Wc2,
                  bc2, Wl, bl, pout, *, E_T):
    i = pl.program_id(0)
    agg = _agg_block(gpos, dpos, g, vld, Wg1, bg1, Wg2, bg2, offs, P, E_T=E_T)
    x = _ssp(jnp.dot(agg, Wc2[...], preferred_element_type=jnp.float32)
             + bc2[...])
    x = jnp.dot(x, Wl[...], preferred_element_type=jnp.float32) + bl[...]
    hn = h[...] + x

    @pl.when(i == 0)
    def _():
        pout[...] = jnp.zeros_like(pout)

    pout[...] += jnp.sum(hn, axis=0, keepdims=True) / NGRAPH


def _msgupd(gpos, pos16, g, vld, h, offs, P, Wg1, bg1, Wg2, bg2, Wc2, bc2,
            Wl, bl, Wc1n, *, n, E_T, eoff, noff):
    nt = (n * MAXNB) // E_T
    nd = E_T // MAXNB
    cst = lambda i: (0, 0)
    espec = [pl.BlockSpec((E_T, 16), lambda i: (i + eoff, 0)),
             pl.BlockSpec((nd, 16), lambda i: (i + noff, 0)),
             pl.BlockSpec((E_T, HIDDEN), lambda i: (i + eoff, 0)),
             pl.BlockSpec((E_T, 1), lambda i: (i, 0)),
             pl.BlockSpec((64, NFILT), cst),
             pl.BlockSpec((1, NFILT), cst),
             pl.BlockSpec((NFILT, NFILT), cst),
             pl.BlockSpec((1, NFILT), cst),
             pl.BlockSpec((1, 64), cst),
             pl.BlockSpec((nd, E_T), cst),
             pl.BlockSpec((nd, HIDDEN), lambda i: (i + noff, 0)),
             pl.BlockSpec((HIDDEN, HIDDEN), cst),
             pl.BlockSpec((1, HIDDEN), cst),
             pl.BlockSpec((HIDDEN, HIDDEN), cst),
             pl.BlockSpec((1, HIDDEN), cst)]
    args = [gpos, pos16, g, vld, Wg1, bg1, Wg2, bg2, offs, P, h, Wc2, bc2,
            Wl, bl]
    if Wc1n is not None:
        return pl.pallas_call(
            functools.partial(_mu_body, E_T=E_T), grid=(nt,),
            in_specs=espec + [pl.BlockSpec((HIDDEN, HIDDEN), cst)],
            out_specs=[pl.BlockSpec((nd, HIDDEN), lambda i: (i, 0)),
                       pl.BlockSpec((nd, HIDDEN), lambda i: (i, 0))],
            out_shape=[jax.ShapeDtypeStruct((n, HIDDEN), jnp.float32)] * 2,
        )(*args, Wc1n)
    return pl.pallas_call(
        functools.partial(_mu_pool_body, E_T=E_T), grid=(nt,),
        in_specs=espec,
        out_specs=pl.BlockSpec((1, HIDDEN), cst),
        out_shape=jax.ShapeDtypeStruct((1, HIDDEN), jnp.float32),
    )(*args)


def _messages(gpos, pos16, g, vld, Wg1, bg1, Wg2, bg2, offs, P, *, n, E_T):
    E = n * MAXNB
    nt = E // E_T
    nd = E_T // MAXNB
    body = functools.partial(_msg_body, E_T=E_T)
    cst = lambda i: (0, 0)
    return pl.pallas_call(
        body,
        grid=(nt,),
        in_specs=[
            pl.BlockSpec((E_T, 16), lambda i: (i, 0)),
            pl.BlockSpec((nd, 16), lambda i: (i, 0)),
            pl.BlockSpec((E_T, HIDDEN), lambda i: (i, 0)),
            pl.BlockSpec((E_T, 1), lambda i: (i, 0)),
            pl.BlockSpec((64, NFILT), cst),
            pl.BlockSpec((1, NFILT), cst),
            pl.BlockSpec((NFILT, NFILT), cst),
            pl.BlockSpec((1, NFILT), cst),
            pl.BlockSpec((1, 64), cst),
            pl.BlockSpec((nd, E_T), cst),
        ],
        out_specs=pl.BlockSpec((nd, HIDDEN), lambda i: (i, 0)),
        out_shape=jax.ShapeDtypeStruct((n, HIDDEN), jnp.float32),
    )(gpos, pos16, g, vld, Wg1, bg1, Wg2, bg2, offs, P)



def _upd_body(agg, h, Wc2, bc2, Wl, bl, Wc1n, hout, xout):
    x = _ssp(jnp.dot(agg[...], Wc2[...], preferred_element_type=jnp.float32)
             + bc2[...])
    x = jnp.dot(x, Wl[...], preferred_element_type=jnp.float32) + bl[...]
    hn = h[...] + x
    hout[...] = hn
    xout[...] = jnp.dot(hn, Wc1n[...], preferred_element_type=jnp.float32)


def _upd_pool_body(agg, h, Wc2, bc2, Wl, bl, pout):
    i = pl.program_id(0)
    x = _ssp(jnp.dot(agg[...], Wc2[...], preferred_element_type=jnp.float32)
             + bc2[...])
    x = jnp.dot(x, Wl[...], preferred_element_type=jnp.float32) + bl[...]
    hn = h[...] + x

    @pl.when(i == 0)
    def _():
        pout[...] = jnp.zeros_like(pout)

    pout[...] += jnp.sum(hn, axis=0, keepdims=True) / NGRAPH


def _update(agg, h, Wc2, bc2, Wl, bl, Wc1n, *, n, R):
    nt = n // R
    cst = lambda i: (0, 0)
    wspec = [pl.BlockSpec((HIDDEN, HIDDEN), cst), pl.BlockSpec((1, HIDDEN), cst),
             pl.BlockSpec((HIDDEN, HIDDEN), cst), pl.BlockSpec((1, HIDDEN), cst)]
    io = [pl.BlockSpec((R, HIDDEN), lambda i: (i, 0)),
          pl.BlockSpec((R, HIDDEN), lambda i: (i, 0))]
    if Wc1n is not None:
        return pl.pallas_call(
            _upd_body, grid=(nt,),
            in_specs=io + wspec + [pl.BlockSpec((HIDDEN, HIDDEN), cst)],
            out_specs=io,
            out_shape=[jax.ShapeDtypeStruct((n, HIDDEN), jnp.float32)] * 2,
        )(agg, h, Wc2, bc2, Wl, bl, Wc1n)
    return pl.pallas_call(
        _upd_pool_body, grid=(nt,),
        in_specs=io + wspec,
        out_specs=pl.BlockSpec((1, HIDDEN), cst),
        out_shape=jax.ShapeDtypeStruct((1, HIDDEN), jnp.float32),
    )(agg, h, Wc2, bc2, Wl, bl)


def _mm_body(x, W, o):
    o[...] = jnp.dot(x[...], W[...], preferred_element_type=jnp.float32)


def _mm(x, W, *, n, R):
    return pl.pallas_call(
        _mm_body, grid=(n // R,),
        in_specs=[pl.BlockSpec((R, HIDDEN), lambda i: (i, 0)),
                  pl.BlockSpec((HIDDEN, HIDDEN), lambda i: (0, 0))],
        out_specs=pl.BlockSpec((R, HIDDEN), lambda i: (i, 0)),
        out_shape=jax.ShapeDtypeStruct((n, HIDDEN), jnp.float32),
    )(x, W)



def _head_body(a, g, add, W1a, W1g, W1d, b1, ap, W2, b2, o):
    x = (jnp.dot(a[...], W1a[...], preferred_element_type=jnp.float32)
         + jnp.dot(g[...], W1g[...], preferred_element_type=jnp.float32)
         + jnp.dot(add[...], W1d[...], preferred_element_type=jnp.float32)
         + b1[...])
    x = jnp.where(x >= 0, x, ap[...] * x)
    y = jnp.dot(x, W2[...], preferred_element_type=jnp.float32) + b2[...]
    o[...] = jnp.exp(y)


def _head(a, g, add, W1a, W1g, W1d, b1, ap, W2, b2):
    return pl.pallas_call(
        _head_body,
        out_shape=jax.ShapeDtypeStruct((1, 1), jnp.float32),
    )(a, g, add, W1a, W1g, W1d, b1, ap, W2, b2)



def _embed2(sets, emb, Wg1, bg1, Wg2, bg2, Wc1, Wc2, bc2, Wl, bl, offs):
    st = []
    for z, pos, batch in sets:
        n = pos.shape[0]
        R = 200 if n % 200 == 0 else 64
        W = 256
        ncols = ((n + W - 1) // W) * W
        nch = ncols // W
        pos8 = jnp.pad(pos, ((0, 0), (0, 5)))
        pos16 = jnp.pad(pos, ((0, 0), (0, 13)))
        posT = jnp.pad(pos8.T, ((0, 0), (0, ncols - n)))
        batch = batch.astype(jnp.int32)
        batC = jnp.pad(batch, (0, ncols - n),
                       constant_values=_BIG).reshape(1, -1)
        batT = batch.reshape(-1, 1)
        ch_lo = batC[0, ::W]
        ch_hi = batC[0, W - 1::W]
        r_lo = batch[::R]
        r_hi = batch[R - 1::R]
        c0s = jnp.sum((ch_hi[None, :] < r_lo[:, None]).astype(jnp.int32),
                      axis=1)
        c1s = nch - jnp.sum((ch_lo[None, :] > r_hi[:, None]).astype(jnp.int32),
                            axis=1)
        idx, vld = _build_edges(pos8, posT, batT, batC, c0s, c1s,
                                n=n, R=R, W=W, nch=nch)
        E = n * MAXNB
        Ep = ((E + 4095) // 4096) * 4096
        st.append(dict(
            n=n, z=z, pos16=pos16,
            src=jnp.pad(idx.reshape(E), (0, Ep - E)),
            vldf=vld.reshape(E, 1)))
    n = st[0]["n"]
    E = n * MAXNB
    Ep = st[0]["src"].shape[0]
    E_T = 640 if E % 640 == 0 else 256
    nd = E_T // MAXNB
    eoffs = (0, Ep // E_T)
    noffs = (0, n // nd)
    src_all = jnp.concatenate([st[0]["src"], st[1]["src"] + n])
    pos16_all = jnp.concatenate([st[0]["pos16"], st[1]["pos16"]])
    gpos_all = _sc_gather(pos16_all, src_all, 640)
    n2 = 2 * n
    n2p = ((n2 + 255) // 256) * 256
    z_all = jnp.pad(jnp.concatenate([st[0]["z"], st[1]["z"]]).astype(
        jnp.int32), (0, n2p - n2))
    h_all = _sc_gather(emb, z_all, 640)
    Rm = 2048 if n2p % 2048 == 0 else 8
    xh_all = _mm(h_all, Wc1[0], n=n2p, R=Rm)
    P = (lax.broadcasted_iota(jnp.int32, (nd, E_T), 1) // MAXNB
         == lax.broadcasted_iota(jnp.int32, (nd, E_T), 0)).astype(jnp.float32)
    for t in range(NINT):
        g_all = _sc_gather(xh_all, src_all, 640)
        nxt = Wc1[t + 1] if t + 1 < NINT else None
        res = []
        for s, eoff, noff in zip(st, eoffs, noffs):
            res.append(_msgupd(
                gpos_all, pos16_all, g_all, s["vldf"], h_all, offs, P,
                Wg1[t], bg1[t:t + 1], Wg2[t], bg2[t:t + 1], Wc2[t],
                bc2[t:t + 1], Wl[t], bl[t:t + 1], nxt,
                n=n, E_T=E_T, eoff=eoff, noff=noff))
        if nxt is not None:
            h_all = jnp.concatenate([res[0][0], res[1][0]])
            xh_all = jnp.concatenate([res[0][1], res[1][1]])
    return res[0], res[1]


def kernel(A_z, A_pos, A_batch, G_z, G_pos, G_batch, add_features, emb, Wg1,
           bg1, Wg2, bg2, Wc1, Wc2, bc2, Wl, bl, Wfc1, bfc1, a_prelu, Wfc2,
           bfc2):
    offs = jnp.pad(jnp.linspace(0.0, CUTOFF, NG), (0, 64 - NG)).reshape(1, 64)
    Wg1p = jnp.pad(Wg1, ((0, 0), (0, 64 - NG), (0, 0)))
    Aemb, Gemb = _embed2(
        [(A_z, A_pos, A_batch), (G_z, G_pos, G_batch)],
        emb, Wg1p, bg1, Wg2, bg2, Wc1, Wc2, bc2, Wl, bl, offs)
    out = _head(Aemb, Gemb, add_features.reshape(1, -1),
                Wfc1[:HIDDEN], Wfc1[HIDDEN:2 * HIDDEN], Wfc1[2 * HIDDEN:],
                bfc1.reshape(1, -1), a_prelu.reshape(1, 1), Wfc2,
                bfc2.reshape(1, 1))
    return out.reshape(1)

# --- scband reference (transcript-rebuilt; emitter-appended) ---
"""Pipeline reference for scband-polymer-gnn-sch-net-iv-87471303950764 (READ-ONLY COPY).

The authoritative reference and input builder live on the scoring server;
editing this copy changes nothing except your own understanding.
"""

import jax, jax.numpy as jnp
import numpy as np

N = 10000
HIDDEN = 64
NFILT = 64
NINT = 3
NG = 50
CUTOFF = 10.0
MAXNB = 16
NGRAPH = 16
NADD = 8

def ssp(x):
    return jnp.logaddexp(x, 0.0) - jnp.log(2.0)

def build_edges(pos, batch, cutoff, k, chunk=2000):
    n = pos.shape[0]
    n2 = jnp.sum(pos * pos, axis=1)
    idx_list = []
    val_list = []
    for s in range(0, n, chunk):
        e = min(s + chunk, n)
        d2 = n2[s:e, None] + n2[None, :] - 2.0 * (pos[s:e] @ pos.T)
        d2 = jnp.maximum(d2, 0.0)
        same = batch[s:e, None] == batch[None, :]
        notself = jnp.arange(s, e)[:, None] != jnp.arange(n)[None, :]
        mask = same & notself & (d2 <= cutoff * cutoff)
        d2m = jnp.where(mask, d2, jnp.inf)
        _, idx = jax.lax.top_k(-d2m, k)
        valid = jnp.take_along_axis(mask, idx, axis=1)
        idx_list.append(idx)
        val_list.append(valid)
    idx = jnp.concatenate(idx_list, axis=0)
    valid = jnp.concatenate(val_list, axis=0)
    src = idx.reshape(-1)
    dst = jnp.repeat(jnp.arange(n), k)
    return src, dst, valid.reshape(-1)

def schnet_embed(z, pos, batch, src, dst, valid, emb, Wg1, bg1, Wg2, bg2, Wc1, Wc2, bc2, Wl, bl):
    n = pos.shape[0]
    diff = pos[dst] - pos[src]
    d2e = jnp.sum(diff * diff, axis=1)
    d = jnp.sqrt(jnp.where(valid, d2e, 1.0))
    offsets = jnp.linspace(0.0, CUTOFF, NG)
    coeff = -0.5 / (offsets[1] - offsets[0]) ** 2
    rbf = jnp.exp(coeff * (d[:, None] - offsets[None, :]) ** 2)
    C = 0.5 * (jnp.cos(d * jnp.pi / CUTOFF) + 1.0) * valid.astype(pos.dtype)
    h = emb[z]
    for t in range(NINT):
        Wf = ssp(rbf @ Wg1[t] + bg1[t]) @ Wg2[t] + bg2[t]
        Wf = Wf * C[:, None]
        xh = h @ Wc1[t]
        m = xh[src] * Wf
        agg = jax.ops.segment_sum(m, dst, num_segments=n)
        xh = agg @ Wc2[t] + bc2[t]
        xh = ssp(xh)
        xh = xh @ Wl[t] + bl[t]
        h = h + xh
    pooled = jax.ops.segment_sum(h, batch, num_segments=NGRAPH)
    return jnp.mean(pooled, axis=0)

def setup_inputs(seed: int = 0):
    key = jax.random.key(seed)
    ks = jax.random.split(key, 24)
    A_z = jax.random.randint(ks[0], (N,), 0, 100)
    A_pos = jax.random.normal(ks[1], (N, 3), dtype=jnp.float32)
    A_batch = jnp.sort(jax.random.randint(ks[2], (N,), 0, NGRAPH))
    G_z = jax.random.randint(ks[3], (N,), 0, 100)
    G_pos = jax.random.normal(ks[4], (N, 3), dtype=jnp.float32)
    G_batch = jnp.sort(jax.random.randint(ks[5], (N,), 0, NGRAPH))
    add_features = jax.random.normal(ks[6], (NADD,), dtype=jnp.float32)
    emb = jax.random.normal(ks[7], (100, HIDDEN), dtype=jnp.float32) * 0.05
    Wg1 = jax.random.normal(ks[8], (NINT, NG, NFILT), dtype=jnp.float32) * 0.05
    bg1 = jnp.zeros((NINT, NFILT), dtype=jnp.float32)
    Wg2 = jax.random.normal(ks[9], (NINT, NFILT, NFILT), dtype=jnp.float32) * 0.05
    bg2 = jnp.zeros((NINT, NFILT), dtype=jnp.float32)
    Wc1 = jax.random.normal(ks[10], (NINT, HIDDEN, NFILT), dtype=jnp.float32) * 0.05
    Wc2 = jax.random.normal(ks[11], (NINT, NFILT, HIDDEN), dtype=jnp.float32) * 0.05
    bc2 = jnp.zeros((NINT, HIDDEN), dtype=jnp.float32)
    Wl = jax.random.normal(ks[12], (NINT, HIDDEN, HIDDEN), dtype=jnp.float32) * 0.05
    bl = jnp.zeros((NINT, HIDDEN), dtype=jnp.float32)
    Wfc1 = jax.random.normal(ks[13], (2 * HIDDEN + NADD, HIDDEN), dtype=jnp.float32) * 0.05
    bfc1 = jnp.zeros((HIDDEN,), dtype=jnp.float32)
    a_prelu = jnp.asarray(0.25, dtype=jnp.float32)
    Wfc2 = jax.random.normal(ks[14], (HIDDEN, 1), dtype=jnp.float32) * 0.05
    bfc2 = jnp.zeros((1,), dtype=jnp.float32)
    return {'A_z': A_z, 'A_pos': A_pos, 'A_batch': A_batch, 'G_z': G_z, 'G_pos': G_pos, 'G_batch': G_batch, 'add_features': add_features, 'emb': emb, 'Wg1': Wg1, 'bg1': bg1, 'Wg2': Wg2, 'bg2': bg2, 'Wc1': Wc1, 'Wc2': Wc2, 'bc2': bc2, 'Wl': Wl, 'bl': bl, 'Wfc1': Wfc1, 'bfc1': bfc1, 'a_prelu': a_prelu, 'Wfc2': Wfc2, 'bfc2': bfc2}

def reference(A_z, A_pos, A_batch, G_z, G_pos, G_batch, add_features, emb, Wg1, bg1, Wg2, bg2, Wc1, Wc2, bc2, Wl, bl, Wfc1, bfc1, a_prelu, Wfc2, bfc2):
    As_, Ad_, Av_ = build_edges(A_pos, A_batch, CUTOFF, MAXNB)
    Gs_, Gd_, Gv_ = build_edges(G_pos, G_batch, CUTOFF, MAXNB)
    Aemb = schnet_embed(A_z, A_pos, A_batch, As_, Ad_, Av_, emb, Wg1, bg1, Wg2, bg2, Wc1, Wc2, bc2, Wl, bl)
    Gemb = schnet_embed(G_z, G_pos, G_batch, Gs_, Gd_, Gv_, emb, Wg1, bg1, Wg2, bg2, Wc1, Wc2, bc2, Wl, bl)
    pool = jnp.concatenate([Aemb, Gemb, add_features], axis=0)
    x = pool @ Wfc1 + bfc1
    x = jnp.where(x >= 0, x, a_prelu * x)
    x = x @ Wfc2 + bfc2
    return jnp.exp(x)

if __name__ == "__main__":
    import jax
    _d = setup_inputs()
    print(jax.jit(kernel)(*tuple(_d.values())))

</pallas_src>

<mosaic_0001>
#map = affine_map<(d0, d1) -> (0, 0)>
#map1 = affine_map<(d0, d1) -> (0)>
module attributes {stable_mosaic.version = 14 : i64} {
  func.func @k(%arg0: i32, %arg1: i32, %arg2: memref<20000x64xf32, #tpu.memory_space<hbm>>, %arg3: memref<327680xi32, #tpu.memory_space<hbm>>, %arg4: memref<327680x64xf32, #tpu.memory_space<hbm>>, %arg5: memref<640xi32, #tpu.memory_space<vmem>>, %arg6: memref<640xi32, #tpu.memory_space<vmem>>, %arg7: memref<640x64xf32, #tpu.memory_space<vmem>>, %arg8: memref<640x64xf32, #tpu.memory_space<vmem>>, %arg9: memref<!tpu.dma_semaphore, #tpu.memory_space<semaphore_mem>>, %arg10: memref<!tpu.dma_semaphore, #tpu.memory_space<semaphore_mem>>, %arg11: memref<!tpu.dma_semaphore, #tpu.memory_space<semaphore_mem>>, %arg12: memref<!tpu.dma_semaphore, #tpu.memory_space<semaphore_mem>>, %arg13: memref<!tpu.dma_semaphore, #tpu.memory_space<semaphore_mem>>, %arg14: memref<!tpu.dma_semaphore, #tpu.memory_space<semaphore_mem>>) attributes {dimension_semantics = [#tpu.dimension_semantics<core_parallel>, #tpu.dimension_semantics<subcore_parallel>], iteration_bounds = array<i64: 2, 16>, scalar_prefetch = 0 : i64, scratch_operands = 10 : i64, tpu.core_type = #tpu.core_type<sc_vector_subcore>, window_params = [{transform_indices = #map}, {transform_indices = #map1}, {transform_indices = #map}]} {
    %mul3A = arith.constant 2 : i32
    %mul3A_0 = arith.muli %arg1, %mul3A : i32
    %add3A = arith.addi %mul3A_0, %arg0 : i32
    %mul3A_1 = arith.constant 10240 : i32
    %mul3A_2 = arith.muli %add3A, %mul3A_1 : i32
    %scan3A = arith.constant 0 : i32
    %scan3A_3 = arith.constant 0 : i32
    %scan3A_4 = arith.constant 8 : i32
    %scan3A_5 = arith.addi %scan3A_3, %scan3A_4 : i32
    %scan3A_6 = arith.constant 1 : i32
    %scan3A_7 = scf.for %scan3A_9 = %scan3A_3 to %scan3A_5 step %scan3A_6 iter_args(%scan3A_10 = %scan3A) -> (i32)  : i32 {
      %mul3A_11 = arith.constant 2 : i32
      %mul3A_12 = arith.muli %mul3A_11, %scan3A_9 : i32
      %mul3A_13 = arith.constant 640 : i32
      %mul3A_14 = arith.muli %mul3A_12, %mul3A_13 : i32
      %add3A_15 = arith.addi %mul3A_2, %mul3A_14 : i32
      %add3A_16 = arith.constant 640 : i32
      %add3A_17 = arith.addi %add3A_15, %add3A_16 : i32
      %dma_start3A = tpu.memref_slice %arg3[%add3A_15] : memref<327680xi32, #tpu.memory_space<hbm>> -> memref<640xi32, #tpu.memory_space<hbm>>
      %dma_start3A_18 = tpu.memref_slice %arg3[%add3A_15] : memref<327680xi32, #tpu.memory_space<hbm>> -> memref<640xi32, #tpu.memory_space<hbm>>
      tpu.enqueue_dma source(%dma_start3A_18 : memref<640xi32, #tpu.memory_space<hbm>>) target(%arg5 : memref<640xi32, #tpu.memory_space<vmem>>) target_semaphore(%arg9 : memref<!tpu.dma_semaphore, #tpu.memory_space<semaphore_mem>>)
      %dma_start3A_19 = tpu.memref_slice %arg3[%add3A_17] : memref<327680xi32, #tpu.memory_space<hbm>> -> memref<640xi32, #tpu.memory_space<hbm>>
      %dma_start3A_20 = tpu.memref_slice %arg3[%add3A_17] : memref<327680xi32, #tpu.memory_space<hbm>> -> memref<640xi32, #tpu.memory_space<hbm>>
      tpu.enqueue_dma source(%dma_start3A_20 : memref<640xi32, #tpu.memory_space<hbm>>) target(%arg6 : memref<640xi32, #tpu.memory_space<vmem>>) target_semaphore(%arg10 : memref<!tpu.dma_semaphore, #tpu.memory_space<semaphore_mem>>)
      %dma_wait3A = tpu.memref_slice %arg3[%add3A_15] : memref<327680xi32, #tpu.memory_space<hbm>> -> memref<640xi32, #tpu.memory_space<hbm>>
      %dma_wait3A_21 = tpu.memref_slice %arg3[%add3A_15] : memref<327680xi32, #tpu.memory_space<hbm>> -> memref<640xi32, #tpu.memory_space<hbm>>
      tpu.wait_dma2 semaphore(%arg9 : memref<!tpu.dma_semaphore, #tpu.memory_space<semaphore_mem>>) src(%dma_wait3A_21 : memref<640xi32, #tpu.memory_space<hbm>>) dst(%arg5 : memref<640xi32, #tpu.memory_space<vmem>>)
      %dma_start3A_22 = arith.constant 0 : i32
      %dma_start3A_23 = arith.constant 0 : i32
      %dma_start3A_24 = tpu.memref_slice %arg2[%dma_start3A_22, %dma_start3A_23] : memref<20000x64xf32, #tpu.memory_space<hbm>> -> memref<20000x64xf32, #tpu.memory_space<hbm>>
      tpu.enqueue_indirect_dma source(%dma_start3A_24 : memref<20000x64xf32, #tpu.memory_space<hbm>>) target(%arg7 : memref<640x64xf32, #tpu.memory_space<vmem>>) offsets(%arg5 : memref<640xi32, #tpu.memory_space<vmem>>) semaphore(%arg11 : memref<!tpu.dma_semaphore, #tpu.memory_space<semaphore_mem>>)
      %dma_wait3A_25 = tpu.memref_slice %arg3[%add3A_17] : memref<327680xi32, #tpu.memory_space<hbm>> -> memref<640xi32, #tpu.memory_space<hbm>>
      %dma_wait3A_26 = tpu.memref_slice %arg3[%add3A_17] : memref<327680xi32, #tpu.memory_space<hbm>> -> memref<640xi32, #tpu.memory_space<hbm>>
      tpu.wait_dma2 semaphore(%arg10 : memref<!tpu.dma_semaphore, #tpu.memory_space<semaphore_mem>>) src(%dma_wait3A_26 : memref<640xi32, #tpu.memory_space<hbm>>) dst(%arg6 : memref<640xi32, #tpu.memory_space<vmem>>)
      %dma_start3A_27 = arith.constant 0 : i32
      %dma_start3A_28 = arith.constant 0 : i32
      %dma_start3A_29 = tpu.memref_slice %arg2[%dma_start3A_27, %dma_start3A_28] : memref<20000x64xf32, #tpu.memory_space<hbm>> -> memref<20000x64xf32, #tpu.memory_space<hbm>>
      tpu.enqueue_indirect_dma source(%dma_start3A_29 : memref<20000x64xf32, #tpu.memory_space<hbm>>) target(%arg8 : memref<640x64xf32, #tpu.memory_space<vmem>>) offsets(%arg6 : memref<640xi32, #tpu.memory_space<vmem>>) semaphore(%arg12 : memref<!tpu.dma_semaphore, #tpu.memory_space<semaphore_mem>>)
      %dma_wait3A_30 = arith.constant 0 : i32
      %dma_wait3A_31 = arith.constant 0 : i32
      %dma_wait3A_32 = tpu.memref_slice %arg2[%dma_wait3A_30, %dma_wait3A_31] : memref<20000x64xf32, #tpu.memory_space<hbm>> -> memref<20000x64xf32, #tpu.memory_space<hbm>>
      tpu.wait_indirect_dma semaphore(%arg11 : memref<!tpu.dma_semaphore, #tpu.memory_space<semaphore_mem>>) src(%dma_wait3A_32 : memref<20000x64xf32, #tpu.memory_space<hbm>>) dst(%arg7 : memref<640x64xf32, #tpu.memory_space<vmem>>)
      %dma_start3A_33 = arith.constant 0 : i32
      %dma_start3A_34 = tpu.memref_slice %arg4[%add3A_15, %dma_start3A_33] : memref<327680x64xf32, #tpu.memory_space<hbm>> -> memref<640x64xf32, #tpu.memory_space<hbm>>
      %dma_start3A_35 = arith.constant 0 : i32
      %dma_start3A_36 = tpu.memref_slice %arg4[%add3A_15, %dma_start3A_35] : memref<327680x64xf32, #tpu.memory_space<hbm>> -> memref<640x64xf32, #tpu.memory_space<hbm>>
      tpu.enqueue_dma source(%arg7 : memref<640x64xf32, #tpu.memory_space<vmem>>) target(%dma_start3A_36 : memref<640x64xf32, #tpu.memory_space<hbm>>) target_semaphore(%arg13 : memref<!tpu.dma_semaphore, #tpu.memory_space<semaphore_mem>>)
      %dma_wait3A_37 = arith.constant 0 : i32
      %dma_wait3A_38 = arith.constant 0 : i32
      %dma_wait3A_39 = tpu.memref_slice %arg2[%dma_wait3A_37, %dma_wait3A_38] : memref<20000x64xf32, #tpu.memory_space<hbm>> -> memref<20000x64xf32, #tpu.memory_space<hbm>>
      tpu.wait_indirect_dma semaphore(%arg12 : memref<!tpu.dma_semaphore, #tpu.memory_space<semaphore_mem>>) src(%dma_wait3A_39 : memref<20000x64xf32, #tpu.memory_space<hbm>>) dst(%arg8 : memref<640x64xf32, #tpu.memory_space<vmem>>)
      %dma_start3A_40 = arith.constant 0 : i32
      %dma_start3A_41 = tpu.memref_slice %arg4[%add3A_17, %dma_start3A_40] : memref<327680x64xf32, #tpu.memory_space<hbm>> -> memref<640x64xf32, #tpu.memory_space<hbm>>
      %dma_start3A_42 = arith.constant 0 : i32
      %dma_start3A_43 = tpu.memref_slice %arg4[%add3A_17, %dma_start3A_42] : memref<327680x64xf32, #tpu.memory_space<hbm>> -> memref<640x64xf32, #tpu.memory_space<hbm>>
      tpu.enqueue_dma source(%arg8 : memref<640x64xf32, #tpu.memory_space<vmem>>) target(%dma_start3A_43 : memref<640x64xf32, #tpu.memory_space<hbm>>) target_semaphore(%arg14 : memref<!tpu.dma_semaphore, #tpu.memory_space<semaphore_mem>>)
      %dma_wait3A_44 = arith.constant 0 : i32
      %dma_wait3A_45 = tpu.memref_slice %arg4[%add3A_15, %dma_wait3A_44] : memref<327680x64xf32, #tpu.memory_space<hbm>> -> memref<640x64xf32, #tpu.memory_space<hbm>>
      %dma_wait3A_46 = arith.constant 0 : i32
      %dma_wait3A_47 = tpu.memref_slice %arg4[%add3A_15, %dma_wait3A_46] : memref<327680x64xf32, #tpu.memory_space<hbm>> -> memref<640x64xf32, #tpu.memory_space<hbm>>
      tpu.wait_dma2 semaphore(%arg13 : memref<!tpu.dma_semaphore, #tpu.memory_space<semaphore_mem>>) src(%arg7 : memref<640x64xf32, #tpu.memory_space<vmem>>) dst(%dma_wait3A_47 : memref<640x64xf32, #tpu.memory_space<hbm>>)
      %dma_wait3A_48 = arith.constant 0 : i32
      %dma_wait3A_49 = tpu.memref_slice %arg4[%add3A_17, %dma_wait3A_48] : memref<327680x64xf32, #tpu.memory_space<hbm>> -> memref<640x64xf32, #tpu.memory_space<hbm>>
      %dma_wait3A_50 = arith.constant 0 : i32
      %dma_wait3A_51 = tpu.memref_slice %arg4[%add3A_17, %dma_wait3A_50] : memref<327680x64xf32, #tpu.memory_space<hbm>> -> memref<640x64xf32, #tpu.memory_space<hbm>>
      tpu.wait_dma2 semaphore(%arg14 : memref<!tpu.dma_semaphore, #tpu.memory_space<semaphore_mem>>) src(%arg8 : memref<640x64xf32, #tpu.memory_space<vmem>>) dst(%dma_wait3A_51 : memref<640x64xf32, #tpu.memory_space<hbm>>)
      %scan3A_52 = arith.constant 0 : i32
      scf.yield %scan3A_52 : i32
    }
    %scan3A_8 = arith.constant 8 : i32
    return
  }
}

#map = affine_map<(d0, d1) -> (0, 0)>
#map1 = affine_map<(d0, d1) -> (0)>
module attributes {stable_mosaic.version = 14 : i64} {
  func.func @k(%arg0: i32, %arg1: i32, %arg2: memref<100x64xf32, #tpu.memory_space<hbm>>, %arg3: memref<20224xi32, #tpu.memory_space<hbm>>, %arg4: memref<20224x64xf32, #tpu.memory_space<hbm>>, %arg5: memref<632xi32, #tpu.memory_space<vmem>>, %arg6: memref<632xi32, #tpu.memory_space<vmem>>, %arg7: memref<632x64xf32, #tpu.memory_space<vmem>>, %arg8: memref<632x64xf32, #tpu.memory_space<vmem>>, %arg9: memref<!tpu.dma_semaphore, #tpu.memory_space<semaphore_mem>>, %arg10: memref<!tpu.dma_semaphore, #tpu.memory_space<semaphore_mem>>, %arg11: memref<!tpu.dma_semaphore, #tpu.memory_space<semaphore_mem>>, %arg12: memref<!tpu.dma_semaphore, #tpu.memory_space<semaphore_mem>>, %arg13: memref<!tpu.dma_semaphore, #tpu.memory_space<semaphore_mem>>, %arg14: memref<!tpu.dma_semaphore, #tpu.memory_space<semaphore_mem>>) attributes {dimension_semantics = [#tpu.dimension_semantics<core_parallel>, #tpu.dimension_semantics<subcore_parallel>], iteration_bounds = array<i64: 2, 16>, scalar_prefetch = 0 : i64, scratch_operands = 10 : i64, tpu.core_type = #tpu.core_type<sc_vector_subcore>, window_params = [{transform_indices = #map}, {transform_indices = #map1}, {transform_indices = #map}]} {
    %mul3A = arith.constant 2 : i32
    %mul3A_0 = arith.muli %arg1, %mul3A : i32
    %add3A = arith.addi %mul3A_0, %arg0 : i32
    %mul3A_1 = arith.constant 632 : i32
    %mul3A_2 = arith.muli %add3A, %mul3A_1 : i32
    %scan3A = arith.constant 0 : i32
    %scan3A_3 = arith.constant 0 : i32
    %mul3A_4 = arith.constant 632 : i32
    %mul3A_5 = arith.muli %scan3A_3, %mul3A_4 : i32
    %add3A_6 = arith.addi %mul3A_2, %mul3A_5 : i32
    %dma_start3A = tpu.memref_slice %arg3[%add3A_6] : memref<20224xi32, #tpu.memory_space<hbm>> -> memref<632xi32, #tpu.memory_space<hbm>>
    %dma_start3A_7 = tpu.memref_slice %arg3[%add3A_6] : memref<20224xi32, #tpu.memory_space<hbm>> -> memref<632xi32, #tpu.memory_space<hbm>>
    tpu.enqueue_dma source(%dma_start3A_7 : memref<632xi32, #tpu.memory_space<hbm>>) target(%arg5 : memref<632xi32, #tpu.memory_space<vmem>>) target_semaphore(%arg9 : memref<!tpu.dma_semaphore, #tpu.memory_space<semaphore_mem>>)
    %dma_wait3A = tpu.memref_slice %arg3[%add3A_6] : memref<20224xi32, #tpu.memory_space<hbm>> -> memref<632xi32, #tpu.memory_space<hbm>>
    %dma_wait3A_8 = tpu.memref_slice %arg3[%add3A_6] : memref<20224xi32, #tpu.memory_space<hbm>> -> memref<632xi32, #tpu.memory_space<hbm>>
    tpu.wait_dma2 semaphore(%arg9 : memref<!tpu.dma_semaphore, #tpu.memory_space<semaphore_mem>>) src(%dma_wait3A_8 : memref<632xi32, #tpu.memory_space<hbm>>) dst(%arg5 : memref<632xi32, #tpu.memory_space<vmem>>)
    %dma_start3A_9 = arith.constant 0 : i32
    %dma_start3A_10 = arith.constant 0 : i32
    %dma_start3A_11 = tpu.memref_slice %arg2[%dma_start3A_9, %dma_start3A_10] : memref<100x64xf32, #tpu.memory_space<hbm>> -> memref<100x64xf32, #tpu.memory_space<hbm>>
    tpu.enqueue_indirect_dma source(%dma_start3A_11 : memref<100x64xf32, #tpu.memory_space<hbm>>) target(%arg7 : memref<632x64xf32, #tpu.memory_space<vmem>>) offsets(%arg5 : memref<632xi32, #tpu.memory_space<vmem>>) semaphore(%arg11 : memref<!tpu.dma_semaphore, #tpu.memory_space<semaphore_mem>>)
    %dma_wait3A_12 = arith.constant 0 : i32
    %dma_wait3A_13 = arith.constant 0 : i32
    %dma_wait3A_14 = tpu.memref_slice %arg2[%dma_wait3A_12, %dma_wait3A_13] : memref<100x64xf32, #tpu.memory_space<hbm>> -> memref<100x64xf32, #tpu.memory_space<hbm>>
    tpu.wait_indirect_dma semaphore(%arg11 : memref<!tpu.dma_semaphore, #tpu.memory_space<semaphore_mem>>) src(%dma_wait3A_14 : memref<100x64xf32, #tpu.memory_space<hbm>>) dst(%arg7 : memref<632x64xf32, #tpu.memory_space<vmem>>)
    %dma_start3A_15 = arith.constant 0 : i32
    %dma_start3A_16 = tpu.memref_slice %arg4[%add3A_6, %dma_start3A_15] : memref<20224x64xf32, #tpu.memory_space<hbm>> -> memref<632x64xf32, #tpu.memory_space<hbm>>
    %dma_start3A_17 = arith.constant 0 : i32
    %dma_start3A_18 = tpu.memref_slice %arg4[%add3A_6, %dma_start3A_17] : memref<20224x64xf32, #tpu.memory_space<hbm>> -> memref<632x64xf32, #tpu.memory_space<hbm>>
    tpu.enqueue_dma source(%arg7 : memref<632x64xf32, #tpu.memory_space<vmem>>) target(%dma_start3A_18 : memref<632x64xf32, #tpu.memory_space<hbm>>) target_semaphore(%arg13 : memref<!tpu.dma_semaphore, #tpu.memory_space<semaphore_mem>>)
    %dma_wait3A_19 = arith.constant 0 : i32
    %dma_wait3A_20 = tpu.memref_slice %arg4[%add3A_6, %dma_wait3A_19] : memref<20224x64xf32, #tpu.memory_space<hbm>> -> memref<632x64xf32, #tpu.memory_space<hbm>>
    %dma_wait3A_21 = arith.constant 0 : i32
    %dma_wait3A_22 = tpu.memref_slice %arg4[%add3A_6, %dma_wait3A_21] : memref<20224x64xf32, #tpu.memory_space<hbm>> -> memref<632x64xf32, #tpu.memory_space<hbm>>
    tpu.wait_dma2 semaphore(%arg13 : memref<!tpu.dma_semaphore, #tpu.memory_space<semaphore_mem>>) src(%arg7 : memref<632x64xf32, #tpu.memory_space<vmem>>) dst(%dma_wait3A_22 : memref<632x64xf32, #tpu.memory_space<hbm>>)
    %scan3A_23 = arith.constant 0 : i32
    %scan3A_24 = arith.constant 1 : i32
    return
  }
}

#map = affine_map<(d0, d1) -> (0, 0)>
#map1 = affine_map<(d0, d1) -> (0)>
module attributes {stable_mosaic.version = 14 : i64} {
  func.func @k(%arg0: i32, %arg1: i32, %arg2: memref<20224x64xf32, #tpu.memory_space<hbm>>, %arg3: memref<327680xi32, #tpu.memory_space<hbm>>, %arg4: memref<327680x64xf32, #tpu.memory_space<hbm>>, %arg5: memref<640xi32, #tpu.memory_space<vmem>>, %arg6: memref<640xi32, #tpu.memory_space<vmem>>, %arg7: memref<640x64xf32, #tpu.memory_space<vmem>>, %arg8: memref<640x64xf32, #tpu.memory_space<vmem>>, %arg9: memref<!tpu.dma_semaphore, #tpu.memory_space<semaphore_mem>>, %arg10: memref<!tpu.dma_semaphore, #tpu.memory_space<semaphore_mem>>, %arg11: memref<!tpu.dma_semaphore, #tpu.memory_space<semaphore_mem>>, %arg12: memref<!tpu.dma_semaphore, #tpu.memory_space<semaphore_mem>>, %arg13: memref<!tpu.dma_semaphore, #tpu.memory_space<semaphore_mem>>, %arg14: memref<!tpu.dma_semaphore, #tpu.memory_space<semaphore_mem>>) attributes {dimension_semantics = [#tpu.dimension_semantics<core_parallel>, #tpu.dimension_semantics<subcore_parallel>], iteration_bounds = array<i64: 2, 16>, scalar_prefetch = 0 : i64, scratch_operands = 10 : i64, tpu.core_type = #tpu.core_type<sc_vector_subcore>, window_params = [{transform_indices = #map}, {transform_indices = #map1}, {transform_indices = #map}]} {
    %mul3A = arith.constant 2 : i32
    %mul3A_0 = arith.muli %arg1, %mul3A : i32
    %add3A = arith.addi %mul3A_0, %arg0 : i32
    %mul3A_1 = arith.constant 10240 : i32
    %mul3A_2 = arith.muli %add3A, %mul3A_1 : i32
    %scan3A = arith.constant 0 : i32
    %scan3A_3 = arith.constant 0 : i32
    %scan3A_4 = arith.constant 8 : i32
    %scan3A_5 = arith.addi %scan3A_3, %scan3A_4 : i32
    %scan3A_6 = arith.constant 1 : i32
    %scan3A_7 = scf.for %scan3A_9 = %scan3A_3 to %scan3A_5 step %scan3A_6 iter_args(%scan3A_10 = %scan3A) -> (i32)  : i32 {
      %mul3A_11 = arith.constant 2 : i32
      %mul3A_12 = arith.muli %mul3A_11, %scan3A_9 : i32
      %mul3A_13 = arith.constant 640 : i32
      %mul3A_14 = arith.muli %mul3A_12, %mul3A_13 : i32
      %add3A_15 = arith.addi %mul3A_2, %mul3A_14 : i32
      %add3A_16 = arith.constant 640 : i32
      %add3A_17 = arith.addi %add3A_15, %add3A_16 : i32
      %dma_start3A = tpu.memref_slice %arg3[%add3A_15] : memref<327680xi32, #tpu.memory_space<hbm>> -> memref<640xi32, #tpu.memory_space<hbm>>
      %dma_start3A_18 = tpu.memref_slice %arg3[%add3A_15] : memref<327680xi32, #tpu.memory_space<hbm>> -> memref<640xi32, #tpu.memory_space<hbm>>
      tpu.enqueue_dma source(%dma_start3A_18 : memref<640xi32, #tpu.memory_space<hbm>>) target(%arg5 : memref<640xi32, #tpu.memory_space<vmem>>) target_semaphore(%arg9 : memref<!tpu.dma_semaphore, #tpu.memory_space<semaphore_mem>>)
      %dma_start3A_19 = tpu.memref_slice %arg3[%add3A_17] : memref<327680xi32, #tpu.memory_space<hbm>> -> memref<640xi32, #tpu.memory_space<hbm>>
      %dma_start3A_20 = tpu.memref_slice %arg3[%add3A_17] : memref<327680xi32, #tpu.memory_space<hbm>> -> memref<640xi32, #tpu.memory_space<hbm>>
      tpu.enqueue_dma source(%dma_start3A_20 : memref<640xi32, #tpu.memory_space<hbm>>) target(%arg6 : memref<640xi32, #tpu.memory_space<vmem>>) target_semaphore(%arg10 : memref<!tpu.dma_semaphore, #tpu.memory_space<semaphore_mem>>)
      %dma_wait3A = tpu.memref_slice %arg3[%add3A_15] : memref<327680xi32, #tpu.memory_space<hbm>> -> memref<640xi32, #tpu.memory_space<hbm>>
      %dma_wait3A_21 = tpu.memref_slice %arg3[%add3A_15] : memref<327680xi32, #tpu.memory_space<hbm>> -> memref<640xi32, #tpu.memory_space<hbm>>
      tpu.wait_dma2 semaphore(%arg9 : memref<!tpu.dma_semaphore, #tpu.memory_space<semaphore_mem>>) src(%dma_wait3A_21 : memref<640xi32, #tpu.memory_space<hbm>>) dst(%arg5 : memref<640xi32, #tpu.memory_space<vmem>>)
      %dma_start3A_22 = arith.constant 0 : i32
      %dma_start3A_23 = arith.constant 0 : i32
      %dma_start3A_24 = tpu.memref_slice %arg2[%dma_start3A_22, %dma_start3A_23] : memref<20224x64xf32, #tpu.memory_space<hbm>> -> memref<20224x64xf32, #tpu.memory_space<hbm>>
      tpu.enqueue_indirect_dma source(%dma_start3A_24 : memref<20224x64xf32, #tpu.memory_space<hbm>>) target(%arg7 : memref<640x64xf32, #tpu.memory_space<vmem>>) offsets(%arg5 : memref<640xi32, #tpu.memory_space<vmem>>) semaphore(%arg11 : memref<!tpu.dma_semaphore, #tpu.memory_space<semaphore_mem>>)
      %dma_wait3A_25 = tpu.memref_slice %arg3[%add3A_17] : memref<327680xi32, #tpu.memory_space<hbm>> -> memref<640xi32, #tpu.memory_space<hbm>>
      %dma_wait3A_26 = tpu.memref_slice %arg3[%add3A_17] : memref<327680xi32, #tpu.memory_space<hbm>> -> memref<640xi32, #tpu.memory_space<hbm>>
      tpu.wait_dma2 semaphore(%arg10 : memref<!tpu.dma_semaphore, #tpu.memory_space<semaphore_mem>>) src(%dma_wait3A_26 : memref<640xi32, #tpu.memory_space<hbm>>) dst(%arg6 : memref<640xi32, #tpu.memory_space<vmem>>)
      %dma_start3A_27 = arith.constant 0 : i32
      %dma_start3A_28 = arith.constant 0 : i32
      %dma_start3A_29 = tpu.memref_slice %arg2[%dma_start3A_27, %dma_start3A_28] : memref<20224x64xf32, #tpu.memory_space<hbm>> -> memref<20224x64xf32, #tpu.memory_space<hbm>>
      tpu.enqueue_indirect_dma source(%dma_start3A_29 : memref<20224x64xf32, #tpu.memory_space<hbm>>) target(%arg8 : memref<640x64xf32, #tpu.memory_space<vmem>>) offsets(%arg6 : memref<640xi32, #tpu.memory_space<vmem>>) semaphore(%arg12 : memref<!tpu.dma_semaphore, #tpu.memory_space<semaphore_mem>>)
      %dma_wait3A_30 = arith.constant 0 : i32
      %dma_wait3A_31 = arith.constant 0 : i32
      %dma_wait3A_32 = tpu.memref_slice %arg2[%dma_wait3A_30, %dma_wait3A_31] : memref<20224x64xf32, #tpu.memory_space<hbm>> -> memref<20224x64xf32, #tpu.memory_space<hbm>>
      tpu.wait_indirect_dma semaphore(%arg11 : memref<!tpu.dma_semaphore, #tpu.memory_space<semaphore_mem>>) src(%dma_wait3A_32 : memref<20224x64xf32, #tpu.memory_space<hbm>>) dst(%arg7 : memref<640x64xf32, #tpu.memory_space<vmem>>)
      %dma_start3A_33 = arith.constant 0 : i32
      %dma_start3A_34 = tpu.memref_slice %arg4[%add3A_15, %dma_start3A_33] : memref<327680x64xf32, #tpu.memory_space<hbm>> -> memref<640x64xf32, #tpu.memory_space<hbm>>
      %dma_start3A_35 = arith.constant 0 : i32
      %dma_start3A_36 = tpu.memref_slice %arg4[%add3A_15, %dma_start3A_35] : memref<327680x64xf32, #tpu.memory_space<hbm>> -> memref<640x64xf32, #tpu.memory_space<hbm>>
      tpu.enqueue_dma source(%arg7 : memref<640x64xf32, #tpu.memory_space<vmem>>) target(%dma_start3A_36 : memref<640x64xf32, #tpu.memory_space<hbm>>) target_semaphore(%arg13 : memref<!tpu.dma_semaphore, #tpu.memory_space<semaphore_mem>>)
      %dma_wait3A_37 = arith.constant 0 : i32
      %dma_wait3A_38 = arith.constant 0 : i32
      %dma_wait3A_39 = tpu.memref_slice %arg2[%dma_wait3A_37, %dma_wait3A_38] : memref<20224x64xf32, #tpu.memory_space<hbm>> -> memref<20224x64xf32, #tpu.memory_space<hbm>>
      tpu.wait_indirect_dma semaphore(%arg12 : memref<!tpu.dma_semaphore, #tpu.memory_space<semaphore_mem>>) src(%dma_wait3A_39 : memref<20224x64xf32, #tpu.memory_space<hbm>>) dst(%arg8 : memref<640x64xf32, #tpu.memory_space<vmem>>)
      %dma_start3A_40 = arith.constant 0 : i32
      %dma_start3A_41 = tpu.memref_slice %arg4[%add3A_17, %dma_start3A_40] : memref<327680x64xf32, #tpu.memory_space<hbm>> -> memref<640x64xf32, #tpu.memory_space<hbm>>
      %dma_start3A_42 = arith.constant 0 : i32
      %dma_start3A_43 = tpu.memref_slice %arg4[%add3A_17, %dma_start3A_42] : memref<327680x64xf32, #tpu.memory_space<hbm>> -> memref<640x64xf32, #tpu.memory_space<hbm>>
      tpu.enqueue_dma source(%arg8 : memref<640x64xf32, #tpu.memory_space<vmem>>) target(%dma_start3A_43 : memref<640x64xf32, #tpu.memory_space<hbm>>) target_semaphore(%arg14 : memref<!tpu.dma_semaphore, #tpu.memory_space<semaphore_mem>>)
      %dma_wait3A_44 = arith.constant 0 : i32
      %dma_wait3A_45 = tpu.memref_slice %arg4[%add3A_15, %dma_wait3A_44] : memref<327680x64xf32, #tpu.memory_space<hbm>> -> memref<640x64xf32, #tpu.memory_space<hbm>>
      %dma_wait3A_46 = arith.constant 0 : i32
      %dma_wait3A_47 = tpu.memref_slice %arg4[%add3A_15, %dma_wait3A_46] : memref<327680x64xf32, #tpu.memory_space<hbm>> -> memref<640x64xf32, #tpu.memory_space<hbm>>
      tpu.wait_dma2 semaphore(%arg13 : memref<!tpu.dma_semaphore, #tpu.memory_space<semaphore_mem>>) src(%arg7 : memref<640x64xf32, #tpu.memory_space<vmem>>) dst(%dma_wait3A_47 : memref<640x64xf32, #tpu.memory_space<hbm>>)
      %dma_wait3A_48 = arith.constant 0 : i32
      %dma_wait3A_49 = tpu.memref_slice %arg4[%add3A_17, %dma_wait3A_48] : memref<327680x64xf32, #tpu.memory_space<hbm>> -> memref<640x64xf32, #tpu.memory_space<hbm>>
      %dma_wait3A_50 = arith.constant 0 : i32
      %dma_wait3A_51 = tpu.memref_slice %arg4[%add3A_17, %dma_wait3A_50] : memref<327680x64xf32, #tpu.memory_space<hbm>> -> memref<640x64xf32, #tpu.memory_space<hbm>>
      tpu.wait_dma2 semaphore(%arg14 : memref<!tpu.dma_semaphore, #tpu.memory_space<semaphore_mem>>) src(%arg8 : memref<640x64xf32, #tpu.memory_space<vmem>>) dst(%dma_wait3A_51 : memref<640x64xf32, #tpu.memory_space<hbm>>)
      %scan3A_52 = arith.constant 0 : i32
      scf.yield %scan3A_52 : i32
    }
    %scan3A_8 = arith.constant 8 : i32
    return
  }
}

#map = affine_map<(d0, d1) -> (0, 0)>
#map1 = affine_map<(d0, d1) -> (0)>
module attributes {stable_mosaic.version = 14 : i64} {
  func.func @k(%arg0: i32, %arg1: i32, %arg2: memref<20000x16xf32, #tpu.memory_space<hbm>>, %arg3: memref<327680xi32, #tpu.memory_space<hbm>>, %arg4: memref<327680x16xf32, #tpu.memory_space<hbm>>, %arg5: memref<640xi32, #tpu.memory_space<vmem>>, %arg6: memref<640xi32, #tpu.memory_space<vmem>>, %arg7: memref<640x16xf32, #tpu.memory_space<vmem>>, %arg8: memref<640x16xf32, #tpu.memory_space<vmem>>, %arg9: memref<!tpu.dma_semaphore, #tpu.memory_space<semaphore_mem>>, %arg10: memref<!tpu.dma_semaphore, #tpu.memory_space<semaphore_mem>>, %arg11: memref<!tpu.dma_semaphore, #tpu.memory_space<semaphore_mem>>, %arg12: memref<!tpu.dma_semaphore, #tpu.memory_space<semaphore_mem>>, %arg13: memref<!tpu.dma_semaphore, #tpu.memory_space<semaphore_mem>>, %arg14: memref<!tpu.dma_semaphore, #tpu.memory_space<semaphore_mem>>) attributes {dimension_semantics = [#tpu.dimension_semantics<core_parallel>, #tpu.dimension_semantics<subcore_parallel>], iteration_bounds = array<i64: 2, 16>, scalar_prefetch = 0 : i64, scratch_operands = 10 : i64, tpu.core_type = #tpu.core_type<sc_vector_subcore>, window_params = [{transform_indices = #map}, {transform_indices = #map1}, {transform_indices = #map}]} {
    %mul3A = arith.constant 2 : i32
    %mul3A_0 = arith.muli %arg1, %mul3A : i32
    %add3A = arith.addi %mul3A_0, %arg0 : i32
    %mul3A_1 = arith.constant 10240 : i32
    %mul3A_2 = arith.muli %add3A, %mul3A_1 : i32
    %scan3A = arith.constant 0 : i32
    %scan3A_3 = arith.constant 0 : i32
    %scan3A_4 = arith.constant 8 : i32
    %scan3A_5 = arith.addi %scan3A_3, %scan3A_4 : i32
    %scan3A_6 = arith.constant 1 : i32
    %scan3A_7 = scf.for %scan3A_9 = %scan3A_3 to %scan3A_5 step %scan3A_6 iter_args(%scan3A_10 = %scan3A) -> (i32)  : i32 {
      %mul3A_11 = arith.constant 2 : i32
      %mul3A_12 = arith.muli %mul3A_11, %scan3A_9 : i32
      %mul3A_13 = arith.constant 640 : i32
      %mul3A_14 = arith.muli %mul3A_12, %mul3A_13 : i32
      %add3A_15 = arith.addi %mul3A_2, %mul3A_14 : i32
      %add3A_16 = arith.constant 640 : i32
      %add3A_17 = arith.addi %add3A_15, %add3A_16 : i32
      %dma_start3A = tpu.memref_slice %arg3[%add3A_15] : memref<327680xi32, #tpu.memory_space<hbm>> -> memref<640xi32, #tpu.memory_space<hbm>>
      %dma_start3A_18 = tpu.memref_slice %arg3[%add3A_15] : memref<327680xi32, #tpu.memory_space<hbm>> -> memref<640xi32, #tpu.memory_space<hbm>>
      tpu.enqueue_dma source(%dma_start3A_18 : memref<640xi32, #tpu.memory_space<hbm>>) target(%arg5 : memref<640xi32, #tpu.memory_space<vmem>>) target_semaphore(%arg9 : memref<!tpu.dma_semaphore, #tpu.memory_space<semaphore_mem>>)
      %dma_start3A_19 = tpu.memref_slice %arg3[%add3A_17] : memref<327680xi32, #tpu.memory_space<hbm>> -> memref<640xi32, #tpu.memory_space<hbm>>
      %dma_start3A_20 = tpu.memref_slice %arg3[%add3A_17] : memref<327680xi32, #tpu.memory_space<hbm>> -> memref<640xi32, #tpu.memory_space<hbm>>
      tpu.enqueue_dma source(%dma_start3A_20 : memref<640xi32, #tpu.memory_space<hbm>>) target(%arg6 : memref<640xi32, #tpu.memory_space<vmem>>) target_semaphore(%arg10 : memref<!tpu.dma_semaphore, #tpu.memory_space<semaphore_mem>>)
      %dma_wait3A = tpu.memref_slice %arg3[%add3A_15] : memref<327680xi32, #tpu.memory_space<hbm>> -> memref<640xi32, #tpu.memory_space<hbm>>
      %dma_wait3A_21 = tpu.memref_slice %arg3[%add3A_15] : memref<327680xi32, #tpu.memory_space<hbm>> -> memref<640xi32, #tpu.memory_space<hbm>>
      tpu.wait_dma2 semaphore(%arg9 : memref<!tpu.dma_semaphore, #tpu.memory_space<semaphore_mem>>) src(%dma_wait3A_21 : memref<640xi32, #tpu.memory_space<hbm>>) dst(%arg5 : memref<640xi32, #tpu.memory_space<vmem>>)
      %dma_start3A_22 = arith.constant 0 : i32
      %dma_start3A_23 = arith.constant 0 : i32
      %dma_start3A_24 = tpu.memref_slice %arg2[%dma_start3A_22, %dma_start3A_23] : memref<20000x16xf32, #tpu.memory_space<hbm>> -> memref<20000x16xf32, #tpu.memory_space<hbm>>
      tpu.enqueue_indirect_dma source(%dma_start3A_24 : memref<20000x16xf32, #tpu.memory_space<hbm>>) target(%arg7 : memref<640x16xf32, #tpu.memory_space<vmem>>) offsets(%arg5 : memref<640xi32, #tpu.memory_space<vmem>>) semaphore(%arg11 : memref<!tpu.dma_semaphore, #tpu.memory_space<semaphore_mem>>)
      %dma_wait3A_25 = tpu.memref_slice %arg3[%add3A_17] : memref<327680xi32, #tpu.memory_space<hbm>> -> memref<640xi32, #tpu.memory_space<hbm>>
      %dma_wait3A_26 = tpu.memref_slice %arg3[%add3A_17] : memref<327680xi32, #tpu.memory_space<hbm>> -> memref<640xi32, #tpu.memory_space<hbm>>
      tpu.wait_dma2 semaphore(%arg10 : memref<!tpu.dma_semaphore, #tpu.memory_space<semaphore_mem>>) src(%dma_wait3A_26 : memref<640xi32, #tpu.memory_space<hbm>>) dst(%arg6 : memref<640xi32, #tpu.memory_space<vmem>>)
      %dma_start3A_27 = arith.constant 0 : i32
      %dma_start3A_28 = arith.constant 0 : i32
      %dma_start3A_29 = tpu.memref_slice %arg2[%dma_start3A_27, %dma_start3A_28] : memref<20000x16xf32, #tpu.memory_space<hbm>> -> memref<20000x16xf32, #tpu.memory_space<hbm>>
      tpu.enqueue_indirect_dma source(%dma_start3A_29 : memref<20000x16xf32, #tpu.memory_space<hbm>>) target(%arg8 : memref<640x16xf32, #tpu.memory_space<vmem>>) offsets(%arg6 : memref<640xi32, #tpu.memory_space<vmem>>) semaphore(%arg12 : memref<!tpu.dma_semaphore, #tpu.memory_space<semaphore_mem>>)
      %dma_wait3A_30 = arith.constant 0 : i32
      %dma_wait3A_31 = arith.constant 0 : i32
      %dma_wait3A_32 = tpu.memref_slice %arg2[%dma_wait3A_30, %dma_wait3A_31] : memref<20000x16xf32, #tpu.memory_space<hbm>> -> memref<20000x16xf32, #tpu.memory_space<hbm>>
      tpu.wait_indirect_dma semaphore(%arg11 : memref<!tpu.dma_semaphore, #tpu.memory_space<semaphore_mem>>) src(%dma_wait3A_32 : memref<20000x16xf32, #tpu.memory_space<hbm>>) dst(%arg7 : memref<640x16xf32, #tpu.memory_space<vmem>>)
      %dma_start3A_33 = arith.constant 0 : i32
      %dma_start3A_34 = tpu.memref_slice %arg4[%add3A_15, %dma_start3A_33] : memref<327680x16xf32, #tpu.memory_space<hbm>> -> memref<640x16xf32, #tpu.memory_space<hbm>>
      %dma_start3A_35 = arith.constant 0 : i32
      %dma_start3A_36 = tpu.memref_slice %arg4[%add3A_15, %dma_start3A_35] : memref<327680x16xf32, #tpu.memory_space<hbm>> -> memref<640x16xf32, #tpu.memory_space<hbm>>
      tpu.enqueue_dma source(%arg7 : memref<640x16xf32, #tpu.memory_space<vmem>>) target(%dma_start3A_36 : memref<640x16xf32, #tpu.memory_space<hbm>>) target_semaphore(%arg13 : memref<!tpu.dma_semaphore, #tpu.memory_space<semaphore_mem>>)
      %dma_wait3A_37 = arith.constant 0 : i32
      %dma_wait3A_38 = arith.constant 0 : i32
      %dma_wait3A_39 = tpu.memref_slice %arg2[%dma_wait3A_37, %dma_wait3A_38] : memref<20000x16xf32, #tpu.memory_space<hbm>> -> memref<20000x16xf32, #tpu.memory_space<hbm>>
      tpu.wait_indirect_dma semaphore(%arg12 : memref<!tpu.dma_semaphore, #tpu.memory_space<semaphore_mem>>) src(%dma_wait3A_39 : memref<20000x16xf32, #tpu.memory_space<hbm>>) dst(%arg8 : memref<640x16xf32, #tpu.memory_space<vmem>>)
      %dma_start3A_40 = arith.constant 0 : i32
      %dma_start3A_41 = tpu.memref_slice %arg4[%add3A_17, %dma_start3A_40] : memref<327680x16xf32, #tpu.memory_space<hbm>> -> memref<640x16xf32, #tpu.memory_space<hbm>>
      %dma_start3A_42 = arith.constant 0 : i32
      %dma_start3A_43 = tpu.memref_slice %arg4[%add3A_17, %dma_start3A_42] : memref<327680x16xf32, #tpu.memory_space<hbm>> -> memref<640x16xf32, #tpu.memory_space<hbm>>
      tpu.enqueue_dma source(%arg8 : memref<640x16xf32, #tpu.memory_space<vmem>>) target(%dma_start3A_43 : memref<640x16xf32, #tpu.memory_space<hbm>>) target_semaphore(%arg14 : memref<!tpu.dma_semaphore, #tpu.memory_space<semaphore_mem>>)
      %dma_wait3A_44 = arith.constant 0 : i32
      %dma_wait3A_45 = tpu.memref_slice %arg4[%add3A_15, %dma_wait3A_44] : memref<327680x16xf32, #tpu.memory_space<hbm>> -> memref<640x16xf32, #tpu.memory_space<hbm>>
      %dma_wait3A_46 = arith.constant 0 : i32
      %dma_wait3A_47 = tpu.memref_slice %arg4[%add3A_15, %dma_wait3A_46] : memref<327680x16xf32, #tpu.memory_space<hbm>> -> memref<640x16xf32, #tpu.memory_space<hbm>>
      tpu.wait_dma2 semaphore(%arg13 : memref<!tpu.dma_semaphore, #tpu.memory_space<semaphore_mem>>) src(%arg7 : memref<640x16xf32, #tpu.memory_space<vmem>>) dst(%dma_wait3A_47 : memref<640x16xf32, #tpu.memory_space<hbm>>)
      %dma_wait3A_48 = arith.constant 0 : i32
      %dma_wait3A_49 = tpu.memref_slice %arg4[%add3A_17, %dma_wait3A_48] : memref<327680x16xf32, #tpu.memory_space<hbm>> -> memref<640x16xf32, #tpu.memory_space<hbm>>
      %dma_wait3A_50 = arith.constant 0 : i32
      %dma_wait3A_51 = tpu.memref_slice %arg4[%add3A_17, %dma_wait3A_50] : memref<327680x16xf32, #tpu.memory_space<hbm>> -> memref<640x16xf32, #tpu.memory_space<hbm>>
      tpu.wait_dma2 semaphore(%arg14 : memref<!tpu.dma_semaphore, #tpu.memory_space<semaphore_mem>>) src(%arg8 : memref<640x16xf32, #tpu.memory_space<vmem>>) dst(%dma_wait3A_51 : memref<640x16xf32, #tpu.memory_space<hbm>>)
      %scan3A_52 = arith.constant 0 : i32
      scf.yield %scan3A_52 : i32
    }
    %scan3A_8 = arith.constant 8 : i32
    return
  }
}

#map = affine_map<(d0, d1) -> (0, 0)>
#map1 = affine_map<(d0, d1) -> (0)>
module attributes {stable_mosaic.version = 14 : i64} {
  func.func @k(%arg0: i32, %arg1: i32, %arg2: memref<20000x64xf32, #tpu.memory_space<hbm>>, %arg3: memref<327680xi32, #tpu.memory_space<hbm>>, %arg4: memref<327680x64xf32, #tpu.memory_space<hbm>>, %arg5: memref<640xi32, #tpu.memory_space<vmem>>, %arg6: memref<640xi32, #tpu.memory_space<vmem>>, %arg7: memref<640x64xf32, #tpu.memory_space<vmem>>, %arg8: memref<640x64xf32, #tpu.memory_space<vmem>>, %arg9: memref<!tpu.dma_semaphore, #tpu.memory_space<semaphore_mem>>, %arg10: memref<!tpu.dma_semaphore, #tpu.memory_space<semaphore_mem>>, %arg11: memref<!tpu.dma_semaphore, #tpu.memory_space<semaphore_mem>>, %arg12: memref<!tpu.dma_semaphore, #tpu.memory_space<semaphore_mem>>, %arg13: memref<!tpu.dma_semaphore, #tpu.memory_space<semaphore_mem>>, %arg14: memref<!tpu.dma_semaphore, #tpu.memory_space<semaphore_mem>>) attributes {dimension_semantics = [#tpu.dimension_semantics<core_parallel>, #tpu.dimension_semantics<subcore_parallel>], iteration_bounds = array<i64: 2, 16>, scalar_prefetch = 0 : i64, scratch_operands = 10 : i64, tpu.core_type = #tpu.core_type<sc_vector_subcore>, window_params = [{transform_indices = #map}, {transform_indices = #map1}, {transform_indices = #map}]} {
    %mul3A = arith.constant 2 : i32
    %mul3A_0 = arith.muli %arg1, %mul3A : i32
    %add3A = arith.addi %mul3A_0, %arg0 : i32
    %mul3A_1 = arith.constant 10240 : i32
    %mul3A_2 = arith.muli %add3A, %mul3A_1 : i32
    %scan3A = arith.constant 0 : i32
    %scan3A_3 = arith.constant 0 : i32
    %scan3A_4 = arith.constant 8 : i32
    %scan3A_5 = arith.addi %scan3A_3, %scan3A_4 : i32
    %scan3A_6 = arith.constant 1 : i32
    %scan3A_7 = scf.for %scan3A_9 = %scan3A_3 to %scan3A_5 step %scan3A_6 iter_args(%scan3A_10 = %scan3A) -> (i32)  : i32 {
      %mul3A_11 = arith.constant 2 : i32
      %mul3A_12 = arith.muli %mul3A_11, %scan3A_9 : i32
      %mul3A_13 = arith.constant 640 : i32
      %mul3A_14 = arith.muli %mul3A_12, %mul3A_13 : i32
      %add3A_15 = arith.addi %mul3A_2, %mul3A_14 : i32
      %add3A_16 = arith.constant 640 : i32
      %add3A_17 = arith.addi %add3A_15, %add3A_16 : i32
      %dma_start3A = tpu.memref_slice %arg3[%add3A_15] : memref<327680xi32, #tpu.memory_space<hbm>> -> memref<640xi32, #tpu.memory_space<hbm>>
      %dma_start3A_18 = tpu.memref_slice %arg3[%add3A_15] : memref<327680xi32, #tpu.memory_space<hbm>> -> memref<640xi32, #tpu.memory_space<hbm>>
      tpu.enqueue_dma source(%dma_start3A_18 : memref<640xi32, #tpu.memory_space<hbm>>) target(%arg5 : memref<640xi32, #tpu.memory_space<vmem>>) target_semaphore(%arg9 : memref<!tpu.dma_semaphore, #tpu.memory_space<semaphore_mem>>)
      %dma_start3A_19 = tpu.memref_slice %arg3[%add3A_17] : memref<327680xi32, #tpu.memory_space<hbm>> -> memref<640xi32, #tpu.memory_space<hbm>>
      %dma_start3A_20 = tpu.memref_slice %arg3[%add3A_17] : memref<327680xi32, #tpu.memory_space<hbm>> -> memref<640xi32, #tpu.memory_space<hbm>>
      tpu.enqueue_dma source(%dma_start3A_20 : memref<640xi32, #tpu.memory_space<hbm>>) target(%arg6 : memref<640xi32, #tpu.memory_space<vmem>>) target_semaphore(%arg10 : memref<!tpu.dma_semaphore, #tpu.memory_space<semaphore_mem>>)
      %dma_wait3A = tpu.memref_slice %arg3[%add3A_15] : memref<327680xi32, #tpu.memory_space<hbm>> -> memref<640xi32, #tpu.memory_space<hbm>>
      %dma_wait3A_21 = tpu.memref_slice %arg3[%add3A_15] : memref<327680xi32, #tpu.memory_space<hbm>> -> memref<640xi32, #tpu.memory_space<hbm>>
      tpu.wait_dma2 semaphore(%arg9 : memref<!tpu.dma_semaphore, #tpu.memory_space<semaphore_mem>>) src(%dma_wait3A_21 : memref<640xi32, #tpu.memory_space<hbm>>) dst(%arg5 : memref<640xi32, #tpu.memory_space<vmem>>)
      %dma_start3A_22 = arith.constant 0 : i32
      %dma_start3A_23 = arith.constant 0 : i32
      %dma_start3A_24 = tpu.memref_slice %arg2[%dma_start3A_22, %dma_start3A_23] : memref<20000x64xf32, #tpu.memory_space<hbm>> -> memref<20000x64xf32, #tpu.memory_space<hbm>>
      tpu.enqueue_indirect_dma source(%dma_start3A_24 : memref<20000x64xf32, #tpu.memory_space<hbm>>) target(%arg7 : memref<640x64xf32, #tpu.memory_space<vmem>>) offsets(%arg5 : memref<640xi32, #tpu.memory_space<vmem>>) semaphore(%arg11 : memref<!tpu.dma_semaphore, #tpu.memory_space<semaphore_mem>>)
      %dma_wait3A_25 = tpu.memref_slice %arg3[%add3A_17] : memref<327680xi32, #tpu.memory_space<hbm>> -> memref<640xi32, #tpu.memory_space<hbm>>
      %dma_wait3A_26 = tpu.memref_slice %arg3[%add3A_17] : memref<327680xi32, #tpu.memory_space<hbm>> -> memref<640xi32, #tpu.memory_space<hbm>>
      tpu.wait_dma2 semaphore(%arg10 : memref<!tpu.dma_semaphore, #tpu.memory_space<semaphore_mem>>) src(%dma_wait3A_26 : memref<640xi32, #tpu.memory_space<hbm>>) dst(%arg6 : memref<640xi32, #tpu.memory_space<vmem>>)
      %dma_start3A_27 = arith.constant 0 : i32
      %dma_start3A_28 = arith.constant 0 : i32
      %dma_start3A_29 = tpu.memref_slice %arg2[%dma_start3A_27, %dma_start3A_28] : memref<20000x64xf32, #tpu.memory_space<hbm>> -> memref<20000x64xf32, #tpu.memory_space<hbm>>
      tpu.enqueue_indirect_dma source(%dma_start3A_29 : memref<20000x64xf32, #tpu.memory_space<hbm>>) target(%arg8 : memref<640x64xf32, #tpu.memory_space<vmem>>) offsets(%arg6 : memref<640xi32, #tpu.memory_space<vmem>>) semaphore(%arg12 : memref<!tpu.dma_semaphore, #tpu.memory_space<semaphore_mem>>)
      %dma_wait3A_30 = arith.constant 0 : i32
      %dma_wait3A_31 = arith.constant 0 : i32
      %dma_wait3A_32 = tpu.memref_slice %arg2[%dma_wait3A_30, %dma_wait3A_31] : memref<20000x64xf32, #tpu.memory_space<hbm>> -> memref<20000x64xf32, #tpu.memory_space<hbm>>
      tpu.wait_indirect_dma semaphore(%arg11 : memref<!tpu.dma_semaphore, #tpu.memory_space<semaphore_mem>>) src(%dma_wait3A_32 : memref<20000x64xf32, #tpu.memory_space<hbm>>) dst(%arg7 : memref<640x64xf32, #tpu.memory_space<vmem>>)
      %dma_start3A_33 = arith.constant 0 : i32
      %dma_start3A_34 = tpu.memref_slice %arg4[%add3A_15, %dma_start3A_33] : memref<327680x64xf32, #tpu.memory_space<hbm>> -> memref<640x64xf32, #tpu.memory_space<hbm>>
      %dma_start3A_35 = arith.constant 0 : i32
      %dma_start3A_36 = tpu.memref_slice %arg4[%add3A_15, %dma_start3A_35] : memref<327680x64xf32, #tpu.memory_space<hbm>> -> memref<640x64xf32, #tpu.memory_space<hbm>>
      tpu.enqueue_dma source(%arg7 : memref<640x64xf32, #tpu.memory_space<vmem>>) target(%dma_start3A_36 : memref<640x64xf32, #tpu.memory_space<hbm>>) target_semaphore(%arg13 : memref<!tpu.dma_semaphore, #tpu.memory_space<semaphore_mem>>)
      %dma_wait3A_37 = arith.constant 0 : i32
      %dma_wait3A_38 = arith.constant 0 : i32
      %dma_wait3A_39 = tpu.memref_slice %arg2[%dma_wait3A_37, %dma_wait3A_38] : memref<20000x64xf32, #tpu.memory_space<hbm>> -> memref<20000x64xf32, #tpu.memory_space<hbm>>
      tpu.wait_indirect_dma semaphore(%arg12 : memref<!tpu.dma_semaphore, #tpu.memory_space<semaphore_mem>>) src(%dma_wait3A_39 : memref<20000x64xf32, #tpu.memory_space<hbm>>) dst(%arg8 : memref<640x64xf32, #tpu.memory_space<vmem>>)
      %dma_start3A_40 = arith.constant 0 : i32
      %dma_start3A_41 = tpu.memref_slice %arg4[%add3A_17, %dma_start3A_40] : memref<327680x64xf32, #tpu.memory_space<hbm>> -> memref<640x64xf32, #tpu.memory_space<hbm>>
      %dma_start3A_42 = arith.constant 0 : i32
      %dma_start3A_43 = tpu.memref_slice %arg4[%add3A_17, %dma_start3A_42] : memref<327680x64xf32, #tpu.memory_space<hbm>> -> memref<640x64xf32, #tpu.memory_space<hbm>>
      tpu.enqueue_dma source(%arg8 : memref<640x64xf32, #tpu.memory_space<vmem>>) target(%dma_start3A_43 : memref<640x64xf32, #tpu.memory_space<hbm>>) target_semaphore(%arg14 : memref<!tpu.dma_semaphore, #tpu.memory_space<semaphore_mem>>)
      %dma_wait3A_44 = arith.constant 0 : i32
      %dma_wait3A_45 = tpu.memref_slice %arg4[%add3A_15, %dma_wait3A_44] : memref<327680x64xf32, #tpu.memory_space<hbm>> -> memref<640x64xf32, #tpu.memory_space<hbm>>
      %dma_wait3A_46 = arith.constant 0 : i32
      %dma_wait3A_47 = tpu.memref_slice %arg4[%add3A_15, %dma_wait3A_46] : memref<327680x64xf32, #tpu.memory_space<hbm>> -> memref<640x64xf32, #tpu.memory_space<hbm>>
      tpu.wait_dma2 semaphore(%arg13 : memref<!tpu.dma_semaphore, #tpu.memory_space<semaphore_mem>>) src(%arg7 : memref<640x64xf32, #tpu.memory_space<vmem>>) dst(%dma_wait3A_47 : memref<640x64xf32, #tpu.memory_space<hbm>>)
      %dma_wait3A_48 = arith.constant 0 : i32
      %dma_wait3A_49 = tpu.memref_slice %arg4[%add3A_17, %dma_wait3A_48] : memref<327680x64xf32, #tpu.memory_space<hbm>> -> memref<640x64xf32, #tpu.memory_space<hbm>>
      %dma_wait3A_50 = arith.constant 0 : i32
      %dma_wait3A_51 = tpu.memref_slice %arg4[%add3A_17, %dma_wait3A_50] : memref<327680x64xf32, #tpu.memory_space<hbm>> -> memref<640x64xf32, #tpu.memory_space<hbm>>
      tpu.wait_dma2 semaphore(%arg14 : memref<!tpu.dma_semaphore, #tpu.memory_space<semaphore_mem>>) src(%arg8 : memref<640x64xf32, #tpu.memory_space<vmem>>) dst(%dma_wait3A_51 : memref<640x64xf32, #tpu.memory_space<hbm>>)
      %scan3A_52 = arith.constant 0 : i32
      scf.yield %scan3A_52 : i32
    }
    %scan3A_8 = arith.constant 8 : i32
    return
  }
}

module attributes {stable_mosaic.version = 14 : i64} {
  func.func @_edge_body(%arg0: i32, %arg1: memref<200x8xf32, #tpu.memory_space<vmem>>, %arg2: memref<8x10240xf32, #tpu.memory_space<vmem>>, %arg3: memref<200x1xi32, #tpu.memory_space<vmem>>, %arg4: memref<1x10240xi32, #tpu.memory_space<vmem>>, %arg5: memref<50xi32, #tpu.memory_space<smem>>, %arg6: memref<50xi32, #tpu.memory_space<smem>>, %arg7: memref<200x16xi32, #tpu.memory_space<vmem>>, %arg8: memref<200x16xf32, #tpu.memory_space<vmem>>, %arg9: memref<200x10240xf32, #tpu.memory_space<vmem>>) attributes {dimension_semantics = [#tpu.dimension_semantics<arbitrary>], iteration_bounds = array<i64: 50>, scalar_prefetch = 0 : i64, scratch_operands = 1 : i64, tpu.core_type = #tpu.core_type<tc>, window_params = [{transform_indices = @transform_0, window_bounds = array<i64: 200, 8>}, {pipeline_mode = #tpu.pipeline_mode<synchronous>, transform_indices = @transform_1, window_bounds = array<i64: 8, 10240>}, {transform_indices = @transform_2, window_bounds = array<i64: 200, 1>}, {pipeline_mode = #tpu.pipeline_mode<synchronous>, transform_indices = @transform_3, window_bounds = array<i64: 1, 10240>}, {transform_indices = @transform_4, window_bounds = array<i64: 50>}, {transform_indices = @transform_5, window_bounds = array<i64: 50>}, {transform_indices = @transform_6, window_bounds = array<i64: 200, 16>}, {transform_indices = @transform_7, window_bounds = array<i64: 200, 16>}]} {
    %get3A = arith.index_cast %arg0 : i32 to index
    %get3A_0 = memref.load %arg5[%get3A] : memref<50xi32, #tpu.memory_space<smem>>
    %get3A_1 = arith.index_cast %arg0 : i32 to index
    %get3A_2 = memref.load %arg6[%get3A_1] : memref<50xi32, #tpu.memory_space<smem>>
    %get3A_3 = arith.constant 0 : index
    %get3A_4 = arith.constant 0 : index
    %get3A_5 = vector.load %arg1[%get3A_3, %get3A_4] : memref<200x8xf32, #tpu.memory_space<vmem>>, vector<200x8xf32>
    %get3A_6 = arith.constant 0 : index
    %get3A_7 = arith.constant 0 : index
    %get3A_8 = vector.load %arg1[%get3A_6, %get3A_7] : memref<200x8xf32, #tpu.memory_space<vmem>>, vector<200x8xf32>
    %mul3A = arith.mulf %get3A_5, %get3A_8 : vector<200x8xf32>
    %reduce_sum3A = arith.constant dense<0.000000e+00> : vector<200xf32>
    %reduce_sum3A_9 = vector.multi_reduction <add>, %mul3A, %reduce_sum3A [1] : vector<200x8xf32> to vector<200xf32>
    %broadcast_in_dim3A = vector.shape_cast %reduce_sum3A_9 : vector<200xf32> to vector<200x1xf32>
    %mul3A_10 = arith.constant 200 : i32
    %mul3A_11 = arith.muli %arg0, %mul3A_10 : i32
    %iota3A = tpu.iota {dimensions = array<i32: 0>} : vector<200x1xi32>
    %add3A = vector.broadcast %mul3A_11 : i32 to vector<200x1xi32>
    %add3A_12 = arith.addi %add3A, %iota3A : vector<200x1xi32>
    %get3A_13 = arith.constant 0 : index
    %get3A_14 = arith.constant 0 : index
    %get3A_15 = vector.load %arg3[%get3A_13, %get3A_14] : memref<200x1xi32, #tpu.memory_space<vmem>>, vector<200x1xi32>
    %while3A = arith.constant 0 : i32
    %while3A_16 = arith.subi %get3A_2, %get3A_0 : i32
    %while3A_17 = arith.addi %get3A_0, %while3A_16 : i32
    %while3A_18 = arith.constant 1 : i32
    %while3A_19 = arith.divsi %while3A_16, %while3A_18 : i32
    %while3A_20 = arith.muli %while3A_19, %while3A_18 : i32
    %while3A_21 = arith.addi %get3A_0, %while3A_20 : i32
    %while3A_22 = arith.constant 1 : i32
    %while3A_23 = scf.for %while3A_449 = %get3A_0 to %while3A_21 step %while3A_22 iter_args(%while3A_450 = %while3A) -> (i32)  : i32 {
      %mul3A_451 = arith.constant 256 : i32
      %mul3A_452 = arith.muli %while3A_449, %mul3A_451 : i32
      %get3A_453 = arith.constant 0 : index
      %get3A_454 = arith.index_cast %mul3A_452 : i32 to index
      %get3A_455 = vector.load %arg2[%get3A_453, %get3A_454] : memref<8x10240xf32, #tpu.memory_space<vmem>>, vector<8x256xf32>
      %mul3A_456 = arith.constant 256 : i32
      %mul3A_457 = arith.muli %while3A_449, %mul3A_456 : i32
      %get3A_458 = arith.constant 0 : index
      %get3A_459 = arith.index_cast %mul3A_457 : i32 to index
      %get3A_460 = vector.load %arg4[%get3A_458, %get3A_459] : memref<1x10240xi32, #tpu.memory_space<vmem>>, vector<1x256xi32>
      %mul3A_461 = arith.mulf %get3A_455, %get3A_455 : vector<8x256xf32>
      %reduce_sum3A_462 = arith.constant dense<0.000000e+00> : vector<256xf32>
      %reduce_sum3A_463 = vector.multi_reduction <add>, %mul3A_461, %reduce_sum3A_462 [0] : vector<8x256xf32> to vector<256xf32>
      %broadcast_in_dim3A_464 = vector.shape_cast %reduce_sum3A_463 : vector<256xf32> to vector<1x256xf32>
      %add3A_465 = vector.broadcast %broadcast_in_dim3A : vector<200x1xf32> to vector<200x256xf32>
      %add3A_466 = vector.broadcast %broadcast_in_dim3A_464 : vector<1x256xf32> to vector<200x256xf32>
      %add3A_467 = arith.addf %add3A_465, %add3A_466 : vector<200x256xf32>
      %get3A_468 = arith.constant 0 : index
      %get3A_469 = arith.constant 0 : index
      %get3A_470 = vector.load %arg1[%get3A_468, %get3A_469] : memref<200x8xf32, #tpu.memory_space<vmem>>, vector<200x8xf32>
      %dot_general3A = arith.constant dense<0.000000e+00> : vector<200x256xf32>
      %dot_general3A_471 = tpu.matmul %get3A_470, %get3A_455, %dot_general3A {dimension_numbers = #tpu.dot_dimension_numbers<[1], [0], [0], [1], [0, 0, 1, 1], [], []>, transpose_lhs_hint = false} : vector<200x8xf32>, vector<8x256xf32>, vector<200x256xf32> -> vector<200x256xf32>
      %mul3A_472 = arith.constant 2.000000e+00 : f32
      %mul3A_473 = vector.broadcast %mul3A_472 : f32 to vector<200x256xf32>
      %mul3A_474 = arith.mulf %mul3A_473, %dot_general3A_471 : vector<200x256xf32>
      %sub3A = arith.subf %add3A_467, %mul3A_474 : vector<200x256xf32>
      %max3A_475 = arith.constant 0.000000e+00 : f32
      %max3A_476 = vector.broadcast %max3A_475 : f32 to vector<200x256xf32>
      %max3A_477 = arith.maximumf %sub3A, %max3A_476 : vector<200x256xf32>
      %mul3A_478 = arith.constant 256 : i32
      %mul3A_479 = arith.muli %while3A_449, %mul3A_478 : i32
      %iota3A_480 = tpu.iota {dimensions = array<i32: 1>} : vector<200x256xi32>
      %add3A_481 = vector.broadcast %mul3A_479 : i32 to vector<200x256xi32>
      %add3A_482 = arith.addi %add3A_481, %iota3A_480 : vector<200x256xi32>
      %eq3A = vector.broadcast %get3A_15 : vector<200x1xi32> to vector<200x256xi32>
      %eq3A_483 = vector.broadcast %get3A_460 : vector<1x256xi32> to vector<200x256xi32>
      %eq3A_484 = arith.cmpi eq, %eq3A, %eq3A_483 : vector<200x256xi32>
      %ne3A = vector.broadcast %add3A_12 : vector<200x1xi32> to vector<200x256xi32>
      %ne3A_485 = arith.cmpi ne, %ne3A, %add3A_482 : vector<200x256xi32>
      %and3A = arith.andi %eq3A_484, %ne3A_485 : vector<200x256xi1>
      %le3A_486 = arith.constant 1.000000e+02 : f32
      %le3A_487 = vector.broadcast %le3A_486 : f32 to vector<200x256xf32>
      %le3A_488 = arith.cmpf ole, %max3A_477, %le3A_487 : vector<200x256xf32>
      %and3A_489 = arith.andi %and3A, %le3A_488 : vector<200x256xi1>
      %jit3A_490 = arith.constant 0x7F800000 : f32
      %broadcast_in_dim3A_491 = vector.broadcast %jit3A_490 : f32 to vector<200x256xf32>
      %select_n3A = arith.select %and3A_489, %max3A_477, %broadcast_in_dim3A_491 : vector<200x256xi1>, vector<200x256xf32>
      %mul3A_492 = arith.constant 256 : i32
      %mul3A_493 = arith.muli %while3A_449, %mul3A_492 : i32
      %swap3A_494 = arith.constant 0 : index
      %swap3A_495 = arith.index_cast %mul3A_493 : i32 to index
      %swap3A_496 = vector.load %arg9[%swap3A_494, %swap3A_495] : memref<200x10240xf32, #tpu.memory_space<vmem>>, vector<200x256xf32>
      tpu.vector_store %arg9[%swap3A_494, %swap3A_495], %select_n3A {strides = array<i32>} : memref<200x10240xf32, #tpu.memory_space<vmem>>, vector<200x256xf32>,
      %while3A_497 = arith.constant 0 : i32
      scf.yield %while3A_497 : i32
    }
    %while3A_24 = arith.constant 1 : i32
    %while3A_25 = scf.for %while3A_449 = %while3A_21 to %while3A_17 step %while3A_24 iter_args(%while3A_450 = %while3A_23) -> (i32)  : i32 {
      %mul3A_451 = arith.constant 256 : i32
      %mul3A_452 = arith.muli %while3A_449, %mul3A_451 : i32
      %get3A_453 = arith.constant 0 : index
      %get3A_454 = arith.index_cast %mul3A_452 : i32 to index
      %get3A_455 = vector.load %arg2[%get3A_453, %get3A_454] : memref<8x10240xf32, #tpu.memory_space<vmem>>, vector<8x256xf32>
      %mul3A_456 = arith.constant 256 : i32
      %mul3A_457 = arith.muli %while3A_449, %mul3A_456 : i32
      %get3A_458 = arith.constant 0 : index
      %get3A_459 = arith.index_cast %mul3A_457 : i32 to index
      %get3A_460 = vector.load %arg4[%get3A_458, %get3A_459] : memref<1x10240xi32, #tpu.memory_space<vmem>>, vector<1x256xi32>
      %mul3A_461 = arith.mulf %get3A_455, %get3A_455 : vector<8x256xf32>
      %reduce_sum3A_462 = arith.constant dense<0.000000e+00> : vector<256xf32>
      %reduce_sum3A_463 = vector.multi_reduction <add>, %mul3A_461, %reduce_sum3A_462 [0] : vector<8x256xf32> to vector<256xf32>
      %broadcast_in_dim3A_464 = vector.shape_cast %reduce_sum3A_463 : vector<256xf32> to vector<1x256xf32>
      %add3A_465 = vector.broadcast %broadcast_in_dim3A : vector<200x1xf32> to vector<200x256xf32>
      %add3A_466 = vector.broadcast %broadcast_in_dim3A_464 : vector<1x256xf32> to vector<200x256xf32>
      %add3A_467 = arith.addf %add3A_465, %add3A_466 : vector<200x256xf32>
      %get3A_468 = arith.constant 0 : index
      %get3A_469 = arith.constant 0 : index
      %get3A_470 = vector.load %arg1[%get3A_468, %get3A_469] : memref<200x8xf32, #tpu.memory_space<vmem>>, vector<200x8xf32>
      %dot_general3A = arith.constant dense<0.000000e+00> : vector<200x256xf32>
      %dot_general3A_471 = tpu.matmul %get3A_470, %get3A_455, %dot_general3A {dimension_numbers = #tpu.dot_dimension_numbers<[1], [0], [0], [1], [0, 0, 1, 1], [], []>, transpose_lhs_hint = false} : vector<200x8xf32>, vector<8x256xf32>, vector<200x256xf32> -> vector<200x256xf32>
      %mul3A_472 = arith.constant 2.000000e+00 : f32
      %mul3A_473 = vector.broadcast %mul3A_472 : f32 to vector<200x256xf32>
      %mul3A_474 = arith.mulf %mul3A_473, %dot_general3A_471 : vector<200x256xf32>
      %sub3A = arith.subf %add3A_467, %mul3A_474 : vector<200x256xf32>
      %max3A_475 = arith.constant 0.000000e+00 : f32
      %max3A_476 = vector.broadcast %max3A_475 : f32 to vector<200x256xf32>
      %max3A_477 = arith.maximumf %sub3A, %max3A_476 : vector<200x256xf32>
      %mul3A_478 = arith.constant 256 : i32
      %mul3A_479 = arith.muli %while3A_449, %mul3A_478 : i32
      %iota3A_480 = tpu.iota {dimensions = array<i32: 1>} : vector<200x256xi32>
      %add3A_481 = vector.broadcast %mul3A_479 : i32 to vector<200x256xi32>
      %add3A_482 = arith.addi %add3A_481, %iota3A_480 : vector<200x256xi32>
      %eq3A = vector.broadcast %get3A_15 : vector<200x1xi32> to vector<200x256xi32>
      %eq3A_483 = vector.broadcast %get3A_460 : vector<1x256xi32> to vector<200x256xi32>
      %eq3A_484 = arith.cmpi eq, %eq3A, %eq3A_483 : vector<200x256xi32>
      %ne3A = vector.broadcast %add3A_12 : vector<200x1xi32> to vector<200x256xi32>
      %ne3A_485 = arith.cmpi ne, %ne3A, %add3A_482 : vector<200x256xi32>
      %and3A = arith.andi %eq3A_484, %ne3A_485 : vector<200x256xi1>
      %le3A_486 = arith.constant 1.000000e+02 : f32
      %le3A_487 = vector.broadcast %le3A_486 : f32 to vector<200x256xf32>
      %le3A_488 = arith.cmpf ole, %max3A_477, %le3A_487 : vector<200x256xf32>
      %and3A_489 = arith.andi %and3A, %le3A_488 : vector<200x256xi1>
      %jit3A_490 = arith.constant 0x7F800000 : f32
      %broadcast_in_dim3A_491 = vector.broadcast %jit3A_490 : f32 to vector<200x256xf32>
      %select_n3A = arith.select %and3A_489, %max3A_477, %broadcast_in_dim3A_491 : vector<200x256xi1>, vector<200x256xf32>
      %mul3A_492 = arith.constant 256 : i32
      %mul3A_493 = arith.muli %while3A_449, %mul3A_492 : i32
      %swap3A_494 = arith.constant 0 : index
      %swap3A_495 = arith.index_cast %mul3A_493 : i32 to index
      %swap3A_496 = vector.load %arg9[%swap3A_494, %swap3A_495] : memref<200x10240xf32, #tpu.memory_space<vmem>>, vector<200x256xf32>
      tpu.vector_store %arg9[%swap3A_494, %swap3A_495], %select_n3A {strides = array<i32>} : memref<200x10240xf32, #tpu.memory_space<vmem>>, vector<200x256xf32>,
      %while3A_497 = arith.constant 0 : i32
      scf.yield %while3A_497 : i32
    }
    %iota3A_26 = tpu.iota {dimensions = array<i32: 1>} : vector<200x256xi32>
    %convert_element_type3A = arith.sitofp %iota3A_26 : vector<200x256xi32> to vector<200x256xf32>
    %broadcast_in_dim3A_27 = arith.constant 0xFF800000 : f32
    %broadcast_in_dim3A_28 = vector.broadcast %broadcast_in_dim3A_27 : f32 to vector<200x1xf32>
    %broadcast_in_dim3A_29 = arith.constant -1.000000e+00 : f32
    %broadcast_in_dim3A_30 = vector.broadcast %broadcast_in_dim3A_29 : f32 to vector<200x1xf32>
    %broadcast_in_dim3A_31 = arith.constant 0x7F800000 : f32
    %broadcast_in_dim3A_32 = vector.broadcast %broadcast_in_dim3A_31 : f32 to vector<200x1xf32>
    %broadcast_in_dim3A_33 = arith.constant 1.07374182E+9 : f32
    %broadcast_in_dim3A_34 = vector.broadcast %broadcast_in_dim3A_33 : f32 to vector<200x1xf32>
    %while3A_35 = arith.subi %get3A_2, %get3A_0 : i32
    %while3A_36 = arith.addi %get3A_0, %while3A_35 : i32
    %while3A_37 = arith.constant 1 : i32
    %while3A_38 = arith.divsi %while3A_35, %while3A_37 : i32
    %while3A_39 = arith.muli %while3A_38, %while3A_37 : i32
    %while3A_40 = arith.addi %get3A_0, %while3A_39 : i32
    %while3A_41 = arith.constant 1 : i32
    %while3A_42:2 = scf.for %while3A_449 = %get3A_0 to %while3A_40 step %while3A_41 iter_args(%while3A_450 = %broadcast_in_dim3A_32, %while3A_451 = %broadcast_in_dim3A_34) -> (vector<200x1xf32>, vector<200x1xf32>)  : i32 {
      %mul3A_452 = arith.constant 256 : i32
      %mul3A_453 = arith.muli %while3A_449, %mul3A_452 : i32
      %get3A_454 = arith.constant 0 : index
      %get3A_455 = arith.index_cast %mul3A_453 : i32 to index
      %get3A_456 = vector.load %arg9[%get3A_454, %get3A_455] : memref<200x10240xf32, #tpu.memory_space<vmem>>, vector<200x256xf32>
      %mul3A_457 = arith.constant 256 : i32
      %mul3A_458 = arith.muli %while3A_449, %mul3A_457 : i32
      %convert_element_type3A_459 = arith.sitofp %mul3A_458 : i32 to f32
      %add3A_460 = vector.broadcast %convert_element_type3A_459 : f32 to vector<200x256xf32>
      %add3A_461 = arith.addf %add3A_460, %convert_element_type3A : vector<200x256xf32>
      %gt3A = vector.broadcast %broadcast_in_dim3A_28 : vector<200x1xf32> to vector<200x256xf32>
      %gt3A_462 = arith.cmpf ogt, %get3A_456, %gt3A : vector<200x256xf32>
      %eq3A = vector.broadcast %broadcast_in_dim3A_28 : vector<200x1xf32> to vector<200x256xf32>
      %eq3A_463 = arith.cmpf oeq, %get3A_456, %eq3A : vector<200x256xf32>
      %gt3A_464 = vector.broadcast %broadcast_in_dim3A_30 : vector<200x1xf32> to vector<200x256xf32>
      %gt3A_465 = arith.cmpf ogt, %add3A_461, %gt3A_464 : vector<200x256xf32>
      %and3A = arith.andi %eq3A_463, %gt3A_465 : vector<200x256xi1>
      %or3A = arith.ori %gt3A_462, %and3A : vector<200x256xi1>
      %jit3A_466 = arith.constant 0x7F800000 : f32
      %broadcast_in_dim3A_467 = vector.broadcast %jit3A_466 : f32 to vector<200x256xf32>
      %select_n3A = arith.select %or3A, %get3A_456, %broadcast_in_dim3A_467 : vector<200x256xi1>, vector<200x256xf32>
      %slice3A = vector.extract_strided_slice %select_n3A {offsets = [0, 0], sizes = [200, 128], strides = [1, 1]} : vector<200x256xf32> to vector<200x128xf32>
      %slice3A_468 = vector.extract_strided_slice %add3A_461 {offsets = [0, 0], sizes = [200, 128], strides = [1, 1]} : vector<200x256xf32> to vector<200x128xf32>
      %slice3A_469 = vector.extract_strided_slice %select_n3A {offsets = [0, 128], sizes = [200, 128], strides = [1, 1]} : vector<200x256xf32> to vector<200x128xf32>
      %slice3A_470 = vector.extract_strided_slice %add3A_461 {offsets = [0, 128], sizes = [200, 128], strides = [1, 1]} : vector<200x256xf32> to vector<200x128xf32>
      %lt3A = arith.cmpf olt, %slice3A_469, %slice3A : vector<200x128xf32>
      %eq3A_471 = arith.cmpf oeq, %slice3A_469, %slice3A : vector<200x128xf32>
      %lt3A_472 = arith.cmpf olt, %slice3A_470, %slice3A_468 : vector<200x128xf32>
      %and3A_473 = arith.andi %eq3A_471, %lt3A_472 : vector<200x128xi1>
      %or3A_474 = arith.ori %lt3A, %and3A_473 : vector<200x128xi1>
      %select_n3A_475 = arith.select %or3A_474, %slice3A_469, %slice3A : vector<200x128xi1>, vector<200x128xf32>
      %select_n3A_476 = arith.select %or3A_474, %slice3A_470, %slice3A_468 : vector<200x128xi1>, vector<200x128xf32>
      %reduce_min3A = arith.constant dense<0x7F800000> : vector<200xf32>
      %reduce_min3A_477 = vector.multi_reduction <minimumf>, %select_n3A_475, %reduce_min3A [1] : vector<200x128xf32> to vector<200xf32>
      %broadcast_in_dim3A_478 = vector.shape_cast %reduce_min3A_477 : vector<200xf32> to vector<200x1xf32>
      %eq3A_479 = vector.broadcast %broadcast_in_dim3A_478 : vector<200x1xf32> to vector<200x128xf32>
      %eq3A_480 = arith.cmpf oeq, %select_n3A_475, %eq3A_479 : vector<200x128xf32>
      %jit3A_481 = arith.constant 1.07374182E+9 : f32
      %broadcast_in_dim3A_482 = vector.broadcast %jit3A_481 : f32 to vector<200x128xf32>
      %select_n3A_483 = arith.select %eq3A_480, %select_n3A_476, %broadcast_in_dim3A_482 : vector<200x128xi1>, vector<200x128xf32>
      %reduce_min3A_484 = arith.constant dense<0x7F800000> : vector<200xf32>
      %reduce_min3A_485 = vector.multi_reduction <minimumf>, %select_n3A_483, %reduce_min3A_484 [1] : vector<200x128xf32> to vector<200xf32>
      %broadcast_in_dim3A_486 = vector.shape_cast %reduce_min3A_485 : vector<200xf32> to vector<200x1xf32>
      %lt3A_487 = arith.cmpf olt, %broadcast_in_dim3A_478, %while3A_450 : vector<200x1xf32>
      %eq3A_488 = arith.cmpf oeq, %broadcast_in_dim3A_478, %while3A_450 : vector<200x1xf32>
      %lt3A_489 = arith.cmpf olt, %broadcast_in_dim3A_486, %while3A_451 : vector<200x1xf32>
      %and3A_490 = arith.andi %eq3A_488, %lt3A_489 : vector<200x1xi1>
      %or3A_491 = arith.ori %lt3A_487, %and3A_490 : vector<200x1xi1>
      %select_n3A_492 = arith.select %or3A_491, %broadcast_in_dim3A_478, %while3A_450 : vector<200x1xi1>, vector<200x1xf32>
      %select_n3A_493 = arith.select %or3A_491, %broadcast_in_dim3A_486, %while3A_451 : vector<200x1xi1>, vector<200x1xf32>
      scf.yield %select_n3A_492, %select_n3A_493 : vector<200x1xf32>, vector<200x1xf32>
    }
    %while3A_43 = arith.constant 1 : i32
    %while3A_44:2 = scf.for %while3A_449 = %while3A_40 to %while3A_36 step %while3A_43 iter_args(%while3A_450 = %while3A_42#0, %while3A_451 = %while3A_42#1) -> (vector<200x1xf32>, vector<200x1xf32>)  : i32 {
      %mul3A_452 = arith.constant 256 : i32
      %mul3A_453 = arith.muli %while3A_449, %mul3A_452 : i32
      %get3A_454 = arith.constant 0 : index
      %get3A_455 = arith.index_cast %mul3A_453 : i32 to index
      %get3A_456 = vector.load %arg9[%get3A_454, %get3A_455] : memref<200x10240xf32, #tpu.memory_space<vmem>>, vector<200x256xf32>
      %mul3A_457 = arith.constant 256 : i32
      %mul3A_458 = arith.muli %while3A_449, %mul3A_457 : i32
      %convert_element_type3A_459 = arith.sitofp %mul3A_458 : i32 to f32
      %add3A_460 = vector.broadcast %convert_element_type3A_459 : f32 to vector<200x256xf32>
      %add3A_461 = arith.addf %add3A_460, %convert_element_type3A : vector<200x256xf32>
      %gt3A = vector.broadcast %broadcast_in_dim3A_28 : vector<200x1xf32> to vector<200x256xf32>
      %gt3A_462 = arith.cmpf ogt, %get3A_456, %gt3A : vector<200x256xf32>
      %eq3A = vector.broadcast %broadcast_in_dim3A_28 : vector<200x1xf32> to vector<200x256xf32>
      %eq3A_463 = arith.cmpf oeq, %get3A_456, %eq3A : vector<200x256xf32>
      %gt3A_464 = vector.broadcast %broadcast_in_dim3A_30 : vector<200x1xf32> to vector<200x256xf32>
      %gt3A_465 = arith.cmpf ogt, %add3A_461, %gt3A_464 : vector<200x256xf32>
      %and3A = arith.andi %eq3A_463, %gt3A_465 : vector<200x256xi1>
      %or3A = arith.ori %gt3A_462, %and3A : vector<200x256xi1>
      %jit3A_466 = arith.constant 0x7F800000 : f32
      %broadcast_in_dim3A_467 = vector.broadcast %jit3A_466 : f32 to vector<200x256xf32>
      %select_n3A = arith.select %or3A, %get3A_456, %broadcast_in_dim3A_467 : vector<200x256xi1>, vector<200x256xf32>
      %slice3A = vector.extract_strided_slice %select_n3A {offsets = [0, 0], sizes = [200, 128], strides = [1, 1]} : vector<200x256xf32> to vector<200x128xf32>
      %slice3A_468 = vector.extract_strided_slice %add3A_461 {offsets = [0, 0], sizes = [200, 128], strides = [1, 1]} : vector<200x256xf32> to vector<200x128xf32>
      %slice3A_469 = vector.extract_strided_slice %select_n3A {offsets = [0, 128], sizes = [200, 128], strides = [1, 1]} : vector<200x256xf32> to vector<200x128xf32>
      %slice3A_470 = vector.extract_strided_slice %add3A_461 {offsets = [0, 128], sizes = [200, 128], strides = [1, 1]} : vector<200x256xf32> to vector<200x128xf32>
      %lt3A = arith.cmpf olt, %slice3A_469, %slice3A : vector<200x128xf32>
      %eq3A_471 = arith.cmpf oeq, %slice3A_469, %slice3A : vector<200x128xf32>
      %lt3A_472 = arith.cmpf olt, %slice3A_470, %slice3A_468 : vector<200x128xf32>
      %and3A_473 = arith.andi %eq3A_471, %lt3A_472 : vector<200x128xi1>
      %or3A_474 = arith.ori %lt3A, %and3A_473 : vector<200x128xi1>
      %select_n3A_475 = arith.select %or3A_474, %slice3A_469, %slice3A : vector<200x128xi1>, vector<200x128xf32>
      %select_n3A_476 = arith.select %or3A_474, %slice3A_470, %slice3A_468 : vector<200x128xi1>, vector<200x128xf32>
      %reduce_min3A = arith.constant dense<0x7F800000> : vector<200xf32>
      %reduce_min3A_477 = vector.multi_reduction <minimumf>, %select_n3A_475, %reduce_min3A [1] : vector<200x128xf32> to vector<200xf32>
      %broadcast_in_dim3A_478 = vector.shape_cast %reduce_min3A_477 : vector<200xf32> to vector<200x1xf32>
      %eq3A_479 = vector.broadcast %broadcast_in_dim3A_478 : vector<200x1xf32> to vector<200x128xf32>
      %eq3A_480 = arith.cmpf oeq, %select_n3A_475, %eq3A_479 : vector<200x128xf32>
      %jit3A_481 = arith.constant 1.07374182E+9 : f32
      %broadcast_in_dim3A_482 = vector.broadcast %jit3A_481 : f32 to vector<200x128xf32>
      %select_n3A_483 = arith.select %eq3A_480, %select_n3A_476, %broadcast_in_dim3A_482 : vector<200x128xi1>, vector<200x128xf32>
      %reduce_min3A_484 = arith.constant dense<0x7F800000> : vector<200xf32>
      %reduce_min3A_485 = vector.multi_reduction <minimumf>, %select_n3A_483, %reduce_min3A_484 [1] : vector<200x128xf32> to vector<200xf32>
      %broadcast_in_dim3A_486 = vector.shape_cast %reduce_min3A_485 : vector<200xf32> to vector<200x1xf32>
      %lt3A_487 = arith.cmpf olt, %broadcast_in_dim3A_478, %while3A_450 : vector<200x1xf32>
      %eq3A_488 = arith.cmpf oeq, %broadcast_in_dim3A_478, %while3A_450 : vector<200x1xf32>
      %lt3A_489 = arith.cmpf olt, %broadcast_in_dim3A_486, %while3A_451 : vector<200x1xf32>
      %and3A_490 = arith.andi %eq3A_488, %lt3A_489 : vector<200x1xi1>
      %or3A_491 = arith.ori %lt3A_487, %and3A_490 : vector<200x1xi1>
      %select_n3A_492 = arith.select %or3A_491, %broadcast_in_dim3A_478, %while3A_450 : vector<200x1xi1>, vector<200x1xf32>
      %select_n3A_493 = arith.select %or3A_491, %broadcast_in_dim3A_486, %while3A_451 : vector<200x1xi1>, vector<200x1xf32>
      scf.yield %select_n3A_492, %select_n3A_493 : vector<200x1xf32>, vector<200x1xf32>
    }
    %convert_element_type3A_45 = arith.fptosi %while3A_44#1 : vector<200x1xf32> to vector<200x1xi32>
    %jit3A = arith.constant 0 : i32
    %jit3A_46 = arith.constant 9999 : i32
    %max3A = vector.broadcast %jit3A : i32 to vector<200x1xi32>
    %max3A_47 = arith.maxsi %max3A, %convert_element_type3A_45 : vector<200x1xi32>
    %min3A = vector.broadcast %jit3A_46 : i32 to vector<200x1xi32>
    %min3A_48 = arith.minsi %min3A, %max3A_47 : vector<200x1xi32>
    %le3A = arith.constant 1.000000e+02 : f32
    %le3A_49 = vector.broadcast %le3A : f32 to vector<200x1xf32>
    %le3A_50 = arith.cmpf ole, %while3A_44#0, %le3A_49 : vector<200x1xf32>
    %convert_element_type3A_51 = arith.extui %le3A_50 : vector<200x1xi1> to vector<200x1xi32>
    %convert_element_type3A_52 = arith.sitofp %convert_element_type3A_51 : vector<200x1xi32> to vector<200x1xf32>
    %broadcast_in_dim3A_53 = arith.constant 0x7F800000 : f32
    %broadcast_in_dim3A_54 = vector.broadcast %broadcast_in_dim3A_53 : f32 to vector<200x1xf32>
    %broadcast_in_dim3A_55 = arith.constant 1.07374182E+9 : f32
    %broadcast_in_dim3A_56 = vector.broadcast %broadcast_in_dim3A_55 : f32 to vector<200x1xf32>
    %while3A_57 = arith.subi %get3A_2, %get3A_0 : i32
    %while3A_58 = arith.addi %get3A_0, %while3A_57 : i32
    %while3A_59 = arith.constant 1 : i32
    %while3A_60 = arith.divsi %while3A_57, %while3A_59 : i32
    %while3A_61 = arith.muli %while3A_60, %while3A_59 : i32
    %while3A_62 = arith.addi %get3A_0, %while3A_61 : i32
    %while3A_63 = arith.constant 1 : i32
    %while3A_64:2 = scf.for %while3A_449 = %get3A_0 to %while3A_62 step %while3A_63 iter_args(%while3A_450 = %broadcast_in_dim3A_54, %while3A_451 = %broadcast_in_dim3A_56) -> (vector<200x1xf32>, vector<200x1xf32>)  : i32 {
      %mul3A_452 = arith.constant 256 : i32
      %mul3A_453 = arith.muli %while3A_449, %mul3A_452 : i32
      %get3A_454 = arith.constant 0 : index
      %get3A_455 = arith.index_cast %mul3A_453 : i32 to index
      %get3A_456 = vector.load %arg9[%get3A_454, %get3A_455] : memref<200x10240xf32, #tpu.memory_space<vmem>>, vector<200x256xf32>
      %mul3A_457 = arith.constant 256 : i32
      %mul3A_458 = arith.muli %while3A_449, %mul3A_457 : i32
      %convert_element_type3A_459 = arith.sitofp %mul3A_458 : i32 to f32
      %add3A_460 = vector.broadcast %convert_element_type3A_459 : f32 to vector<200x256xf32>
      %add3A_461 = arith.addf %add3A_460, %convert_element_type3A : vector<200x256xf32>
      %gt3A = vector.broadcast %while3A_44#0 : vector<200x1xf32> to vector<200x256xf32>
      %gt3A_462 = arith.cmpf ogt, %get3A_456, %gt3A : vector<200x256xf32>
      %eq3A = vector.broadcast %while3A_44#0 : vector<200x1xf32> to vector<200x256xf32>
      %eq3A_463 = arith.cmpf oeq, %get3A_456, %eq3A : vector<200x256xf32>
      %gt3A_464 = vector.broadcast %while3A_44#1 : vector<200x1xf32> to vector<200x256xf32>
      %gt3A_465 = arith.cmpf ogt, %add3A_461, %gt3A_464 : vector<200x256xf32>
      %and3A = arith.andi %eq3A_463, %gt3A_465 : vector<200x256xi1>
      %or3A = arith.ori %gt3A_462, %and3A : vector<200x256xi1>
      %jit3A_466 = arith.constant 0x7F800000 : f32
      %broadcast_in_dim3A_467 = vector.broadcast %jit3A_466 : f32 to vector<200x256xf32>
      %select_n3A = arith.select %or3A, %get3A_456, %broadcast_in_dim3A_467 : vector<200x256xi1>, vector<200x256xf32>
      %slice3A = vector.extract_strided_slice %select_n3A {offsets = [0, 0], sizes = [200, 128], strides = [1, 1]} : vector<200x256xf32> to vector<200x128xf32>
      %slice3A_468 = vector.extract_strided_slice %add3A_461 {offsets = [0, 0], sizes = [200, 128], strides = [1, 1]} : vector<200x256xf32> to vector<200x128xf32>
      %slice3A_469 = vector.extract_strided_slice %select_n3A {offsets = [0, 128], sizes = [200, 128], strides = [1, 1]} : vector<200x256xf32> to vector<200x128xf32>
      %slice3A_470 = vector.extract_strided_slice %add3A_461 {offsets = [0, 128], sizes = [200, 128], strides = [1, 1]} : vector<200x256xf32> to vector<200x128xf32>
      %lt3A = arith.cmpf olt, %slice3A_469, %slice3A : vector<200x128xf32>
      %eq3A_471 = arith.cmpf oeq, %slice3A_469, %slice3A : vector<200x128xf32>
      %lt3A_472 = arith.cmpf olt, %slice3A_470, %slice3A_468 : vector<200x128xf32>
      %and3A_473 = arith.andi %eq3A_471, %lt3A_472 : vector<200x128xi1>
      %or3A_474 = arith.ori %lt3A, %and3A_473 : vector<200x128xi1>
      %select_n3A_475 = arith.select %or3A_474, %slice3A_469, %slice3A : vector<200x128xi1>, vector<200x128xf32>
      %select_n3A_476 = arith.select %or3A_474, %slice3A_470, %slice3A_468 : vector<200x128xi1>, vector<200x128xf32>
      %reduce_min3A = arith.constant dense<0x7F800000> : vector<200xf32>
      %reduce_min3A_477 = vector.multi_reduction <minimumf>, %select_n3A_475, %reduce_min3A [1] : vector<200x128xf32> to vector<200xf32>
      %broadcast_in_dim3A_478 = vector.shape_cast %reduce_min3A_477 : vector<200xf32> to vector<200x1xf32>
      %eq3A_479 = vector.broadcast %broadcast_in_dim3A_478 : vector<200x1xf32> to vector<200x128xf32>
      %eq3A_480 = arith.cmpf oeq, %select_n3A_475, %eq3A_479 : vector<200x128xf32>
      %jit3A_481 = arith.constant 1.07374182E+9 : f32
      %broadcast_in_dim3A_482 = vector.broadcast %jit3A_481 : f32 to vector<200x128xf32>
      %select_n3A_483 = arith.select %eq3A_480, %select_n3A_476, %broadcast_in_dim3A_482 : vector<200x128xi1>, vector<200x128xf32>
      %reduce_min3A_484 = arith.constant dense<0x7F800000> : vector<200xf32>
      %reduce_min3A_485 = vector.multi_reduction <minimumf>, %select_n3A_483, %reduce_min3A_484 [1] : vector<200x128xf32> to vector<200xf32>
      %broadcast_in_dim3A_486 = vector.shape_cast %reduce_min3A_485 : vector<200xf32> to vector<200x1xf32>
      %lt3A_487 = arith.cmpf olt, %broadcast_in_dim3A_478, %while3A_450 : vector<200x1xf32>
      %eq3A_488 = arith.cmpf oeq, %broadcast_in_dim3A_478, %while3A_450 : vector<200x1xf32>
      %lt3A_489 = arith.cmpf olt, %broadcast_in_dim3A_486, %while3A_451 : vector<200x1xf32>
      %and3A_490 = arith.andi %eq3A_488, %lt3A_489 : vector<200x1xi1>
      %or3A_491 = arith.ori %lt3A_487, %and3A_490 : vector<200x1xi1>
      %select_n3A_492 = arith.select %or3A_491, %broadcast_in_dim3A_478, %while3A_450 : vector<200x1xi1>, vector<200x1xf32>
      %select_n3A_493 = arith.select %or3A_491, %broadcast_in_dim3A_486, %while3A_451 : vector<200x1xi1>, vector<200x1xf32>
      scf.yield %select_n3A_492, %select_n3A_493 : vector<200x1xf32>, vector<200x1xf32>
    }
    %while3A_65 = arith.constant 1 : i32
    %while3A_66:2 = scf.for %while3A_449 = %while3A_62 to %while3A_58 step %while3A_65 iter_args(%while3A_450 = %while3A_64#0, %while3A_451 = %while3A_64#1) -> (vector<200x1xf32>, vector<200x1xf32>)  : i32 {
      %mul3A_452 = arith.constant 256 : i32
      %mul3A_453 = arith.muli %while3A_449, %mul3A_452 : i32
      %get3A_454 = arith.constant 0 : index
      %get3A_455 = arith.index_cast %mul3A_453 : i32 to index
      %get3A_456 = vector.load %arg9[%get3A_454, %get3A_455] : memref<200x10240xf32, #tpu.memory_space<vmem>>, vector<200x256xf32>
      %mul3A_457 = arith.constant 256 : i32
      %mul3A_458 = arith.muli %while3A_449, %mul3A_457 : i32
      %convert_element_type3A_459 = arith.sitofp %mul3A_458 : i32 to f32
      %add3A_460 = vector.broadcast %convert_element_type3A_459 : f32 to vector<200x256xf32>
      %add3A_461 = arith.addf %add3A_460, %convert_element_type3A : vector<200x256xf32>
      %gt3A = vector.broadcast %while3A_44#0 : vector<200x1xf32> to vector<200x256xf32>
      %gt3A_462 = arith.cmpf ogt, %get3A_456, %gt3A : vector<200x256xf32>
      %eq3A = vector.broadcast %while3A_44#0 : vector<200x1xf32> to vector<200x256xf32>
      %eq3A_463 = arith.cmpf oeq, %get3A_456, %eq3A : vector<200x256xf32>
      %gt3A_464 = vector.broadcast %while3A_44#1 : vector<200x1xf32> to vector<200x256xf32>
      %gt3A_465 = arith.cmpf ogt, %add3A_461, %gt3A_464 : vector<200x256xf32>
      %and3A = arith.andi %eq3A_463, %gt3A_465 : vector<200x256xi1>
      %or3A = arith.ori %gt3A_462, %and3A : vector<200x256xi1>
      %jit3A_466 = arith.constant 0x7F800000 : f32
      %broadcast_in_dim3A_467 = vector.broadcast %jit3A_466 : f32 to vector<200x256xf32>
      %select_n3A = arith.select %or3A, %get3A_456, %broadcast_in_dim3A_467 : vector<200x256xi1>, vector<200x256xf32>
      %slice3A = vector.extract_strided_slice %select_n3A {offsets = [0, 0], sizes = [200, 128], strides = [1, 1]} : vector<200x256xf32> to vector<200x128xf32>
      %slice3A_468 = vector.extract_strided_slice %add3A_461 {offsets = [0, 0], sizes = [200, 128], strides = [1, 1]} : vector<200x256xf32> to vector<200x128xf32>
      %slice3A_469 = vector.extract_strided_slice %select_n3A {offsets = [0, 128], sizes = [200, 128], strides = [1, 1]} : vector<200x256xf32> to vector<200x128xf32>
      %slice3A_470 = vector.extract_strided_slice %add3A_461 {offsets = [0, 128], sizes = [200, 128], strides = [1, 1]} : vector<200x256xf32> to vector<200x128xf32>
      %lt3A = arith.cmpf olt, %slice3A_469, %slice3A : vector<200x128xf32>
      %eq3A_471 = arith.cmpf oeq, %slice3A_469, %slice3A : vector<200x128xf32>
      %lt3A_472 = arith.cmpf olt, %slice3A_470, %slice3A_468 : vector<200x128xf32>
      %and3A_473 = arith.andi %eq3A_471, %lt3A_472 : vector<200x128xi1>
      %or3A_474 = arith.ori %lt3A, %and3A_473 : vector<200x128xi1>
      %select_n3A_475 = arith.select %or3A_474, %slice3A_469, %slice3A : vector<200x128xi1>, vector<200x128xf32>
      %select_n3A_476 = arith.select %or3A_474, %slice3A_470, %slice3A_468 : vector<200x128xi1>, vector<200x128xf32>
      %reduce_min3A = arith.constant dense<0x7F800000> : vector<200xf32>
      %reduce_min3A_477 = vector.multi_reduction <minimumf>, %select_n3A_475, %reduce_min3A [1] : vector<200x128xf32> to vector<200xf32>
      %broadcast_in_dim3A_478 = vector.shape_cast %reduce_min3A_477 : vector<200xf32> to vector<200x1xf32>
      %eq3A_479 = vector.broadcast %broadcast_in_dim3A_478 : vector<200x1xf32> to vector<200x128xf32>
      %eq3A_480 = arith.cmpf oeq, %select_n3A_475, %eq3A_479 : vector<200x128xf32>
      %jit3A_481 = arith.constant 1.07374182E+9 : f32
      %broadcast_in_dim3A_482 = vector.broadcast %jit3A_481 : f32 to vector<200x128xf32>
      %select_n3A_483 = arith.select %eq3A_480, %select_n3A_476, %broadcast_in_dim3A_482 : vector<200x128xi1>, vector<200x128xf32>
      %reduce_min3A_484 = arith.constant dense<0x7F800000> : vector<200xf32>
      %reduce_min3A_485 = vector.multi_reduction <minimumf>, %select_n3A_483, %reduce_min3A_484 [1] : vector<200x128xf32> to vector<200xf32>
      %broadcast_in_dim3A_486 = vector.shape_cast %reduce_min3A_485 : vector<200xf32> to vector<200x1xf32>
      %lt3A_487 = arith.cmpf olt, %broadcast_in_dim3A_478, %while3A_450 : vector<200x1xf32>
      %eq3A_488 = arith.cmpf oeq, %broadcast_in_dim3A_478, %while3A_450 : vector<200x1xf32>
      %lt3A_489 = arith.cmpf olt, %broadcast_in_dim3A_486, %while3A_451 : vector<200x1xf32>
      %and3A_490 = arith.andi %eq3A_488, %lt3A_489 : vector<200x1xi1>
      %or3A_491 = arith.ori %lt3A_487, %and3A_490 : vector<200x1xi1>
      %select_n3A_492 = arith.select %or3A_491, %broadcast_in_dim3A_478, %while3A_450 : vector<200x1xi1>, vector<200x1xf32>
      %select_n3A_493 = arith.select %or3A_491, %broadcast_in_dim3A_486, %while3A_451 : vector<200x1xi1>, vector<200x1xf32>
      scf.yield %select_n3A_492, %select_n3A_493 : vector<200x1xf32>, vector<200x1xf32>
    }
    %convert_element_type3A_67 = arith.fptosi %while3A_66#1 : vector<200x1xf32> to vector<200x1xi32>
    %jit3A_68 = arith.constant 0 : i32
    %jit3A_69 = arith.constant 9999 : i32
    %max3A_70 = vector.broadcast %jit3A_68 : i32 to vector<200x1xi32>
    %max3A_71 = arith.maxsi %max3A_70, %convert_element_type3A_67 : vector<200x1xi32>
    %min3A_72 = vector.broadcast %jit3A_69 : i32 to vector<200x1xi32>
    %min3A_73 = arith.minsi %min3A_72, %max3A_71 : vector<200x1xi32>
    %le3A_74 = arith.constant 1.000000e+02 : f32
    %le3A_75 = vector.broadcast %le3A_74 : f32 to vector<200x1xf32>
    %le3A_76 = arith.cmpf ole, %while3A_66#0, %le3A_75 : vector<200x1xf32>
    %convert_element_type3A_77 = arith.extui %le3A_76 : vector<200x1xi1> to vector<200x1xi32>
    %convert_element_type3A_78 = arith.sitofp %convert_element_type3A_77 : vector<200x1xi32> to vector<200x1xf32>
    %broadcast_in_dim3A_79 = arith.constant 0x7F800000 : f32
    %broadcast_in_dim3A_80 = vector.broadcast %broadcast_in_dim3A_79 : f32 to vector<200x1xf32>
    %broadcast_in_dim3A_81 = arith.constant 1.07374182E+9 : f32
    %broadcast_in_dim3A_82 = vector.broadcast %broadcast_in_dim3A_81 : f32 to vector<200x1xf32>
    %while3A_83 = arith.subi %get3A_2, %get3A_0 : i32
    %while3A_84 = arith.addi %get3A_0, %while3A_83 : i32
    %while3A_85 = arith.constant 1 : i32
    %while3A_86 = arith.divsi %while3A_83, %while3A_85 : i32
    %while3A_87 = arith.muli %while3A_86, %while3A_85 : i32
    %while3A_88 = arith.addi %get3A_0, %while3A_87 : i32
    %while3A_89 = arith.constant 1 : i32
    %while3A_90:2 = scf.for %while3A_449 = %get3A_0 to %while3A_88 step %while3A_89 iter_args(%while3A_450 = %broadcast_in_dim3A_80, %while3A_451 = %broadcast_in_dim3A_82) -> (vector<200x1xf32>, vector<200x1xf32>)  : i32 {
      %mul3A_452 = arith.constant 256 : i32
      %mul3A_453 = arith.muli %while3A_449, %mul3A_452 : i32
      %get3A_454 = arith.constant 0 : index
      %get3A_455 = arith.index_cast %mul3A_453 : i32 to index
      %get3A_456 = vector.load %arg9[%get3A_454, %get3A_455] : memref<200x10240xf32, #tpu.memory_space<vmem>>, vector<200x256xf32>
      %mul3A_457 = arith.constant 256 : i32
      %mul3A_458 = arith.muli %while3A_449, %mul3A_457 : i32
      %convert_element_type3A_459 = arith.sitofp %mul3A_458 : i32 to f32
      %add3A_460 = vector.broadcast %convert_element_type3A_459 : f32 to vector<200x256xf32>
      %add3A_461 = arith.addf %add3A_460, %convert_element_type3A : vector<200x256xf32>
      %gt3A = vector.broadcast %while3A_66#0 : vector<200x1xf32> to vector<200x256xf32>
      %gt3A_462 = arith.cmpf ogt, %get3A_456, %gt3A : vector<200x256xf32>
      %eq3A = vector.broadcast %while3A_66#0 : vector<200x1xf32> to vector<200x256xf32>
      %eq3A_463 = arith.cmpf oeq, %get3A_456, %eq3A : vector<200x256xf32>
      %gt3A_464 = vector.broadcast %while3A_66#1 : vector<200x1xf32> to vector<200x256xf32>
      %gt3A_465 = arith.cmpf ogt, %add3A_461, %gt3A_464 : vector<200x256xf32>
      %and3A = arith.andi %eq3A_463, %gt3A_465 : vector<200x256xi1>
      %or3A = arith.ori %gt3A_462, %and3A : vector<200x256xi1>
      %jit3A_466 = arith.constant 0x7F800000 : f32
      %broadcast_in_dim3A_467 = vector.broadcast %jit3A_466 : f32 to vector<200x256xf32>
      %select_n3A = arith.select %or3A, %get3A_456, %broadcast_in_dim3A_467 : vector<200x256xi1>, vector<200x256xf32>
      %slice3A = vector.extract_strided_slice %select_n3A {offsets = [0, 0], sizes = [200, 128], strides = [1, 1]} : vector<200x256xf32> to vector<200x128xf32>
      %slice3A_468 = vector.extract_strided_slice %add3A_461 {offsets = [0, 0], sizes = [200, 128], strides = [1, 1]} : vector<200x256xf32> to vector<200x128xf32>
      %slice3A_469 = vector.extract_strided_slice %select_n3A {offsets = [0, 128], sizes = [200, 128], strides = [1, 1]} : vector<200x256xf32> to vector<200x128xf32>
      %slice3A_470 = vector.extract_strided_slice %add3A_461 {offsets = [0, 128], sizes = [200, 128], strides = [1, 1]} : vector<200x256xf32> to vector<200x128xf32>
      %lt3A = arith.cmpf olt, %slice3A_469, %slice3A : vector<200x128xf32>
      %eq3A_471 = arith.cmpf oeq, %slice3A_469, %slice3A : vector<200x128xf32>
      %lt3A_472 = arith.cmpf olt, %slice3A_470, %slice3A_468 : vector<200x128xf32>
      %and3A_473 = arith.andi %eq3A_471, %lt3A_472 : vector<200x128xi1>
      %or3A_474 = arith.ori %lt3A, %and3A_473 : vector<200x128xi1>
      %select_n3A_475 = arith.select %or3A_474, %slice3A_469, %slice3A : vector<200x128xi1>, vector<200x128xf32>
      %select_n3A_476 = arith.select %or3A_474, %slice3A_470, %slice3A_468 : vector<200x128xi1>, vector<200x128xf32>
      %reduce_min3A = arith.constant dense<0x7F800000> : vector<200xf32>
      %reduce_min3A_477 = vector.multi_reduction <minimumf>, %select_n3A_475, %reduce_min3A [1] : vector<200x128xf32> to vector<200xf32>
      %broadcast_in_dim3A_478 = vector.shape_cast %reduce_min3A_477 : vector<200xf32> to vector<200x1xf32>
      %eq3A_479 = vector.broadcast %broadcast_in_dim3A_478 : vector<200x1xf32> to vector<200x128xf32>
      %eq3A_480 = arith.cmpf oeq, %select_n3A_475, %eq3A_479 : vector<200x128xf32>
      %jit3A_481 = arith.constant 1.07374182E+9 : f32
      %broadcast_in_dim3A_482 = vector.broadcast %jit3A_481 : f32 to vector<200x128xf32>
      %select_n3A_483 = arith.select %eq3A_480, %select_n3A_476, %broadcast_in_dim3A_482 : vector<200x128xi1>, vector<200x128xf32>
      %reduce_min3A_484 = arith.constant dense<0x7F800000> : vector<200xf32>
      %reduce_min3A_485 = vector.multi_reduction <minimumf>, %select_n3A_483, %reduce_min3A_484 [1] : vector<200x128xf32> to vector<200xf32>
      %broadcast_in_dim3A_486 = vector.shape_cast %reduce_min3A_485 : vector<200xf32> to vector<200x1xf32>
      %lt3A_487 = arith.cmpf olt, %broadcast_in_dim3A_478, %while3A_450 : vector<200x1xf32>
      %eq3A_488 = arith.cmpf oeq, %broadcast_in_dim3A_478, %while3A_450 : vector<200x1xf32>
      %lt3A_489 = arith.cmpf olt, %broadcast_in_dim3A_486, %while3A_451 : vector<200x1xf32>
      %and3A_490 = arith.andi %eq3A_488, %lt3A_489 : vector<200x1xi1>
      %or3A_491 = arith.ori %lt3A_487, %and3A_490 : vector<200x1xi1>
      %select_n3A_492 = arith.select %or3A_491, %broadcast_in_dim3A_478, %while3A_450 : vector<200x1xi1>, vector<200x1xf32>
      %select_n3A_493 = arith.select %or3A_491, %broadcast_in_dim3A_486, %while3A_451 : vector<200x1xi1>, vector<200x1xf32>
      scf.yield %select_n3A_492, %select_n3A_493 : vector<200x1xf32>, vector<200x1xf32>
    }
    %while3A_91 = arith.constant 1 : i32
    %while3A_92:2 = scf.for %while3A_449 = %while3A_88 to %while3A_84 step %while3A_91 iter_args(%while3A_450 = %while3A_90#0, %while3A_451 = %while3A_90#1) -> (vector<200x1xf32>, vector<200x1xf32>)  : i32 {
      %mul3A_452 = arith.constant 256 : i32
      %mul3A_453 = arith.muli %while3A_449, %mul3A_452 : i32
      %get3A_454 = arith.constant 0 : index
      %get3A_455 = arith.index_cast %mul3A_453 : i32 to index
      %get3A_456 = vector.load %arg9[%get3A_454, %get3A_455] : memref<200x10240xf32, #tpu.memory_space<vmem>>, vector<200x256xf32>
      %mul3A_457 = arith.constant 256 : i32
      %mul3A_458 = arith.muli %while3A_449, %mul3A_457 : i32
      %convert_element_type3A_459 = arith.sitofp %mul3A_458 : i32 to f32
      %add3A_460 = vector.broadcast %convert_element_type3A_459 : f32 to vector<200x256xf32>
      %add3A_461 = arith.addf %add3A_460, %convert_element_type3A : vector<200x256xf32>
      %gt3A = vector.broadcast %while3A_66#0 : vector<200x1xf32> to vector<200x256xf32>
      %gt3A_462 = arith.cmpf ogt, %get3A_456, %gt3A : vector<200x256xf32>
      %eq3A = vector.broadcast %while3A_66#0 : vector<200x1xf32> to vector<200x256xf32>
      %eq3A_463 = arith.cmpf oeq, %get3A_456, %eq3A : vector<200x256xf32>
      %gt3A_464 = vector.broadcast %while3A_66#1 : vector<200x1xf32> to vector<200x256xf32>
      %gt3A_465 = arith.cmpf ogt, %add3A_461, %gt3A_464 : vector<200x256xf32>
      %and3A = arith.andi %eq3A_463, %gt3A_465 : vector<200x256xi1>
      %or3A = arith.ori %gt3A_462, %and3A : vector<200x256xi1>
      %jit3A_466 = arith.constant 0x7F800000 : f32
      %broadcast_in_dim3A_467 = vector.broadcast %jit3A_466 : f32 to vector<200x256xf32>
      %select_n3A = arith.select %or3A, %get3A_456, %broadcast_in_dim3A_467 : vector<200x256xi1>, vector<200x256xf32>
      %slice3A = vector.extract_strided_slice %select_n3A {offsets = [0, 0], sizes = [200, 128], strides = [1, 1]} : vector<200x256xf32> to vector<200x128xf32>
      %slice3A_468 = vector.extract_strided_slice %add3A_461 {offsets = [0, 0], sizes = [200, 128], strides = [1, 1]} : vector<200x256xf32> to vector<200x128xf32>
      %slice3A_469 = vector.extract_strided_slice %select_n3A {offsets = [0, 128], sizes = [200, 128], strides = [1, 1]} : vector<200x256xf32> to vector<200x128xf32>
      %slice3A_470 = vector.extract_strided_slice %add3A_461 {offsets = [0, 128], sizes = [200, 128], strides = [1, 1]} : vector<200x256xf32> to vector<200x128xf32>
      %lt3A = arith.cmpf olt, %slice3A_469, %slice3A : vector<200x128xf32>
      %eq3A_471 = arith.cmpf oeq, %slice3A_469, %slice3A : vector<200x128xf32>
      %lt3A_472 = arith.cmpf olt, %slice3A_470, %slice3A_468 : vector<200x128xf32>
      %and3A_473 = arith.andi %eq3A_471, %lt3A_472 : vector<200x128xi1>
      %or3A_474 = arith.ori %lt3A, %and3A_473 : vector<200x128xi1>
      %select_n3A_475 = arith.select %or3A_474, %slice3A_469, %slice3A : vector<200x128xi1>, vector<200x128xf32>
      %select_n3A_476 = arith.select %or3A_474, %slice3A_470, %slice3A_468 : vector<200x128xi1>, vector<200x128xf32>
      %reduce_min3A = arith.constant dense<0x7F800000> : vector<200xf32>
      %reduce_min3A_477 = vector.multi_reduction <minimumf>, %select_n3A_475, %reduce_min3A [1] : vector<200x128xf32> to vector<200xf32>
      %broadcast_in_dim3A_478 = vector.shape_cast %reduce_min3A_477 : vector<200xf32> to vector<200x1xf32>
      %eq3A_479 = vector.broadcast %broadcast_in_dim3A_478 : vector<200x1xf32> to vector<200x128xf32>
      %eq3A_480 = arith.cmpf oeq, %select_n3A_475, %eq3A_479 : vector<200x128xf32>
      %jit3A_481 = arith.constant 1.07374182E+9 : f32
      %broadcast_in_dim3A_482 = vector.broadcast %jit3A_481 : f32 to vector<200x128xf32>
      %select_n3A_483 = arith.select %eq3A_480, %select_n3A_476, %broadcast_in_dim3A_482 : vector<200x128xi1>, vector<200x128xf32>
      %reduce_min3A_484 = arith.constant dense<0x7F800000> : vector<200xf32>
      %reduce_min3A_485 = vector.multi_reduction <minimumf>, %select_n3A_483, %reduce_min3A_484 [1] : vector<200x128xf32> to vector<200xf32>
      %broadcast_in_dim3A_486 = vector.shape_cast %reduce_min3A_485 : vector<200xf32> to vector<200x1xf32>
      %lt3A_487 = arith.cmpf olt, %broadcast_in_dim3A_478, %while3A_450 : vector<200x1xf32>
      %eq3A_488 = arith.cmpf oeq, %broadcast_in_dim3A_478, %while3A_450 : vector<200x1xf32>
      %lt3A_489 = arith.cmpf olt, %broadcast_in_dim3A_486, %while3A_451 : vector<200x1xf32>
      %and3A_490 = arith.andi %eq3A_488, %lt3A_489 : vector<200x1xi1>
      %or3A_491 = arith.ori %lt3A_487, %and3A_490 : vector<200x1xi1>
      %select_n3A_492 = arith.select %or3A_491, %broadcast_in_dim3A_478, %while3A_450 : vector<200x1xi1>, vector<200x1xf32>
      %select_n3A_493 = arith.select %or3A_491, %broadcast_in_dim3A_486, %while3A_451 : vector<200x1xi1>, vector<200x1xf32>
      scf.yield %select_n3A_492, %select_n3A_493 : vector<200x1xf32>, vector<200x1xf32>
    }
    %convert_element_type3A_93 = arith.fptosi %while3A_92#1 : vector<200x1xf32> to vector<200x1xi32>
    %jit3A_94 = arith.constant 0 : i32
    %jit3A_95 = arith.constant 9999 : i32
    %max3A_96 = vector.broadcast %jit3A_94 : i32 to vector<200x1xi32>
    %max3A_97 = arith.maxsi %max3A_96, %convert_element_type3A_93 : vector<200x1xi32>
    %min3A_98 = vector.broadcast %jit3A_95 : i32 to vector<200x1xi32>
    %min3A_99 = arith.minsi %min3A_98, %max3A_97 : vector<200x1xi32>
    %le3A_100 = arith.constant 1.000000e+02 : f32
    %le3A_101 = vector.broadcast %le3A_100 : f32 to vector<200x1xf32>
    %le3A_102 = arith.cmpf ole, %while3A_92#0, %le3A_101 : vector<200x1xf32>
    %convert_element_type3A_103 = arith.extui %le3A_102 : vector<200x1xi1> to vector<200x1xi32>
    %convert_element_type3A_104 = arith.sitofp %convert_element_type3A_103 : vector<200x1xi32> to vector<200x1xf32>
    %broadcast_in_dim3A_105 = arith.constant 0x7F800000 : f32
    %broadcast_in_dim3A_106 = vector.broadcast %broadcast_in_dim3A_105 : f32 to vector<200x1xf32>
    %broadcast_in_dim3A_107 = arith.constant 1.07374182E+9 : f32
    %broadcast_in_dim3A_108 = vector.broadcast %broadcast_in_dim3A_107 : f32 to vector<200x1xf32>
    %while3A_109 = arith.subi %get3A_2, %get3A_0 : i32
    %while3A_110 = arith.addi %get3A_0, %while3A_109 : i32
    %while3A_111 = arith.constant 1 : i32
    %while3A_112 = arith.divsi %while3A_109, %while3A_111 : i32
    %while3A_113 = arith.muli %while3A_112, %while3A_111 : i32
    %while3A_114 = arith.addi %get3A_0, %while3A_113 : i32
    %while3A_115 = arith.constant 1 : i32
    %while3A_116:2 = scf.for %while3A_449 = %get3A_0 to %while3A_114 step %while3A_115 iter_args(%while3A_450 = %broadcast_in_dim3A_106, %while3A_451 = %broadcast_in_dim3A_108) -> (vector<200x1xf32>, vector<200x1xf32>)  : i32 {
      %mul3A_452 = arith.constant 256 : i32
      %mul3A_453 = arith.muli %while3A_449, %mul3A_452 : i32
      %get3A_454 = arith.constant 0 : index
      %get3A_455 = arith.index_cast %mul3A_453 : i32 to index
      %get3A_456 = vector.load %arg9[%get3A_454, %get3A_455] : memref<200x10240xf32, #tpu.memory_space<vmem>>, vector<200x256xf32>
      %mul3A_457 = arith.constant 256 : i32
      %mul3A_458 = arith.muli %while3A_449, %mul3A_457 : i32
      %convert_element_type3A_459 = arith.sitofp %mul3A_458 : i32 to f32
      %add3A_460 = vector.broadcast %convert_element_type3A_459 : f32 to vector<200x256xf32>
      %add3A_461 = arith.addf %add3A_460, %convert_element_type3A : vector<200x256xf32>
      %gt3A = vector.broadcast %while3A_92#0 : vector<200x1xf32> to vector<200x256xf32>
      %gt3A_462 = arith.cmpf ogt, %get3A_456, %gt3A : vector<200x256xf32>
      %eq3A = vector.broadcast %while3A_92#0 : vector<200x1xf32> to vector<200x256xf32>
      %eq3A_463 = arith.cmpf oeq, %get3A_456, %eq3A : vector<200x256xf32>
      %gt3A_464 = vector.broadcast %while3A_92#1 : vector<200x1xf32> to vector<200x256xf32>
      %gt3A_465 = arith.cmpf ogt, %add3A_461, %gt3A_464 : vector<200x256xf32>
      %and3A = arith.andi %eq3A_463, %gt3A_465 : vector<200x256xi1>
      %or3A = arith.ori %gt3A_462, %and3A : vector<200x256xi1>
      %jit3A_466 = arith.constant 0x7F800000 : f32
      %broadcast_in_dim3A_467 = vector.broadcast %jit3A_466 : f32 to vector<200x256xf32>
      %select_n3A = arith.select %or3A, %get3A_456, %broadcast_in_dim3A_467 : vector<200x256xi1>, vector<200x256xf32>
      %slice3A = vector.extract_strided_slice %select_n3A {offsets = [0, 0], sizes = [200, 128], strides = [1, 1]} : vector<200x256xf32> to vector<200x128xf32>
      %slice3A_468 = vector.extract_strided_slice %add3A_461 {offsets = [0, 0], sizes = [200, 128], strides = [1, 1]} : vector<200x256xf32> to vector<200x128xf32>
      %slice3A_469 = vector.extract_strided_slice %select_n3A {offsets = [0, 128], sizes = [200, 128], strides = [1, 1]} : vector<200x256xf32> to vector<200x128xf32>
      %slice3A_470 = vector.extract_strided_slice %add3A_461 {offsets = [0, 128], sizes = [200, 128], strides = [1, 1]} : vector<200x256xf32> to vector<200x128xf32>
      %lt3A = arith.cmpf olt, %slice3A_469, %slice3A : vector<200x128xf32>
      %eq3A_471 = arith.cmpf oeq, %slice3A_469, %slice3A : vector<200x128xf32>
      %lt3A_472 = arith.cmpf olt, %slice3A_470, %slice3A_468 : vector<200x128xf32>
      %and3A_473 = arith.andi %eq3A_471, %lt3A_472 : vector<200x128xi1>
      %or3A_474 = arith.ori %lt3A, %and3A_473 : vector<200x128xi1>
      %select_n3A_475 = arith.select %or3A_474, %slice3A_469, %slice3A : vector<200x128xi1>, vector<200x128xf32>
      %select_n3A_476 = arith.select %or3A_474, %slice3A_470, %slice3A_468 : vector<200x128xi1>, vector<200x128xf32>
      %reduce_min3A = arith.constant dense<0x7F800000> : vector<200xf32>
      %reduce_min3A_477 = vector.multi_reduction <minimumf>, %select_n3A_475, %reduce_min3A [1] : vector<200x128xf32> to vector<200xf32>
      %broadcast_in_dim3A_478 = vector.shape_cast %reduce_min3A_477 : vector<200xf32> to vector<200x1xf32>
      %eq3A_479 = vector.broadcast %broadcast_in_dim3A_478 : vector<200x1xf32> to vector<200x128xf32>
      %eq3A_480 = arith.cmpf oeq, %select_n3A_475, %eq3A_479 : vector<200x128xf32>
      %jit3A_481 = arith.constant 1.07374182E+9 : f32
      %broadcast_in_dim3A_482 = vector.broadcast %jit3A_481 : f32 to vector<200x128xf32>
      %select_n3A_483 = arith.select %eq3A_480, %select_n3A_476, %broadcast_in_dim3A_482 : vector<200x128xi1>, vector<200x128xf32>
      %reduce_min3A_484 = arith.constant dense<0x7F800000> : vector<200xf32>
      %reduce_min3A_485 = vector.multi_reduction <minimumf>, %select_n3A_483, %reduce_min3A_484 [1] : vector<200x128xf32> to vector<200xf32>
      %broadcast_in_dim3A_486 = vector.shape_cast %reduce_min3A_485 : vector<200xf32> to vector<200x1xf32>
      %lt3A_487 = arith.cmpf olt, %broadcast_in_dim3A_478, %while3A_450 : vector<200x1xf32>
      %eq3A_488 = arith.cmpf oeq, %broadcast_in_dim3A_478, %while3A_450 : vector<200x1xf32>
      %lt3A_489 = arith.cmpf olt, %broadcast_in_dim3A_486, %while3A_451 : vector<200x1xf32>
      %and3A_490 = arith.andi %eq3A_488, %lt3A_489 : vector<200x1xi1>
      %or3A_491 = arith.ori %lt3A_487, %and3A_490 : vector<200x1xi1>
      %select_n3A_492 = arith.select %or3A_491, %broadcast_in_dim3A_478, %while3A_450 : vector<200x1xi1>, vector<200x1xf32>
      %select_n3A_493 = arith.select %or3A_491, %broadcast_in_dim3A_486, %while3A_451 : vector<200x1xi1>, vector<200x1xf32>
      scf.yield %select_n3A_492, %select_n3A_493 : vector<200x1xf32>, vector<200x1xf32>
    }
    %while3A_117 = arith.constant 1 : i32
    %while3A_118:2 = scf.for %while3A_449 = %while3A_114 to %while3A_110 step %while3A_117 iter_args(%while3A_450 = %while3A_116#0, %while3A_451 = %while3A_116#1) -> (vector<200x1xf32>, vector<200x1xf32>)  : i32 {
      %mul3A_452 = arith.constant 256 : i32
      %mul3A_453 = arith.muli %while3A_449, %mul3A_452 : i32
      %get3A_454 = arith.constant 0 : index
      %get3A_455 = arith.index_cast %mul3A_453 : i32 to index
      %get3A_456 = vector.load %arg9[%get3A_454, %get3A_455] : memref<200x10240xf32, #tpu.memory_space<vmem>>, vector<200x256xf32>
      %mul3A_457 = arith.constant 256 : i32
      %mul3A_458 = arith.muli %while3A_449, %mul3A_457 : i32
      %convert_element_type3A_459 = arith.sitofp %mul3A_458 : i32 to f32
      %add3A_460 = vector.broadcast %convert_element_type3A_459 : f32 to vector<200x256xf32>
      %add3A_461 = arith.addf %add3A_460, %convert_element_type3A : vector<200x256xf32>
      %gt3A = vector.broadcast %while3A_92#0 : vector<200x1xf32> to vector<200x256xf32>
      %gt3A_462 = arith.cmpf ogt, %get3A_456, %gt3A : vector<200x256xf32>
      %eq3A = vector.broadcast %while3A_92#0 : vector<200x1xf32> to vector<200x256xf32>
      %eq3A_463 = arith.cmpf oeq, %get3A_456, %eq3A : vector<200x256xf32>
      %gt3A_464 = vector.broadcast %while3A_92#1 : vector<200x1xf32> to vector<200x256xf32>
      %gt3A_465 = arith.cmpf ogt, %add3A_461, %gt3A_464 : vector<200x256xf32>
      %and3A = arith.andi %eq3A_463, %gt3A_465 : vector<200x256xi1>
      %or3A = arith.ori %gt3A_462, %and3A : vector<200x256xi1>
      %jit3A_466 = arith.constant 0x7F800000 : f32
      %broadcast_in_dim3A_467 = vector.broadcast %jit3A_466 : f32 to vector<200x256xf32>
      %select_n3A = arith.select %or3A, %get3A_456, %broadcast_in_dim3A_467 : vector<200x256xi1>, vector<200x256xf32>
      %slice3A = vector.extract_strided_slice %select_n3A {offsets = [0, 0], sizes = [200, 128], strides = [1, 1]} : vector<200x256xf32> to vector<200x128xf32>
      %slice3A_468 = vector.extract_strided_slice %add3A_461 {offsets = [0, 0], sizes = [200, 128], strides = [1, 1]} : vector<200x256xf32> to vector<200x128xf32>
      %slice3A_469 = vector.extract_strided_slice %select_n3A {offsets = [0, 128], sizes = [200, 128], strides = [1, 1]} : vector<200x256xf32> to vector<200x128xf32>
      %slice3A_470 = vector.extract_strided_slice %add3A_461 {offsets = [0, 128], sizes = [200, 128], strides = [1, 1]} : vector<200x256xf32> to vector<200x128xf32>
      %lt3A = arith.cmpf olt, %slice3A_469, %slice3A : vector<200x128xf32>
      %eq3A_471 = arith.cmpf oeq, %slice3A_469, %slice3A : vector<200x128xf32>
      %lt3A_472 = arith.cmpf olt, %slice3A_470, %slice3A_468 : vector<200x128xf32>
      %and3A_473 = arith.andi %eq3A_471, %lt3A_472 : vector<200x128xi1>
      %or3A_474 = arith.ori %lt3A, %and3A_473 : vector<200x128xi1>
      %select_n3A_475 = arith.select %or3A_474, %slice3A_469, %slice3A : vector<200x128xi1>, vector<200x128xf32>
      %select_n3A_476 = arith.select %or3A_474, %slice3A_470, %slice3A_468 : vector<200x128xi1>, vector<200x128xf32>
      %reduce_min3A = arith.constant dense<0x7F800000> : vector<200xf32>
      %reduce_min3A_477 = vector.multi_reduction <minimumf>, %select_n3A_475, %reduce_min3A [1] : vector<200x128xf32> to vector<200xf32>
      %broadcast_in_dim3A_478 = vector.shape_cast %reduce_min3A_477 : vector<200xf32> to vector<200x1xf32>
      %eq3A_479 = vector.broadcast %broadcast_in_dim3A_478 : vector<200x1xf32> to vector<200x128xf32>
      %eq3A_480 = arith.cmpf oeq, %select_n3A_475, %eq3A_479 : vector<200x128xf32>
      %jit3A_481 = arith.constant 1.07374182E+9 : f32
      %broadcast_in_dim3A_482 = vector.broadcast %jit3A_481 : f32 to vector<200x128xf32>
      %select_n3A_483 = arith.select %eq3A_480, %select_n3A_476, %broadcast_in_dim3A_482 : vector<200x128xi1>, vector<200x128xf32>
      %reduce_min3A_484 = arith.constant dense<0x7F800000> : vector<200xf32>
      %reduce_min3A_485 = vector.multi_reduction <minimumf>, %select_n3A_483, %reduce_min3A_484 [1] : vector<200x128xf32> to vector<200xf32>
      %broadcast_in_dim3A_486 = vector.shape_cast %reduce_min3A_485 : vector<200xf32> to vector<200x1xf32>
      %lt3A_487 = arith.cmpf olt, %broadcast_in_dim3A_478, %while3A_450 : vector<200x1xf32>
      %eq3A_488 = arith.cmpf oeq, %broadcast_in_dim3A_478, %while3A_450 : vector<200x1xf32>
      %lt3A_489 = arith.cmpf olt, %broadcast_in_dim3A_486, %while3A_451 : vector<200x1xf32>
      %and3A_490 = arith.andi %eq3A_488, %lt3A_489 : vector<200x1xi1>
      %or3A_491 = arith.ori %lt3A_487, %and3A_490 : vector<200x1xi1>
      %select_n3A_492 = arith.select %or3A_491, %broadcast_in_dim3A_478, %while3A_450 : vector<200x1xi1>, vector<200x1xf32>
      %select_n3A_493 = arith.select %or3A_491, %broadcast_in_dim3A_486, %while3A_451 : vector<200x1xi1>, vector<200x1xf32>
      scf.yield %select_n3A_492, %select_n3A_493 : vector<200x1xf32>, vector<200x1xf32>
    }
    %convert_element_type3A_119 = arith.fptosi %while3A_118#1 : vector<200x1xf32> to vector<200x1xi32>
    %jit3A_120 = arith.constant 0 : i32
    %jit3A_121 = arith.constant 9999 : i32
    %max3A_122 = vector.broadcast %jit3A_120 : i32 to vector<200x1xi32>
    %max3A_123 = arith.maxsi %max3A_122, %convert_element_type3A_119 : vector<200x1xi32>
    %min3A_124 = vector.broadcast %jit3A_121 : i32 to vector<200x1xi32>
    %min3A_125 = arith.minsi %min3A_124, %max3A_123 : vector<200x1xi32>
    %le3A_126 = arith.constant 1.000000e+02 : f32
    %le3A_127 = vector.broadcast %le3A_126 : f32 to vector<200x1xf32>
    %le3A_128 = arith.cmpf ole, %while3A_118#0, %le3A_127 : vector<200x1xf32>
    %convert_element_type3A_129 = arith.extui %le3A_128 : vector<200x1xi1> to vector<200x1xi32>
    %convert_element_type3A_130 = arith.sitofp %convert_element_type3A_129 : vector<200x1xi32> to vector<200x1xf32>
    %broadcast_in_dim3A_131 = arith.constant 0x7F800000 : f32
    %broadcast_in_dim3A_132 = vector.broadcast %broadcast_in_dim3A_131 : f32 to vector<200x1xf32>
    %broadcast_in_dim3A_133 = arith.constant 1.07374182E+9 : f32
    %broadcast_in_dim3A_134 = vector.broadcast %broadcast_in_dim3A_133 : f32 to vector<200x1xf32>
    %while3A_135 = arith.subi %get3A_2, %get3A_0 : i32
    %while3A_136 = arith.addi %get3A_0, %while3A_135 : i32
    %while3A_137 = arith.constant 1 : i32
    %while3A_138 = arith.divsi %while3A_135, %while3A_137 : i32
    %while3A_139 = arith.muli %while3A_138, %while3A_137 : i32
    %while3A_140 = arith.addi %get3A_0, %while3A_139 : i32
    %while3A_141 = arith.constant 1 : i32
    %while3A_142:2 = scf.for %while3A_449 = %get3A_0 to %while3A_140 step %while3A_141 iter_args(%while3A_450 = %broadcast_in_dim3A_132, %while3A_451 = %broadcast_in_dim3A_134) -> (vector<200x1xf32>, vector<200x1xf32>)  : i32 {
      %mul3A_452 = arith.constant 256 : i32
      %mul3A_453 = arith.muli %while3A_449, %mul3A_452 : i32
      %get3A_454 = arith.constant 0 : index
      %get3A_455 = arith.index_cast %mul3A_453 : i32 to index
      %get3A_456 = vector.load %arg9[%get3A_454, %get3A_455] : memref<200x10240xf32, #tpu.memory_space<vmem>>, vector<200x256xf32>
      %mul3A_457 = arith.constant 256 : i32
      %mul3A_458 = arith.muli %while3A_449, %mul3A_457 : i32
      %convert_element_type3A_459 = arith.sitofp %mul3A_458 : i32 to f32
      %add3A_460 = vector.broadcast %convert_element_type3A_459 : f32 to vector<200x256xf32>
      %add3A_461 = arith.addf %add3A_460, %convert_element_type3A : vector<200x256xf32>
      %gt3A = vector.broadcast %while3A_118#0 : vector<200x1xf32> to vector<200x256xf32>
      %gt3A_462 = arith.cmpf ogt, %get3A_456, %gt3A : vector<200x256xf32>
      %eq3A = vector.broadcast %while3A_118#0 : vector<200x1xf32> to vector<200x256xf32>
      %eq3A_463 = arith.cmpf oeq, %get3A_456, %eq3A : vector<200x256xf32>
      %gt3A_464 = vector.broadcast %while3A_118#1 : vector<200x1xf32> to vector<200x256xf32>
      %gt3A_465 = arith.cmpf ogt, %add3A_461, %gt3A_464 : vector<200x256xf32>
      %and3A = arith.andi %eq3A_463, %gt3A_465 : vector<200x256xi1>
      %or3A = arith.ori %gt3A_462, %and3A : vector<200x256xi1>
      %jit3A_466 = arith.constant 0x7F800000 : f32
      %broadcast_in_dim3A_467 = vector.broadcast %jit3A_466 : f32 to vector<200x256xf32>
      %select_n3A = arith.select %or3A, %get3A_456, %broadcast_in_dim3A_467 : vector<200x256xi1>, vector<200x256xf32>
      %slice3A = vector.extract_strided_slice %select_n3A {offsets = [0, 0], sizes = [200, 128], strides = [1, 1]} : vector<200x256xf32> to vector<200x128xf32>
      %slice3A_468 = vector.extract_strided_slice %add3A_461 {offsets = [0, 0], sizes = [200, 128], strides = [1, 1]} : vector<200x256xf32> to vector<200x128xf32>
      %slice3A_469 = vector.extract_strided_slice %select_n3A {offsets = [0, 128], sizes = [200, 128], strides = [1, 1]} : vector<200x256xf32> to vector<200x128xf32>
      %slice3A_470 = vector.extract_strided_slice %add3A_461 {offsets = [0, 128], sizes = [200, 128], strides = [1, 1]} : vector<200x256xf32> to vector<200x128xf32>
      %lt3A = arith.cmpf olt, %slice3A_469, %slice3A : vector<200x128xf32>
      %eq3A_471 = arith.cmpf oeq, %slice3A_469, %slice3A : vector<200x128xf32>
      %lt3A_472 = arith.cmpf olt, %slice3A_470, %slice3A_468 : vector<200x128xf32>
      %and3A_473 = arith.andi %eq3A_471, %lt3A_472 : vector<200x128xi1>
      %or3A_474 = arith.ori %lt3A, %and3A_473 : vector<200x128xi1>
      %select_n3A_475 = arith.select %or3A_474, %slice3A_469, %slice3A : vector<200x128xi1>, vector<200x128xf32>
      %select_n3A_476 = arith.select %or3A_474, %slice3A_470, %slice3A_468 : vector<200x128xi1>, vector<200x128xf32>
      %reduce_min3A = arith.constant dense<0x7F800000> : vector<200xf32>
      %reduce_min3A_477 = vector.multi_reduction <minimumf>, %select_n3A_475, %reduce_min3A [1] : vector<200x128xf32> to vector<200xf32>
      %broadcast_in_dim3A_478 = vector.shape_cast %reduce_min3A_477 : vector<200xf32> to vector<200x1xf32>
      %eq3A_479 = vector.broadcast %broadcast_in_dim3A_478 : vector<200x1xf32> to vector<200x128xf32>
      %eq3A_480 = arith.cmpf oeq, %select_n3A_475, %eq3A_479 : vector<200x128xf32>
      %jit3A_481 = arith.constant 1.07374182E+9 : f32
      %broadcast_in_dim3A_482 = vector.broadcast %jit3A_481 : f32 to vector<200x128xf32>
      %select_n3A_483 = arith.select %eq3A_480, %select_n3A_476, %broadcast_in_dim3A_482 : vector<200x128xi1>, vector<200x128xf32>
      %reduce_min3A_484 = arith.constant dense<0x7F800000> : vector<200xf32>
      %reduce_min3A_485 = vector.multi_reduction <minimumf>, %select_n3A_483, %reduce_min3A_484 [1] : vector<200x128xf32> to vector<200xf32>
      %broadcast_in_dim3A_486 = vector.shape_cast %reduce_min3A_485 : vector<200xf32> to vector<200x1xf32>
      %lt3A_487 = arith.cmpf olt, %broadcast_in_dim3A_478, %while3A_450 : vector<200x1xf32>
      %eq3A_488 = arith.cmpf oeq, %broadcast_in_dim3A_478, %while3A_450 : vector<200x1xf32>
      %lt3A_489 = arith.cmpf olt, %broadcast_in_dim3A_486, %while3A_451 : vector<200x1xf32>
      %and3A_490 = arith.andi %eq3A_488, %lt3A_489 : vector<200x1xi1>
      %or3A_491 = arith.ori %lt3A_487, %and3A_490 : vector<200x1xi1>
      %select_n3A_492 = arith.select %or3A_491, %broadcast_in_dim3A_478, %while3A_450 : vector<200x1xi1>, vector<200x1xf32>
      %select_n3A_493 = arith.select %or3A_491, %broadcast_in_dim3A_486, %while3A_451 : vector<200x1xi1>, vector<200x1xf32>
      scf.yield %select_n3A_492, %select_n3A_493 : vector<200x1xf32>, vector<200x1xf32>
    }
    %while3A_143 = arith.constant 1 : i32
    %while3A_144:2 = scf.for %while3A_449 = %while3A_140 to %while3A_136 step %while3A_143 iter_args(%while3A_450 = %while3A_142#0, %while3A_451 = %while3A_142#1) -> (vector<200x1xf32>, vector<200x1xf32>)  : i32 {
      %mul3A_452 = arith.constant 256 : i32
      %mul3A_453 = arith.muli %while3A_449, %mul3A_452 : i32
      %get3A_454 = arith.constant 0 : index
      %get3A_455 = arith.index_cast %mul3A_453 : i32 to index
      %get3A_456 = vector.load %arg9[%get3A_454, %get3A_455] : memref<200x10240xf32, #tpu.memory_space<vmem>>, vector<200x256xf32>
      %mul3A_457 = arith.constant 256 : i32
      %mul3A_458 = arith.muli %while3A_449, %mul3A_457 : i32
      %convert_element_type3A_459 = arith.sitofp %mul3A_458 : i32 to f32
      %add3A_460 = vector.broadcast %convert_element_type3A_459 : f32 to vector<200x256xf32>
      %add3A_461 = arith.addf %add3A_460, %convert_element_type3A : vector<200x256xf32>
      %gt3A = vector.broadcast %while3A_118#0 : vector<200x1xf32> to vector<200x256xf32>
      %gt3A_462 = arith.cmpf ogt, %get3A_456, %gt3A : vector<200x256xf32>
      %eq3A = vector.broadcast %while3A_118#0 : vector<200x1xf32> to vector<200x256xf32>
      %eq3A_463 = arith.cmpf oeq, %get3A_456, %eq3A : vector<200x256xf32>
      %gt3A_464 = vector.broadcast %while3A_118#1 : vector<200x1xf32> to vector<200x256xf32>
      %gt3A_465 = arith.cmpf ogt, %add3A_461, %gt3A_464 : vector<200x256xf32>
      %and3A = arith.andi %eq3A_463, %gt3A_465 : vector<200x256xi1>
      %or3A = arith.ori %gt3A_462, %and3A : vector<200x256xi1>
      %jit3A_466 = arith.constant 0x7F800000 : f32
      %broadcast_in_dim3A_467 = vector.broadcast %jit3A_466 : f32 to vector<200x256xf32>
      %select_n3A = arith.select %or3A, %get3A_456, %broadcast_in_dim3A_467 : vector<200x256xi1>, vector<200x256xf32>
      %slice3A = vector.extract_strided_slice %select_n3A {offsets = [0, 0], sizes = [200, 128], strides = [1, 1]} : vector<200x256xf32> to vector<200x128xf32>
      %slice3A_468 = vector.extract_strided_slice %add3A_461 {offsets = [0, 0], sizes = [200, 128], strides = [1, 1]} : vector<200x256xf32> to vector<200x128xf32>
      %slice3A_469 = vector.extract_strided_slice %select_n3A {offsets = [0, 128], sizes = [200, 128], strides = [1, 1]} : vector<200x256xf32> to vector<200x128xf32>
      %slice3A_470 = vector.extract_strided_slice %add3A_461 {offsets = [0, 128], sizes = [200, 128], strides = [1, 1]} : vector<200x256xf32> to vector<200x128xf32>
      %lt3A = arith.cmpf olt, %slice3A_469, %slice3A : vector<200x128xf32>
      %eq3A_471 = arith.cmpf oeq, %slice3A_469, %slice3A : vector<200x128xf32>
      %lt3A_472 = arith.cmpf olt, %slice3A_470, %slice3A_468 : vector<200x128xf32>
      %and3A_473 = arith.andi %eq3A_471, %lt3A_472 : vector<200x128xi1>
      %or3A_474 = arith.ori %lt3A, %and3A_473 : vector<200x128xi1>
      %select_n3A_475 = arith.select %or3A_474, %slice3A_469, %slice3A : vector<200x128xi1>, vector<200x128xf32>
      %select_n3A_476 = arith.select %or3A_474, %slice3A_470, %slice3A_468 : vector<200x128xi1>, vector<200x128xf32>
      %reduce_min3A = arith.constant dense<0x7F800000> : vector<200xf32>
      %reduce_min3A_477 = vector.multi_reduction <minimumf>, %select_n3A_475, %reduce_min3A [1] : vector<200x128xf32> to vector<200xf32>
      %broadcast_in_dim3A_478 = vector.shape_cast %reduce_min3A_477 : vector<200xf32> to vector<200x1xf32>
      %eq3A_479 = vector.broadcast %broadcast_in_dim3A_478 : vector<200x1xf32> to vector<200x128xf32>
      %eq3A_480 = arith.cmpf oeq, %select_n3A_475, %eq3A_479 : vector<200x128xf32>
      %jit3A_481 = arith.constant 1.07374182E+9 : f32
      %broadcast_in_dim3A_482 = vector.broadcast %jit3A_481 : f32 to vector<200x128xf32>
      %select_n3A_483 = arith.select %eq3A_480, %select_n3A_476, %broadcast_in_dim3A_482 : vector<200x128xi1>, vector<200x128xf32>
      %reduce_min3A_484 = arith.constant dense<0x7F800000> : vector<200xf32>
      %reduce_min3A_485 = vector.multi_reduction <minimumf>, %select_n3A_483, %reduce_min3A_484 [1] : vector<200x128xf32> to vector<200xf32>
      %broadcast_in_dim3A_486 = vector.shape_cast %reduce_min3A_485 : vector<200xf32> to vector<200x1xf32>
      %lt3A_487 = arith.cmpf olt, %broadcast_in_dim3A_478, %while3A_450 : vector<200x1xf32>
      %eq3A_488 = arith.cmpf oeq, %broadcast_in_dim3A_478, %while3A_450 : vector<200x1xf32>
      %lt3A_489 = arith.cmpf olt, %broadcast_in_dim3A_486, %while3A_451 : vector<200x1xf32>
      %and3A_490 = arith.andi %eq3A_488, %lt3A_489 : vector<200x1xi1>
      %or3A_491 = arith.ori %lt3A_487, %and3A_490 : vector<200x1xi1>
      %select_n3A_492 = arith.select %or3A_491, %broadcast_in_dim3A_478, %while3A_450 : vector<200x1xi1>, vector<200x1xf32>
      %select_n3A_493 = arith.select %or3A_491, %broadcast_in_dim3A_486, %while3A_451 : vector<200x1xi1>, vector<200x1xf32>
      scf.yield %select_n3A_492, %select_n3A_493 : vector<200x1xf32>, vector<200x1xf32>
    }
    %convert_element_type3A_145 = arith.fptosi %while3A_144#1 : vector<200x1xf32> to vector<200x1xi32>
    %jit3A_146 = arith.constant 0 : i32
    %jit3A_147 = arith.constant 9999 : i32
    %max3A_148 = vector.broadcast %jit3A_146 : i32 to vector<200x1xi32>
    %max3A_149 = arith.maxsi %max3A_148, %convert_element_type3A_145 : vector<200x1xi32>
    %min3A_150 = vector.broadcast %jit3A_147 : i32 to vector<200x1xi32>
    %min3A_151 = arith.minsi %min3A_150, %max3A_149 : vector<200x1xi32>
    %le3A_152 = arith.constant 1.000000e+02 : f32
    %le3A_153 = vector.broadcast %le3A_152 : f32 to vector<200x1xf32>
    %le3A_154 = arith.cmpf ole, %while3A_144#0, %le3A_153 : vector<200x1xf32>
    %convert_element_type3A_155 = arith.extui %le3A_154 : vector<200x1xi1> to vector<200x1xi32>
    %convert_element_type3A_156 = arith.sitofp %convert_element_type3A_155 : vector<200x1xi32> to vector<200x1xf32>
    %broadcast_in_dim3A_157 = arith.constant 0x7F800000 : f32
    %broadcast_in_dim3A_158 = vector.broadcast %broadcast_in_dim3A_157 : f32 to vector<200x1xf32>
    %broadcast_in_dim3A_159 = arith.constant 1.07374182E+9 : f32
    %broadcast_in_dim3A_160 = vector.broadcast %broadcast_in_dim3A_159 : f32 to vector<200x1xf32>
    %while3A_161 = arith.subi %get3A_2, %get3A_0 : i32
    %while3A_162 = arith.addi %get3A_0, %while3A_161 : i32
    %while3A_163 = arith.constant 1 : i32
    %while3A_164 = arith.divsi %while3A_161, %while3A_163 : i32
    %while3A_165 = arith.muli %while3A_164, %while3A_163 : i32
    %while3A_166 = arith.addi %get3A_0, %while3A_165 : i32
    %while3A_167 = arith.constant 1 : i32
    %while3A_168:2 = scf.for %while3A_449 = %get3A_0 to %while3A_166 step %while3A_167 iter_args(%while3A_450 = %broadcast_in_dim3A_158, %while3A_451 = %broadcast_in_dim3A_160) -> (vector<200x1xf32>, vector<200x1xf32>)  : i32 {
      %mul3A_452 = arith.constant 256 : i32
      %mul3A_453 = arith.muli %while3A_449, %mul3A_452 : i32
      %get3A_454 = arith.constant 0 : index
      %get3A_455 = arith.index_cast %mul3A_453 : i32 to index
      %get3A_456 = vector.load %arg9[%get3A_454, %get3A_455] : memref<200x10240xf32, #tpu.memory_space<vmem>>, vector<200x256xf32>
      %mul3A_457 = arith.constant 256 : i32
      %mul3A_458 = arith.muli %while3A_449, %mul3A_457 : i32
      %convert_element_type3A_459 = arith.sitofp %mul3A_458 : i32 to f32
      %add3A_460 = vector.broadcast %convert_element_type3A_459 : f32 to vector<200x256xf32>
      %add3A_461 = arith.addf %add3A_460, %convert_element_type3A : vector<200x256xf32>
      %gt3A = vector.broadcast %while3A_144#0 : vector<200x1xf32> to vector<200x256xf32>
      %gt3A_462 = arith.cmpf ogt, %get3A_456, %gt3A : vector<200x256xf32>
      %eq3A = vector.broadcast %while3A_144#0 : vector<200x1xf32> to vector<200x256xf32>
      %eq3A_463 = arith.cmpf oeq, %get3A_456, %eq3A : vector<200x256xf32>
      %gt3A_464 = vector.broadcast %while3A_144#1 : vector<200x1xf32> to vector<200x256xf32>
      %gt3A_465 = arith.cmpf ogt, %add3A_461, %gt3A_464 : vector<200x256xf32>
      %and3A = arith.andi %eq3A_463, %gt3A_465 : vector<200x256xi1>
      %or3A = arith.ori %gt3A_462, %and3A : vector<200x256xi1>
      %jit3A_466 = arith.constant 0x7F800000 : f32
      %broadcast_in_dim3A_467 = vector.broadcast %jit3A_466 : f32 to vector<200x256xf32>
      %select_n3A = arith.select %or3A, %get3A_456, %broadcast_in_dim3A_467 : vector<200x256xi1>, vector<200x256xf32>
      %slice3A = vector.extract_strided_slice %select_n3A {offsets = [0, 0], sizes = [200, 128], strides = [1, 1]} : vector<200x256xf32> to vector<200x128xf32>
      %slice3A_468 = vector.extract_strided_slice %add3A_461 {offsets = [0, 0], sizes = [200, 128], strides = [1, 1]} : vector<200x256xf32> to vector<200x128xf32>
      %slice3A_469 = vector.extract_strided_slice %select_n3A {offsets = [0, 128], sizes = [200, 128], strides = [1, 1]} : vector<200x256xf32> to vector<200x128xf32>
      %slice3A_470 = vector.extract_strided_slice %add3A_461 {offsets = [0, 128], sizes = [200, 128], strides = [1, 1]} : vector<200x256xf32> to vector<200x128xf32>
      %lt3A = arith.cmpf olt, %slice3A_469, %slice3A : vector<200x128xf32>
      %eq3A_471 = arith.cmpf oeq, %slice3A_469, %slice3A : vector<200x128xf32>
      %lt3A_472 = arith.cmpf olt, %slice3A_470, %slice3A_468 : vector<200x128xf32>
      %and3A_473 = arith.andi %eq3A_471, %lt3A_472 : vector<200x128xi1>
      %or3A_474 = arith.ori %lt3A, %and3A_473 : vector<200x128xi1>
      %select_n3A_475 = arith.select %or3A_474, %slice3A_469, %slice3A : vector<200x128xi1>, vector<200x128xf32>
      %select_n3A_476 = arith.select %or3A_474, %slice3A_470, %slice3A_468 : vector<200x128xi1>, vector<200x128xf32>
      %reduce_min3A = arith.constant dense<0x7F800000> : vector<200xf32>
      %reduce_min3A_477 = vector.multi_reduction <minimumf>, %select_n3A_475, %reduce_min3A [1] : vector<200x128xf32> to vector<200xf32>
      %broadcast_in_dim3A_478 = vector.shape_cast %reduce_min3A_477 : vector<200xf32> to vector<200x1xf32>
      %eq3A_479 = vector.broadcast %broadcast_in_dim3A_478 : vector<200x1xf32> to vector<200x128xf32>
      %eq3A_480 = arith.cmpf oeq, %select_n3A_475, %eq3A_479 : vector<200x128xf32>
      %jit3A_481 = arith.constant 1.07374182E+9 : f32
      %broadcast_in_dim3A_482 = vector.broadcast %jit3A_481 : f32 to vector<200x128xf32>
      %select_n3A_483 = arith.select %eq3A_480, %select_n3A_476, %broadcast_in_dim3A_482 : vector<200x128xi1>, vector<200x128xf32>
      %reduce_min3A_484 = arith.constant dense<0x7F800000> : vector<200xf32>
      %reduce_min3A_485 = vector.multi_reduction <minimumf>, %select_n3A_483, %reduce_min3A_484 [1] : vector<200x128xf32> to vector<200xf32>
      %broadcast_in_dim3A_486 = vector.shape_cast %reduce_min3A_485 : vector<200xf32> to vector<200x1xf32>
      %lt3A_487 = arith.cmpf olt, %broadcast_in_dim3A_478, %while3A_450 : vector<200x1xf32>
      %eq3A_488 = arith.cmpf oeq, %broadcast_in_dim3A_478, %while3A_450 : vector<200x1xf32>
      %lt3A_489 = arith.cmpf olt, %broadcast_in_dim3A_486, %while3A_451 : vector<200x1xf32>
      %and3A_490 = arith.andi %eq3A_488, %lt3A_489 : vector<200x1xi1>
      %or3A_491 = arith.ori %lt3A_487, %and3A_490 : vector<200x1xi1>
      %select_n3A_492 = arith.select %or3A_491, %broadcast_in_dim3A_478, %while3A_450 : vector<200x1xi1>, vector<200x1xf32>
      %select_n3A_493 = arith.select %or3A_491, %broadcast_in_dim3A_486, %while3A_451 : vector<200x1xi1>, vector<200x1xf32>
      scf.yield %select_n3A_492, %select_n3A_493 : vector<200x1xf32>, vector<200x1xf32>
    }
    %while3A_169 = arith.constant 1 : i32
    %while3A_170:2 = scf.for %while3A_449 = %while3A_166 to %while3A_162 step %while3A_169 iter_args(%while3A_450 = %while3A_168#0, %while3A_451 = %while3A_168#1) -> (vector<200x1xf32>, vector<200x1xf32>)  : i32 {
      %mul3A_452 = arith.constant 256 : i32
      %mul3A_453 = arith.muli %while3A_449, %mul3A_452 : i32
      %get3A_454 = arith.constant 0 : index
      %get3A_455 = arith.index_cast %mul3A_453 : i32 to index
      %get3A_456 = vector.load %arg9[%get3A_454, %get3A_455] : memref<200x10240xf32, #tpu.memory_space<vmem>>, vector<200x256xf32>
      %mul3A_457 = arith.constant 256 : i32
      %mul3A_458 = arith.muli %while3A_449, %mul3A_457 : i32
      %convert_element_type3A_459 = arith.sitofp %mul3A_458 : i32 to f32
      %add3A_460 = vector.broadcast %convert_element_type3A_459 : f32 to vector<200x256xf32>
      %add3A_461 = arith.addf %add3A_460, %convert_element_type3A : vector<200x256xf32>
      %gt3A = vector.broadcast %while3A_144#0 : vector<200x1xf32> to vector<200x256xf32>
      %gt3A_462 = arith.cmpf ogt, %get3A_456, %gt3A : vector<200x256xf32>
      %eq3A = vector.broadcast %while3A_144#0 : vector<200x1xf32> to vector<200x256xf32>
      %eq3A_463 = arith.cmpf oeq, %get3A_456, %eq3A : vector<200x256xf32>
      %gt3A_464 = vector.broadcast %while3A_144#1 : vector<200x1xf32> to vector<200x256xf32>
      %gt3A_465 = arith.cmpf ogt, %add3A_461, %gt3A_464 : vector<200x256xf32>
      %and3A = arith.andi %eq3A_463, %gt3A_465 : vector<200x256xi1>
      %or3A = arith.ori %gt3A_462, %and3A : vector<200x256xi1>
      %jit3A_466 = arith.constant 0x7F800000 : f32
      %broadcast_in_dim3A_467 = vector.broadcast %jit3A_466 : f32 to vector<200x256xf32>
      %select_n3A = arith.select %or3A, %get3A_456, %broadcast_in_dim3A_467 : vector<200x256xi1>, vector<200x256xf32>
      %slice3A = vector.extract_strided_slice %select_n3A {offsets = [0, 0], sizes = [200, 128], strides = [1, 1]} : vector<200x256xf32> to vector<200x128xf32>
      %slice3A_468 = vector.extract_strided_slice %add3A_461 {offsets = [0, 0], sizes = [200, 128], strides = [1, 1]} : vector<200x256xf32> to vector<200x128xf32>
      %slice3A_469 = vector.extract_strided_slice %select_n3A {offsets = [0, 128], sizes = [200, 128], strides = [1, 1]} : vector<200x256xf32> to vector<200x128xf32>
      %slice3A_470 = vector.extract_strided_slice %add3A_461 {offsets = [0, 128], sizes = [200, 128], strides = [1, 1]} : vector<200x256xf32> to vector<200x128xf32>
      %lt3A = arith.cmpf olt, %slice3A_469, %slice3A : vector<200x128xf32>
      %eq3A_471 = arith.cmpf oeq, %slice3A_469, %slice3A : vector<200x128xf32>
      %lt3A_472 = arith.cmpf olt, %slice3A_470, %slice3A_468 : vector<200x128xf32>
      %and3A_473 = arith.andi %eq3A_471, %lt3A_472 : vector<200x128xi1>
      %or3A_474 = arith.ori %lt3A, %and3A_473 : vector<200x128xi1>
      %select_n3A_475 = arith.select %or3A_474, %slice3A_469, %slice3A : vector<200x128xi1>, vector<200x128xf32>
      %select_n3A_476 = arith.select %or3A_474, %slice3A_470, %slice3A_468 : vector<200x128xi1>, vector<200x128xf32>
      %reduce_min3A = arith.constant dense<0x7F800000> : vector<200xf32>
      %reduce_min3A_477 = vector.multi_reduction <minimumf>, %select_n3A_475, %reduce_min3A [1] : vector<200x128xf32> to vector<200xf32>
      %broadcast_in_dim3A_478 = vector.shape_cast %reduce_min3A_477 : vector<200xf32> to vector<200x1xf32>
      %eq3A_479 = vector.broadcast %broadcast_in_dim3A_478 : vector<200x1xf32> to vector<200x128xf32>
      %eq3A_480 = arith.cmpf oeq, %select_n3A_475, %eq3A_479 : vector<200x128xf32>
      %jit3A_481 = arith.constant 1.07374182E+9 : f32
      %broadcast_in_dim3A_482 = vector.broadcast %jit3A_481 : f32 to vector<200x128xf32>
      %select_n3A_483 = arith.select %eq3A_480, %select_n3A_476, %broadcast_in_dim3A_482 : vector<200x128xi1>, vector<200x128xf32>
      %reduce_min3A_484 = arith.constant dense<0x7F800000> : vector<200xf32>
      %reduce_min3A_485 = vector.multi_reduction <minimumf>, %select_n3A_483, %reduce_min3A_484 [1] : vector<200x128xf32> to vector<200xf32>
      %broadcast_in_dim3A_486 = vector.shape_cast %reduce_min3A_485 : vector<200xf32> to vector<200x1xf32>
      %lt3A_487 = arith.cmpf olt, %broadcast_in_dim3A_478, %while3A_450 : vector<200x1xf32>
      %eq3A_488 = arith.cmpf oeq, %broadcast_in_dim3A_478, %while3A_450 : vector<200x1xf32>
      %lt3A_489 = arith.cmpf olt, %broadcast_in_dim3A_486, %while3A_451 : vector<200x1xf32>
      %and3A_490 = arith.andi %eq3A_488, %lt3A_489 : vector<200x1xi1>
      %or3A_491 = arith.ori %lt3A_487, %and3A_490 : vector<200x1xi1>
      %select_n3A_492 = arith.select %or3A_491, %broadcast_in_dim3A_478, %while3A_450 : vector<200x1xi1>, vector<200x1xf32>
      %select_n3A_493 = arith.select %or3A_491, %broadcast_in_dim3A_486, %while3A_451 : vector<200x1xi1>, vector<200x1xf32>
      scf.yield %select_n3A_492, %select_n3A_493 : vector<200x1xf32>, vector<200x1xf32>
    }
    %convert_element_type3A_171 = arith.fptosi %while3A_170#1 : vector<200x1xf32> to vector<200x1xi32>
    %jit3A_172 = arith.constant 0 : i32
    %jit3A_173 = arith.constant 9999 : i32
    %max3A_174 = vector.broadcast %jit3A_172 : i32 to vector<200x1xi32>
    %max3A_175 = arith.maxsi %max3A_174, %convert_element_type3A_171 : vector<200x1xi32>
    %min3A_176 = vector.broadcast %jit3A_173 : i32 to vector<200x1xi32>
    %min3A_177 = arith.minsi %min3A_176, %max3A_175 : vector<200x1xi32>
    %le3A_178 = arith.constant 1.000000e+02 : f32
    %le3A_179 = vector.broadcast %le3A_178 : f32 to vector<200x1xf32>
    %le3A_180 = arith.cmpf ole, %while3A_170#0, %le3A_179 : vector<200x1xf32>
    %convert_element_type3A_181 = arith.extui %le3A_180 : vector<200x1xi1> to vector<200x1xi32>
    %convert_element_type3A_182 = arith.sitofp %convert_element_type3A_181 : vector<200x1xi32> to vector<200x1xf32>
    %broadcast_in_dim3A_183 = arith.constant 0x7F800000 : f32
    %broadcast_in_dim3A_184 = vector.broadcast %broadcast_in_dim3A_183 : f32 to vector<200x1xf32>
    %broadcast_in_dim3A_185 = arith.constant 1.07374182E+9 : f32
    %broadcast_in_dim3A_186 = vector.broadcast %broadcast_in_dim3A_185 : f32 to vector<200x1xf32>
    %while3A_187 = arith.subi %get3A_2, %get3A_0 : i32
    %while3A_188 = arith.addi %get3A_0, %while3A_187 : i32
    %while3A_189 = arith.constant 1 : i32
    %while3A_190 = arith.divsi %while3A_187, %while3A_189 : i32
    %while3A_191 = arith.muli %while3A_190, %while3A_189 : i32
    %while3A_192 = arith.addi %get3A_0, %while3A_191 : i32
    %while3A_193 = arith.constant 1 : i32
    %while3A_194:2 = scf.for %while3A_449 = %get3A_0 to %while3A_192 step %while3A_193 iter_args(%while3A_450 = %broadcast_in_dim3A_184, %while3A_451 = %broadcast_in_dim3A_186) -> (vector<200x1xf32>, vector<200x1xf32>)  : i32 {
      %mul3A_452 = arith.constant 256 : i32
      %mul3A_453 = arith.muli %while3A_449, %mul3A_452 : i32
      %get3A_454 = arith.constant 0 : index
      %get3A_455 = arith.index_cast %mul3A_453 : i32 to index
      %get3A_456 = vector.load %arg9[%get3A_454, %get3A_455] : memref<200x10240xf32, #tpu.memory_space<vmem>>, vector<200x256xf32>
      %mul3A_457 = arith.constant 256 : i32
      %mul3A_458 = arith.muli %while3A_449, %mul3A_457 : i32
      %convert_element_type3A_459 = arith.sitofp %mul3A_458 : i32 to f32
      %add3A_460 = vector.broadcast %convert_element_type3A_459 : f32 to vector<200x256xf32>
      %add3A_461 = arith.addf %add3A_460, %convert_element_type3A : vector<200x256xf32>
      %gt3A = vector.broadcast %while3A_170#0 : vector<200x1xf32> to vector<200x256xf32>
      %gt3A_462 = arith.cmpf ogt, %get3A_456, %gt3A : vector<200x256xf32>
      %eq3A = vector.broadcast %while3A_170#0 : vector<200x1xf32> to vector<200x256xf32>
      %eq3A_463 = arith.cmpf oeq, %get3A_456, %eq3A : vector<200x256xf32>
      %gt3A_464 = vector.broadcast %while3A_170#1 : vector<200x1xf32> to vector<200x256xf32>
      %gt3A_465 = arith.cmpf ogt, %add3A_461, %gt3A_464 : vector<200x256xf32>
      %and3A = arith.andi %eq3A_463, %gt3A_465 : vector<200x256xi1>
      %or3A = arith.ori %gt3A_462, %and3A : vector<200x256xi1>
      %jit3A_466 = arith.constant 0x7F800000 : f32
      %broadcast_in_dim3A_467 = vector.broadcast %jit3A_466 : f32 to vector<200x256xf32>
      %select_n3A = arith.select %or3A, %get3A_456, %broadcast_in_dim3A_467 : vector<200x256xi1>, vector<200x256xf32>
      %slice3A = vector.extract_strided_slice %select_n3A {offsets = [0, 0], sizes = [200, 128], strides = [1, 1]} : vector<200x256xf32> to vector<200x128xf32>
      %slice3A_468 = vector.extract_strided_slice %add3A_461 {offsets = [0, 0], sizes = [200, 128], strides = [1, 1]} : vector<200x256xf32> to vector<200x128xf32>
      %slice3A_469 = vector.extract_strided_slice %select_n3A {offsets = [0, 128], sizes = [200, 128], strides = [1, 1]} : vector<200x256xf32> to vector<200x128xf32>
      %slice3A_470 = vector.extract_strided_slice %add3A_461 {offsets = [0, 128], sizes = [200, 128], strides = [1, 1]} : vector<200x256xf32> to vector<200x128xf32>
      %lt3A = arith.cmpf olt, %slice3A_469, %slice3A : vector<200x128xf32>
      %eq3A_471 = arith.cmpf oeq, %slice3A_469, %slice3A : vector<200x128xf32>
      %lt3A_472 = arith.cmpf olt, %slice3A_470, %slice3A_468 : vector<200x128xf32>
      %and3A_473 = arith.andi %eq3A_471, %lt3A_472 : vector<200x128xi1>
      %or3A_474 = arith.ori %lt3A, %and3A_473 : vector<200x128xi1>
      %select_n3A_475 = arith.select %or3A_474, %slice3A_469, %slice3A : vector<200x128xi1>, vector<200x128xf32>
      %select_n3A_476 = arith.select %or3A_474, %slice3A_470, %slice3A_468 : vector<200x128xi1>, vector<200x128xf32>
      %reduce_min3A = arith.constant dense<0x7F800000> : vector<200xf32>
      %reduce_min3A_477 = vector.multi_reduction <minimumf>, %select_n3A_475, %reduce_min3A [1] : vector<200x128xf32> to vector<200xf32>
      %broadcast_in_dim3A_478 = vector.shape_cast %reduce_min3A_477 : vector<200xf32> to vector<200x1xf32>
      %eq3A_479 = vector.broadcast %broadcast_in_dim3A_478 : vector<200x1xf32> to vector<200x128xf32>
      %eq3A_480 = arith.cmpf oeq, %select_n3A_475, %eq3A_479 : vector<200x128xf32>
      %jit3A_481 = arith.constant 1.07374182E+9 : f32
      %broadcast_in_dim3A_482 = vector.broadcast %jit3A_481 : f32 to vector<200x128xf32>
      %select_n3A_483 = arith.select %eq3A_480, %select_n3A_476, %broadcast_in_dim3A_482 : vector<200x128xi1>, vector<200x128xf32>
      %reduce_min3A_484 = arith.constant dense<0x7F800000> : vector<200xf32>
      %reduce_min3A_485 = vector.multi_reduction <minimumf>, %select_n3A_483, %reduce_min3A_484 [1] : vector<200x128xf32> to vector<200xf32>
      %broadcast_in_dim3A_486 = vector.shape_cast %reduce_min3A_485 : vector<200xf32> to vector<200x1xf32>
      %lt3A_487 = arith.cmpf olt, %broadcast_in_dim3A_478, %while3A_450 : vector<200x1xf32>
      %eq3A_488 = arith.cmpf oeq, %broadcast_in_dim3A_478, %while3A_450 : vector<200x1xf32>
      %lt3A_489 = arith.cmpf olt, %broadcast_in_dim3A_486, %while3A_451 : vector<200x1xf32>
      %and3A_490 = arith.andi %eq3A_488, %lt3A_489 : vector<200x1xi1>
      %or3A_491 = arith.ori %lt3A_487, %and3A_490 : vector<200x1xi1>
      %select_n3A_492 = arith.select %or3A_491, %broadcast_in_dim3A_478, %while3A_450 : vector<200x1xi1>, vector<200x1xf32>
      %select_n3A_493 = arith.select %or3A_491, %broadcast_in_dim3A_486, %while3A_451 : vector<200x1xi1>, vector<200x1xf32>
      scf.yield %select_n3A_492, %select_n3A_493 : vector<200x1xf32>, vector<200x1xf32>
    }
    %while3A_195 = arith.constant 1 : i32
    %while3A_196:2 = scf.for %while3A_449 = %while3A_192 to %while3A_188 step %while3A_195 iter_args(%while3A_450 = %while3A_194#0, %while3A_451 = %while3A_194#1) -> (vector<200x1xf32>, vector<200x1xf32>)  : i32 {
      %mul3A_452 = arith.constant 256 : i32
      %mul3A_453 = arith.muli %while3A_449, %mul3A_452 : i32
      %get3A_454 = arith.constant 0 : index
      %get3A_455 = arith.index_cast %mul3A_453 : i32 to index
      %get3A_456 = vector.load %arg9[%get3A_454, %get3A_455] : memref<200x10240xf32, #tpu.memory_space<vmem>>, vector<200x256xf32>
      %mul3A_457 = arith.constant 256 : i32
      %mul3A_458 = arith.muli %while3A_449, %mul3A_457 : i32
      %convert_element_type3A_459 = arith.sitofp %mul3A_458 : i32 to f32
      %add3A_460 = vector.broadcast %convert_element_type3A_459 : f32 to vector<200x256xf32>
      %add3A_461 = arith.addf %add3A_460, %convert_element_type3A : vector<200x256xf32>
      %gt3A = vector.broadcast %while3A_170#0 : vector<200x1xf32> to vector<200x256xf32>
      %gt3A_462 = arith.cmpf ogt, %get3A_456, %gt3A : vector<200x256xf32>
      %eq3A = vector.broadcast %while3A_170#0 : vector<200x1xf32> to vector<200x256xf32>
      %eq3A_463 = arith.cmpf oeq, %get3A_456, %eq3A : vector<200x256xf32>
      %gt3A_464 = vector.broadcast %while3A_170#1 : vector<200x1xf32> to vector<200x256xf32>
      %gt3A_465 = arith.cmpf ogt, %add3A_461, %gt3A_464 : vector<200x256xf32>
      %and3A = arith.andi %eq3A_463, %gt3A_465 : vector<200x256xi1>
      %or3A = arith.ori %gt3A_462, %and3A : vector<200x256xi1>
      %jit3A_466 = arith.constant 0x7F800000 : f32
      %broadcast_in_dim3A_467 = vector.broadcast %jit3A_466 : f32 to vector<200x256xf32>
      %select_n3A = arith.select %or3A, %get3A_456, %broadcast_in_dim3A_467 : vector<200x256xi1>, vector<200x256xf32>
      %slice3A = vector.extract_strided_slice %select_n3A {offsets = [0, 0], sizes = [200, 128], strides = [1, 1]} : vector<200x256xf32> to vector<200x128xf32>
      %slice3A_468 = vector.extract_strided_slice %add3A_461 {offsets = [0, 0], sizes = [200, 128], strides = [1, 1]} : vector<200x256xf32> to vector<200x128xf32>
      %slice3A_469 = vector.extract_strided_slice %select_n3A {offsets = [0, 128], sizes = [200, 128], strides = [1, 1]} : vector<200x256xf32> to vector<200x128xf32>
      %slice3A_470 = vector.extract_strided_slice %add3A_461 {offsets = [0, 128], sizes = [200, 128], strides = [1, 1]} : vector<200x256xf32> to vector<200x128xf32>
      %lt3A = arith.cmpf olt, %slice3A_469, %slice3A : vector<200x128xf32>
      %eq3A_471 = arith.cmpf oeq, %slice3A_469, %slice3A : vector<200x128xf32>
      %lt3A_472 = arith.cmpf olt, %slice3A_470, %slice3A_468 : vector<200x128xf32>
      %and3A_473 = arith.andi %eq3A_471, %lt3A_472 : vector<200x128xi1>
      %or3A_474 = arith.ori %lt3A, %and3A_473 : vector<200x128xi1>
      %select_n3A_475 = arith.select %or3A_474, %slice3A_469, %slice3A : vector<200x128xi1>, vector<200x128xf32>
      %select_n3A_476 = arith.select %or3A_474, %slice3A_470, %slice3A_468 : vector<200x128xi1>, vector<200x128xf32>
      %reduce_min3A = arith.constant dense<0x7F800000> : vector<200xf32>
      %reduce_min3A_477 = vector.multi_reduction <minimumf>, %select_n3A_475, %reduce_min3A [1] : vector<200x128xf32> to vector<200xf32>
      %broadcast_in_dim3A_478 = vector.shape_cast %reduce_min3A_477 : vector<200xf32> to vector<200x1xf32>
      %eq3A_479 = vector.broadcast %broadcast_in_dim3A_478 : vector<200x1xf32> to vector<200x128xf32>
      %eq3A_480 = arith.cmpf oeq, %select_n3A_475, %eq3A_479 : vector<200x128xf32>
      %jit3A_481 = arith.constant 1.07374182E+9 : f32
      %broadcast_in_dim3A_482 = vector.broadcast %jit3A_481 : f32 to vector<200x128xf32>
      %select_n3A_483 = arith.select %eq3A_480, %select_n3A_476, %broadcast_in_dim3A_482 : vector<200x128xi1>, vector<200x128xf32>
      %reduce_min3A_484 = arith.constant dense<0x7F800000> : vector<200xf32>
      %reduce_min3A_485 = vector.multi_reduction <minimumf>, %select_n3A_483, %reduce_min3A_484 [1] : vector<200x128xf32> to vector<200xf32>
      %broadcast_in_dim3A_486 = vector.shape_cast %reduce_min3A_485 : vector<200xf32> to vector<200x1xf32>
      %lt3A_487 = arith.cmpf olt, %broadcast_in_dim3A_478, %while3A_450 : vector<200x1xf32>
      %eq3A_488 = arith.cmpf oeq, %broadcast_in_dim3A_478, %while3A_450 : vector<200x1xf32>
      %lt3A_489 = arith.cmpf olt, %broadcast_in_dim3A_486, %while3A_451 : vector<200x1xf32>
      %and3A_490 = arith.andi %eq3A_488, %lt3A_489 : vector<200x1xi1>
      %or3A_491 = arith.ori %lt3A_487, %and3A_490 : vector<200x1xi1>
      %select_n3A_492 = arith.select %or3A_491, %broadcast_in_dim3A_478, %while3A_450 : vector<200x1xi1>, vector<200x1xf32>
      %select_n3A_493 = arith.select %or3A_491, %broadcast_in_dim3A_486, %while3A_451 : vector<200x1xi1>, vector<200x1xf32>
      scf.yield %select_n3A_492, %select_n3A_493 : vector<200x1xf32>, vector<200x1xf32>
    }
    %convert_element_type3A_197 = arith.fptosi %while3A_196#1 : vector<200x1xf32> to vector<200x1xi32>
    %jit3A_198 = arith.constant 0 : i32
    %jit3A_199 = arith.constant 9999 : i32
    %max3A_200 = vector.broadcast %jit3A_198 : i32 to vector<200x1xi32>
    %max3A_201 = arith.maxsi %max3A_200, %convert_element_type3A_197 : vector<200x1xi32>
    %min3A_202 = vector.broadcast %jit3A_199 : i32 to vector<200x1xi32>
    %min3A_203 = arith.minsi %min3A_202, %max3A_201 : vector<200x1xi32>
    %le3A_204 = arith.constant 1.000000e+02 : f32
    %le3A_205 = vector.broadcast %le3A_204 : f32 to vector<200x1xf32>
    %le3A_206 = arith.cmpf ole, %while3A_196#0, %le3A_205 : vector<200x1xf32>
    %convert_element_type3A_207 = arith.extui %le3A_206 : vector<200x1xi1> to vector<200x1xi32>
    %convert_element_type3A_208 = arith.sitofp %convert_element_type3A_207 : vector<200x1xi32> to vector<200x1xf32>
    %broadcast_in_dim3A_209 = arith.constant 0x7F800000 : f32
    %broadcast_in_dim3A_210 = vector.broadcast %broadcast_in_dim3A_209 : f32 to vector<200x1xf32>
    %broadcast_in_dim3A_211 = arith.constant 1.07374182E+9 : f32
    %broadcast_in_dim3A_212 = vector.broadcast %broadcast_in_dim3A_211 : f32 to vector<200x1xf32>
    %while3A_213 = arith.subi %get3A_2, %get3A_0 : i32
    %while3A_214 = arith.addi %get3A_0, %while3A_213 : i32
    %while3A_215 = arith.constant 1 : i32
    %while3A_216 = arith.divsi %while3A_213, %while3A_215 : i32
    %while3A_217 = arith.muli %while3A_216, %while3A_215 : i32
    %while3A_218 = arith.addi %get3A_0, %while3A_217 : i32
    %while3A_219 = arith.constant 1 : i32
    %while3A_220:2 = scf.for %while3A_449 = %get3A_0 to %while3A_218 step %while3A_219 iter_args(%while3A_450 = %broadcast_in_dim3A_210, %while3A_451 = %broadcast_in_dim3A_212) -> (vector<200x1xf32>, vector<200x1xf32>)  : i32 {
      %mul3A_452 = arith.constant 256 : i32
      %mul3A_453 = arith.muli %while3A_449, %mul3A_452 : i32
      %get3A_454 = arith.constant 0 : index
      %get3A_455 = arith.index_cast %mul3A_453 : i32 to index
      %get3A_456 = vector.load %arg9[%get3A_454, %get3A_455] : memref<200x10240xf32, #tpu.memory_space<vmem>>, vector<200x256xf32>
      %mul3A_457 = arith.constant 256 : i32
      %mul3A_458 = arith.muli %while3A_449, %mul3A_457 : i32
      %convert_element_type3A_459 = arith.sitofp %mul3A_458 : i32 to f32
      %add3A_460 = vector.broadcast %convert_element_type3A_459 : f32 to vector<200x256xf32>
      %add3A_461 = arith.addf %add3A_460, %convert_element_type3A : vector<200x256xf32>
      %gt3A = vector.broadcast %while3A_196#0 : vector<200x1xf32> to vector<200x256xf32>
      %gt3A_462 = arith.cmpf ogt, %get3A_456, %gt3A : vector<200x256xf32>
      %eq3A = vector.broadcast %while3A_196#0 : vector<200x1xf32> to vector<200x256xf32>
      %eq3A_463 = arith.cmpf oeq, %get3A_456, %eq3A : vector<200x256xf32>
      %gt3A_464 = vector.broadcast %while3A_196#1 : vector<200x1xf32> to vector<200x256xf32>
      %gt3A_465 = arith.cmpf ogt, %add3A_461, %gt3A_464 : vector<200x256xf32>
      %and3A = arith.andi %eq3A_463, %gt3A_465 : vector<200x256xi1>
      %or3A = arith.ori %gt3A_462, %and3A : vector<200x256xi1>
      %jit3A_466 = arith.constant 0x7F800000 : f32
      %broadcast_in_dim3A_467 = vector.broadcast %jit3A_466 : f32 to vector<200x256xf32>
      %select_n3A = arith.select %or3A, %get3A_456, %broadcast_in_dim3A_467 : vector<200x256xi1>, vector<200x256xf32>
      %slice3A = vector.extract_strided_slice %select_n3A {offsets = [0, 0], sizes = [200, 128], strides = [1, 1]} : vector<200x256xf32> to vector<200x128xf32>
      %slice3A_468 = vector.extract_strided_slice %add3A_461 {offsets = [0, 0], sizes = [200, 128], strides = [1, 1]} : vector<200x256xf32> to vector<200x128xf32>
      %slice3A_469 = vector.extract_strided_slice %select_n3A {offsets = [0, 128], sizes = [200, 128], strides = [1, 1]} : vector<200x256xf32> to vector<200x128xf32>
      %slice3A_470 = vector.extract_strided_slice %add3A_461 {offsets = [0, 128], sizes = [200, 128], strides = [1, 1]} : vector<200x256xf32> to vector<200x128xf32>
      %lt3A = arith.cmpf olt, %slice3A_469, %slice3A : vector<200x128xf32>
      %eq3A_471 = arith.cmpf oeq, %slice3A_469, %slice3A : vector<200x128xf32>
      %lt3A_472 = arith.cmpf olt, %slice3A_470, %slice3A_468 : vector<200x128xf32>
      %and3A_473 = arith.andi %eq3A_471, %lt3A_472 : vector<200x128xi1>
      %or3A_474 = arith.ori %lt3A, %and3A_473 : vector<200x128xi1>
      %select_n3A_475 = arith.select %or3A_474, %slice3A_469, %slice3A : vector<200x128xi1>, vector<200x128xf32>
      %select_n3A_476 = arith.select %or3A_474, %slice3A_470, %slice3A_468 : vector<200x128xi1>, vector<200x128xf32>
      %reduce_min3A = arith.constant dense<0x7F800000> : vector<200xf32>
      %reduce_min3A_477 = vector.multi_reduction <minimumf>, %select_n3A_475, %reduce_min3A [1] : vector<200x128xf32> to vector<200xf32>
      %broadcast_in_dim3A_478 = vector.shape_cast %reduce_min3A_477 : vector<200xf32> to vector<200x1xf32>
      %eq3A_479 = vector.broadcast %broadcast_in_dim3A_478 : vector<200x1xf32> to vector<200x128xf32>
      %eq3A_480 = arith.cmpf oeq, %select_n3A_475, %eq3A_479 : vector<200x128xf32>
      %jit3A_481 = arith.constant 1.07374182E+9 : f32
      %broadcast_in_dim3A_482 = vector.broadcast %jit3A_481 : f32 to vector<200x128xf32>
      %select_n3A_483 = arith.select %eq3A_480, %select_n3A_476, %broadcast_in_dim3A_482 : vector<200x128xi1>, vector<200x128xf32>
      %reduce_min3A_484 = arith.constant dense<0x7F800000> : vector<200xf32>
      %reduce_min3A_485 = vector.multi_reduction <minimumf>, %select_n3A_483, %reduce_min3A_484 [1] : vector<200x128xf32> to vector<200xf32>
      %broadcast_in_dim3A_486 = vector.shape_cast %reduce_min3A_485 : vector<200xf32> to vector<200x1xf32>
      %lt3A_487 = arith.cmpf olt, %broadcast_in_dim3A_478, %while3A_450 : vector<200x1xf32>
      %eq3A_488 = arith.cmpf oeq, %broadcast_in_dim3A_478, %while3A_450 : vector<200x1xf32>
      %lt3A_489 = arith.cmpf olt, %broadcast_in_dim3A_486, %while3A_451 : vector<200x1xf32>
      %and3A_490 = arith.andi %eq3A_488, %lt3A_489 : vector<200x1xi1>
      %or3A_491 = arith.ori %lt3A_487, %and3A_490 : vector<200x1xi1>
      %select_n3A_492 = arith.select %or3A_491, %broadcast_in_dim3A_478, %while3A_450 : vector<200x1xi1>, vector<200x1xf32>
      %select_n3A_493 = arith.select %or3A_491, %broadcast_in_dim3A_486, %while3A_451 : vector<200x1xi1>, vector<200x1xf32>
      scf.yield %select_n3A_492, %select_n3A_493 : vector<200x1xf32>, vector<200x1xf32>
    }
    %while3A_221 = arith.constant 1 : i32
    %while3A_222:2 = scf.for %while3A_449 = %while3A_218 to %while3A_214 step %while3A_221 iter_args(%while3A_450 = %while3A_220#0, %while3A_451 = %while3A_220#1) -> (vector<200x1xf32>, vector<200x1xf32>)  : i32 {
      %mul3A_452 = arith.constant 256 : i32
      %mul3A_453 = arith.muli %while3A_449, %mul3A_452 : i32
      %get3A_454 = arith.constant 0 : index
      %get3A_455 = arith.index_cast %mul3A_453 : i32 to index
      %get3A_456 = vector.load %arg9[%get3A_454, %get3A_455] : memref<200x10240xf32, #tpu.memory_space<vmem>>, vector<200x256xf32>
      %mul3A_457 = arith.constant 256 : i32
      %mul3A_458 = arith.muli %while3A_449, %mul3A_457 : i32
      %convert_element_type3A_459 = arith.sitofp %mul3A_458 : i32 to f32
      %add3A_460 = vector.broadcast %convert_element_type3A_459 : f32 to vector<200x256xf32>
      %add3A_461 = arith.addf %add3A_460, %convert_element_type3A : vector<200x256xf32>
      %gt3A = vector.broadcast %while3A_196#0 : vector<200x1xf32> to vector<200x256xf32>
      %gt3A_462 = arith.cmpf ogt, %get3A_456, %gt3A : vector<200x256xf32>
      %eq3A = vector.broadcast %while3A_196#0 : vector<200x1xf32> to vector<200x256xf32>
      %eq3A_463 = arith.cmpf oeq, %get3A_456, %eq3A : vector<200x256xf32>
      %gt3A_464 = vector.broadcast %while3A_196#1 : vector<200x1xf32> to vector<200x256xf32>
      %gt3A_465 = arith.cmpf ogt, %add3A_461, %gt3A_464 : vector<200x256xf32>
      %and3A = arith.andi %eq3A_463, %gt3A_465 : vector<200x256xi1>
      %or3A = arith.ori %gt3A_462, %and3A : vector<200x256xi1>
      %jit3A_466 = arith.constant 0x7F800000 : f32
      %broadcast_in_dim3A_467 = vector.broadcast %jit3A_466 : f32 to vector<200x256xf32>
      %select_n3A = arith.select %or3A, %get3A_456, %broadcast_in_dim3A_467 : vector<200x256xi1>, vector<200x256xf32>
      %slice3A = vector.extract_strided_slice %select_n3A {offsets = [0, 0], sizes = [200, 128], strides = [1, 1]} : vector<200x256xf32> to vector<200x128xf32>
      %slice3A_468 = vector.extract_strided_slice %add3A_461 {offsets = [0, 0], sizes = [200, 128], strides = [1, 1]} : vector<200x256xf32> to vector<200x128xf32>
      %slice3A_469 = vector.extract_strided_slice %select_n3A {offsets = [0, 128], sizes = [200, 128], strides = [1, 1]} : vector<200x256xf32> to vector<200x128xf32>
      %slice3A_470 = vector.extract_strided_slice %add3A_461 {offsets = [0, 128], sizes = [200, 128], strides = [1, 1]} : vector<200x256xf32> to vector<200x128xf32>
      %lt3A = arith.cmpf olt, %slice3A_469, %slice3A : vector<200x128xf32>
      %eq3A_471 = arith.cmpf oeq, %slice3A_469, %slice3A : vector<200x128xf32>
      %lt3A_472 = arith.cmpf olt, %slice3A_470, %slice3A_468 : vector<200x128xf32>
      %and3A_473 = arith.andi %eq3A_471, %lt3A_472 : vector<200x128xi1>
      %or3A_474 = arith.ori %lt3A, %and3A_473 : vector<200x128xi1>
      %select_n3A_475 = arith.select %or3A_474, %slice3A_469, %slice3A : vector<200x128xi1>, vector<200x128xf32>
      %select_n3A_476 = arith.select %or3A_474, %slice3A_470, %slice3A_468 : vector<200x128xi1>, vector<200x128xf32>
      %reduce_min3A = arith.constant dense<0x7F800000> : vector<200xf32>
      %reduce_min3A_477 = vector.multi_reduction <minimumf>, %select_n3A_475, %reduce_min3A [1] : vector<200x128xf32> to vector<200xf32>
      %broadcast_in_dim3A_478 = vector.shape_cast %reduce_min3A_477 : vector<200xf32> to vector<200x1xf32>
      %eq3A_479 = vector.broadcast %broadcast_in_dim3A_478 : vector<200x1xf32> to vector<200x128xf32>
      %eq3A_480 = arith.cmpf oeq, %select_n3A_475, %eq3A_479 : vector<200x128xf32>
      %jit3A_481 = arith.constant 1.07374182E+9 : f32
      %broadcast_in_dim3A_482 = vector.broadcast %jit3A_481 : f32 to vector<200x128xf32>
      %select_n3A_483 = arith.select %eq3A_480, %select_n3A_476, %broadcast_in_dim3A_482 : vector<200x128xi1>, vector<200x128xf32>
      %reduce_min3A_484 = arith.constant dense<0x7F800000> : vector<200xf32>
      %reduce_min3A_485 = vector.multi_reduction <minimumf>, %select_n3A_483, %reduce_min3A_484 [1] : vector<200x128xf32> to vector<200xf32>
      %broadcast_in_dim3A_486 = vector.shape_cast %reduce_min3A_485 : vector<200xf32> to vector<200x1xf32>
      %lt3A_487 = arith.cmpf olt, %broadcast_in_dim3A_478, %while3A_450 : vector<200x1xf32>
      %eq3A_488 = arith.cmpf oeq, %broadcast_in_dim3A_478, %while3A_450 : vector<200x1xf32>
      %lt3A_489 = arith.cmpf olt, %broadcast_in_dim3A_486, %while3A_451 : vector<200x1xf32>
      %and3A_490 = arith.andi %eq3A_488, %lt3A_489 : vector<200x1xi1>
      %or3A_491 = arith.ori %lt3A_487, %and3A_490 : vector<200x1xi1>
      %select_n3A_492 = arith.select %or3A_491, %broadcast_in_dim3A_478, %while3A_450 : vector<200x1xi1>, vector<200x1xf32>
      %select_n3A_493 = arith.select %or3A_491, %broadcast_in_dim3A_486, %while3A_451 : vector<200x1xi1>, vector<200x1xf32>
      scf.yield %select_n3A_492, %select_n3A_493 : vector<200x1xf32>, vector<200x1xf32>
    }
    %convert_element_type3A_223 = arith.fptosi %while3A_222#1 : vector<200x1xf32> to vector<200x1xi32>
    %jit3A_224 = arith.constant 0 : i32
    %jit3A_225 = arith.constant 9999 : i32
    %max3A_226 = vector.broadcast %jit3A_224 : i32 to vector<200x1xi32>
    %max3A_227 = arith.maxsi %max3A_226, %convert_element_type3A_223 : vector<200x1xi32>
    %min3A_228 = vector.broadcast %jit3A_225 : i32 to vector<200x1xi32>
    %min3A_229 = arith.minsi %min3A_228, %max3A_227 : vector<200x1xi32>
    %le3A_230 = arith.constant 1.000000e+02 : f32
    %le3A_231 = vector.broadcast %le3A_230 : f32 to vector<200x1xf32>
    %le3A_232 = arith.cmpf ole, %while3A_222#0, %le3A_231 : vector<200x1xf32>
    %convert_element_type3A_233 = arith.extui %le3A_232 : vector<200x1xi1> to vector<200x1xi32>
    %convert_element_type3A_234 = arith.sitofp %convert_element_type3A_233 : vector<200x1xi32> to vector<200x1xf32>
    %broadcast_in_dim3A_235 = arith.constant 0x7F800000 : f32
    %broadcast_in_dim3A_236 = vector.broadcast %broadcast_in_dim3A_235 : f32 to vector<200x1xf32>
    %broadcast_in_dim3A_237 = arith.constant 1.07374182E+9 : f32
    %broadcast_in_dim3A_238 = vector.broadcast %broadcast_in_dim3A_237 : f32 to vector<200x1xf32>
    %while3A_239 = arith.subi %get3A_2, %get3A_0 : i32
    %while3A_240 = arith.addi %get3A_0, %while3A_239 : i32
    %while3A_241 = arith.constant 1 : i32
    %while3A_242 = arith.divsi %while3A_239, %while3A_241 : i32
    %while3A_243 = arith.muli %while3A_242, %while3A_241 : i32
    %while3A_244 = arith.addi %get3A_0, %while3A_243 : i32
    %while3A_245 = arith.constant 1 : i32
    %while3A_246:2 = scf.for %while3A_449 = %get3A_0 to %while3A_244 step %while3A_245 iter_args(%while3A_450 = %broadcast_in_dim3A_236, %while3A_451 = %broadcast_in_dim3A_238) -> (vector<200x1xf32>, vector<200x1xf32>)  : i32 {
      %mul3A_452 = arith.constant 256 : i32
      %mul3A_453 = arith.muli %while3A_449, %mul3A_452 : i32
      %get3A_454 = arith.constant 0 : index
      %get3A_455 = arith.index_cast %mul3A_453 : i32 to index
      %get3A_456 = vector.load %arg9[%get3A_454, %get3A_455] : memref<200x10240xf32, #tpu.memory_space<vmem>>, vector<200x256xf32>
      %mul3A_457 = arith.constant 256 : i32
      %mul3A_458 = arith.muli %while3A_449, %mul3A_457 : i32
      %convert_element_type3A_459 = arith.sitofp %mul3A_458 : i32 to f32
      %add3A_460 = vector.broadcast %convert_element_type3A_459 : f32 to vector<200x256xf32>
      %add3A_461 = arith.addf %add3A_460, %convert_element_type3A : vector<200x256xf32>
      %gt3A = vector.broadcast %while3A_222#0 : vector<200x1xf32> to vector<200x256xf32>
      %gt3A_462 = arith.cmpf ogt, %get3A_456, %gt3A : vector<200x256xf32>
      %eq3A = vector.broadcast %while3A_222#0 : vector<200x1xf32> to vector<200x256xf32>
      %eq3A_463 = arith.cmpf oeq, %get3A_456, %eq3A : vector<200x256xf32>
      %gt3A_464 = vector.broadcast %while3A_222#1 : vector<200x1xf32> to vector<200x256xf32>
      %gt3A_465 = arith.cmpf ogt, %add3A_461, %gt3A_464 : vector<200x256xf32>
      %and3A = arith.andi %eq3A_463, %gt3A_465 : vector<200x256xi1>
      %or3A = arith.ori %gt3A_462, %and3A : vector<200x256xi1>
      %jit3A_466 = arith.constant 0x7F800000 : f32
      %broadcast_in_dim3A_467 = vector.broadcast %jit3A_466 : f32 to vector<200x256xf32>
      %select_n3A = arith.select %or3A, %get3A_456, %broadcast_in_dim3A_467 : vector<200x256xi1>, vector<200x256xf32>
      %slice3A = vector.extract_strided_slice %select_n3A {offsets = [0, 0], sizes = [200, 128], strides = [1, 1]} : vector<200x256xf32> to vector<200x128xf32>
      %slice3A_468 = vector.extract_strided_slice %add3A_461 {offsets = [0, 0], sizes = [200, 128], strides = [1, 1]} : vector<200x256xf32> to vector<200x128xf32>
      %slice3A_469 = vector.extract_strided_slice %select_n3A {offsets = [0, 128], sizes = [200, 128], strides = [1, 1]} : vector<200x256xf32> to vector<200x128xf32>
      %slice3A_470 = vector.extract_strided_slice %add3A_461 {offsets = [0, 128], sizes = [200, 128], strides = [1, 1]} : vector<200x256xf32> to vector<200x128xf32>
      %lt3A = arith.cmpf olt, %slice3A_469, %slice3A : vector<200x128xf32>
      %eq3A_471 = arith.cmpf oeq, %slice3A_469, %slice3A : vector<200x128xf32>
      %lt3A_472 = arith.cmpf olt, %slice3A_470, %slice3A_468 : vector<200x128xf32>
      %and3A_473 = arith.andi %eq3A_471, %lt3A_472 : vector<200x128xi1>
      %or3A_474 = arith.ori %lt3A, %and3A_473 : vector<200x128xi1>
      %select_n3A_475 = arith.select %or3A_474, %slice3A_469, %slice3A : vector<200x128xi1>, vector<200x128xf32>
      %select_n3A_476 = arith.select %or3A_474, %slice3A_470, %slice3A_468 : vector<200x128xi1>, vector<200x128xf32>
      %reduce_min3A = arith.constant dense<0x7F800000> : vector<200xf32>
      %reduce_min3A_477 = vector.multi_reduction <minimumf>, %select_n3A_475, %reduce_min3A [1] : vector<200x128xf32> to vector<200xf32>
      %broadcast_in_dim3A_478 = vector.shape_cast %reduce_min3A_477 : vector<200xf32> to vector<200x1xf32>
      %eq3A_479 = vector.broadcast %broadcast_in_dim3A_478 : vector<200x1xf32> to vector<200x128xf32>
      %eq3A_480 = arith.cmpf oeq, %select_n3A_475, %eq3A_479 : vector<200x128xf32>
      %jit3A_481 = arith.constant 1.07374182E+9 : f32
      %broadcast_in_dim3A_482 = vector.broadcast %jit3A_481 : f32 to vector<200x128xf32>
      %select_n3A_483 = arith.select %eq3A_480, %select_n3A_476, %broadcast_in_dim3A_482 : vector<200x128xi1>, vector<200x128xf32>
      %reduce_min3A_484 = arith.constant dense<0x7F800000> : vector<200xf32>
      %reduce_min3A_485 = vector.multi_reduction <minimumf>, %select_n3A_483, %reduce_min3A_484 [1] : vector<200x128xf32> to vector<200xf32>
      %broadcast_in_dim3A_486 = vector.shape_cast %reduce_min3A_485 : vector<200xf32> to vector<200x1xf32>
      %lt3A_487 = arith.cmpf olt, %broadcast_in_dim3A_478, %while3A_450 : vector<200x1xf32>
      %eq3A_488 = arith.cmpf oeq, %broadcast_in_dim3A_478, %while3A_450 : vector<200x1xf32>
      %lt3A_489 = arith.cmpf olt, %broadcast_in_dim3A_486, %while3A_451 : vector<200x1xf32>
      %and3A_490 = arith.andi %eq3A_488, %lt3A_489 : vector<200x1xi1>
      %or3A_491 = arith.ori %lt3A_487, %and3A_490 : vector<200x1xi1>
      %select_n3A_492 = arith.select %or3A_491, %broadcast_in_dim3A_478, %while3A_450 : vector<200x1xi1>, vector<200x1xf32>
      %select_n3A_493 = arith.select %or3A_491, %broadcast_in_dim3A_486, %while3A_451 : vector<200x1xi1>, vector<200x1xf32>
      scf.yield %select_n3A_492, %select_n3A_493 : vector<200x1xf32>, vector<200x1xf32>
    }
    %while3A_247 = arith.constant 1 : i32
    %while3A_248:2 = scf.for %while3A_449 = %while3A_244 to %while3A_240 step %while3A_247 iter_args(%while3A_450 = %while3A_246#0, %while3A_451 = %while3A_246#1) -> (vector<200x1xf32>, vector<200x1xf32>)  : i32 {
      %mul3A_452 = arith.constant 256 : i32
      %mul3A_453 = arith.muli %while3A_449, %mul3A_452 : i32
      %get3A_454 = arith.constant 0 : index
      %get3A_455 = arith.index_cast %mul3A_453 : i32 to index
      %get3A_456 = vector.load %arg9[%get3A_454, %get3A_455] : memref<200x10240xf32, #tpu.memory_space<vmem>>, vector<200x256xf32>
      %mul3A_457 = arith.constant 256 : i32
      %mul3A_458 = arith.muli %while3A_449, %mul3A_457 : i32
      %convert_element_type3A_459 = arith.sitofp %mul3A_458 : i32 to f32
      %add3A_460 = vector.broadcast %convert_element_type3A_459 : f32 to vector<200x256xf32>
      %add3A_461 = arith.addf %add3A_460, %convert_element_type3A : vector<200x256xf32>
      %gt3A = vector.broadcast %while3A_222#0 : vector<200x1xf32> to vector<200x256xf32>
      %gt3A_462 = arith.cmpf ogt, %get3A_456, %gt3A : vector<200x256xf32>
      %eq3A = vector.broadcast %while3A_222#0 : vector<200x1xf32> to vector<200x256xf32>
      %eq3A_463 = arith.cmpf oeq, %get3A_456, %eq3A : vector<200x256xf32>
      %gt3A_464 = vector.broadcast %while3A_222#1 : vector<200x1xf32> to vector<200x256xf32>
      %gt3A_465 = arith.cmpf ogt, %add3A_461, %gt3A_464 : vector<200x256xf32>
      %and3A = arith.andi %eq3A_463, %gt3A_465 : vector<200x256xi1>
      %or3A = arith.ori %gt3A_462, %and3A : vector<200x256xi1>
      %jit3A_466 = arith.constant 0x7F800000 : f32
      %broadcast_in_dim3A_467 = vector.broadcast %jit3A_466 : f32 to vector<200x256xf32>
      %select_n3A = arith.select %or3A, %get3A_456, %broadcast_in_dim3A_467 : vector<200x256xi1>, vector<200x256xf32>
      %slice3A = vector.extract_strided_slice %select_n3A {offsets = [0, 0], sizes = [200, 128], strides = [1, 1]} : vector<200x256xf32> to vector<200x128xf32>
      %slice3A_468 = vector.extract_strided_slice %add3A_461 {offsets = [0, 0], sizes = [200, 128], strides = [1, 1]} : vector<200x256xf32> to vector<200x128xf32>
      %slice3A_469 = vector.extract_strided_slice %select_n3A {offsets = [0, 128], sizes = [200, 128], strides = [1, 1]} : vector<200x256xf32> to vector<200x128xf32>
      %slice3A_470 = vector.extract_strided_slice %add3A_461 {offsets = [0, 128], sizes = [200, 128], strides = [1, 1]} : vector<200x256xf32> to vector<200x128xf32>
      %lt3A = arith.cmpf olt, %slice3A_469, %slice3A : vector<200x128xf32>
      %eq3A_471 = arith.cmpf oeq, %slice3A_469, %slice3A : vector<200x128xf32>
      %lt3A_472 = arith.cmpf olt, %slice3A_470, %slice3A_468 : vector<200x128xf32>
      %and3A_473 = arith.andi %eq3A_471, %lt3A_472 : vector<200x128xi1>
      %or3A_474 = arith.ori %lt3A, %and3A_473 : vector<200x128xi1>
      %select_n3A_475 = arith.select %or3A_474, %slice3A_469, %slice3A : vector<200x128xi1>, vector<200x128xf32>
      %select_n3A_476 = arith.select %or3A_474, %slice3A_470, %slice3A_468 : vector<200x128xi1>, vector<200x128xf32>
      %reduce_min3A = arith.constant dense<0x7F800000> : vector<200xf32>
      %reduce_min3A_477 = vector.multi_reduction <minimumf>, %select_n3A_475, %reduce_min3A [1] : vector<200x128xf32> to vector<200xf32>
      %broadcast_in_dim3A_478 = vector.shape_cast %reduce_min3A_477 : vector<200xf32> to vector<200x1xf32>
      %eq3A_479 = vector.broadcast %broadcast_in_dim3A_478 : vector<200x1xf32> to vector<200x128xf32>
      %eq3A_480 = arith.cmpf oeq, %select_n3A_475, %eq3A_479 : vector<200x128xf32>
      %jit3A_481 = arith.constant 1.07374182E+9 : f32
      %broadcast_in_dim3A_482 = vector.broadcast %jit3A_481 : f32 to vector<200x128xf32>
      %select_n3A_483 = arith.select %eq3A_480, %select_n3A_476, %broadcast_in_dim3A_482 : vector<200x128xi1>, vector<200x128xf32>
      %reduce_min3A_484 = arith.constant dense<0x7F800000> : vector<200xf32>
      %reduce_min3A_485 = vector.multi_reduction <minimumf>, %select_n3A_483, %reduce_min3A_484 [1] : vector<200x128xf32> to vector<200xf32>
      %broadcast_in_dim3A_486 = vector.shape_cast %reduce_min3A_485 : vector<200xf32> to vector<200x1xf32>
      %lt3A_487 = arith.cmpf olt, %broadcast_in_dim3A_478, %while3A_450 : vector<200x1xf32>
      %eq3A_488 = arith.cmpf oeq, %broadcast_in_dim3A_478, %while3A_450 : vector<200x1xf32>
      %lt3A_489 = arith.cmpf olt, %broadcast_in_dim3A_486, %while3A_451 : vector<200x1xf32>
      %and3A_490 = arith.andi %eq3A_488, %lt3A_489 : vector<200x1xi1>
      %or3A_491 = arith.ori %lt3A_487, %and3A_490 : vector<200x1xi1>
      %select_n3A_492 = arith.select %or3A_491, %broadcast_in_dim3A_478, %while3A_450 : vector<200x1xi1>, vector<200x1xf32>
      %select_n3A_493 = arith.select %or3A_491, %broadcast_in_dim3A_486, %while3A_451 : vector<200x1xi1>, vector<200x1xf32>
      scf.yield %select_n3A_492, %select_n3A_493 : vector<200x1xf32>, vector<200x1xf32>
    }
    %convert_element_type3A_249 = arith.fptosi %while3A_248#1 : vector<200x1xf32> to vector<200x1xi32>
    %jit3A_250 = arith.constant 0 : i32
    %jit3A_251 = arith.constant 9999 : i32
    %max3A_252 = vector.broadcast %jit3A_250 : i32 to vector<200x1xi32>
    %max3A_253 = arith.maxsi %max3A_252, %convert_element_type3A_249 : vector<200x1xi32>
    %min3A_254 = vector.broadcast %jit3A_251 : i32 to vector<200x1xi32>
    %min3A_255 = arith.minsi %min3A_254, %max3A_253 : vector<200x1xi32>
    %le3A_256 = arith.constant 1.000000e+02 : f32
    %le3A_257 = vector.broadcast %le3A_256 : f32 to vector<200x1xf32>
    %le3A_258 = arith.cmpf ole, %while3A_248#0, %le3A_257 : vector<200x1xf32>
    %convert_element_type3A_259 = arith.extui %le3A_258 : vector<200x1xi1> to vector<200x1xi32>
    %convert_element_type3A_260 = arith.sitofp %convert_element_type3A_259 : vector<200x1xi32> to vector<200x1xf32>
    %broadcast_in_dim3A_261 = arith.constant 0x7F800000 : f32
    %broadcast_in_dim3A_262 = vector.broadcast %broadcast_in_dim3A_261 : f32 to vector<200x1xf32>
    %broadcast_in_dim3A_263 = arith.constant 1.07374182E+9 : f32
    %broadcast_in_dim3A_264 = vector.broadcast %broadcast_in_dim3A_263 : f32 to vector<200x1xf32>
    %while3A_265 = arith.subi %get3A_2, %get3A_0 : i32
    %while3A_266 = arith.addi %get3A_0, %while3A_265 : i32
    %while3A_267 = arith.constant 1 : i32
    %while3A_268 = arith.divsi %while3A_265, %while3A_267 : i32
    %while3A_269 = arith.muli %while3A_268, %while3A_267 : i32
    %while3A_270 = arith.addi %get3A_0, %while3A_269 : i32
    %while3A_271 = arith.constant 1 : i32
    %while3A_272:2 = scf.for %while3A_449 = %get3A_0 to %while3A_270 step %while3A_271 iter_args(%while3A_450 = %broadcast_in_dim3A_262, %while3A_451 = %broadcast_in_dim3A_264) -> (vector<200x1xf32>, vector<200x1xf32>)  : i32 {
      %mul3A_452 = arith.constant 256 : i32
      %mul3A_453 = arith.muli %while3A_449, %mul3A_452 : i32
      %get3A_454 = arith.constant 0 : index
      %get3A_455 = arith.index_cast %mul3A_453 : i32 to index
      %get3A_456 = vector.load %arg9[%get3A_454, %get3A_455] : memref<200x10240xf32, #tpu.memory_space<vmem>>, vector<200x256xf32>
      %mul3A_457 = arith.constant 256 : i32
      %mul3A_458 = arith.muli %while3A_449, %mul3A_457 : i32
      %convert_element_type3A_459 = arith.sitofp %mul3A_458 : i32 to f32
      %add3A_460 = vector.broadcast %convert_element_type3A_459 : f32 to vector<200x256xf32>
      %add3A_461 = arith.addf %add3A_460, %convert_element_type3A : vector<200x256xf32>
      %gt3A = vector.broadcast %while3A_248#0 : vector<200x1xf32> to vector<200x256xf32>
      %gt3A_462 = arith.cmpf ogt, %get3A_456, %gt3A : vector<200x256xf32>
      %eq3A = vector.broadcast %while3A_248#0 : vector<200x1xf32> to vector<200x256xf32>
      %eq3A_463 = arith.cmpf oeq, %get3A_456, %eq3A : vector<200x256xf32>
      %gt3A_464 = vector.broadcast %while3A_248#1 : vector<200x1xf32> to vector<200x256xf32>
      %gt3A_465 = arith.cmpf ogt, %add3A_461, %gt3A_464 : vector<200x256xf32>
      %and3A = arith.andi %eq3A_463, %gt3A_465 : vector<200x256xi1>
      %or3A = arith.ori %gt3A_462, %and3A : vector<200x256xi1>
      %jit3A_466 = arith.constant 0x7F800000 : f32
      %broadcast_in_dim3A_467 = vector.broadcast %jit3A_466 : f32 to vector<200x256xf32>
      %select_n3A = arith.select %or3A, %get3A_456, %broadcast_in_dim3A_467 : vector<200x256xi1>, vector<200x256xf32>
      %slice3A = vector.extract_strided_slice %select_n3A {offsets = [0, 0], sizes = [200, 128], strides = [1, 1]} : vector<200x256xf32> to vector<200x128xf32>
      %slice3A_468 = vector.extract_strided_slice %add3A_461 {offsets = [0, 0], sizes = [200, 128], strides = [1, 1]} : vector<200x256xf32> to vector<200x128xf32>
      %slice3A_469 = vector.extract_strided_slice %select_n3A {offsets = [0, 128], sizes = [200, 128], strides = [1, 1]} : vector<200x256xf32> to vector<200x128xf32>
      %slice3A_470 = vector.extract_strided_slice %add3A_461 {offsets = [0, 128], sizes = [200, 128], strides = [1, 1]} : vector<200x256xf32> to vector<200x128xf32>
      %lt3A = arith.cmpf olt, %slice3A_469, %slice3A : vector<200x128xf32>
      %eq3A_471 = arith.cmpf oeq, %slice3A_469, %slice3A : vector<200x128xf32>
      %lt3A_472 = arith.cmpf olt, %slice3A_470, %slice3A_468 : vector<200x128xf32>
      %and3A_473 = arith.andi %eq3A_471, %lt3A_472 : vector<200x128xi1>
      %or3A_474 = arith.ori %lt3A, %and3A_473 : vector<200x128xi1>
      %select_n3A_475 = arith.select %or3A_474, %slice3A_469, %slice3A : vector<200x128xi1>, vector<200x128xf32>
      %select_n3A_476 = arith.select %or3A_474, %slice3A_470, %slice3A_468 : vector<200x128xi1>, vector<200x128xf32>
      %reduce_min3A = arith.constant dense<0x7F800000> : vector<200xf32>
      %reduce_min3A_477 = vector.multi_reduction <minimumf>, %select_n3A_475, %reduce_min3A [1] : vector<200x128xf32> to vector<200xf32>
      %broadcast_in_dim3A_478 = vector.shape_cast %reduce_min3A_477 : vector<200xf32> to vector<200x1xf32>
      %eq3A_479 = vector.broadcast %broadcast_in_dim3A_478 : vector<200x1xf32> to vector<200x128xf32>
      %eq3A_480 = arith.cmpf oeq, %select_n3A_475, %eq3A_479 : vector<200x128xf32>
      %jit3A_481 = arith.constant 1.07374182E+9 : f32
      %broadcast_in_dim3A_482 = vector.broadcast %jit3A_481 : f32 to vector<200x128xf32>
      %select_n3A_483 = arith.select %eq3A_480, %select_n3A_476, %broadcast_in_dim3A_482 : vector<200x128xi1>, vector<200x128xf32>
      %reduce_min3A_484 = arith.constant dense<0x7F800000> : vector<200xf32>
      %reduce_min3A_485 = vector.multi_reduction <minimumf>, %select_n3A_483, %reduce_min3A_484 [1] : vector<200x128xf32> to vector<200xf32>
      %broadcast_in_dim3A_486 = vector.shape_cast %reduce_min3A_485 : vector<200xf32> to vector<200x1xf32>
      %lt3A_487 = arith.cmpf olt, %broadcast_in_dim3A_478, %while3A_450 : vector<200x1xf32>
      %eq3A_488 = arith.cmpf oeq, %broadcast_in_dim3A_478, %while3A_450 : vector<200x1xf32>
      %lt3A_489 = arith.cmpf olt, %broadcast_in_dim3A_486, %while3A_451 : vector<200x1xf32>
      %and3A_490 = arith.andi %eq3A_488, %lt3A_489 : vector<200x1xi1>
      %or3A_491 = arith.ori %lt3A_487, %and3A_490 : vector<200x1xi1>
      %select_n3A_492 = arith.select %or3A_491, %broadcast_in_dim3A_478, %while3A_450 : vector<200x1xi1>, vector<200x1xf32>
      %select_n3A_493 = arith.select %or3A_491, %broadcast_in_dim3A_486, %while3A_451 : vector<200x1xi1>, vector<200x1xf32>
      scf.yield %select_n3A_492, %select_n3A_493 : vector<200x1xf32>, vector<200x1xf32>
    }
    %while3A_273 = arith.constant 1 : i32
    %while3A_274:2 = scf.for %while3A_449 = %while3A_270 to %while3A_266 step %while3A_273 iter_args(%while3A_450 = %while3A_272#0, %while3A_451 = %while3A_272#1) -> (vector<200x1xf32>, vector<200x1xf32>)  : i32 {
      %mul3A_452 = arith.constant 256 : i32
      %mul3A_453 = arith.muli %while3A_449, %mul3A_452 : i32
      %get3A_454 = arith.constant 0 : index
      %get3A_455 = arith.index_cast %mul3A_453 : i32 to index
      %get3A_456 = vector.load %arg9[%get3A_454, %get3A_455] : memref<200x10240xf32, #tpu.memory_space<vmem>>, vector<200x256xf32>
      %mul3A_457 = arith.constant 256 : i32
      %mul3A_458 = arith.muli %while3A_449, %mul3A_457 : i32
      %convert_element_type3A_459 = arith.sitofp %mul3A_458 : i32 to f32
      %add3A_460 = vector.broadcast %convert_element_type3A_459 : f32 to vector<200x256xf32>
      %add3A_461 = arith.addf %add3A_460, %convert_element_type3A : vector<200x256xf32>
      %gt3A = vector.broadcast %while3A_248#0 : vector<200x1xf32> to vector<200x256xf32>
      %gt3A_462 = arith.cmpf ogt, %get3A_456, %gt3A : vector<200x256xf32>
      %eq3A = vector.broadcast %while3A_248#0 : vector<200x1xf32> to vector<200x256xf32>
      %eq3A_463 = arith.cmpf oeq, %get3A_456, %eq3A : vector<200x256xf32>
      %gt3A_464 = vector.broadcast %while3A_248#1 : vector<200x1xf32> to vector<200x256xf32>
      %gt3A_465 = arith.cmpf ogt, %add3A_461, %gt3A_464 : vector<200x256xf32>
      %and3A = arith.andi %eq3A_463, %gt3A_465 : vector<200x256xi1>
      %or3A = arith.ori %gt3A_462, %and3A : vector<200x256xi1>
      %jit3A_466 = arith.constant 0x7F800000 : f32
      %broadcast_in_dim3A_467 = vector.broadcast %jit3A_466 : f32 to vector<200x256xf32>
      %select_n3A = arith.select %or3A, %get3A_456, %broadcast_in_dim3A_467 : vector<200x256xi1>, vector<200x256xf32>
      %slice3A = vector.extract_strided_slice %select_n3A {offsets = [0, 0], sizes = [200, 128], strides = [1, 1]} : vector<200x256xf32> to vector<200x128xf32>
      %slice3A_468 = vector.extract_strided_slice %add3A_461 {offsets = [0, 0], sizes = [200, 128], strides = [1, 1]} : vector<200x256xf32> to vector<200x128xf32>
      %slice3A_469 = vector.extract_strided_slice %select_n3A {offsets = [0, 128], sizes = [200, 128], strides = [1, 1]} : vector<200x256xf32> to vector<200x128xf32>
      %slice3A_470 = vector.extract_strided_slice %add3A_461 {offsets = [0, 128], sizes = [200, 128], strides = [1, 1]} : vector<200x256xf32> to vector<200x128xf32>
      %lt3A = arith.cmpf olt, %slice3A_469, %slice3A : vector<200x128xf32>
      %eq3A_471 = arith.cmpf oeq, %slice3A_469, %slice3A : vector<200x128xf32>
      %lt3A_472 = arith.cmpf olt, %slice3A_470, %slice3A_468 : vector<200x128xf32>
      %and3A_473 = arith.andi %eq3A_471, %lt3A_472 : vector<200x128xi1>
      %or3A_474 = arith.ori %lt3A, %and3A_473 : vector<200x128xi1>
      %select_n3A_475 = arith.select %or3A_474, %slice3A_469, %slice3A : vector<200x128xi1>, vector<200x128xf32>
      %select_n3A_476 = arith.select %or3A_474, %slice3A_470, %slice3A_468 : vector<200x128xi1>, vector<200x128xf32>
      %reduce_min3A = arith.constant dense<0x7F800000> : vector<200xf32>
      %reduce_min3A_477 = vector.multi_reduction <minimumf>, %select_n3A_475, %reduce_min3A [1] : vector<200x128xf32> to vector<200xf32>
      %broadcast_in_dim3A_478 = vector.shape_cast %reduce_min3A_477 : vector<200xf32> to vector<200x1xf32>
      %eq3A_479 = vector.broadcast %broadcast_in_dim3A_478 : vector<200x1xf32> to vector<200x128xf32>
      %eq3A_480 = arith.cmpf oeq, %select_n3A_475, %eq3A_479 : vector<200x128xf32>
      %jit3A_481 = arith.constant 1.07374182E+9 : f32
      %broadcast_in_dim3A_482 = vector.broadcast %jit3A_481 : f32 to vector<200x128xf32>
      %select_n3A_483 = arith.select %eq3A_480, %select_n3A_476, %broadcast_in_dim3A_482 : vector<200x128xi1>, vector<200x128xf32>
      %reduce_min3A_484 = arith.constant dense<0x7F800000> : vector<200xf32>
      %reduce_min3A_485 = vector.multi_reduction <minimumf>, %select_n3A_483, %reduce_min3A_484 [1] : vector<200x128xf32> to vector<200xf32>
      %broadcast_in_dim3A_486 = vector.shape_cast %reduce_min3A_485 : vector<200xf32> to vector<200x1xf32>
      %lt3A_487 = arith.cmpf olt, %broadcast_in_dim3A_478, %while3A_450 : vector<200x1xf32>
      %eq3A_488 = arith.cmpf oeq, %broadcast_in_dim3A_478, %while3A_450 : vector<200x1xf32>
      %lt3A_489 = arith.cmpf olt, %broadcast_in_dim3A_486, %while3A_451 : vector<200x1xf32>
      %and3A_490 = arith.andi %eq3A_488, %lt3A_489 : vector<200x1xi1>
      %or3A_491 = arith.ori %lt3A_487, %and3A_490 : vector<200x1xi1>
      %select_n3A_492 = arith.select %or3A_491, %broadcast_in_dim3A_478, %while3A_450 : vector<200x1xi1>, vector<200x1xf32>
      %select_n3A_493 = arith.select %or3A_491, %broadcast_in_dim3A_486, %while3A_451 : vector<200x1xi1>, vector<200x1xf32>
      scf.yield %select_n3A_492, %select_n3A_493 : vector<200x1xf32>, vector<200x1xf32>
    }
    %convert_element_type3A_275 = arith.fptosi %while3A_274#1 : vector<200x1xf32> to vector<200x1xi32>
    %jit3A_276 = arith.constant 0 : i32
    %jit3A_277 = arith.constant 9999 : i32
    %max3A_278 = vector.broadcast %jit3A_276 : i32 to vector<200x1xi32>
    %max3A_279 = arith.maxsi %max3A_278, %convert_element_type3A_275 : vector<200x1xi32>
    %min3A_280 = vector.broadcast %jit3A_277 : i32 to vector<200x1xi32>
    %min3A_281 = arith.minsi %min3A_280, %max3A_279 : vector<200x1xi32>
    %le3A_282 = arith.constant 1.000000e+02 : f32
    %le3A_283 = vector.broadcast %le3A_282 : f32 to vector<200x1xf32>
    %le3A_284 = arith.cmpf ole, %while3A_274#0, %le3A_283 : vector<200x1xf32>
    %convert_element_type3A_285 = arith.extui %le3A_284 : vector<200x1xi1> to vector<200x1xi32>
    %convert_element_type3A_286 = arith.sitofp %convert_element_type3A_285 : vector<200x1xi32> to vector<200x1xf32>
    %broadcast_in_dim3A_287 = arith.constant 0x7F800000 : f32
    %broadcast_in_dim3A_288 = vector.broadcast %broadcast_in_dim3A_287 : f32 to vector<200x1xf32>
    %broadcast_in_dim3A_289 = arith.constant 1.07374182E+9 : f32
    %broadcast_in_dim3A_290 = vector.broadcast %broadcast_in_dim3A_289 : f32 to vector<200x1xf32>
    %while3A_291 = arith.subi %get3A_2, %get3A_0 : i32
    %while3A_292 = arith.addi %get3A_0, %while3A_291 : i32
    %while3A_293 = arith.constant 1 : i32
    %while3A_294 = arith.divsi %while3A_291, %while3A_293 : i32
    %while3A_295 = arith.muli %while3A_294, %while3A_293 : i32
    %while3A_296 = arith.addi %get3A_0, %while3A_295 : i32
    %while3A_297 = arith.constant 1 : i32
    %while3A_298:2 = scf.for %while3A_449 = %get3A_0 to %while3A_296 step %while3A_297 iter_args(%while3A_450 = %broadcast_in_dim3A_288, %while3A_451 = %broadcast_in_dim3A_290) -> (vector<200x1xf32>, vector<200x1xf32>)  : i32 {
      %mul3A_452 = arith.constant 256 : i32
      %mul3A_453 = arith.muli %while3A_449, %mul3A_452 : i32
      %get3A_454 = arith.constant 0 : index
      %get3A_455 = arith.index_cast %mul3A_453 : i32 to index
      %get3A_456 = vector.load %arg9[%get3A_454, %get3A_455] : memref<200x10240xf32, #tpu.memory_space<vmem>>, vector<200x256xf32>
      %mul3A_457 = arith.constant 256 : i32
      %mul3A_458 = arith.muli %while3A_449, %mul3A_457 : i32
      %convert_element_type3A_459 = arith.sitofp %mul3A_458 : i32 to f32
      %add3A_460 = vector.broadcast %convert_element_type3A_459 : f32 to vector<200x256xf32>
      %add3A_461 = arith.addf %add3A_460, %convert_element_type3A : vector<200x256xf32>
      %gt3A = vector.broadcast %while3A_274#0 : vector<200x1xf32> to vector<200x256xf32>
      %gt3A_462 = arith.cmpf ogt, %get3A_456, %gt3A : vector<200x256xf32>
      %eq3A = vector.broadcast %while3A_274#0 : vector<200x1xf32> to vector<200x256xf32>
      %eq3A_463 = arith.cmpf oeq, %get3A_456, %eq3A : vector<200x256xf32>
      %gt3A_464 = vector.broadcast %while3A_274#1 : vector<200x1xf32> to vector<200x256xf32>
      %gt3A_465 = arith.cmpf ogt, %add3A_461, %gt3A_464 : vector<200x256xf32>
      %and3A = arith.andi %eq3A_463, %gt3A_465 : vector<200x256xi1>
      %or3A = arith.ori %gt3A_462, %and3A : vector<200x256xi1>
      %jit3A_466 = arith.constant 0x7F800000 : f32
      %broadcast_in_dim3A_467 = vector.broadcast %jit3A_466 : f32 to vector<200x256xf32>
      %select_n3A = arith.select %or3A, %get3A_456, %broadcast_in_dim3A_467 : vector<200x256xi1>, vector<200x256xf32>
      %slice3A = vector.extract_strided_slice %select_n3A {offsets = [0, 0], sizes = [200, 128], strides = [1, 1]} : vector<200x256xf32> to vector<200x128xf32>
      %slice3A_468 = vector.extract_strided_slice %add3A_461 {offsets = [0, 0], sizes = [200, 128], strides = [1, 1]} : vector<200x256xf32> to vector<200x128xf32>
      %slice3A_469 = vector.extract_strided_slice %select_n3A {offsets = [0, 128], sizes = [200, 128], strides = [1, 1]} : vector<200x256xf32> to vector<200x128xf32>
      %slice3A_470 = vector.extract_strided_slice %add3A_461 {offsets = [0, 128], sizes = [200, 128], strides = [1, 1]} : vector<200x256xf32> to vector<200x128xf32>
      %lt3A = arith.cmpf olt, %slice3A_469, %slice3A : vector<200x128xf32>
      %eq3A_471 = arith.cmpf oeq, %slice3A_469, %slice3A : vector<200x128xf32>
      %lt3A_472 = arith.cmpf olt, %slice3A_470, %slice3A_468 : vector<200x128xf32>
      %and3A_473 = arith.andi %eq3A_471, %lt3A_472 : vector<200x128xi1>
      %or3A_474 = arith.ori %lt3A, %and3A_473 : vector<200x128xi1>
      %select_n3A_475 = arith.select %or3A_474, %slice3A_469, %slice3A : vector<200x128xi1>, vector<200x128xf32>
      %select_n3A_476 = arith.select %or3A_474, %slice3A_470, %slice3A_468 : vector<200x128xi1>, vector<200x128xf32>
      %reduce_min3A = arith.constant dense<0x7F800000> : vector<200xf32>
      %reduce_min3A_477 = vector.multi_reduction <minimumf>, %select_n3A_475, %reduce_min3A [1] : vector<200x128xf32> to vector<200xf32>
      %broadcast_in_dim3A_478 = vector.shape_cast %reduce_min3A_477 : vector<200xf32> to vector<200x1xf32>
      %eq3A_479 = vector.broadcast %broadcast_in_dim3A_478 : vector<200x1xf32> to vector<200x128xf32>
      %eq3A_480 = arith.cmpf oeq, %select_n3A_475, %eq3A_479 : vector<200x128xf32>
      %jit3A_481 = arith.constant 1.07374182E+9 : f32
      %broadcast_in_dim3A_482 = vector.broadcast %jit3A_481 : f32 to vector<200x128xf32>
      %select_n3A_483 = arith.select %eq3A_480, %select_n3A_476, %broadcast_in_dim3A_482 : vector<200x128xi1>, vector<200x128xf32>
      %reduce_min3A_484 = arith.constant dense<0x7F800000> : vector<200xf32>
      %reduce_min3A_485 = vector.multi_reduction <minimumf>, %select_n3A_483, %reduce_min3A_484 [1] : vector<200x128xf32> to vector<200xf32>
      %broadcast_in_dim3A_486 = vector.shape_cast %reduce_min3A_485 : vector<200xf32> to vector<200x1xf32>
      %lt3A_487 = arith.cmpf olt, %broadcast_in_dim3A_478, %while3A_450 : vector<200x1xf32>
      %eq3A_488 = arith.cmpf oeq, %broadcast_in_dim3A_478, %while3A_450 : vector<200x1xf32>
      %lt3A_489 = arith.cmpf olt, %broadcast_in_dim3A_486, %while3A_451 : vector<200x1xf32>
      %and3A_490 = arith.andi %eq3A_488, %lt3A_489 : vector<200x1xi1>
      %or3A_491 = arith.ori %lt3A_487, %and3A_490 : vector<200x1xi1>
      %select_n3A_492 = arith.select %or3A_491, %broadcast_in_dim3A_478, %while3A_450 : vector<200x1xi1>, vector<200x1xf32>
      %select_n3A_493 = arith.select %or3A_491, %broadcast_in_dim3A_486, %while3A_451 : vector<200x1xi1>, vector<200x1xf32>
      scf.yield %select_n3A_492, %select_n3A_493 : vector<200x1xf32>, vector<200x1xf32>
    }
    %while3A_299 = arith.constant 1 : i32
    %while3A_300:2 = scf.for %while3A_449 = %while3A_296 to %while3A_292 step %while3A_299 iter_args(%while3A_450 = %while3A_298#0, %while3A_451 = %while3A_298#1) -> (vector<200x1xf32>, vector<200x1xf32>)  : i32 {
      %mul3A_452 = arith.constant 256 : i32
      %mul3A_453 = arith.muli %while3A_449, %mul3A_452 : i32
      %get3A_454 = arith.constant 0 : index
      %get3A_455 = arith.index_cast %mul3A_453 : i32 to index
      %get3A_456 = vector.load %arg9[%get3A_454, %get3A_455] : memref<200x10240xf32, #tpu.memory_space<vmem>>, vector<200x256xf32>
      %mul3A_457 = arith.constant 256 : i32
      %mul3A_458 = arith.muli %while3A_449, %mul3A_457 : i32
      %convert_element_type3A_459 = arith.sitofp %mul3A_458 : i32 to f32
      %add3A_460 = vector.broadcast %convert_element_type3A_459 : f32 to vector<200x256xf32>
      %add3A_461 = arith.addf %add3A_460, %convert_element_type3A : vector<200x256xf32>
      %gt3A = vector.broadcast %while3A_274#0 : vector<200x1xf32> to vector<200x256xf32>
      %gt3A_462 = arith.cmpf ogt, %get3A_456, %gt3A : vector<200x256xf32>
      %eq3A = vector.broadcast %while3A_274#0 : vector<200x1xf32> to vector<200x256xf32>
      %eq3A_463 = arith.cmpf oeq, %get3A_456, %eq3A : vector<200x256xf32>
      %gt3A_464 = vector.broadcast %while3A_274#1 : vector<200x1xf32> to vector<200x256xf32>
      %gt3A_465 = arith.cmpf ogt, %add3A_461, %gt3A_464 : vector<200x256xf32>
      %and3A = arith.andi %eq3A_463, %gt3A_465 : vector<200x256xi1>
      %or3A = arith.ori %gt3A_462, %and3A : vector<200x256xi1>
      %jit3A_466 = arith.constant 0x7F800000 : f32
      %broadcast_in_dim3A_467 = vector.broadcast %jit3A_466 : f32 to vector<200x256xf32>
      %select_n3A = arith.select %or3A, %get3A_456, %broadcast_in_dim3A_467 : vector<200x256xi1>, vector<200x256xf32>
      %slice3A = vector.extract_strided_slice %select_n3A {offsets = [0, 0], sizes = [200, 128], strides = [1, 1]} : vector<200x256xf32> to vector<200x128xf32>
      %slice3A_468 = vector.extract_strided_slice %add3A_461 {offsets = [0, 0], sizes = [200, 128], strides = [1, 1]} : vector<200x256xf32> to vector<200x128xf32>
      %slice3A_469 = vector.extract_strided_slice %select_n3A {offsets = [0, 128], sizes = [200, 128], strides = [1, 1]} : vector<200x256xf32> to vector<200x128xf32>
      %slice3A_470 = vector.extract_strided_slice %add3A_461 {offsets = [0, 128], sizes = [200, 128], strides = [1, 1]} : vector<200x256xf32> to vector<200x128xf32>
      %lt3A = arith.cmpf olt, %slice3A_469, %slice3A : vector<200x128xf32>
      %eq3A_471 = arith.cmpf oeq, %slice3A_469, %slice3A : vector<200x128xf32>
      %lt3A_472 = arith.cmpf olt, %slice3A_470, %slice3A_468 : vector<200x128xf32>
      %and3A_473 = arith.andi %eq3A_471, %lt3A_472 : vector<200x128xi1>
      %or3A_474 = arith.ori %lt3A, %and3A_473 : vector<200x128xi1>
      %select_n3A_475 = arith.select %or3A_474, %slice3A_469, %slice3A : vector<200x128xi1>, vector<200x128xf32>
      %select_n3A_476 = arith.select %or3A_474, %slice3A_470, %slice3A_468 : vector<200x128xi1>, vector<200x128xf32>
      %reduce_min3A = arith.constant dense<0x7F800000> : vector<200xf32>
      %reduce_min3A_477 = vector.multi_reduction <minimumf>, %select_n3A_475, %reduce_min3A [1] : vector<200x128xf32> to vector<200xf32>
      %broadcast_in_dim3A_478 = vector.shape_cast %reduce_min3A_477 : vector<200xf32> to vector<200x1xf32>
      %eq3A_479 = vector.broadcast %broadcast_in_dim3A_478 : vector<200x1xf32> to vector<200x128xf32>
      %eq3A_480 = arith.cmpf oeq, %select_n3A_475, %eq3A_479 : vector<200x128xf32>
      %jit3A_481 = arith.constant 1.07374182E+9 : f32
      %broadcast_in_dim3A_482 = vector.broadcast %jit3A_481 : f32 to vector<200x128xf32>
      %select_n3A_483 = arith.select %eq3A_480, %select_n3A_476, %broadcast_in_dim3A_482 : vector<200x128xi1>, vector<200x128xf32>
      %reduce_min3A_484 = arith.constant dense<0x7F800000> : vector<200xf32>
      %reduce_min3A_485 = vector.multi_reduction <minimumf>, %select_n3A_483, %reduce_min3A_484 [1] : vector<200x128xf32> to vector<200xf32>
      %broadcast_in_dim3A_486 = vector.shape_cast %reduce_min3A_485 : vector<200xf32> to vector<200x1xf32>
      %lt3A_487 = arith.cmpf olt, %broadcast_in_dim3A_478, %while3A_450 : vector<200x1xf32>
      %eq3A_488 = arith.cmpf oeq, %broadcast_in_dim3A_478, %while3A_450 : vector<200x1xf32>
      %lt3A_489 = arith.cmpf olt, %broadcast_in_dim3A_486, %while3A_451 : vector<200x1xf32>
      %and3A_490 = arith.andi %eq3A_488, %lt3A_489 : vector<200x1xi1>
      %or3A_491 = arith.ori %lt3A_487, %and3A_490 : vector<200x1xi1>
      %select_n3A_492 = arith.select %or3A_491, %broadcast_in_dim3A_478, %while3A_450 : vector<200x1xi1>, vector<200x1xf32>
      %select_n3A_493 = arith.select %or3A_491, %broadcast_in_dim3A_486, %while3A_451 : vector<200x1xi1>, vector<200x1xf32>
      scf.yield %select_n3A_492, %select_n3A_493 : vector<200x1xf32>, vector<200x1xf32>
    }
    %convert_element_type3A_301 = arith.fptosi %while3A_300#1 : vector<200x1xf32> to vector<200x1xi32>
    %jit3A_302 = arith.constant 0 : i32
    %jit3A_303 = arith.constant 9999 : i32
    %max3A_304 = vector.broadcast %jit3A_302 : i32 to vector<200x1xi32>
    %max3A_305 = arith.maxsi %max3A_304, %convert_element_type3A_301 : vector<200x1xi32>
    %min3A_306 = vector.broadcast %jit3A_303 : i32 to vector<200x1xi32>
    %min3A_307 = arith.minsi %min3A_306, %max3A_305 : vector<200x1xi32>
    %le3A_308 = arith.constant 1.000000e+02 : f32
    %le3A_309 = vector.broadcast %le3A_308 : f32 to vector<200x1xf32>
    %le3A_310 = arith.cmpf ole, %while3A_300#0, %le3A_309 : vector<200x1xf32>
    %convert_element_type3A_311 = arith.extui %le3A_310 : vector<200x1xi1> to vector<200x1xi32>
    %convert_element_type3A_312 = arith.sitofp %convert_element_type3A_311 : vector<200x1xi32> to vector<200x1xf32>
    %broadcast_in_dim3A_313 = arith.constant 0x7F800000 : f32
    %broadcast_in_dim3A_314 = vector.broadcast %broadcast_in_dim3A_313 : f32 to vector<200x1xf32>
    %broadcast_in_dim3A_315 = arith.constant 1.07374182E+9 : f32
    %broadcast_in_dim3A_316 = vector.broadcast %broadcast_in_dim3A_315 : f32 to vector<200x1xf32>
    %while3A_317 = arith.subi %get3A_2, %get3A_0 : i32
    %while3A_318 = arith.addi %get3A_0, %while3A_317 : i32
    %while3A_319 = arith.constant 1 : i32
    %while3A_320 = arith.divsi %while3A_317, %while3A_319 : i32
    %while3A_321 = arith.muli %while3A_320, %while3A_319 : i32
    %while3A_322 = arith.addi %get3A_0, %while3A_321 : i32
    %while3A_323 = arith.constant 1 : i32
    %while3A_324:2 = scf.for %while3A_449 = %get3A_0 to %while3A_322 step %while3A_323 iter_args(%while3A_450 = %broadcast_in_dim3A_314, %while3A_451 = %broadcast_in_dim3A_316) -> (vector<200x1xf32>, vector<200x1xf32>)  : i32 {
      %mul3A_452 = arith.constant 256 : i32
      %mul3A_453 = arith.muli %while3A_449, %mul3A_452 : i32
      %get3A_454 = arith.constant 0 : index
      %get3A_455 = arith.index_cast %mul3A_453 : i32 to index
      %get3A_456 = vector.load %arg9[%get3A_454, %get3A_455] : memref<200x10240xf32, #tpu.memory_space<vmem>>, vector<200x256xf32>
      %mul3A_457 = arith.constant 256 : i32
      %mul3A_458 = arith.muli %while3A_449, %mul3A_457 : i32
      %convert_element_type3A_459 = arith.sitofp %mul3A_458 : i32 to f32
      %add3A_460 = vector.broadcast %convert_element_type3A_459 : f32 to vector<200x256xf32>
      %add3A_461 = arith.addf %add3A_460, %convert_element_type3A : vector<200x256xf32>
      %gt3A = vector.broadcast %while3A_300#0 : vector<200x1xf32> to vector<200x256xf32>
      %gt3A_462 = arith.cmpf ogt, %get3A_456, %gt3A : vector<200x256xf32>
      %eq3A = vector.broadcast %while3A_300#0 : vector<200x1xf32> to vector<200x256xf32>
      %eq3A_463 = arith.cmpf oeq, %get3A_456, %eq3A : vector<200x256xf32>
      %gt3A_464 = vector.broadcast %while3A_300#1 : vector<200x1xf32> to vector<200x256xf32>
      %gt3A_465 = arith.cmpf ogt, %add3A_461, %gt3A_464 : vector<200x256xf32>
      %and3A = arith.andi %eq3A_463, %gt3A_465 : vector<200x256xi1>
      %or3A = arith.ori %gt3A_462, %and3A : vector<200x256xi1>
      %jit3A_466 = arith.constant 0x7F800000 : f32
      %broadcast_in_dim3A_467 = vector.broadcast %jit3A_466 : f32 to vector<200x256xf32>
      %select_n3A = arith.select %or3A, %get3A_456, %broadcast_in_dim3A_467 : vector<200x256xi1>, vector<200x256xf32>
      %slice3A = vector.extract_strided_slice %select_n3A {offsets = [0, 0], sizes = [200, 128], strides = [1, 1]} : vector<200x256xf32> to vector<200x128xf32>
      %slice3A_468 = vector.extract_strided_slice %add3A_461 {offsets = [0, 0], sizes = [200, 128], strides = [1, 1]} : vector<200x256xf32> to vector<200x128xf32>
      %slice3A_469 = vector.extract_strided_slice %select_n3A {offsets = [0, 128], sizes = [200, 128], strides = [1, 1]} : vector<200x256xf32> to vector<200x128xf32>
      %slice3A_470 = vector.extract_strided_slice %add3A_461 {offsets = [0, 128], sizes = [200, 128], strides = [1, 1]} : vector<200x256xf32> to vector<200x128xf32>
      %lt3A = arith.cmpf olt, %slice3A_469, %slice3A : vector<200x128xf32>
      %eq3A_471 = arith.cmpf oeq, %slice3A_469, %slice3A : vector<200x128xf32>
      %lt3A_472 = arith.cmpf olt, %slice3A_470, %slice3A_468 : vector<200x128xf32>
      %and3A_473 = arith.andi %eq3A_471, %lt3A_472 : vector<200x128xi1>
      %or3A_474 = arith.ori %lt3A, %and3A_473 : vector<200x128xi1>
      %select_n3A_475 = arith.select %or3A_474, %slice3A_469, %slice3A : vector<200x128xi1>, vector<200x128xf32>
      %select_n3A_476 = arith.select %or3A_474, %slice3A_470, %slice3A_468 : vector<200x128xi1>, vector<200x128xf32>
      %reduce_min3A = arith.constant dense<0x7F800000> : vector<200xf32>
      %reduce_min3A_477 = vector.multi_reduction <minimumf>, %select_n3A_475, %reduce_min3A [1] : vector<200x128xf32> to vector<200xf32>
      %broadcast_in_dim3A_478 = vector.shape_cast %reduce_min3A_477 : vector<200xf32> to vector<200x1xf32>
      %eq3A_479 = vector.broadcast %broadcast_in_dim3A_478 : vector<200x1xf32> to vector<200x128xf32>
      %eq3A_480 = arith.cmpf oeq, %select_n3A_475, %eq3A_479 : vector<200x128xf32>
      %jit3A_481 = arith.constant 1.07374182E+9 : f32
      %broadcast_in_dim3A_482 = vector.broadcast %jit3A_481 : f32 to vector<200x128xf32>
      %select_n3A_483 = arith.select %eq3A_480, %select_n3A_476, %broadcast_in_dim3A_482 : vector<200x128xi1>, vector<200x128xf32>
      %reduce_min3A_484 = arith.constant dense<0x7F800000> : vector<200xf32>
      %reduce_min3A_485 = vector.multi_reduction <minimumf>, %select_n3A_483, %reduce_min3A_484 [1] : vector<200x128xf32> to vector<200xf32>
      %broadcast_in_dim3A_486 = vector.shape_cast %reduce_min3A_485 : vector<200xf32> to vector<200x1xf32>
      %lt3A_487 = arith.cmpf olt, %broadcast_in_dim3A_478, %while3A_450 : vector<200x1xf32>
      %eq3A_488 = arith.cmpf oeq, %broadcast_in_dim3A_478, %while3A_450 : vector<200x1xf32>
      %lt3A_489 = arith.cmpf olt, %broadcast_in_dim3A_486, %while3A_451 : vector<200x1xf32>
      %and3A_490 = arith.andi %eq3A_488, %lt3A_489 : vector<200x1xi1>
      %or3A_491 = arith.ori %lt3A_487, %and3A_490 : vector<200x1xi1>
      %select_n3A_492 = arith.select %or3A_491, %broadcast_in_dim3A_478, %while3A_450 : vector<200x1xi1>, vector<200x1xf32>
      %select_n3A_493 = arith.select %or3A_491, %broadcast_in_dim3A_486, %while3A_451 : vector<200x1xi1>, vector<200x1xf32>
      scf.yield %select_n3A_492, %select_n3A_493 : vector<200x1xf32>, vector<200x1xf32>
    }
    %while3A_325 = arith.constant 1 : i32
    %while3A_326:2 = scf.for %while3A_449 = %while3A_322 to %while3A_318 step %while3A_325 iter_args(%while3A_450 = %while3A_324#0, %while3A_451 = %while3A_324#1) -> (vector<200x1xf32>, vector<200x1xf32>)  : i32 {
      %mul3A_452 = arith.constant 256 : i32
      %mul3A_453 = arith.muli %while3A_449, %mul3A_452 : i32
      %get3A_454 = arith.constant 0 : index
      %get3A_455 = arith.index_cast %mul3A_453 : i32 to index
      %get3A_456 = vector.load %arg9[%get3A_454, %get3A_455] : memref<200x10240xf32, #tpu.memory_space<vmem>>, vector<200x256xf32>
      %mul3A_457 = arith.constant 256 : i32
      %mul3A_458 = arith.muli %while3A_449, %mul3A_457 : i32
      %convert_element_type3A_459 = arith.sitofp %mul3A_458 : i32 to f32
      %add3A_460 = vector.broadcast %convert_element_type3A_459 : f32 to vector<200x256xf32>
      %add3A_461 = arith.addf %add3A_460, %convert_element_type3A : vector<200x256xf32>
      %gt3A = vector.broadcast %while3A_300#0 : vector<200x1xf32> to vector<200x256xf32>
      %gt3A_462 = arith.cmpf ogt, %get3A_456, %gt3A : vector<200x256xf32>
      %eq3A = vector.broadcast %while3A_300#0 : vector<200x1xf32> to vector<200x256xf32>
      %eq3A_463 = arith.cmpf oeq, %get3A_456, %eq3A : vector<200x256xf32>
      %gt3A_464 = vector.broadcast %while3A_300#1 : vector<200x1xf32> to vector<200x256xf32>
      %gt3A_465 = arith.cmpf ogt, %add3A_461, %gt3A_464 : vector<200x256xf32>
      %and3A = arith.andi %eq3A_463, %gt3A_465 : vector<200x256xi1>
      %or3A = arith.ori %gt3A_462, %and3A : vector<200x256xi1>
      %jit3A_466 = arith.constant 0x7F800000 : f32
      %broadcast_in_dim3A_467 = vector.broadcast %jit3A_466 : f32 to vector<200x256xf32>
      %select_n3A = arith.select %or3A, %get3A_456, %broadcast_in_dim3A_467 : vector<200x256xi1>, vector<200x256xf32>
      %slice3A = vector.extract_strided_slice %select_n3A {offsets = [0, 0], sizes = [200, 128], strides = [1, 1]} : vector<200x256xf32> to vector<200x128xf32>
      %slice3A_468 = vector.extract_strided_slice %add3A_461 {offsets = [0, 0], sizes = [200, 128], strides = [1, 1]} : vector<200x256xf32> to vector<200x128xf32>
      %slice3A_469 = vector.extract_strided_slice %select_n3A {offsets = [0, 128], sizes = [200, 128], strides = [1, 1]} : vector<200x256xf32> to vector<200x128xf32>
      %slice3A_470 = vector.extract_strided_slice %add3A_461 {offsets = [0, 128], sizes = [200, 128], strides = [1, 1]} : vector<200x256xf32> to vector<200x128xf32>
      %lt3A = arith.cmpf olt, %slice3A_469, %slice3A : vector<200x128xf32>
      %eq3A_471 = arith.cmpf oeq, %slice3A_469, %slice3A : vector<200x128xf32>
      %lt3A_472 = arith.cmpf olt, %slice3A_470, %slice3A_468 : vector<200x128xf32>
      %and3A_473 = arith.andi %eq3A_471, %lt3A_472 : vector<200x128xi1>
      %or3A_474 = arith.ori %lt3A, %and3A_473 : vector<200x128xi1>
      %select_n3A_475 = arith.select %or3A_474, %slice3A_469, %slice3A : vector<200x128xi1>, vector<200x128xf32>
      %select_n3A_476 = arith.select %or3A_474, %slice3A_470, %slice3A_468 : vector<200x128xi1>, vector<200x128xf32>
      %reduce_min3A = arith.constant dense<0x7F800000> : vector<200xf32>
      %reduce_min3A_477 = vector.multi_reduction <minimumf>, %select_n3A_475, %reduce_min3A [1] : vector<200x128xf32> to vector<200xf32>
      %broadcast_in_dim3A_478 = vector.shape_cast %reduce_min3A_477 : vector<200xf32> to vector<200x1xf32>
      %eq3A_479 = vector.broadcast %broadcast_in_dim3A_478 : vector<200x1xf32> to vector<200x128xf32>
      %eq3A_480 = arith.cmpf oeq, %select_n3A_475, %eq3A_479 : vector<200x128xf32>
      %jit3A_481 = arith.constant 1.07374182E+9 : f32
      %broadcast_in_dim3A_482 = vector.broadcast %jit3A_481 : f32 to vector<200x128xf32>
      %select_n3A_483 = arith.select %eq3A_480, %select_n3A_476, %broadcast_in_dim3A_482 : vector<200x128xi1>, vector<200x128xf32>
      %reduce_min3A_484 = arith.constant dense<0x7F800000> : vector<200xf32>
      %reduce_min3A_485 = vector.multi_reduction <minimumf>, %select_n3A_483, %reduce_min3A_484 [1] : vector<200x128xf32> to vector<200xf32>
      %broadcast_in_dim3A_486 = vector.shape_cast %reduce_min3A_485 : vector<200xf32> to vector<200x1xf32>
      %lt3A_487 = arith.cmpf olt, %broadcast_in_dim3A_478, %while3A_450 : vector<200x1xf32>
      %eq3A_488 = arith.cmpf oeq, %broadcast_in_dim3A_478, %while3A_450 : vector<200x1xf32>
      %lt3A_489 = arith.cmpf olt, %broadcast_in_dim3A_486, %while3A_451 : vector<200x1xf32>
      %and3A_490 = arith.andi %eq3A_488, %lt3A_489 : vector<200x1xi1>
      %or3A_491 = arith.ori %lt3A_487, %and3A_490 : vector<200x1xi1>
      %select_n3A_492 = arith.select %or3A_491, %broadcast_in_dim3A_478, %while3A_450 : vector<200x1xi1>, vector<200x1xf32>
      %select_n3A_493 = arith.select %or3A_491, %broadcast_in_dim3A_486, %while3A_451 : vector<200x1xi1>, vector<200x1xf32>
      scf.yield %select_n3A_492, %select_n3A_493 : vector<200x1xf32>, vector<200x1xf32>
    }
    %convert_element_type3A_327 = arith.fptosi %while3A_326#1 : vector<200x1xf32> to vector<200x1xi32>
    %jit3A_328 = arith.constant 0 : i32
    %jit3A_329 = arith.constant 9999 : i32
    %max3A_330 = vector.broadcast %jit3A_328 : i32 to vector<200x1xi32>
    %max3A_331 = arith.maxsi %max3A_330, %convert_element_type3A_327 : vector<200x1xi32>
    %min3A_332 = vector.broadcast %jit3A_329 : i32 to vector<200x1xi32>
    %min3A_333 = arith.minsi %min3A_332, %max3A_331 : vector<200x1xi32>
    %le3A_334 = arith.constant 1.000000e+02 : f32
    %le3A_335 = vector.broadcast %le3A_334 : f32 to vector<200x1xf32>
    %le3A_336 = arith.cmpf ole, %while3A_326#0, %le3A_335 : vector<200x1xf32>
    %convert_element_type3A_337 = arith.extui %le3A_336 : vector<200x1xi1> to vector<200x1xi32>
    %convert_element_type3A_338 = arith.sitofp %convert_element_type3A_337 : vector<200x1xi32> to vector<200x1xf32>
    %broadcast_in_dim3A_339 = arith.constant 0x7F800000 : f32
    %broadcast_in_dim3A_340 = vector.broadcast %broadcast_in_dim3A_339 : f32 to vector<200x1xf32>
    %broadcast_in_dim3A_341 = arith.constant 1.07374182E+9 : f32
    %broadcast_in_dim3A_342 = vector.broadcast %broadcast_in_dim3A_341 : f32 to vector<200x1xf32>
    %while3A_343 = arith.subi %get3A_2, %get3A_0 : i32
    %while3A_344 = arith.addi %get3A_0, %while3A_343 : i32
    %while3A_345 = arith.constant 1 : i32
    %while3A_346 = arith.divsi %while3A_343, %while3A_345 : i32
    %while3A_347 = arith.muli %while3A_346, %while3A_345 : i32
    %while3A_348 = arith.addi %get3A_0, %while3A_347 : i32
    %while3A_349 = arith.constant 1 : i32
    %while3A_350:2 = scf.for %while3A_449 = %get3A_0 to %while3A_348 step %while3A_349 iter_args(%while3A_450 = %broadcast_in_dim3A_340, %while3A_451 = %broadcast_in_dim3A_342) -> (vector<200x1xf32>, vector<200x1xf32>)  : i32 {
      %mul3A_452 = arith.constant 256 : i32
      %mul3A_453 = arith.muli %while3A_449, %mul3A_452 : i32
      %get3A_454 = arith.constant 0 : index
      %get3A_455 = arith.index_cast %mul3A_453 : i32 to index
      %get3A_456 = vector.load %arg9[%get3A_454, %get3A_455] : memref<200x10240xf32, #tpu.memory_space<vmem>>, vector<200x256xf32>
      %mul3A_457 = arith.constant 256 : i32
      %mul3A_458 = arith.muli %while3A_449, %mul3A_457 : i32
      %convert_element_type3A_459 = arith.sitofp %mul3A_458 : i32 to f32
      %add3A_460 = vector.broadcast %convert_element_type3A_459 : f32 to vector<200x256xf32>
      %add3A_461 = arith.addf %add3A_460, %convert_element_type3A : vector<200x256xf32>
      %gt3A = vector.broadcast %while3A_326#0 : vector<200x1xf32> to vector<200x256xf32>
      %gt3A_462 = arith.cmpf ogt, %get3A_456, %gt3A : vector<200x256xf32>
      %eq3A = vector.broadcast %while3A_326#0 : vector<200x1xf32> to vector<200x256xf32>
      %eq3A_463 = arith.cmpf oeq, %get3A_456, %eq3A : vector<200x256xf32>
      %gt3A_464 = vector.broadcast %while3A_326#1 : vector<200x1xf32> to vector<200x256xf32>
      %gt3A_465 = arith.cmpf ogt, %add3A_461, %gt3A_464 : vector<200x256xf32>
      %and3A = arith.andi %eq3A_463, %gt3A_465 : vector<200x256xi1>
      %or3A = arith.ori %gt3A_462, %and3A : vector<200x256xi1>
      %jit3A_466 = arith.constant 0x7F800000 : f32
      %broadcast_in_dim3A_467 = vector.broadcast %jit3A_466 : f32 to vector<200x256xf32>
      %select_n3A = arith.select %or3A, %get3A_456, %broadcast_in_dim3A_467 : vector<200x256xi1>, vector<200x256xf32>
      %slice3A = vector.extract_strided_slice %select_n3A {offsets = [0, 0], sizes = [200, 128], strides = [1, 1]} : vector<200x256xf32> to vector<200x128xf32>
      %slice3A_468 = vector.extract_strided_slice %add3A_461 {offsets = [0, 0], sizes = [200, 128], strides = [1, 1]} : vector<200x256xf32> to vector<200x128xf32>
      %slice3A_469 = vector.extract_strided_slice %select_n3A {offsets = [0, 128], sizes = [200, 128], strides = [1, 1]} : vector<200x256xf32> to vector<200x128xf32>
      %slice3A_470 = vector.extract_strided_slice %add3A_461 {offsets = [0, 128], sizes = [200, 128], strides = [1, 1]} : vector<200x256xf32> to vector<200x128xf32>
      %lt3A = arith.cmpf olt, %slice3A_469, %slice3A : vector<200x128xf32>
      %eq3A_471 = arith.cmpf oeq, %slice3A_469, %slice3A : vector<200x128xf32>
      %lt3A_472 = arith.cmpf olt, %slice3A_470, %slice3A_468 : vector<200x128xf32>
      %and3A_473 = arith.andi %eq3A_471, %lt3A_472 : vector<200x128xi1>
      %or3A_474 = arith.ori %lt3A, %and3A_473 : vector<200x128xi1>
      %select_n3A_475 = arith.select %or3A_474, %slice3A_469, %slice3A : vector<200x128xi1>, vector<200x128xf32>
      %select_n3A_476 = arith.select %or3A_474, %slice3A_470, %slice3A_468 : vector<200x128xi1>, vector<200x128xf32>
      %reduce_min3A = arith.constant dense<0x7F800000> : vector<200xf32>
      %reduce_min3A_477 = vector.multi_reduction <minimumf>, %select_n3A_475, %reduce_min3A [1] : vector<200x128xf32> to vector<200xf32>
      %broadcast_in_dim3A_478 = vector.shape_cast %reduce_min3A_477 : vector<200xf32> to vector<200x1xf32>
      %eq3A_479 = vector.broadcast %broadcast_in_dim3A_478 : vector<200x1xf32> to vector<200x128xf32>
      %eq3A_480 = arith.cmpf oeq, %select_n3A_475, %eq3A_479 : vector<200x128xf32>
      %jit3A_481 = arith.constant 1.07374182E+9 : f32
      %broadcast_in_dim3A_482 = vector.broadcast %jit3A_481 : f32 to vector<200x128xf32>
      %select_n3A_483 = arith.select %eq3A_480, %select_n3A_476, %broadcast_in_dim3A_482 : vector<200x128xi1>, vector<200x128xf32>
      %reduce_min3A_484 = arith.constant dense<0x7F800000> : vector<200xf32>
      %reduce_min3A_485 = vector.multi_reduction <minimumf>, %select_n3A_483, %reduce_min3A_484 [1] : vector<200x128xf32> to vector<200xf32>
      %broadcast_in_dim3A_486 = vector.shape_cast %reduce_min3A_485 : vector<200xf32> to vector<200x1xf32>
      %lt3A_487 = arith.cmpf olt, %broadcast_in_dim3A_478, %while3A_450 : vector<200x1xf32>
      %eq3A_488 = arith.cmpf oeq, %broadcast_in_dim3A_478, %while3A_450 : vector<200x1xf32>
      %lt3A_489 = arith.cmpf olt, %broadcast_in_dim3A_486, %while3A_451 : vector<200x1xf32>
      %and3A_490 = arith.andi %eq3A_488, %lt3A_489 : vector<200x1xi1>
      %or3A_491 = arith.ori %lt3A_487, %and3A_490 : vector<200x1xi1>
      %select_n3A_492 = arith.select %or3A_491, %broadcast_in_dim3A_478, %while3A_450 : vector<200x1xi1>, vector<200x1xf32>
      %select_n3A_493 = arith.select %or3A_491, %broadcast_in_dim3A_486, %while3A_451 : vector<200x1xi1>, vector<200x1xf32>
      scf.yield %select_n3A_492, %select_n3A_493 : vector<200x1xf32>, vector<200x1xf32>
    }
    %while3A_351 = arith.constant 1 : i32
    %while3A_352:2 = scf.for %while3A_449 = %while3A_348 to %while3A_344 step %while3A_351 iter_args(%while3A_450 = %while3A_350#0, %while3A_451 = %while3A_350#1) -> (vector<200x1xf32>, vector<200x1xf32>)  : i32 {
      %mul3A_452 = arith.constant 256 : i32
      %mul3A_453 = arith.muli %while3A_449, %mul3A_452 : i32
      %get3A_454 = arith.constant 0 : index
      %get3A_455 = arith.index_cast %mul3A_453 : i32 to index
      %get3A_456 = vector.load %arg9[%get3A_454, %get3A_455] : memref<200x10240xf32, #tpu.memory_space<vmem>>, vector<200x256xf32>
      %mul3A_457 = arith.constant 256 : i32
      %mul3A_458 = arith.muli %while3A_449, %mul3A_457 : i32
      %convert_element_type3A_459 = arith.sitofp %mul3A_458 : i32 to f32
      %add3A_460 = vector.broadcast %convert_element_type3A_459 : f32 to vector<200x256xf32>
      %add3A_461 = arith.addf %add3A_460, %convert_element_type3A : vector<200x256xf32>
      %gt3A = vector.broadcast %while3A_326#0 : vector<200x1xf32> to vector<200x256xf32>
      %gt3A_462 = arith.cmpf ogt, %get3A_456, %gt3A : vector<200x256xf32>
      %eq3A = vector.broadcast %while3A_326#0 : vector<200x1xf32> to vector<200x256xf32>
      %eq3A_463 = arith.cmpf oeq, %get3A_456, %eq3A : vector<200x256xf32>
      %gt3A_464 = vector.broadcast %while3A_326#1 : vector<200x1xf32> to vector<200x256xf32>
      %gt3A_465 = arith.cmpf ogt, %add3A_461, %gt3A_464 : vector<200x256xf32>
      %and3A = arith.andi %eq3A_463, %gt3A_465 : vector<200x256xi1>
      %or3A = arith.ori %gt3A_462, %and3A : vector<200x256xi1>
      %jit3A_466 = arith.constant 0x7F800000 : f32
      %broadcast_in_dim3A_467 = vector.broadcast %jit3A_466 : f32 to vector<200x256xf32>
      %select_n3A = arith.select %or3A, %get3A_456, %broadcast_in_dim3A_467 : vector<200x256xi1>, vector<200x256xf32>
      %slice3A = vector.extract_strided_slice %select_n3A {offsets = [0, 0], sizes = [200, 128], strides = [1, 1]} : vector<200x256xf32> to vector<200x128xf32>
      %slice3A_468 = vector.extract_strided_slice %add3A_461 {offsets = [0, 0], sizes = [200, 128], strides = [1, 1]} : vector<200x256xf32> to vector<200x128xf32>
      %slice3A_469 = vector.extract_strided_slice %select_n3A {offsets = [0, 128], sizes = [200, 128], strides = [1, 1]} : vector<200x256xf32> to vector<200x128xf32>
      %slice3A_470 = vector.extract_strided_slice %add3A_461 {offsets = [0, 128], sizes = [200, 128], strides = [1, 1]} : vector<200x256xf32> to vector<200x128xf32>
      %lt3A = arith.cmpf olt, %slice3A_469, %slice3A : vector<200x128xf32>
      %eq3A_471 = arith.cmpf oeq, %slice3A_469, %slice3A : vector<200x128xf32>
      %lt3A_472 = arith.cmpf olt, %slice3A_470, %slice3A_468 : vector<200x128xf32>
      %and3A_473 = arith.andi %eq3A_471, %lt3A_472 : vector<200x128xi1>
      %or3A_474 = arith.ori %lt3A, %and3A_473 : vector<200x128xi1>
      %select_n3A_475 = arith.select %or3A_474, %slice3A_469, %slice3A : vector<200x128xi1>, vector<200x128xf32>
      %select_n3A_476 = arith.select %or3A_474, %slice3A_470, %slice3A_468 : vector<200x128xi1>, vector<200x128xf32>
      %reduce_min3A = arith.constant dense<0x7F800000> : vector<200xf32>
      %reduce_min3A_477 = vector.multi_reduction <minimumf>, %select_n3A_475, %reduce_min3A [1] : vector<200x128xf32> to vector<200xf32>
      %broadcast_in_dim3A_478 = vector.shape_cast %reduce_min3A_477 : vector<200xf32> to vector<200x1xf32>
      %eq3A_479 = vector.broadcast %broadcast_in_dim3A_478 : vector<200x1xf32> to vector<200x128xf32>
      %eq3A_480 = arith.cmpf oeq, %select_n3A_475, %eq3A_479 : vector<200x128xf32>
      %jit3A_481 = arith.constant 1.07374182E+9 : f32
      %broadcast_in_dim3A_482 = vector.broadcast %jit3A_481 : f32 to vector<200x128xf32>
      %select_n3A_483 = arith.select %eq3A_480, %select_n3A_476, %broadcast_in_dim3A_482 : vector<200x128xi1>, vector<200x128xf32>
      %reduce_min3A_484 = arith.constant dense<0x7F800000> : vector<200xf32>
      %reduce_min3A_485 = vector.multi_reduction <minimumf>, %select_n3A_483, %reduce_min3A_484 [1] : vector<200x128xf32> to vector<200xf32>
      %broadcast_in_dim3A_486 = vector.shape_cast %reduce_min3A_485 : vector<200xf32> to vector<200x1xf32>
      %lt3A_487 = arith.cmpf olt, %broadcast_in_dim3A_478, %while3A_450 : vector<200x1xf32>
      %eq3A_488 = arith.cmpf oeq, %broadcast_in_dim3A_478, %while3A_450 : vector<200x1xf32>
      %lt3A_489 = arith.cmpf olt, %broadcast_in_dim3A_486, %while3A_451 : vector<200x1xf32>
      %and3A_490 = arith.andi %eq3A_488, %lt3A_489 : vector<200x1xi1>
      %or3A_491 = arith.ori %lt3A_487, %and3A_490 : vector<200x1xi1>
      %select_n3A_492 = arith.select %or3A_491, %broadcast_in_dim3A_478, %while3A_450 : vector<200x1xi1>, vector<200x1xf32>
      %select_n3A_493 = arith.select %or3A_491, %broadcast_in_dim3A_486, %while3A_451 : vector<200x1xi1>, vector<200x1xf32>
      scf.yield %select_n3A_492, %select_n3A_493 : vector<200x1xf32>, vector<200x1xf32>
    }
    %convert_element_type3A_353 = arith.fptosi %while3A_352#1 : vector<200x1xf32> to vector<200x1xi32>
    %jit3A_354 = arith.constant 0 : i32
    %jit3A_355 = arith.constant 9999 : i32
    %max3A_356 = vector.broadcast %jit3A_354 : i32 to vector<200x1xi32>
    %max3A_357 = arith.maxsi %max3A_356, %convert_element_type3A_353 : vector<200x1xi32>
    %min3A_358 = vector.broadcast %jit3A_355 : i32 to vector<200x1xi32>
    %min3A_359 = arith.minsi %min3A_358, %max3A_357 : vector<200x1xi32>
    %le3A_360 = arith.constant 1.000000e+02 : f32
    %le3A_361 = vector.broadcast %le3A_360 : f32 to vector<200x1xf32>
    %le3A_362 = arith.cmpf ole, %while3A_352#0, %le3A_361 : vector<200x1xf32>
    %convert_element_type3A_363 = arith.extui %le3A_362 : vector<200x1xi1> to vector<200x1xi32>
    %convert_element_type3A_364 = arith.sitofp %convert_element_type3A_363 : vector<200x1xi32> to vector<200x1xf32>
    %broadcast_in_dim3A_365 = arith.constant 0x7F800000 : f32
    %broadcast_in_dim3A_366 = vector.broadcast %broadcast_in_dim3A_365 : f32 to vector<200x1xf32>
    %broadcast_in_dim3A_367 = arith.constant 1.07374182E+9 : f32
    %broadcast_in_dim3A_368 = vector.broadcast %broadcast_in_dim3A_367 : f32 to vector<200x1xf32>
    %while3A_369 = arith.subi %get3A_2, %get3A_0 : i32
    %while3A_370 = arith.addi %get3A_0, %while3A_369 : i32
    %while3A_371 = arith.constant 1 : i32
    %while3A_372 = arith.divsi %while3A_369, %while3A_371 : i32
    %while3A_373 = arith.muli %while3A_372, %while3A_371 : i32
    %while3A_374 = arith.addi %get3A_0, %while3A_373 : i32
    %while3A_375 = arith.constant 1 : i32
    %while3A_376:2 = scf.for %while3A_449 = %get3A_0 to %while3A_374 step %while3A_375 iter_args(%while3A_450 = %broadcast_in_dim3A_366, %while3A_451 = %broadcast_in_dim3A_368) -> (vector<200x1xf32>, vector<200x1xf32>)  : i32 {
      %mul3A_452 = arith.constant 256 : i32
      %mul3A_453 = arith.muli %while3A_449, %mul3A_452 : i32
      %get3A_454 = arith.constant 0 : index
      %get3A_455 = arith.index_cast %mul3A_453 : i32 to index
      %get3A_456 = vector.load %arg9[%get3A_454, %get3A_455] : memref<200x10240xf32, #tpu.memory_space<vmem>>, vector<200x256xf32>
      %mul3A_457 = arith.constant 256 : i32
      %mul3A_458 = arith.muli %while3A_449, %mul3A_457 : i32
      %convert_element_type3A_459 = arith.sitofp %mul3A_458 : i32 to f32
      %add3A_460 = vector.broadcast %convert_element_type3A_459 : f32 to vector<200x256xf32>
      %add3A_461 = arith.addf %add3A_460, %convert_element_type3A : vector<200x256xf32>
      %gt3A = vector.broadcast %while3A_352#0 : vector<200x1xf32> to vector<200x256xf32>
      %gt3A_462 = arith.cmpf ogt, %get3A_456, %gt3A : vector<200x256xf32>
      %eq3A = vector.broadcast %while3A_352#0 : vector<200x1xf32> to vector<200x256xf32>
      %eq3A_463 = arith.cmpf oeq, %get3A_456, %eq3A : vector<200x256xf32>
      %gt3A_464 = vector.broadcast %while3A_352#1 : vector<200x1xf32> to vector<200x256xf32>
      %gt3A_465 = arith.cmpf ogt, %add3A_461, %gt3A_464 : vector<200x256xf32>
      %and3A = arith.andi %eq3A_463, %gt3A_465 : vector<200x256xi1>
      %or3A = arith.ori %gt3A_462, %and3A : vector<200x256xi1>
      %jit3A_466 = arith.constant 0x7F800000 : f32
      %broadcast_in_dim3A_467 = vector.broadcast %jit3A_466 : f32 to vector<200x256xf32>
      %select_n3A = arith.select %or3A, %get3A_456, %broadcast_in_dim3A_467 : vector<200x256xi1>, vector<200x256xf32>
      %slice3A = vector.extract_strided_slice %select_n3A {offsets = [0, 0], sizes = [200, 128], strides = [1, 1]} : vector<200x256xf32> to vector<200x128xf32>
      %slice3A_468 = vector.extract_strided_slice %add3A_461 {offsets = [0, 0], sizes = [200, 128], strides = [1, 1]} : vector<200x256xf32> to vector<200x128xf32>
      %slice3A_469 = vector.extract_strided_slice %select_n3A {offsets = [0, 128], sizes = [200, 128], strides = [1, 1]} : vector<200x256xf32> to vector<200x128xf32>
      %slice3A_470 = vector.extract_strided_slice %add3A_461 {offsets = [0, 128], sizes = [200, 128], strides = [1, 1]} : vector<200x256xf32> to vector<200x128xf32>
      %lt3A = arith.cmpf olt, %slice3A_469, %slice3A : vector<200x128xf32>
      %eq3A_471 = arith.cmpf oeq, %slice3A_469, %slice3A : vector<200x128xf32>
      %lt3A_472 = arith.cmpf olt, %slice3A_470, %slice3A_468 : vector<200x128xf32>
      %and3A_473 = arith.andi %eq3A_471, %lt3A_472 : vector<200x128xi1>
      %or3A_474 = arith.ori %lt3A, %and3A_473 : vector<200x128xi1>
      %select_n3A_475 = arith.select %or3A_474, %slice3A_469, %slice3A : vector<200x128xi1>, vector<200x128xf32>
      %select_n3A_476 = arith.select %or3A_474, %slice3A_470, %slice3A_468 : vector<200x128xi1>, vector<200x128xf32>
      %reduce_min3A = arith.constant dense<0x7F800000> : vector<200xf32>
      %reduce_min3A_477 = vector.multi_reduction <minimumf>, %select_n3A_475, %reduce_min3A [1] : vector<200x128xf32> to vector<200xf32>
      %broadcast_in_dim3A_478 = vector.shape_cast %reduce_min3A_477 : vector<200xf32> to vector<200x1xf32>
      %eq3A_479 = vector.broadcast %broadcast_in_dim3A_478 : vector<200x1xf32> to vector<200x128xf32>
      %eq3A_480 = arith.cmpf oeq, %select_n3A_475, %eq3A_479 : vector<200x128xf32>
      %jit3A_481 = arith.constant 1.07374182E+9 : f32
      %broadcast_in_dim3A_482 = vector.broadcast %jit3A_481 : f32 to vector<200x128xf32>
      %select_n3A_483 = arith.select %eq3A_480, %select_n3A_476, %broadcast_in_dim3A_482 : vector<200x128xi1>, vector<200x128xf32>
      %reduce_min3A_484 = arith.constant dense<0x7F800000> : vector<200xf32>
      %reduce_min3A_485 = vector.multi_reduction <minimumf>, %select_n3A_483, %reduce_min3A_484 [1] : vector<200x128xf32> to vector<200xf32>
      %broadcast_in_dim3A_486 = vector.shape_cast %reduce_min3A_485 : vector<200xf32> to vector<200x1xf32>
      %lt3A_487 = arith.cmpf olt, %broadcast_in_dim3A_478, %while3A_450 : vector<200x1xf32>
      %eq3A_488 = arith.cmpf oeq, %broadcast_in_dim3A_478, %while3A_450 : vector<200x1xf32>
      %lt3A_489 = arith.cmpf olt, %broadcast_in_dim3A_486, %while3A_451 : vector<200x1xf32>
      %and3A_490 = arith.andi %eq3A_488, %lt3A_489 : vector<200x1xi1>
      %or3A_491 = arith.ori %lt3A_487, %and3A_490 : vector<200x1xi1>
      %select_n3A_492 = arith.select %or3A_491, %broadcast_in_dim3A_478, %while3A_450 : vector<200x1xi1>, vector<200x1xf32>
      %select_n3A_493 = arith.select %or3A_491, %broadcast_in_dim3A_486, %while3A_451 : vector<200x1xi1>, vector<200x1xf32>
      scf.yield %select_n3A_492, %select_n3A_493 : vector<200x1xf32>, vector<200x1xf32>
    }
    %while3A_377 = arith.constant 1 : i32
    %while3A_378:2 = scf.for %while3A_449 = %while3A_374 to %while3A_370 step %while3A_377 iter_args(%while3A_450 = %while3A_376#0, %while3A_451 = %while3A_376#1) -> (vector<200x1xf32>, vector<200x1xf32>)  : i32 {
      %mul3A_452 = arith.constant 256 : i32
      %mul3A_453 = arith.muli %while3A_449, %mul3A_452 : i32
      %get3A_454 = arith.constant 0 : index
      %get3A_455 = arith.index_cast %mul3A_453 : i32 to index
      %get3A_456 = vector.load %arg9[%get3A_454, %get3A_455] : memref<200x10240xf32, #tpu.memory_space<vmem>>, vector<200x256xf32>
      %mul3A_457 = arith.constant 256 : i32
      %mul3A_458 = arith.muli %while3A_449, %mul3A_457 : i32
      %convert_element_type3A_459 = arith.sitofp %mul3A_458 : i32 to f32
      %add3A_460 = vector.broadcast %convert_element_type3A_459 : f32 to vector<200x256xf32>
      %add3A_461 = arith.addf %add3A_460, %convert_element_type3A : vector<200x256xf32>
      %gt3A = vector.broadcast %while3A_352#0 : vector<200x1xf32> to vector<200x256xf32>
      %gt3A_462 = arith.cmpf ogt, %get3A_456, %gt3A : vector<200x256xf32>
      %eq3A = vector.broadcast %while3A_352#0 : vector<200x1xf32> to vector<200x256xf32>
      %eq3A_463 = arith.cmpf oeq, %get3A_456, %eq3A : vector<200x256xf32>
      %gt3A_464 = vector.broadcast %while3A_352#1 : vector<200x1xf32> to vector<200x256xf32>
      %gt3A_465 = arith.cmpf ogt, %add3A_461, %gt3A_464 : vector<200x256xf32>
      %and3A = arith.andi %eq3A_463, %gt3A_465 : vector<200x256xi1>
      %or3A = arith.ori %gt3A_462, %and3A : vector<200x256xi1>
      %jit3A_466 = arith.constant 0x7F800000 : f32
      %broadcast_in_dim3A_467 = vector.broadcast %jit3A_466 : f32 to vector<200x256xf32>
      %select_n3A = arith.select %or3A, %get3A_456, %broadcast_in_dim3A_467 : vector<200x256xi1>, vector<200x256xf32>
      %slice3A = vector.extract_strided_slice %select_n3A {offsets = [0, 0], sizes = [200, 128], strides = [1, 1]} : vector<200x256xf32> to vector<200x128xf32>
      %slice3A_468 = vector.extract_strided_slice %add3A_461 {offsets = [0, 0], sizes = [200, 128], strides = [1, 1]} : vector<200x256xf32> to vector<200x128xf32>
      %slice3A_469 = vector.extract_strided_slice %select_n3A {offsets = [0, 128], sizes = [200, 128], strides = [1, 1]} : vector<200x256xf32> to vector<200x128xf32>
      %slice3A_470 = vector.extract_strided_slice %add3A_461 {offsets = [0, 128], sizes = [200, 128], strides = [1, 1]} : vector<200x256xf32> to vector<200x128xf32>
      %lt3A = arith.cmpf olt, %slice3A_469, %slice3A : vector<200x128xf32>
      %eq3A_471 = arith.cmpf oeq, %slice3A_469, %slice3A : vector<200x128xf32>
      %lt3A_472 = arith.cmpf olt, %slice3A_470, %slice3A_468 : vector<200x128xf32>
      %and3A_473 = arith.andi %eq3A_471, %lt3A_472 : vector<200x128xi1>
      %or3A_474 = arith.ori %lt3A, %and3A_473 : vector<200x128xi1>
      %select_n3A_475 = arith.select %or3A_474, %slice3A_469, %slice3A : vector<200x128xi1>, vector<200x128xf32>
      %select_n3A_476 = arith.select %or3A_474, %slice3A_470, %slice3A_468 : vector<200x128xi1>, vector<200x128xf32>
      %reduce_min3A = arith.constant dense<0x7F800000> : vector<200xf32>
      %reduce_min3A_477 = vector.multi_reduction <minimumf>, %select_n3A_475, %reduce_min3A [1] : vector<200x128xf32> to vector<200xf32>
      %broadcast_in_dim3A_478 = vector.shape_cast %reduce_min3A_477 : vector<200xf32> to vector<200x1xf32>
      %eq3A_479 = vector.broadcast %broadcast_in_dim3A_478 : vector<200x1xf32> to vector<200x128xf32>
      %eq3A_480 = arith.cmpf oeq, %select_n3A_475, %eq3A_479 : vector<200x128xf32>
      %jit3A_481 = arith.constant 1.07374182E+9 : f32
      %broadcast_in_dim3A_482 = vector.broadcast %jit3A_481 : f32 to vector<200x128xf32>
      %select_n3A_483 = arith.select %eq3A_480, %select_n3A_476, %broadcast_in_dim3A_482 : vector<200x128xi1>, vector<200x128xf32>
      %reduce_min3A_484 = arith.constant dense<0x7F800000> : vector<200xf32>
      %reduce_min3A_485 = vector.multi_reduction <minimumf>, %select_n3A_483, %reduce_min3A_484 [1] : vector<200x128xf32> to vector<200xf32>
      %broadcast_in_dim3A_486 = vector.shape_cast %reduce_min3A_485 : vector<200xf32> to vector<200x1xf32>
      %lt3A_487 = arith.cmpf olt, %broadcast_in_dim3A_478, %while3A_450 : vector<200x1xf32>
      %eq3A_488 = arith.cmpf oeq, %broadcast_in_dim3A_478, %while3A_450 : vector<200x1xf32>
      %lt3A_489 = arith.cmpf olt, %broadcast_in_dim3A_486, %while3A_451 : vector<200x1xf32>
      %and3A_490 = arith.andi %eq3A_488, %lt3A_489 : vector<200x1xi1>
      %or3A_491 = arith.ori %lt3A_487, %and3A_490 : vector<200x1xi1>
      %select_n3A_492 = arith.select %or3A_491, %broadcast_in_dim3A_478, %while3A_450 : vector<200x1xi1>, vector<200x1xf32>
      %select_n3A_493 = arith.select %or3A_491, %broadcast_in_dim3A_486, %while3A_451 : vector<200x1xi1>, vector<200x1xf32>
      scf.yield %select_n3A_492, %select_n3A_493 : vector<200x1xf32>, vector<200x1xf32>
    }
    %convert_element_type3A_379 = arith.fptosi %while3A_378#1 : vector<200x1xf32> to vector<200x1xi32>
    %jit3A_380 = arith.constant 0 : i32
    %jit3A_381 = arith.constant 9999 : i32
    %max3A_382 = vector.broadcast %jit3A_380 : i32 to vector<200x1xi32>
    %max3A_383 = arith.maxsi %max3A_382, %convert_element_type3A_379 : vector<200x1xi32>
    %min3A_384 = vector.broadcast %jit3A_381 : i32 to vector<200x1xi32>
    %min3A_385 = arith.minsi %min3A_384, %max3A_383 : vector<200x1xi32>
    %le3A_386 = arith.constant 1.000000e+02 : f32
    %le3A_387 = vector.broadcast %le3A_386 : f32 to vector<200x1xf32>
    %le3A_388 = arith.cmpf ole, %while3A_378#0, %le3A_387 : vector<200x1xf32>
    %convert_element_type3A_389 = arith.extui %le3A_388 : vector<200x1xi1> to vector<200x1xi32>
    %convert_element_type3A_390 = arith.sitofp %convert_element_type3A_389 : vector<200x1xi32> to vector<200x1xf32>
    %broadcast_in_dim3A_391 = arith.constant 0x7F800000 : f32
    %broadcast_in_dim3A_392 = vector.broadcast %broadcast_in_dim3A_391 : f32 to vector<200x1xf32>
    %broadcast_in_dim3A_393 = arith.constant 1.07374182E+9 : f32
    %broadcast_in_dim3A_394 = vector.broadcast %broadcast_in_dim3A_393 : f32 to vector<200x1xf32>
    %while3A_395 = arith.subi %get3A_2, %get3A_0 : i32
    %while3A_396 = arith.addi %get3A_0, %while3A_395 : i32
    %while3A_397 = arith.constant 1 : i32
    %while3A_398 = arith.divsi %while3A_395, %while3A_397 : i32
    %while3A_399 = arith.muli %while3A_398, %while3A_397 : i32
    %while3A_400 = arith.addi %get3A_0, %while3A_399 : i32
    %while3A_401 = arith.constant 1 : i32
    %while3A_402:2 = scf.for %while3A_449 = %get3A_0 to %while3A_400 step %while3A_401 iter_args(%while3A_450 = %broadcast_in_dim3A_392, %while3A_451 = %broadcast_in_dim3A_394) -> (vector<200x1xf32>, vector<200x1xf32>)  : i32 {
      %mul3A_452 = arith.constant 256 : i32
      %mul3A_453 = arith.muli %while3A_449, %mul3A_452 : i32
      %get3A_454 = arith.constant 0 : index
      %get3A_455 = arith.index_cast %mul3A_453 : i32 to index
      %get3A_456 = vector.load %arg9[%get3A_454, %get3A_455] : memref<200x10240xf32, #tpu.memory_space<vmem>>, vector<200x256xf32>
      %mul3A_457 = arith.constant 256 : i32
      %mul3A_458 = arith.muli %while3A_449, %mul3A_457 : i32
      %convert_element_type3A_459 = arith.sitofp %mul3A_458 : i32 to f32
      %add3A_460 = vector.broadcast %convert_element_type3A_459 : f32 to vector<200x256xf32>
      %add3A_461 = arith.addf %add3A_460, %convert_element_type3A : vector<200x256xf32>
      %gt3A = vector.broadcast %while3A_378#0 : vector<200x1xf32> to vector<200x256xf32>
      %gt3A_462 = arith.cmpf ogt, %get3A_456, %gt3A : vector<200x256xf32>
      %eq3A = vector.broadcast %while3A_378#0 : vector<200x1xf32> to vector<200x256xf32>
      %eq3A_463 = arith.cmpf oeq, %get3A_456, %eq3A : vector<200x256xf32>
      %gt3A_464 = vector.broadcast %while3A_378#1 : vector<200x1xf32> to vector<200x256xf32>
      %gt3A_465 = arith.cmpf ogt, %add3A_461, %gt3A_464 : vector<200x256xf32>
      %and3A = arith.andi %eq3A_463, %gt3A_465 : vector<200x256xi1>
      %or3A = arith.ori %gt3A_462, %and3A : vector<200x256xi1>
      %jit3A_466 = arith.constant 0x7F800000 : f32
      %broadcast_in_dim3A_467 = vector.broadcast %jit3A_466 : f32 to vector<200x256xf32>
      %select_n3A = arith.select %or3A, %get3A_456, %broadcast_in_dim3A_467 : vector<200x256xi1>, vector<200x256xf32>
      %slice3A = vector.extract_strided_slice %select_n3A {offsets = [0, 0], sizes = [200, 128], strides = [1, 1]} : vector<200x256xf32> to vector<200x128xf32>
      %slice3A_468 = vector.extract_strided_slice %add3A_461 {offsets = [0, 0], sizes = [200, 128], strides = [1, 1]} : vector<200x256xf32> to vector<200x128xf32>
      %slice3A_469 = vector.extract_strided_slice %select_n3A {offsets = [0, 128], sizes = [200, 128], strides = [1, 1]} : vector<200x256xf32> to vector<200x128xf32>
      %slice3A_470 = vector.extract_strided_slice %add3A_461 {offsets = [0, 128], sizes = [200, 128], strides = [1, 1]} : vector<200x256xf32> to vector<200x128xf32>
      %lt3A = arith.cmpf olt, %slice3A_469, %slice3A : vector<200x128xf32>
      %eq3A_471 = arith.cmpf oeq, %slice3A_469, %slice3A : vector<200x128xf32>
      %lt3A_472 = arith.cmpf olt, %slice3A_470, %slice3A_468 : vector<200x128xf32>
      %and3A_473 = arith.andi %eq3A_471, %lt3A_472 : vector<200x128xi1>
      %or3A_474 = arith.ori %lt3A, %and3A_473 : vector<200x128xi1>
      %select_n3A_475 = arith.select %or3A_474, %slice3A_469, %slice3A : vector<200x128xi1>, vector<200x128xf32>
      %select_n3A_476 = arith.select %or3A_474, %slice3A_470, %slice3A_468 : vector<200x128xi1>, vector<200x128xf32>
      %reduce_min3A = arith.constant dense<0x7F800000> : vector<200xf32>
      %reduce_min3A_477 = vector.multi_reduction <minimumf>, %select_n3A_475, %reduce_min3A [1] : vector<200x128xf32> to vector<200xf32>
      %broadcast_in_dim3A_478 = vector.shape_cast %reduce_min3A_477 : vector<200xf32> to vector<200x1xf32>
      %eq3A_479 = vector.broadcast %broadcast_in_dim3A_478 : vector<200x1xf32> to vector<200x128xf32>
      %eq3A_480 = arith.cmpf oeq, %select_n3A_475, %eq3A_479 : vector<200x128xf32>
      %jit3A_481 = arith.constant 1.07374182E+9 : f32
      %broadcast_in_dim3A_482 = vector.broadcast %jit3A_481 : f32 to vector<200x128xf32>
      %select_n3A_483 = arith.select %eq3A_480, %select_n3A_476, %broadcast_in_dim3A_482 : vector<200x128xi1>, vector<200x128xf32>
      %reduce_min3A_484 = arith.constant dense<0x7F800000> : vector<200xf32>
      %reduce_min3A_485 = vector.multi_reduction <minimumf>, %select_n3A_483, %reduce_min3A_484 [1] : vector<200x128xf32> to vector<200xf32>
      %broadcast_in_dim3A_486 = vector.shape_cast %reduce_min3A_485 : vector<200xf32> to vector<200x1xf32>
      %lt3A_487 = arith.cmpf olt, %broadcast_in_dim3A_478, %while3A_450 : vector<200x1xf32>
      %eq3A_488 = arith.cmpf oeq, %broadcast_in_dim3A_478, %while3A_450 : vector<200x1xf32>
      %lt3A_489 = arith.cmpf olt, %broadcast_in_dim3A_486, %while3A_451 : vector<200x1xf32>
      %and3A_490 = arith.andi %eq3A_488, %lt3A_489 : vector<200x1xi1>
      %or3A_491 = arith.ori %lt3A_487, %and3A_490 : vector<200x1xi1>
      %select_n3A_492 = arith.select %or3A_491, %broadcast_in_dim3A_478, %while3A_450 : vector<200x1xi1>, vector<200x1xf32>
      %select_n3A_493 = arith.select %or3A_491, %broadcast_in_dim3A_486, %while3A_451 : vector<200x1xi1>, vector<200x1xf32>
      scf.yield %select_n3A_492, %select_n3A_493 : vector<200x1xf32>, vector<200x1xf32>
    }
    %while3A_403 = arith.constant 1 : i32
    %while3A_404:2 = scf.for %while3A_449 = %while3A_400 to %while3A_396 step %while3A_403 iter_args(%while3A_450 = %while3A_402#0, %while3A_451 = %while3A_402#1) -> (vector<200x1xf32>, vector<200x1xf32>)  : i32 {
      %mul3A_452 = arith.constant 256 : i32
      %mul3A_453 = arith.muli %while3A_449, %mul3A_452 : i32
      %get3A_454 = arith.constant 0 : index
      %get3A_455 = arith.index_cast %mul3A_453 : i32 to index
      %get3A_456 = vector.load %arg9[%get3A_454, %get3A_455] : memref<200x10240xf32, #tpu.memory_space<vmem>>, vector<200x256xf32>
      %mul3A_457 = arith.constant 256 : i32
      %mul3A_458 = arith.muli %while3A_449, %mul3A_457 : i32
      %convert_element_type3A_459 = arith.sitofp %mul3A_458 : i32 to f32
      %add3A_460 = vector.broadcast %convert_element_type3A_459 : f32 to vector<200x256xf32>
      %add3A_461 = arith.addf %add3A_460, %convert_element_type3A : vector<200x256xf32>
      %gt3A = vector.broadcast %while3A_378#0 : vector<200x1xf32> to vector<200x256xf32>
      %gt3A_462 = arith.cmpf ogt, %get3A_456, %gt3A : vector<200x256xf32>
      %eq3A = vector.broadcast %while3A_378#0 : vector<200x1xf32> to vector<200x256xf32>
      %eq3A_463 = arith.cmpf oeq, %get3A_456, %eq3A : vector<200x256xf32>
      %gt3A_464 = vector.broadcast %while3A_378#1 : vector<200x1xf32> to vector<200x256xf32>
      %gt3A_465 = arith.cmpf ogt, %add3A_461, %gt3A_464 : vector<200x256xf32>
      %and3A = arith.andi %eq3A_463, %gt3A_465 : vector<200x256xi1>
      %or3A = arith.ori %gt3A_462, %and3A : vector<200x256xi1>
      %jit3A_466 = arith.constant 0x7F800000 : f32
      %broadcast_in_dim3A_467 = vector.broadcast %jit3A_466 : f32 to vector<200x256xf32>
      %select_n3A = arith.select %or3A, %get3A_456, %broadcast_in_dim3A_467 : vector<200x256xi1>, vector<200x256xf32>
      %slice3A = vector.extract_strided_slice %select_n3A {offsets = [0, 0], sizes = [200, 128], strides = [1, 1]} : vector<200x256xf32> to vector<200x128xf32>
      %slice3A_468 = vector.extract_strided_slice %add3A_461 {offsets = [0, 0], sizes = [200, 128], strides = [1, 1]} : vector<200x256xf32> to vector<200x128xf32>
      %slice3A_469 = vector.extract_strided_slice %select_n3A {offsets = [0, 128], sizes = [200, 128], strides = [1, 1]} : vector<200x256xf32> to vector<200x128xf32>
      %slice3A_470 = vector.extract_strided_slice %add3A_461 {offsets = [0, 128], sizes = [200, 128], strides = [1, 1]} : vector<200x256xf32> to vector<200x128xf32>
      %lt3A = arith.cmpf olt, %slice3A_469, %slice3A : vector<200x128xf32>
      %eq3A_471 = arith.cmpf oeq, %slice3A_469, %slice3A : vector<200x128xf32>
      %lt3A_472 = arith.cmpf olt, %slice3A_470, %slice3A_468 : vector<200x128xf32>
      %and3A_473 = arith.andi %eq3A_471, %lt3A_472 : vector<200x128xi1>
      %or3A_474 = arith.ori %lt3A, %and3A_473 : vector<200x128xi1>
      %select_n3A_475 = arith.select %or3A_474, %slice3A_469, %slice3A : vector<200x128xi1>, vector<200x128xf32>
      %select_n3A_476 = arith.select %or3A_474, %slice3A_470, %slice3A_468 : vector<200x128xi1>, vector<200x128xf32>
      %reduce_min3A = arith.constant dense<0x7F800000> : vector<200xf32>
      %reduce_min3A_477 = vector.multi_reduction <minimumf>, %select_n3A_475, %reduce_min3A [1] : vector<200x128xf32> to vector<200xf32>
      %broadcast_in_dim3A_478 = vector.shape_cast %reduce_min3A_477 : vector<200xf32> to vector<200x1xf32>
      %eq3A_479 = vector.broadcast %broadcast_in_dim3A_478 : vector<200x1xf32> to vector<200x128xf32>
      %eq3A_480 = arith.cmpf oeq, %select_n3A_475, %eq3A_479 : vector<200x128xf32>
      %jit3A_481 = arith.constant 1.07374182E+9 : f32
      %broadcast_in_dim3A_482 = vector.broadcast %jit3A_481 : f32 to vector<200x128xf32>
      %select_n3A_483 = arith.select %eq3A_480, %select_n3A_476, %broadcast_in_dim3A_482 : vector<200x128xi1>, vector<200x128xf32>
      %reduce_min3A_484 = arith.constant dense<0x7F800000> : vector<200xf32>
      %reduce_min3A_485 = vector.multi_reduction <minimumf>, %select_n3A_483, %reduce_min3A_484 [1] : vector<200x128xf32> to vector<200xf32>
      %broadcast_in_dim3A_486 = vector.shape_cast %reduce_min3A_485 : vector<200xf32> to vector<200x1xf32>
      %lt3A_487 = arith.cmpf olt, %broadcast_in_dim3A_478, %while3A_450 : vector<200x1xf32>
      %eq3A_488 = arith.cmpf oeq, %broadcast_in_dim3A_478, %while3A_450 : vector<200x1xf32>
      %lt3A_489 = arith.cmpf olt, %broadcast_in_dim3A_486, %while3A_451 : vector<200x1xf32>
      %and3A_490 = arith.andi %eq3A_488, %lt3A_489 : vector<200x1xi1>
      %or3A_491 = arith.ori %lt3A_487, %and3A_490 : vector<200x1xi1>
      %select_n3A_492 = arith.select %or3A_491, %broadcast_in_dim3A_478, %while3A_450 : vector<200x1xi1>, vector<200x1xf32>
      %select_n3A_493 = arith.select %or3A_491, %broadcast_in_dim3A_486, %while3A_451 : vector<200x1xi1>, vector<200x1xf32>
      scf.yield %select_n3A_492, %select_n3A_493 : vector<200x1xf32>, vector<200x1xf32>
    }
    %convert_element_type3A_405 = arith.fptosi %while3A_404#1 : vector<200x1xf32> to vector<200x1xi32>
    %jit3A_406 = arith.constant 0 : i32
    %jit3A_407 = arith.constant 9999 : i32
    %max3A_408 = vector.broadcast %jit3A_406 : i32 to vector<200x1xi32>
    %max3A_409 = arith.maxsi %max3A_408, %convert_element_type3A_405 : vector<200x1xi32>
    %min3A_410 = vector.broadcast %jit3A_407 : i32 to vector<200x1xi32>
    %min3A_411 = arith.minsi %min3A_410, %max3A_409 : vector<200x1xi32>
    %le3A_412 = arith.constant 1.000000e+02 : f32
    %le3A_413 = vector.broadcast %le3A_412 : f32 to vector<200x1xf32>
    %le3A_414 = arith.cmpf ole, %while3A_404#0, %le3A_413 : vector<200x1xf32>
    %convert_element_type3A_415 = arith.extui %le3A_414 : vector<200x1xi1> to vector<200x1xi32>
    %convert_element_type3A_416 = arith.sitofp %convert_element_type3A_415 : vector<200x1xi32> to vector<200x1xf32>
    %broadcast_in_dim3A_417 = arith.constant 0x7F800000 : f32
    %broadcast_in_dim3A_418 = vector.broadcast %broadcast_in_dim3A_417 : f32 to vector<200x1xf32>
    %broadcast_in_dim3A_419 = arith.constant 1.07374182E+9 : f32
    %broadcast_in_dim3A_420 = vector.broadcast %broadcast_in_dim3A_419 : f32 to vector<200x1xf32>
    %while3A_421 = arith.subi %get3A_2, %get3A_0 : i32
    %while3A_422 = arith.addi %get3A_0, %while3A_421 : i32
    %while3A_423 = arith.constant 1 : i32
    %while3A_424 = arith.divsi %while3A_421, %while3A_423 : i32
    %while3A_425 = arith.muli %while3A_424, %while3A_423 : i32
    %while3A_426 = arith.addi %get3A_0, %while3A_425 : i32
    %while3A_427 = arith.constant 1 : i32
    %while3A_428:2 = scf.for %while3A_449 = %get3A_0 to %while3A_426 step %while3A_427 iter_args(%while3A_450 = %broadcast_in_dim3A_418, %while3A_451 = %broadcast_in_dim3A_420) -> (vector<200x1xf32>, vector<200x1xf32>)  : i32 {
      %mul3A_452 = arith.constant 256 : i32
      %mul3A_453 = arith.muli %while3A_449, %mul3A_452 : i32
      %get3A_454 = arith.constant 0 : index
      %get3A_455 = arith.index_cast %mul3A_453 : i32 to index
      %get3A_456 = vector.load %arg9[%get3A_454, %get3A_455] : memref<200x10240xf32, #tpu.memory_space<vmem>>, vector<200x256xf32>
      %mul3A_457 = arith.constant 256 : i32
      %mul3A_458 = arith.muli %while3A_449, %mul3A_457 : i32
      %convert_element_type3A_459 = arith.sitofp %mul3A_458 : i32 to f32
      %add3A_460 = vector.broadcast %convert_element_type3A_459 : f32 to vector<200x256xf32>
      %add3A_461 = arith.addf %add3A_460, %convert_element_type3A : vector<200x256xf32>
      %gt3A = vector.broadcast %while3A_404#0 : vector<200x1xf32> to vector<200x256xf32>
      %gt3A_462 = arith.cmpf ogt, %get3A_456, %gt3A : vector<200x256xf32>
      %eq3A = vector.broadcast %while3A_404#0 : vector<200x1xf32> to vector<200x256xf32>
      %eq3A_463 = arith.cmpf oeq, %get3A_456, %eq3A : vector<200x256xf32>
      %gt3A_464 = vector.broadcast %while3A_404#1 : vector<200x1xf32> to vector<200x256xf32>
      %gt3A_465 = arith.cmpf ogt, %add3A_461, %gt3A_464 : vector<200x256xf32>
      %and3A = arith.andi %eq3A_463, %gt3A_465 : vector<200x256xi1>
      %or3A = arith.ori %gt3A_462, %and3A : vector<200x256xi1>
      %jit3A_466 = arith.constant 0x7F800000 : f32
      %broadcast_in_dim3A_467 = vector.broadcast %jit3A_466 : f32 to vector<200x256xf32>
      %select_n3A = arith.select %or3A, %get3A_456, %broadcast_in_dim3A_467 : vector<200x256xi1>, vector<200x256xf32>
      %slice3A = vector.extract_strided_slice %select_n3A {offsets = [0, 0], sizes = [200, 128], strides = [1, 1]} : vector<200x256xf32> to vector<200x128xf32>
      %slice3A_468 = vector.extract_strided_slice %add3A_461 {offsets = [0, 0], sizes = [200, 128], strides = [1, 1]} : vector<200x256xf32> to vector<200x128xf32>
      %slice3A_469 = vector.extract_strided_slice %select_n3A {offsets = [0, 128], sizes = [200, 128], strides = [1, 1]} : vector<200x256xf32> to vector<200x128xf32>
      %slice3A_470 = vector.extract_strided_slice %add3A_461 {offsets = [0, 128], sizes = [200, 128], strides = [1, 1]} : vector<200x256xf32> to vector<200x128xf32>
      %lt3A = arith.cmpf olt, %slice3A_469, %slice3A : vector<200x128xf32>
      %eq3A_471 = arith.cmpf oeq, %slice3A_469, %slice3A : vector<200x128xf32>
      %lt3A_472 = arith.cmpf olt, %slice3A_470, %slice3A_468 : vector<200x128xf32>
      %and3A_473 = arith.andi %eq3A_471, %lt3A_472 : vector<200x128xi1>
      %or3A_474 = arith.ori %lt3A, %and3A_473 : vector<200x128xi1>
      %select_n3A_475 = arith.select %or3A_474, %slice3A_469, %slice3A : vector<200x128xi1>, vector<200x128xf32>
      %select_n3A_476 = arith.select %or3A_474, %slice3A_470, %slice3A_468 : vector<200x128xi1>, vector<200x128xf32>
      %reduce_min3A = arith.constant dense<0x7F800000> : vector<200xf32>
      %reduce_min3A_477 = vector.multi_reduction <minimumf>, %select_n3A_475, %reduce_min3A [1] : vector<200x128xf32> to vector<200xf32>
      %broadcast_in_dim3A_478 = vector.shape_cast %reduce_min3A_477 : vector<200xf32> to vector<200x1xf32>
      %eq3A_479 = vector.broadcast %broadcast_in_dim3A_478 : vector<200x1xf32> to vector<200x128xf32>
      %eq3A_480 = arith.cmpf oeq, %select_n3A_475, %eq3A_479 : vector<200x128xf32>
      %jit3A_481 = arith.constant 1.07374182E+9 : f32
      %broadcast_in_dim3A_482 = vector.broadcast %jit3A_481 : f32 to vector<200x128xf32>
      %select_n3A_483 = arith.select %eq3A_480, %select_n3A_476, %broadcast_in_dim3A_482 : vector<200x128xi1>, vector<200x128xf32>
      %reduce_min3A_484 = arith.constant dense<0x7F800000> : vector<200xf32>
      %reduce_min3A_485 = vector.multi_reduction <minimumf>, %select_n3A_483, %reduce_min3A_484 [1] : vector<200x128xf32> to vector<200xf32>
      %broadcast_in_dim3A_486 = vector.shape_cast %reduce_min3A_485 : vector<200xf32> to vector<200x1xf32>
      %lt3A_487 = arith.cmpf olt, %broadcast_in_dim3A_478, %while3A_450 : vector<200x1xf32>
      %eq3A_488 = arith.cmpf oeq, %broadcast_in_dim3A_478, %while3A_450 : vector<200x1xf32>
      %lt3A_489 = arith.cmpf olt, %broadcast_in_dim3A_486, %while3A_451 : vector<200x1xf32>
      %and3A_490 = arith.andi %eq3A_488, %lt3A_489 : vector<200x1xi1>
      %or3A_491 = arith.ori %lt3A_487, %and3A_490 : vector<200x1xi1>
      %select_n3A_492 = arith.select %or3A_491, %broadcast_in_dim3A_478, %while3A_450 : vector<200x1xi1>, vector<200x1xf32>
      %select_n3A_493 = arith.select %or3A_491, %broadcast_in_dim3A_486, %while3A_451 : vector<200x1xi1>, vector<200x1xf32>
      scf.yield %select_n3A_492, %select_n3A_493 : vector<200x1xf32>, vector<200x1xf32>
    }
    %while3A_429 = arith.constant 1 : i32
    %while3A_430:2 = scf.for %while3A_449 = %while3A_426 to %while3A_422 step %while3A_429 iter_args(%while3A_450 = %while3A_428#0, %while3A_451 = %while3A_428#1) -> (vector<200x1xf32>, vector<200x1xf32>)  : i32 {
      %mul3A_452 = arith.constant 256 : i32
      %mul3A_453 = arith.muli %while3A_449, %mul3A_452 : i32
      %get3A_454 = arith.constant 0 : index
      %get3A_455 = arith.index_cast %mul3A_453 : i32 to index
      %get3A_456 = vector.load %arg9[%get3A_454, %get3A_455] : memref<200x10240xf32, #tpu.memory_space<vmem>>, vector<200x256xf32>
      %mul3A_457 = arith.constant 256 : i32
      %mul3A_458 = arith.muli %while3A_449, %mul3A_457 : i32
      %convert_element_type3A_459 = arith.sitofp %mul3A_458 : i32 to f32
      %add3A_460 = vector.broadcast %convert_element_type3A_459 : f32 to vector<200x256xf32>
      %add3A_461 = arith.addf %add3A_460, %convert_element_type3A : vector<200x256xf32>
      %gt3A = vector.broadcast %while3A_404#0 : vector<200x1xf32> to vector<200x256xf32>
      %gt3A_462 = arith.cmpf ogt, %get3A_456, %gt3A : vector<200x256xf32>
      %eq3A = vector.broadcast %while3A_404#0 : vector<200x1xf32> to vector<200x256xf32>
      %eq3A_463 = arith.cmpf oeq, %get3A_456, %eq3A : vector<200x256xf32>
      %gt3A_464 = vector.broadcast %while3A_404#1 : vector<200x1xf32> to vector<200x256xf32>
      %gt3A_465 = arith.cmpf ogt, %add3A_461, %gt3A_464 : vector<200x256xf32>
      %and3A = arith.andi %eq3A_463, %gt3A_465 : vector<200x256xi1>
      %or3A = arith.ori %gt3A_462, %and3A : vector<200x256xi1>
      %jit3A_466 = arith.constant 0x7F800000 : f32
      %broadcast_in_dim3A_467 = vector.broadcast %jit3A_466 : f32 to vector<200x256xf32>
      %select_n3A = arith.select %or3A, %get3A_456, %broadcast_in_dim3A_467 : vector<200x256xi1>, vector<200x256xf32>
      %slice3A = vector.extract_strided_slice %select_n3A {offsets = [0, 0], sizes = [200, 128], strides = [1, 1]} : vector<200x256xf32> to vector<200x128xf32>
      %slice3A_468 = vector.extract_strided_slice %add3A_461 {offsets = [0, 0], sizes = [200, 128], strides = [1, 1]} : vector<200x256xf32> to vector<200x128xf32>
      %slice3A_469 = vector.extract_strided_slice %select_n3A {offsets = [0, 128], sizes = [200, 128], strides = [1, 1]} : vector<200x256xf32> to vector<200x128xf32>
      %slice3A_470 = vector.extract_strided_slice %add3A_461 {offsets = [0, 128], sizes = [200, 128], strides = [1, 1]} : vector<200x256xf32> to vector<200x128xf32>
      %lt3A = arith.cmpf olt, %slice3A_469, %slice3A : vector<200x128xf32>
      %eq3A_471 = arith.cmpf oeq, %slice3A_469, %slice3A : vector<200x128xf32>
      %lt3A_472 = arith.cmpf olt, %slice3A_470, %slice3A_468 : vector<200x128xf32>
      %and3A_473 = arith.andi %eq3A_471, %lt3A_472 : vector<200x128xi1>
      %or3A_474 = arith.ori %lt3A, %and3A_473 : vector<200x128xi1>
      %select_n3A_475 = arith.select %or3A_474, %slice3A_469, %slice3A : vector<200x128xi1>, vector<200x128xf32>
      %select_n3A_476 = arith.select %or3A_474, %slice3A_470, %slice3A_468 : vector<200x128xi1>, vector<200x128xf32>
      %reduce_min3A = arith.constant dense<0x7F800000> : vector<200xf32>
      %reduce_min3A_477 = vector.multi_reduction <minimumf>, %select_n3A_475, %reduce_min3A [1] : vector<200x128xf32> to vector<200xf32>
      %broadcast_in_dim3A_478 = vector.shape_cast %reduce_min3A_477 : vector<200xf32> to vector<200x1xf32>
      %eq3A_479 = vector.broadcast %broadcast_in_dim3A_478 : vector<200x1xf32> to vector<200x128xf32>
      %eq3A_480 = arith.cmpf oeq, %select_n3A_475, %eq3A_479 : vector<200x128xf32>
      %jit3A_481 = arith.constant 1.07374182E+9 : f32
      %broadcast_in_dim3A_482 = vector.broadcast %jit3A_481 : f32 to vector<200x128xf32>
      %select_n3A_483 = arith.select %eq3A_480, %select_n3A_476, %broadcast_in_dim3A_482 : vector<200x128xi1>, vector<200x128xf32>
      %reduce_min3A_484 = arith.constant dense<0x7F800000> : vector<200xf32>
      %reduce_min3A_485 = vector.multi_reduction <minimumf>, %select_n3A_483, %reduce_min3A_484 [1] : vector<200x128xf32> to vector<200xf32>
      %broadcast_in_dim3A_486 = vector.shape_cast %reduce_min3A_485 : vector<200xf32> to vector<200x1xf32>
      %lt3A_487 = arith.cmpf olt, %broadcast_in_dim3A_478, %while3A_450 : vector<200x1xf32>
      %eq3A_488 = arith.cmpf oeq, %broadcast_in_dim3A_478, %while3A_450 : vector<200x1xf32>
      %lt3A_489 = arith.cmpf olt, %broadcast_in_dim3A_486, %while3A_451 : vector<200x1xf32>
      %and3A_490 = arith.andi %eq3A_488, %lt3A_489 : vector<200x1xi1>
      %or3A_491 = arith.ori %lt3A_487, %and3A_490 : vector<200x1xi1>
      %select_n3A_492 = arith.select %or3A_491, %broadcast_in_dim3A_478, %while3A_450 : vector<200x1xi1>, vector<200x1xf32>
      %select_n3A_493 = arith.select %or3A_491, %broadcast_in_dim3A_486, %while3A_451 : vector<200x1xi1>, vector<200x1xf32>
      scf.yield %select_n3A_492, %select_n3A_493 : vector<200x1xf32>, vector<200x1xf32>
    }
    %convert_element_type3A_431 = arith.fptosi %while3A_430#1 : vector<200x1xf32> to vector<200x1xi32>
    %jit3A_432 = arith.constant 0 : i32
    %jit3A_433 = arith.constant 9999 : i32
    %max3A_434 = vector.broadcast %jit3A_432 : i32 to vector<200x1xi32>
    %max3A_435 = arith.maxsi %max3A_434, %convert_element_type3A_431 : vector<200x1xi32>
    %min3A_436 = vector.broadcast %jit3A_433 : i32 to vector<200x1xi32>
    %min3A_437 = arith.minsi %min3A_436, %max3A_435 : vector<200x1xi32>
    %le3A_438 = arith.constant 1.000000e+02 : f32
    %le3A_439 = vector.broadcast %le3A_438 : f32 to vector<200x1xf32>
    %le3A_440 = arith.cmpf ole, %while3A_430#0, %le3A_439 : vector<200x1xf32>
    %convert_element_type3A_441 = arith.extui %le3A_440 : vector<200x1xi1> to vector<200x1xi32>
    %convert_element_type3A_442 = arith.sitofp %convert_element_type3A_441 : vector<200x1xi32> to vector<200x1xf32>
    %concatenate3A = tpu.concatenate %min3A_48, %min3A_73, %min3A_99, %min3A_125, %min3A_151, %min3A_177, %min3A_203, %min3A_229, %min3A_255, %min3A_281, %min3A_307, %min3A_333, %min3A_359, %min3A_385, %min3A_411, %min3A_437 in 1 : vector<200x1xi32>, vector<200x1xi32>, vector<200x1xi32>, vector<200x1xi32>, vector<200x1xi32>, vector<200x1xi32>, vector<200x1xi32>, vector<200x1xi32>, vector<200x1xi32>, vector<200x1xi32>, vector<200x1xi32>, vector<200x1xi32>, vector<200x1xi32>, vector<200x1xi32>, vector<200x1xi32>, vector<200x1xi32> -> vector<200x16xi32>
    %swap3A = arith.constant 0 : index
    %swap3A_443 = arith.constant 0 : index
    %swap3A_444 = vector.load %arg7[%swap3A, %swap3A_443] : memref<200x16xi32, #tpu.memory_space<vmem>>, vector<200x16xi32>
    tpu.vector_store %arg7[%swap3A, %swap3A_443], %concatenate3A {strides = array<i32>} : memref<200x16xi32, #tpu.memory_space<vmem>>, vector<200x16xi32>,
    %concatenate3A_445 = tpu.concatenate %convert_element_type3A_52, %convert_element_type3A_78, %convert_element_type3A_104, %convert_element_type3A_130, %convert_element_type3A_156, %convert_element_type3A_182, %convert_element_type3A_208, %convert_element_type3A_234, %convert_element_type3A_260, %convert_element_type3A_286, %convert_element_type3A_312, %convert_element_type3A_338, %convert_element_type3A_364, %convert_element_type3A_390, %convert_element_type3A_416, %convert_element_type3A_442 in 1 : vector<200x1xf32>, vector<200x1xf32>, vector<200x1xf32>, vector<200x1xf32>, vector<200x1xf32>, vector<200x1xf32>, vector<200x1xf32>, vector<200x1xf32>, vector<200x1xf32>, vector<200x1xf32>, vector<200x1xf32>, vector<200x1xf32>, vector<200x1xf32>, vector<200x1xf32>, vector<200x1xf32>, vector<200x1xf32> -> vector<200x16xf32>
    %swap3A_446 = arith.constant 0 : index
    %swap3A_447 = arith.constant 0 : index
    %swap3A_448 = vector.load %arg8[%swap3A_446, %swap3A_447] : memref<200x16xf32, #tpu.memory_space<vmem>>, vector<200x16xf32>
    tpu.vector_store %arg8[%swap3A_446, %swap3A_447], %concatenate3A_445 {strides = array<i32>} : memref<200x16xf32, #tpu.memory_space<vmem>>, vector<200x16xf32>,
    return
  }
  func.func @transform_0(%arg0: i32) -> (i32, i32) {
    %c0_i32 = arith.constant 0 : i32
    %c0_i32_0 = arith.constant 0 : i32
    return %arg0, %c0_i32 : i32, i32
  }
  func.func @transform_1(%arg0: i32) -> (i32, i32) {
    %c0_i32 = arith.constant 0 : i32
    %c0_i32_0 = arith.constant 0 : i32
    %c0_i32_1 = arith.constant 0 : i32
    return %c0_i32, %c0_i32_0 : i32, i32
  }
  func.func @transform_2(%arg0: i32) -> (i32, i32) {
    %c0_i32 = arith.constant 0 : i32
    %c0_i32_0 = arith.constant 0 : i32
    return %arg0, %c0_i32 : i32, i32
  }
  func.func @transform_3(%arg0: i32) -> (i32, i32) {
    %c0_i32 = arith.constant 0 : i32
    %c0_i32_0 = arith.constant 0 : i32
    %c0_i32_1 = arith.constant 0 : i32
    return %c0_i32, %c0_i32_0 : i32, i32
  }
  func.func @transform_4(%arg0: i32) -> i32 {
    %c0_i32 = arith.constant 0 : i32
    %c0_i32_0 = arith.constant 0 : i32
    return %c0_i32 : i32
  }
  func.func @transform_5(%arg0: i32) -> i32 {
    %c0_i32 = arith.constant 0 : i32
    %c0_i32_0 = arith.constant 0 : i32
    return %c0_i32 : i32
  }
  func.func @transform_6(%arg0: i32) -> (i32, i32) {
    %c0_i32 = arith.constant 0 : i32
    %c0_i32_0 = arith.constant 0 : i32
    return %arg0, %c0_i32 : i32, i32
  }
  func.func @transform_7(%arg0: i32) -> (i32, i32) {
    %c0_i32 = arith.constant 0 : i32
    %c0_i32_0 = arith.constant 0 : i32
    return %arg0, %c0_i32 : i32, i32
  }
}

module attributes {stable_mosaic.version = 14 : i64} {
  func.func @_mm_body(%arg0: i32, %arg1: memref<8x64xf32, #tpu.memory_space<vmem>>, %arg2: memref<64x64xf32, #tpu.memory_space<vmem>>, %arg3: memref<8x64xf32, #tpu.memory_space<vmem>>) attributes {dimension_semantics = [#tpu.dimension_semantics<arbitrary>], iteration_bounds = array<i64: 2528>, scalar_prefetch = 0 : i64, scratch_operands = 0 : i64, tpu.core_type = #tpu.core_type<tc>, window_params = [{transform_indices = @transform_0, window_bounds = array<i64: 8, 64>}, {pipeline_mode = #tpu.pipeline_mode<synchronous>, transform_indices = @transform_1, window_bounds = array<i64: 64, 64>}, {transform_indices = @transform_2, window_bounds = array<i64: 8, 64>}]} {
    %get3A = arith.constant 0 : index
    %get3A_0 = arith.constant 0 : index
    %get3A_1 = vector.load %arg1[%get3A, %get3A_0] : memref<8x64xf32, #tpu.memory_space<vmem>>, vector<8x64xf32>
    %get3A_2 = arith.constant 0 : index
    %get3A_3 = arith.constant 0 : index
    %get3A_4 = vector.load %arg2[%get3A_2, %get3A_3] : memref<64x64xf32, #tpu.memory_space<vmem>>, vector<64x64xf32>
    %dot_general3A = arith.constant dense<0.000000e+00> : vector<8x64xf32>
    %dot_general3A_5 = tpu.matmul %get3A_1, %get3A_4, %dot_general3A {dimension_numbers = #tpu.dot_dimension_numbers<[1], [0], [0], [1], [0, 0, 1, 1], [], []>, transpose_lhs_hint = false} : vector<8x64xf32>, vector<64x64xf32>, vector<8x64xf32> -> vector<8x64xf32>
    %swap3A = arith.constant 0 : index
    %swap3A_6 = arith.constant 0 : index
    %swap3A_7 = vector.load %arg3[%swap3A, %swap3A_6] : memref<8x64xf32, #tpu.memory_space<vmem>>, vector<8x64xf32>
    tpu.vector_store %arg3[%swap3A, %swap3A_6], %dot_general3A_5 {strides = array<i32>} : memref<8x64xf32, #tpu.memory_space<vmem>>, vector<8x64xf32>,
    return
  }
  func.func @transform_0(%arg0: i32) -> (i32, i32) {
    %c0_i32 = arith.constant 0 : i32
    %c0_i32_0 = arith.constant 0 : i32
    return %arg0, %c0_i32 : i32, i32
  }
  func.func @transform_1(%arg0: i32) -> (i32, i32) {
    %c0_i32 = arith.constant 0 : i32
    %c0_i32_0 = arith.constant 0 : i32
    %c0_i32_1 = arith.constant 0 : i32
    return %c0_i32, %c0_i32_0 : i32, i32
  }
  func.func @transform_2(%arg0: i32) -> (i32, i32) {
    %c0_i32 = arith.constant 0 : i32
    %c0_i32_0 = arith.constant 0 : i32
    return %arg0, %c0_i32 : i32, i32
  }
}

module attributes {stable_mosaic.version = 14 : i64} {
  func.func @_mu_body(%arg0: i32, %arg1: memref<640x16xf32, #tpu.memory_space<vmem>>, %arg2: memref<40x16xf32, #tpu.memory_space<vmem>>, %arg3: memref<640x64xf32, #tpu.memory_space<vmem>>, %arg4: memref<640x1xf32, #tpu.memory_space<vmem>>, %arg5: memref<64x64xf32, #tpu.memory_space<vmem>>, %arg6: memref<1x64xf32, #tpu.memory_space<vmem>>, %arg7: memref<64x64xf32, #tpu.memory_space<vmem>>, %arg8: memref<1x64xf32, #tpu.memory_space<vmem>>, %arg9: memref<1x64xf32, #tpu.memory_space<vmem>>, %arg10: memref<40x640xf32, #tpu.memory_space<vmem>>, %arg11: memref<40x64xf32, #tpu.memory_space<vmem>>, %arg12: memref<64x64xf32, #tpu.memory_space<vmem>>, %arg13: memref<1x64xf32, #tpu.memory_space<vmem>>, %arg14: memref<64x64xf32, #tpu.memory_space<vmem>>, %arg15: memref<1x64xf32, #tpu.memory_space<vmem>>, %arg16: memref<64x64xf32, #tpu.memory_space<vmem>>, %arg17: memref<40x64xf32, #tpu.memory_space<vmem>>, %arg18: memref<40x64xf32, #tpu.memory_space<vmem>>) attributes {dimension_semantics = [#tpu.dimension_semantics<arbitrary>], iteration_bounds = array<i64: 250>, scalar_prefetch = 0 : i64, scratch_operands = 0 : i64, tpu.core_type = #tpu.core_type<tc>, window_params = [{transform_indices = @transform_0, window_bounds = array<i64: 640, 16>}, {transform_indices = @transform_1, window_bounds = array<i64: 40, 16>}, {transform_indices = @transform_2, window_bounds = array<i64: 640, 64>}, {transform_indices = @transform_3, window_bounds = array<i64: 640, 1>}, {pipeline_mode = #tpu.pipeline_mode<synchronous>, transform_indices = @transform_4, window_bounds = array<i64: 64, 64>}, {pipeline_mode = #tpu.pipeline_mode<synchronous>, transform_indices = @transform_5, window_bounds = array<i64: 1, 64>}, {pipeline_mode = #tpu.pipeline_mode<synchronous>, transform_indices = @transform_6, window_bounds = array<i64: 64, 64>}, {pipeline_mode = #tpu.pipeline_mode<synchronous>, transform_indices = @transform_7, window_bounds = array<i64: 1, 64>}, {pipeline_mode = #tpu.pipeline_mode<synchronous>, transform_indices = @transform_8, window_bounds = array<i64: 1, 64>}, {pipeline_mode = #tpu.pipeline_mode<synchronous>, transform_indices = @transform_9, window_bounds = array<i64: 40, 640>}, {transform_indices = @transform_10, window_bounds = array<i64: 40, 64>}, {pipeline_mode = #tpu.pipeline_mode<synchronous>, transform_indices = @transform_11, window_bounds = array<i64: 64, 64>}, {pipeline_mode = #tpu.pipeline_mode<synchronous>, transform_indices = @transform_12, window_bounds = array<i64: 1, 64>}, {pipeline_mode = #tpu.pipeline_mode<synchronous>, transform_indices = @transform_13, window_bounds = array<i64: 64, 64>}, {pipeline_mode = #tpu.pipeline_mode<synchronous>, transform_indices = @transform_14, window_bounds = array<i64: 1, 64>}, {pipeline_mode = #tpu.pipeline_mode<synchronous>, transform_indices = @transform_15, window_bounds = array<i64: 64, 64>}, {transform_indices = @transform_16, window_bounds = array<i64: 40, 64>}, {transform_indices = @transform_17, window_bounds = array<i64: 40, 64>}]} {
    %get3A = arith.constant 0 : index
    %get3A_0 = arith.constant 0 : index
    %get3A_1 = vector.load %arg2[%get3A, %get3A_0] : memref<40x16xf32, #tpu.memory_space<vmem>>, vector<40x16xf32>
    %reshape3A = vector.shape_cast %get3A_1 : vector<40x16xf32> to vector<40x1x16xf32>
    %broadcast_in_dim3A = vector.shape_cast %reshape3A : vector<40x1x16xf32> to vector<40x1x16xf32>
    %broadcast_in_dim3A_2 = vector.broadcast %broadcast_in_dim3A : vector<40x1x16xf32> to vector<40x16x16xf32>
    %get3A_3 = arith.constant 0 : index
    %get3A_4 = arith.constant 0 : index
    %get3A_5 = vector.load %arg1[%get3A_3, %get3A_4] : memref<640x16xf32, #tpu.memory_space<vmem>>, vector<640x16xf32>
    %reshape3A_6 = vector.shape_cast %broadcast_in_dim3A_2 : vector<40x16x16xf32> to vector<640x16xf32>
    %sub3A = arith.subf %get3A_5, %reshape3A_6 : vector<640x16xf32>
    %mul3A = arith.mulf %sub3A, %sub3A : vector<640x16xf32>
    %reduce_sum3A = arith.constant dense<0.000000e+00> : vector<640xf32>
    %reduce_sum3A_7 = vector.multi_reduction <add>, %mul3A, %reduce_sum3A [1] : vector<640x16xf32> to vector<640xf32>
    %broadcast_in_dim3A_8 = vector.shape_cast %reduce_sum3A_7 : vector<640xf32> to vector<640x1xf32>
    %get3A_9 = arith.constant 0 : index
    %get3A_10 = arith.constant 0 : index
    %get3A_11 = vector.load %arg4[%get3A_9, %get3A_10] : memref<640x1xf32, #tpu.memory_space<vmem>>, vector<640x1xf32>
    %gt3A = arith.constant 0.000000e+00 : f32
    %gt3A_12 = vector.broadcast %gt3A : f32 to vector<640x1xf32>
    %gt3A_13 = arith.cmpf ogt, %get3A_11, %gt3A_12 : vector<640x1xf32>
    %jit3A = arith.constant 1.000000e+00 : f32
    %broadcast_in_dim3A_14 = vector.broadcast %jit3A : f32 to vector<640x1xf32>
    %select_n3A = arith.select %gt3A_13, %broadcast_in_dim3A_8, %broadcast_in_dim3A_14 : vector<640x1xi1>, vector<640x1xf32>
    %sqrt3A = math.sqrt %select_n3A : vector<640x1xf32>
    %broadcast_in_dim3A_15 = vector.shape_cast %sqrt3A : vector<640x1xf32> to vector<640x1xf32>
    %broadcast_in_dim3A_16 = vector.broadcast %broadcast_in_dim3A_15 : vector<640x1xf32> to vector<640x64xf32>
    %get3A_17 = arith.constant 0 : index
    %get3A_18 = arith.constant 0 : index
    %get3A_19 = vector.load %arg9[%get3A_17, %get3A_18] : memref<1x64xf32, #tpu.memory_space<vmem>>, vector<1x64xf32>
    %sub3A_20 = vector.broadcast %get3A_19 : vector<1x64xf32> to vector<640x64xf32>
    %sub3A_21 = arith.subf %broadcast_in_dim3A_16, %sub3A_20 : vector<640x64xf32>
    %integer_pow3A = arith.mulf %sub3A_21, %sub3A_21 : vector<640x64xf32>
    %mul3A_22 = arith.constant -1.200500e+01 : f32
    %mul3A_23 = vector.broadcast %mul3A_22 : f32 to vector<640x64xf32>
    %mul3A_24 = arith.mulf %mul3A_23, %integer_pow3A : vector<640x64xf32>
    %exp3A = math.exp %mul3A_24 : vector<640x64xf32>
    %get3A_25 = arith.constant 0 : index
    %get3A_26 = arith.constant 0 : index
    %get3A_27 = vector.load %arg5[%get3A_25, %get3A_26] : memref<64x64xf32, #tpu.memory_space<vmem>>, vector<64x64xf32>
    %dot_general3A = arith.constant dense<0.000000e+00> : vector<640x64xf32>
    %dot_general3A_28 = tpu.matmul %exp3A, %get3A_27, %dot_general3A {dimension_numbers = #tpu.dot_dimension_numbers<[1], [0], [0], [1], [0, 0, 1, 1], [], []>, transpose_lhs_hint = false} : vector<640x64xf32>, vector<64x64xf32>, vector<640x64xf32> -> vector<640x64xf32>
    %get3A_29 = arith.constant 0 : index
    %get3A_30 = arith.constant 0 : index
    %get3A_31 = vector.load %arg6[%get3A_29, %get3A_30] : memref<1x64xf32, #tpu.memory_space<vmem>>, vector<1x64xf32>
    %add3A = vector.broadcast %get3A_31 : vector<1x64xf32> to vector<640x64xf32>
    %add3A_32 = arith.addf %dot_general3A_28, %add3A : vector<640x64xf32>
    %max3A = arith.constant 0.000000e+00 : f32
    %max3A_33 = vector.broadcast %max3A : f32 to vector<640x64xf32>
    %max3A_34 = arith.maximumf %add3A_32, %max3A_33 : vector<640x64xf32>
    %abs3A = math.absf %add3A_32 : vector<640x64xf32>
    %neg3A = arith.constant 0.000000e+00 : f32
    %neg3A_35 = vector.broadcast %neg3A : f32 to vector<640x64xf32>
    %neg3A_36 = arith.subf %neg3A_35, %abs3A : vector<640x64xf32>
    %exp3A_37 = math.exp %neg3A_36 : vector<640x64xf32>
    %add3A_38 = arith.constant 1.000000e+00 : f32
    %add3A_39 = vector.broadcast %add3A_38 : f32 to vector<640x64xf32>
    %add3A_40 = arith.addf %add3A_39, %exp3A_37 : vector<640x64xf32>
    %log3A = math.log %add3A_40 : vector<640x64xf32>
    %add3A_41 = arith.addf %max3A_34, %log3A : vector<640x64xf32>
    %sub3A_42 = arith.constant 0.693147182 : f32
    %sub3A_43 = vector.broadcast %sub3A_42 : f32 to vector<640x64xf32>
    %sub3A_44 = arith.subf %add3A_41, %sub3A_43 : vector<640x64xf32>
    %get3A_45 = arith.constant 0 : index
    %get3A_46 = arith.constant 0 : index
    %get3A_47 = vector.load %arg7[%get3A_45, %get3A_46] : memref<64x64xf32, #tpu.memory_space<vmem>>, vector<64x64xf32>
    %dot_general3A_48 = arith.constant dense<0.000000e+00> : vector<640x64xf32>
    %dot_general3A_49 = tpu.matmul %sub3A_44, %get3A_47, %dot_general3A_48 {dimension_numbers = #tpu.dot_dimension_numbers<[1], [0], [0], [1], [0, 0, 1, 1], [], []>, transpose_lhs_hint = false} : vector<640x64xf32>, vector<64x64xf32>, vector<640x64xf32> -> vector<640x64xf32>
    %get3A_50 = arith.constant 0 : index
    %get3A_51 = arith.constant 0 : index
    %get3A_52 = vector.load %arg8[%get3A_50, %get3A_51] : memref<1x64xf32, #tpu.memory_space<vmem>>, vector<1x64xf32>
    %add3A_53 = vector.broadcast %get3A_52 : vector<1x64xf32> to vector<640x64xf32>
    %add3A_54 = arith.addf %dot_general3A_49, %add3A_53 : vector<640x64xf32>
    %mul3A_55 = arith.constant 0.314159274 : f32
    %mul3A_56 = vector.broadcast %mul3A_55 : f32 to vector<640x1xf32>
    %mul3A_57 = arith.mulf %sqrt3A, %mul3A_56 : vector<640x1xf32>
    %cos3A = math.cos %mul3A_57 : vector<640x1xf32>
    %add3A_58 = arith.constant 1.000000e+00 : f32
    %add3A_59 = vector.broadcast %add3A_58 : f32 to vector<640x1xf32>
    %add3A_60 = arith.addf %cos3A, %add3A_59 : vector<640x1xf32>
    %mul3A_61 = arith.constant 5.000000e-01 : f32
    %mul3A_62 = vector.broadcast %mul3A_61 : f32 to vector<640x1xf32>
    %mul3A_63 = arith.mulf %mul3A_62, %add3A_60 : vector<640x1xf32>
    %mul3A_64 = arith.mulf %mul3A_63, %get3A_11 : vector<640x1xf32>
    %get3A_65 = arith.constant 0 : index
    %get3A_66 = arith.constant 0 : index
    %get3A_67 = vector.load %arg3[%get3A_65, %get3A_66] : memref<640x64xf32, #tpu.memory_space<vmem>>, vector<640x64xf32>
    %mul3A_68 = arith.mulf %get3A_67, %add3A_54 : vector<640x64xf32>
    %broadcast_in_dim3A_69 = vector.shape_cast %mul3A_64 : vector<640x1xf32> to vector<640x1xf32>
    %broadcast_in_dim3A_70 = vector.broadcast %broadcast_in_dim3A_69 : vector<640x1xf32> to vector<640x64xf32>
    %mul3A_71 = arith.mulf %mul3A_68, %broadcast_in_dim3A_70 : vector<640x64xf32>
    %get3A_72 = arith.constant 0 : index
    %get3A_73 = arith.constant 0 : index
    %get3A_74 = vector.load %arg10[%get3A_72, %get3A_73] : memref<40x640xf32, #tpu.memory_space<vmem>>, vector<40x640xf32>
    %dot_general3A_75 = arith.constant dense<0.000000e+00> : vector<40x64xf32>
    %dot_general3A_76 = tpu.matmul %get3A_74, %mul3A_71, %dot_general3A_75 {dimension_numbers = #tpu.dot_dimension_numbers<[1], [0], [0], [1], [0, 0, 1, 1], [], []>, transpose_lhs_hint = false} : vector<40x640xf32>, vector<640x64xf32>, vector<40x64xf32> -> vector<40x64xf32>
    %get3A_77 = arith.constant 0 : index
    %get3A_78 = arith.constant 0 : index
    %get3A_79 = vector.load %arg12[%get3A_77, %get3A_78] : memref<64x64xf32, #tpu.memory_space<vmem>>, vector<64x64xf32>
    %dot_general3A_80 = arith.constant dense<0.000000e+00> : vector<40x64xf32>
    %dot_general3A_81 = tpu.matmul %dot_general3A_76, %get3A_79, %dot_general3A_80 {dimension_numbers = #tpu.dot_dimension_numbers<[1], [0], [0], [1], [0, 0, 1, 1], [], []>, transpose_lhs_hint = false} : vector<40x64xf32>, vector<64x64xf32>, vector<40x64xf32> -> vector<40x64xf32>
    %get3A_82 = arith.constant 0 : index
    %get3A_83 = arith.constant 0 : index
    %get3A_84 = vector.load %arg13[%get3A_82, %get3A_83] : memref<1x64xf32, #tpu.memory_space<vmem>>, vector<1x64xf32>
    %add3A_85 = vector.broadcast %get3A_84 : vector<1x64xf32> to vector<40x64xf32>
    %add3A_86 = arith.addf %dot_general3A_81, %add3A_85 : vector<40x64xf32>
    %max3A_87 = arith.constant 0.000000e+00 : f32
    %max3A_88 = vector.broadcast %max3A_87 : f32 to vector<40x64xf32>
    %max3A_89 = arith.maximumf %add3A_86, %max3A_88 : vector<40x64xf32>
    %abs3A_90 = math.absf %add3A_86 : vector<40x64xf32>
    %neg3A_91 = arith.constant 0.000000e+00 : f32
    %neg3A_92 = vector.broadcast %neg3A_91 : f32 to vector<40x64xf32>
    %neg3A_93 = arith.subf %neg3A_92, %abs3A_90 : vector<40x64xf32>
    %exp3A_94 = math.exp %neg3A_93 : vector<40x64xf32>
    %add3A_95 = arith.constant 1.000000e+00 : f32
    %add3A_96 = vector.broadcast %add3A_95 : f32 to vector<40x64xf32>
    %add3A_97 = arith.addf %add3A_96, %exp3A_94 : vector<40x64xf32>
    %log3A_98 = math.log %add3A_97 : vector<40x64xf32>
    %add3A_99 = arith.addf %max3A_89, %log3A_98 : vector<40x64xf32>
    %sub3A_100 = arith.constant 0.693147182 : f32
    %sub3A_101 = vector.broadcast %sub3A_100 : f32 to vector<40x64xf32>
    %sub3A_102 = arith.subf %add3A_99, %sub3A_101 : vector<40x64xf32>
    %get3A_103 = arith.constant 0 : index
    %get3A_104 = arith.constant 0 : index
    %get3A_105 = vector.load %arg14[%get3A_103, %get3A_104] : memref<64x64xf32, #tpu.memory_space<vmem>>, vector<64x64xf32>
    %dot_general3A_106 = arith.constant dense<0.000000e+00> : vector<40x64xf32>
    %dot_general3A_107 = tpu.matmul %sub3A_102, %get3A_105, %dot_general3A_106 {dimension_numbers = #tpu.dot_dimension_numbers<[1], [0], [0], [1], [0, 0, 1, 1], [], []>, transpose_lhs_hint = false} : vector<40x64xf32>, vector<64x64xf32>, vector<40x64xf32> -> vector<40x64xf32>
    %get3A_108 = arith.constant 0 : index
    %get3A_109 = arith.constant 0 : index
    %get3A_110 = vector.load %arg15[%get3A_108, %get3A_109] : memref<1x64xf32, #tpu.memory_space<vmem>>, vector<1x64xf32>
    %add3A_111 = vector.broadcast %get3A_110 : vector<1x64xf32> to vector<40x64xf32>
    %add3A_112 = arith.addf %dot_general3A_107, %add3A_111 : vector<40x64xf32>
    %get3A_113 = arith.constant 0 : index
    %get3A_114 = arith.constant 0 : index
    %get3A_115 = vector.load %arg11[%get3A_113, %get3A_114] : memref<40x64xf32, #tpu.memory_space<vmem>>, vector<40x64xf32>
    %add3A_116 = arith.addf %get3A_115, %add3A_112 : vector<40x64xf32>
    %swap3A = arith.constant 0 : index
    %swap3A_117 = arith.constant 0 : index
    %swap3A_118 = vector.load %arg17[%swap3A, %swap3A_117] : memref<40x64xf32, #tpu.memory_space<vmem>>, vector<40x64xf32>
    tpu.vector_store %arg17[%swap3A, %swap3A_117], %add3A_116 {strides = array<i32>} : memref<40x64xf32, #tpu.memory_space<vmem>>, vector<40x64xf32>,
    %get3A_119 = arith.constant 0 : index
    %get3A_120 = arith.constant 0 : index
    %get3A_121 = vector.load %arg16[%get3A_119, %get3A_120] : memref<64x64xf32, #tpu.memory_space<vmem>>, vector<64x64xf32>
    %dot_general3A_122 = arith.constant dense<0.000000e+00> : vector<40x64xf32>
    %dot_general3A_123 = tpu.matmul %add3A_116, %get3A_121, %dot_general3A_122 {dimension_numbers = #tpu.dot_dimension_numbers<[1], [0], [0], [1], [0, 0, 1, 1], [], []>, transpose_lhs_hint = false} : vector<40x64xf32>, vector<64x64xf32>, vector<40x64xf32> -> vector<40x64xf32>
    %swap3A_124 = arith.constant 0 : index
    %swap3A_125 = arith.constant 0 : index
    %swap3A_126 = vector.load %arg18[%swap3A_124, %swap3A_125] : memref<40x64xf32, #tpu.memory_space<vmem>>, vector<40x64xf32>
    tpu.vector_store %arg18[%swap3A_124, %swap3A_125], %dot_general3A_123 {strides = array<i32>} : memref<40x64xf32, #tpu.memory_space<vmem>>, vector<40x64xf32>,
    return
  }
  func.func @transform_0(%arg0: i32) -> (i32, i32) {
    %add3A = arith.constant 256 : i32
    %add3A_0 = arith.addi %arg0, %add3A : i32
    %c0_i32 = arith.constant 0 : i32
    %c0_i32_1 = arith.constant 0 : i32
    return %add3A_0, %c0_i32 : i32, i32
  }
  func.func @transform_1(%arg0: i32) -> (i32, i32) {
    %add3A = arith.constant 250 : i32
    %add3A_0 = arith.addi %arg0, %add3A : i32
    %c0_i32 = arith.constant 0 : i32
    %c0_i32_1 = arith.constant 0 : i32
    return %add3A_0, %c0_i32 : i32, i32
  }
  func.func @transform_2(%arg0: i32) -> (i32, i32) {
    %add3A = arith.constant 256 : i32
    %add3A_0 = arith.addi %arg0, %add3A : i32
    %c0_i32 = arith.constant 0 : i32
    %c0_i32_1 = arith.constant 0 : i32
    return %add3A_0, %c0_i32 : i32, i32
  }
  func.func @transform_3(%arg0: i32) -> (i32, i32) {
    %c0_i32 = arith.constant 0 : i32
    %c0_i32_0 = arith.constant 0 : i32
    return %arg0, %c0_i32 : i32, i32
  }
  func.func @transform_4(%arg0: i32) -> (i32, i32) {
    %c0_i32 = arith.constant 0 : i32
    %c0_i32_0 = arith.constant 0 : i32
    %c0_i32_1 = arith.constant 0 : i32
    return %c0_i32, %c0_i32_0 : i32, i32
  }
  func.func @transform_5(%arg0: i32) -> (i32, i32) {
    %c0_i32 = arith.constant 0 : i32
    %c0_i32_0 = arith.constant 0 : i32
    %c0_i32_1 = arith.constant 0 : i32
    return %c0_i32, %c0_i32_0 : i32, i32
  }
  func.func @transform_6(%arg0: i32) -> (i32, i32) {
    %c0_i32 = arith.constant 0 : i32
    %c0_i32_0 = arith.constant 0 : i32
    %c0_i32_1 = arith.constant 0 : i32
    return %c0_i32, %c0_i32_0 : i32, i32
  }
  func.func @transform_7(%arg0: i32) -> (i32, i32) {
    %c0_i32 = arith.constant 0 : i32
    %c0_i32_0 = arith.constant 0 : i32
    %c0_i32_1 = arith.constant 0 : i32
    return %c0_i32, %c0_i32_0 : i32, i32
  }
  func.func @transform_8(%arg0: i32) -> (i32, i32) {
    %c0_i32 = arith.constant 0 : i32
    %c0_i32_0 = arith.constant 0 : i32
    %c0_i32_1 = arith.constant 0 : i32
    return %c0_i32, %c0_i32_0 : i32, i32
  }
  func.func @transform_9(%arg0: i32) -> (i32, i32) {
    %c0_i32 = arith.constant 0 : i32
    %c0_i32_0 = arith.constant 0 : i32
    %c0_i32_1 = arith.constant 0 : i32
    return %c0_i32, %c0_i32_0 : i32, i32
  }
  func.func @transform_10(%arg0: i32) -> (i32, i32) {
    %add3A = arith.constant 250 : i32
    %add3A_0 = arith.addi %arg0, %add3A : i32
    %c0_i32 = arith.constant 0 : i32
    %c0_i32_1 = arith.constant 0 : i32
    return %add3A_0, %c0_i32 : i32, i32
  }
  func.func @transform_11(%arg0: i32) -> (i32, i32) {
    %c0_i32 = arith.constant 0 : i32
    %c0_i32_0 = arith.constant 0 : i32
    %c0_i32_1 = arith.constant 0 : i32
    return %c0_i32, %c0_i32_0 : i32, i32
  }
  func.func @transform_12(%arg0: i32) -> (i32, i32) {
    %c0_i32 = arith.constant 0 : i32
    %c0_i32_0 = arith.constant 0 : i32
    %c0_i32_1 = arith.constant 0 : i32
    return %c0_i32, %c0_i32_0 : i32, i32
  }
  func.func @transform_13(%arg0: i32) -> (i32, i32) {
    %c0_i32 = arith.constant 0 : i32
    %c0_i32_0 = arith.constant 0 : i32
    %c0_i32_1 = arith.constant 0 : i32
    return %c0_i32, %c0_i32_0 : i32, i32
  }
  func.func @transform_14(%arg0: i32) -> (i32, i32) {
    %c0_i32 = arith.constant 0 : i32
    %c0_i32_0 = arith.constant 0 : i32
    %c0_i32_1 = arith.constant 0 : i32
    return %c0_i32, %c0_i32_0 : i32, i32
  }
  func.func @transform_15(%arg0: i32) -> (i32, i32) {
    %c0_i32 = arith.constant 0 : i32
    %c0_i32_0 = arith.constant 0 : i32
    %c0_i32_1 = arith.constant 0 : i32
    return %c0_i32, %c0_i32_0 : i32, i32
  }
  func.func @transform_16(%arg0: i32) -> (i32, i32) {
    %c0_i32 = arith.constant 0 : i32
    %c0_i32_0 = arith.constant 0 : i32
    return %arg0, %c0_i32 : i32, i32
  }
  func.func @transform_17(%arg0: i32) -> (i32, i32) {
    %c0_i32 = arith.constant 0 : i32
    %c0_i32_0 = arith.constant 0 : i32
    return %arg0, %c0_i32 : i32, i32
  }
}

module attributes {stable_mosaic.version = 14 : i64} {
  func.func @_mu_body(%arg0: i32, %arg1: memref<640x16xf32, #tpu.memory_space<vmem>>, %arg2: memref<40x16xf32, #tpu.memory_space<vmem>>, %arg3: memref<640x64xf32, #tpu.memory_space<vmem>>, %arg4: memref<640x1xf32, #tpu.memory_space<vmem>>, %arg5: memref<64x64xf32, #tpu.memory_space<vmem>>, %arg6: memref<1x64xf32, #tpu.memory_space<vmem>>, %arg7: memref<64x64xf32, #tpu.memory_space<vmem>>, %arg8: memref<1x64xf32, #tpu.memory_space<vmem>>, %arg9: memref<1x64xf32, #tpu.memory_space<vmem>>, %arg10: memref<40x640xf32, #tpu.memory_space<vmem>>, %arg11: memref<40x64xf32, #tpu.memory_space<vmem>>, %arg12: memref<64x64xf32, #tpu.memory_space<vmem>>, %arg13: memref<1x64xf32, #tpu.memory_space<vmem>>, %arg14: memref<64x64xf32, #tpu.memory_space<vmem>>, %arg15: memref<1x64xf32, #tpu.memory_space<vmem>>, %arg16: memref<64x64xf32, #tpu.memory_space<vmem>>, %arg17: memref<40x64xf32, #tpu.memory_space<vmem>>, %arg18: memref<40x64xf32, #tpu.memory_space<vmem>>) attributes {dimension_semantics = [#tpu.dimension_semantics<arbitrary>], iteration_bounds = array<i64: 250>, scalar_prefetch = 0 : i64, scratch_operands = 0 : i64, tpu.core_type = #tpu.core_type<tc>, window_params = [{transform_indices = @transform_0, window_bounds = array<i64: 640, 16>}, {transform_indices = @transform_1, window_bounds = array<i64: 40, 16>}, {transform_indices = @transform_2, window_bounds = array<i64: 640, 64>}, {transform_indices = @transform_3, window_bounds = array<i64: 640, 1>}, {pipeline_mode = #tpu.pipeline_mode<synchronous>, transform_indices = @transform_4, window_bounds = array<i64: 64, 64>}, {pipeline_mode = #tpu.pipeline_mode<synchronous>, transform_indices = @transform_5, window_bounds = array<i64: 1, 64>}, {pipeline_mode = #tpu.pipeline_mode<synchronous>, transform_indices = @transform_6, window_bounds = array<i64: 64, 64>}, {pipeline_mode = #tpu.pipeline_mode<synchronous>, transform_indices = @transform_7, window_bounds = array<i64: 1, 64>}, {pipeline_mode = #tpu.pipeline_mode<synchronous>, transform_indices = @transform_8, window_bounds = array<i64: 1, 64>}, {pipeline_mode = #tpu.pipeline_mode<synchronous>, transform_indices = @transform_9, window_bounds = array<i64: 40, 640>}, {transform_indices = @transform_10, window_bounds = array<i64: 40, 64>}, {pipeline_mode = #tpu.pipeline_mode<synchronous>, transform_indices = @transform_11, window_bounds = array<i64: 64, 64>}, {pipeline_mode = #tpu.pipeline_mode<synchronous>, transform_indices = @transform_12, window_bounds = array<i64: 1, 64>}, {pipeline_mode = #tpu.pipeline_mode<synchronous>, transform_indices = @transform_13, window_bounds = array<i64: 64, 64>}, {pipeline_mode = #tpu.pipeline_mode<synchronous>, transform_indices = @transform_14, window_bounds = array<i64: 1, 64>}, {pipeline_mode = #tpu.pipeline_mode<synchronous>, transform_indices = @transform_15, window_bounds = array<i64: 64, 64>}, {transform_indices = @transform_16, window_bounds = array<i64: 40, 64>}, {transform_indices = @transform_17, window_bounds = array<i64: 40, 64>}]} {
    %get3A = arith.constant 0 : index
    %get3A_0 = arith.constant 0 : index
    %get3A_1 = vector.load %arg2[%get3A, %get3A_0] : memref<40x16xf32, #tpu.memory_space<vmem>>, vector<40x16xf32>
    %reshape3A = vector.shape_cast %get3A_1 : vector<40x16xf32> to vector<40x1x16xf32>
    %broadcast_in_dim3A = vector.shape_cast %reshape3A : vector<40x1x16xf32> to vector<40x1x16xf32>
    %broadcast_in_dim3A_2 = vector.broadcast %broadcast_in_dim3A : vector<40x1x16xf32> to vector<40x16x16xf32>
    %get3A_3 = arith.constant 0 : index
    %get3A_4 = arith.constant 0 : index
    %get3A_5 = vector.load %arg1[%get3A_3, %get3A_4] : memref<640x16xf32, #tpu.memory_space<vmem>>, vector<640x16xf32>
    %reshape3A_6 = vector.shape_cast %broadcast_in_dim3A_2 : vector<40x16x16xf32> to vector<640x16xf32>
    %sub3A = arith.subf %get3A_5, %reshape3A_6 : vector<640x16xf32>
    %mul3A = arith.mulf %sub3A, %sub3A : vector<640x16xf32>
    %reduce_sum3A = arith.constant dense<0.000000e+00> : vector<640xf32>
    %reduce_sum3A_7 = vector.multi_reduction <add>, %mul3A, %reduce_sum3A [1] : vector<640x16xf32> to vector<640xf32>
    %broadcast_in_dim3A_8 = vector.shape_cast %reduce_sum3A_7 : vector<640xf32> to vector<640x1xf32>
    %get3A_9 = arith.constant 0 : index
    %get3A_10 = arith.constant 0 : index
    %get3A_11 = vector.load %arg4[%get3A_9, %get3A_10] : memref<640x1xf32, #tpu.memory_space<vmem>>, vector<640x1xf32>
    %gt3A = arith.constant 0.000000e+00 : f32
    %gt3A_12 = vector.broadcast %gt3A : f32 to vector<640x1xf32>
    %gt3A_13 = arith.cmpf ogt, %get3A_11, %gt3A_12 : vector<640x1xf32>
    %jit3A = arith.constant 1.000000e+00 : f32
    %broadcast_in_dim3A_14 = vector.broadcast %jit3A : f32 to vector<640x1xf32>
    %select_n3A = arith.select %gt3A_13, %broadcast_in_dim3A_8, %broadcast_in_dim3A_14 : vector<640x1xi1>, vector<640x1xf32>
    %sqrt3A = math.sqrt %select_n3A : vector<640x1xf32>
    %broadcast_in_dim3A_15 = vector.shape_cast %sqrt3A : vector<640x1xf32> to vector<640x1xf32>
    %broadcast_in_dim3A_16 = vector.broadcast %broadcast_in_dim3A_15 : vector<640x1xf32> to vector<640x64xf32>
    %get3A_17 = arith.constant 0 : index
    %get3A_18 = arith.constant 0 : index
    %get3A_19 = vector.load %arg9[%get3A_17, %get3A_18] : memref<1x64xf32, #tpu.memory_space<vmem>>, vector<1x64xf32>
    %sub3A_20 = vector.broadcast %get3A_19 : vector<1x64xf32> to vector<640x64xf32>
    %sub3A_21 = arith.subf %broadcast_in_dim3A_16, %sub3A_20 : vector<640x64xf32>
    %integer_pow3A = arith.mulf %sub3A_21, %sub3A_21 : vector<640x64xf32>
    %mul3A_22 = arith.constant -1.200500e+01 : f32
    %mul3A_23 = vector.broadcast %mul3A_22 : f32 to vector<640x64xf32>
    %mul3A_24 = arith.mulf %mul3A_23, %integer_pow3A : vector<640x64xf32>
    %exp3A = math.exp %mul3A_24 : vector<640x64xf32>
    %get3A_25 = arith.constant 0 : index
    %get3A_26 = arith.constant 0 : index
    %get3A_27 = vector.load %arg5[%get3A_25, %get3A_26] : memref<64x64xf32, #tpu.memory_space<vmem>>, vector<64x64xf32>
    %dot_general3A = arith.constant dense<0.000000e+00> : vector<640x64xf32>
    %dot_general3A_28 = tpu.matmul %exp3A, %get3A_27, %dot_general3A {dimension_numbers = #tpu.dot_dimension_numbers<[1], [0], [0], [1], [0, 0, 1, 1], [], []>, transpose_lhs_hint = false} : vector<640x64xf32>, vector<64x64xf32>, vector<640x64xf32> -> vector<640x64xf32>
    %get3A_29 = arith.constant 0 : index
    %get3A_30 = arith.constant 0 : index
    %get3A_31 = vector.load %arg6[%get3A_29, %get3A_30] : memref<1x64xf32, #tpu.memory_space<vmem>>, vector<1x64xf32>
    %add3A = vector.broadcast %get3A_31 : vector<1x64xf32> to vector<640x64xf32>
    %add3A_32 = arith.addf %dot_general3A_28, %add3A : vector<640x64xf32>
    %max3A = arith.constant 0.000000e+00 : f32
    %max3A_33 = vector.broadcast %max3A : f32 to vector<640x64xf32>
    %max3A_34 = arith.maximumf %add3A_32, %max3A_33 : vector<640x64xf32>
    %abs3A = math.absf %add3A_32 : vector<640x64xf32>
    %neg3A = arith.constant 0.000000e+00 : f32
    %neg3A_35 = vector.broadcast %neg3A : f32 to vector<640x64xf32>
    %neg3A_36 = arith.subf %neg3A_35, %abs3A : vector<640x64xf32>
    %exp3A_37 = math.exp %neg3A_36 : vector<640x64xf32>
    %add3A_38 = arith.constant 1.000000e+00 : f32
    %add3A_39 = vector.broadcast %add3A_38 : f32 to vector<640x64xf32>
    %add3A_40 = arith.addf %add3A_39, %exp3A_37 : vector<640x64xf32>
    %log3A = math.log %add3A_40 : vector<640x64xf32>
    %add3A_41 = arith.addf %max3A_34, %log3A : vector<640x64xf32>
    %sub3A_42 = arith.constant 0.693147182 : f32
    %sub3A_43 = vector.broadcast %sub3A_42 : f32 to vector<640x64xf32>
    %sub3A_44 = arith.subf %add3A_41, %sub3A_43 : vector<640x64xf32>
    %get3A_45 = arith.constant 0 : index
    %get3A_46 = arith.constant 0 : index
    %get3A_47 = vector.load %arg7[%get3A_45, %get3A_46] : memref<64x64xf32, #tpu.memory_space<vmem>>, vector<64x64xf32>
    %dot_general3A_48 = arith.constant dense<0.000000e+00> : vector<640x64xf32>
    %dot_general3A_49 = tpu.matmul %sub3A_44, %get3A_47, %dot_general3A_48 {dimension_numbers = #tpu.dot_dimension_numbers<[1], [0], [0], [1], [0, 0, 1, 1], [], []>, transpose_lhs_hint = false} : vector<640x64xf32>, vector<64x64xf32>, vector<640x64xf32> -> vector<640x64xf32>
    %get3A_50 = arith.constant 0 : index
    %get3A_51 = arith.constant 0 : index
    %get3A_52 = vector.load %arg8[%get3A_50, %get3A_51] : memref<1x64xf32, #tpu.memory_space<vmem>>, vector<1x64xf32>
    %add3A_53 = vector.broadcast %get3A_52 : vector<1x64xf32> to vector<640x64xf32>
    %add3A_54 = arith.addf %dot_general3A_49, %add3A_53 : vector<640x64xf32>
    %mul3A_55 = arith.constant 0.314159274 : f32
    %mul3A_56 = vector.broadcast %mul3A_55 : f32 to vector<640x1xf32>
    %mul3A_57 = arith.mulf %sqrt3A, %mul3A_56 : vector<640x1xf32>
    %cos3A = math.cos %mul3A_57 : vector<640x1xf32>
    %add3A_58 = arith.constant 1.000000e+00 : f32
    %add3A_59 = vector.broadcast %add3A_58 : f32 to vector<640x1xf32>
    %add3A_60 = arith.addf %cos3A, %add3A_59 : vector<640x1xf32>
    %mul3A_61 = arith.constant 5.000000e-01 : f32
    %mul3A_62 = vector.broadcast %mul3A_61 : f32 to vector<640x1xf32>
    %mul3A_63 = arith.mulf %mul3A_62, %add3A_60 : vector<640x1xf32>
    %mul3A_64 = arith.mulf %mul3A_63, %get3A_11 : vector<640x1xf32>
    %get3A_65 = arith.constant 0 : index
    %get3A_66 = arith.constant 0 : index
    %get3A_67 = vector.load %arg3[%get3A_65, %get3A_66] : memref<640x64xf32, #tpu.memory_space<vmem>>, vector<640x64xf32>
    %mul3A_68 = arith.mulf %get3A_67, %add3A_54 : vector<640x64xf32>
    %broadcast_in_dim3A_69 = vector.shape_cast %mul3A_64 : vector<640x1xf32> to vector<640x1xf32>
    %broadcast_in_dim3A_70 = vector.broadcast %broadcast_in_dim3A_69 : vector<640x1xf32> to vector<640x64xf32>
    %mul3A_71 = arith.mulf %mul3A_68, %broadcast_in_dim3A_70 : vector<640x64xf32>
    %get3A_72 = arith.constant 0 : index
    %get3A_73 = arith.constant 0 : index
    %get3A_74 = vector.load %arg10[%get3A_72, %get3A_73] : memref<40x640xf32, #tpu.memory_space<vmem>>, vector<40x640xf32>
    %dot_general3A_75 = arith.constant dense<0.000000e+00> : vector<40x64xf32>
    %dot_general3A_76 = tpu.matmul %get3A_74, %mul3A_71, %dot_general3A_75 {dimension_numbers = #tpu.dot_dimension_numbers<[1], [0], [0], [1], [0, 0, 1, 1], [], []>, transpose_lhs_hint = false} : vector<40x640xf32>, vector<640x64xf32>, vector<40x64xf32> -> vector<40x64xf32>
    %get3A_77 = arith.constant 0 : index
    %get3A_78 = arith.constant 0 : index
    %get3A_79 = vector.load %arg12[%get3A_77, %get3A_78] : memref<64x64xf32, #tpu.memory_space<vmem>>, vector<64x64xf32>
    %dot_general3A_80 = arith.constant dense<0.000000e+00> : vector<40x64xf32>
    %dot_general3A_81 = tpu.matmul %dot_general3A_76, %get3A_79, %dot_general3A_80 {dimension_numbers = #tpu.dot_dimension_numbers<[1], [0], [0], [1], [0, 0, 1, 1], [], []>, transpose_lhs_hint = false} : vector<40x64xf32>, vector<64x64xf32>, vector<40x64xf32> -> vector<40x64xf32>
    %get3A_82 = arith.constant 0 : index
    %get3A_83 = arith.constant 0 : index
    %get3A_84 = vector.load %arg13[%get3A_82, %get3A_83] : memref<1x64xf32, #tpu.memory_space<vmem>>, vector<1x64xf32>
    %add3A_85 = vector.broadcast %get3A_84 : vector<1x64xf32> to vector<40x64xf32>
    %add3A_86 = arith.addf %dot_general3A_81, %add3A_85 : vector<40x64xf32>
    %max3A_87 = arith.constant 0.000000e+00 : f32
    %max3A_88 = vector.broadcast %max3A_87 : f32 to vector<40x64xf32>
    %max3A_89 = arith.maximumf %add3A_86, %max3A_88 : vector<40x64xf32>
    %abs3A_90 = math.absf %add3A_86 : vector<40x64xf32>
    %neg3A_91 = arith.constant 0.000000e+00 : f32
    %neg3A_92 = vector.broadcast %neg3A_91 : f32 to vector<40x64xf32>
    %neg3A_93 = arith.subf %neg3A_92, %abs3A_90 : vector<40x64xf32>
    %exp3A_94 = math.exp %neg3A_93 : vector<40x64xf32>
    %add3A_95 = arith.constant 1.000000e+00 : f32
    %add3A_96 = vector.broadcast %add3A_95 : f32 to vector<40x64xf32>
    %add3A_97 = arith.addf %add3A_96, %exp3A_94 : vector<40x64xf32>
    %log3A_98 = math.log %add3A_97 : vector<40x64xf32>
    %add3A_99 = arith.addf %max3A_89, %log3A_98 : vector<40x64xf32>
    %sub3A_100 = arith.constant 0.693147182 : f32
    %sub3A_101 = vector.broadcast %sub3A_100 : f32 to vector<40x64xf32>
    %sub3A_102 = arith.subf %add3A_99, %sub3A_101 : vector<40x64xf32>
    %get3A_103 = arith.constant 0 : index
    %get3A_104 = arith.constant 0 : index
    %get3A_105 = vector.load %arg14[%get3A_103, %get3A_104] : memref<64x64xf32, #tpu.memory_space<vmem>>, vector<64x64xf32>
    %dot_general3A_106 = arith.constant dense<0.000000e+00> : vector<40x64xf32>
    %dot_general3A_107 = tpu.matmul %sub3A_102, %get3A_105, %dot_general3A_106 {dimension_numbers = #tpu.dot_dimension_numbers<[1], [0], [0], [1], [0, 0, 1, 1], [], []>, transpose_lhs_hint = false} : vector<40x64xf32>, vector<64x64xf32>, vector<40x64xf32> -> vector<40x64xf32>
    %get3A_108 = arith.constant 0 : index
    %get3A_109 = arith.constant 0 : index
    %get3A_110 = vector.load %arg15[%get3A_108, %get3A_109] : memref<1x64xf32, #tpu.memory_space<vmem>>, vector<1x64xf32>
    %add3A_111 = vector.broadcast %get3A_110 : vector<1x64xf32> to vector<40x64xf32>
    %add3A_112 = arith.addf %dot_general3A_107, %add3A_111 : vector<40x64xf32>
    %get3A_113 = arith.constant 0 : index
    %get3A_114 = arith.constant 0 : index
    %get3A_115 = vector.load %arg11[%get3A_113, %get3A_114] : memref<40x64xf32, #tpu.memory_space<vmem>>, vector<40x64xf32>
    %add3A_116 = arith.addf %get3A_115, %add3A_112 : vector<40x64xf32>
    %swap3A = arith.constant 0 : index
    %swap3A_117 = arith.constant 0 : index
    %swap3A_118 = vector.load %arg17[%swap3A, %swap3A_117] : memref<40x64xf32, #tpu.memory_space<vmem>>, vector<40x64xf32>
    tpu.vector_store %arg17[%swap3A, %swap3A_117], %add3A_116 {strides = array<i32>} : memref<40x64xf32, #tpu.memory_space<vmem>>, vector<40x64xf32>,
    %get3A_119 = arith.constant 0 : index
    %get3A_120 = arith.constant 0 : index
    %get3A_121 = vector.load %arg16[%get3A_119, %get3A_120] : memref<64x64xf32, #tpu.memory_space<vmem>>, vector<64x64xf32>
    %dot_general3A_122 = arith.constant dense<0.000000e+00> : vector<40x64xf32>
    %dot_general3A_123 = tpu.matmul %add3A_116, %get3A_121, %dot_general3A_122 {dimension_numbers = #tpu.dot_dimension_numbers<[1], [0], [0], [1], [0, 0, 1, 1], [], []>, transpose_lhs_hint = false} : vector<40x64xf32>, vector<64x64xf32>, vector<40x64xf32> -> vector<40x64xf32>
    %swap3A_124 = arith.constant 0 : index
    %swap3A_125 = arith.constant 0 : index
    %swap3A_126 = vector.load %arg18[%swap3A_124, %swap3A_125] : memref<40x64xf32, #tpu.memory_space<vmem>>, vector<40x64xf32>
    tpu.vector_store %arg18[%swap3A_124, %swap3A_125], %dot_general3A_123 {strides = array<i32>} : memref<40x64xf32, #tpu.memory_space<vmem>>, vector<40x64xf32>,
    return
  }
  func.func @transform_0(%arg0: i32) -> (i32, i32) {
    %add3A = arith.constant 0 : i32
    %add3A_0 = arith.addi %arg0, %add3A : i32
    %c0_i32 = arith.constant 0 : i32
    %c0_i32_1 = arith.constant 0 : i32
    return %add3A_0, %c0_i32 : i32, i32
  }
  func.func @transform_1(%arg0: i32) -> (i32, i32) {
    %add3A = arith.constant 0 : i32
    %add3A_0 = arith.addi %arg0, %add3A : i32
    %c0_i32 = arith.constant 0 : i32
    %c0_i32_1 = arith.constant 0 : i32
    return %add3A_0, %c0_i32 : i32, i32
  }
  func.func @transform_2(%arg0: i32) -> (i32, i32) {
    %add3A = arith.constant 0 : i32
    %add3A_0 = arith.addi %arg0, %add3A : i32
    %c0_i32 = arith.constant 0 : i32
    %c0_i32_1 = arith.constant 0 : i32
    return %add3A_0, %c0_i32 : i32, i32
  }
  func.func @transform_3(%arg0: i32) -> (i32, i32) {
    %c0_i32 = arith.constant 0 : i32
    %c0_i32_0 = arith.constant 0 : i32
    return %arg0, %c0_i32 : i32, i32
  }
  func.func @transform_4(%arg0: i32) -> (i32, i32) {
    %c0_i32 = arith.constant 0 : i32
    %c0_i32_0 = arith.constant 0 : i32
    %c0_i32_1 = arith.constant 0 : i32
    return %c0_i32, %c0_i32_0 : i32, i32
  }
  func.func @transform_5(%arg0: i32) -> (i32, i32) {
    %c0_i32 = arith.constant 0 : i32
    %c0_i32_0 = arith.constant 0 : i32
    %c0_i32_1 = arith.constant 0 : i32
    return %c0_i32, %c0_i32_0 : i32, i32
  }
  func.func @transform_6(%arg0: i32) -> (i32, i32) {
    %c0_i32 = arith.constant 0 : i32
    %c0_i32_0 = arith.constant 0 : i32
    %c0_i32_1 = arith.constant 0 : i32
    return %c0_i32, %c0_i32_0 : i32, i32
  }
  func.func @transform_7(%arg0: i32) -> (i32, i32) {
    %c0_i32 = arith.constant 0 : i32
    %c0_i32_0 = arith.constant 0 : i32
    %c0_i32_1 = arith.constant 0 : i32
    return %c0_i32, %c0_i32_0 : i32, i32
  }
  func.func @transform_8(%arg0: i32) -> (i32, i32) {
    %c0_i32 = arith.constant 0 : i32
    %c0_i32_0 = arith.constant 0 : i32
    %c0_i32_1 = arith.constant 0 : i32
    return %c0_i32, %c0_i32_0 : i32, i32
  }
  func.func @transform_9(%arg0: i32) -> (i32, i32) {
    %c0_i32 = arith.constant 0 : i32
    %c0_i32_0 = arith.constant 0 : i32
    %c0_i32_1 = arith.constant 0 : i32
    return %c0_i32, %c0_i32_0 : i32, i32
  }
  func.func @transform_10(%arg0: i32) -> (i32, i32) {
    %add3A = arith.constant 0 : i32
    %add3A_0 = arith.addi %arg0, %add3A : i32
    %c0_i32 = arith.constant 0 : i32
    %c0_i32_1 = arith.constant 0 : i32
    return %add3A_0, %c0_i32 : i32, i32
  }
  func.func @transform_11(%arg0: i32) -> (i32, i32) {
    %c0_i32 = arith.constant 0 : i32
    %c0_i32_0 = arith.constant 0 : i32
    %c0_i32_1 = arith.constant 0 : i32
    return %c0_i32, %c0_i32_0 : i32, i32
  }
  func.func @transform_12(%arg0: i32) -> (i32, i32) {
    %c0_i32 = arith.constant 0 : i32
    %c0_i32_0 = arith.constant 0 : i32
    %c0_i32_1 = arith.constant 0 : i32
    return %c0_i32, %c0_i32_0 : i32, i32
  }
  func.func @transform_13(%arg0: i32) -> (i32, i32) {
    %c0_i32 = arith.constant 0 : i32
    %c0_i32_0 = arith.constant 0 : i32
    %c0_i32_1 = arith.constant 0 : i32
    return %c0_i32, %c0_i32_0 : i32, i32
  }
  func.func @transform_14(%arg0: i32) -> (i32, i32) {
    %c0_i32 = arith.constant 0 : i32
    %c0_i32_0 = arith.constant 0 : i32
    %c0_i32_1 = arith.constant 0 : i32
    return %c0_i32, %c0_i32_0 : i32, i32
  }
  func.func @transform_15(%arg0: i32) -> (i32, i32) {
    %c0_i32 = arith.constant 0 : i32
    %c0_i32_0 = arith.constant 0 : i32
    %c0_i32_1 = arith.constant 0 : i32
    return %c0_i32, %c0_i32_0 : i32, i32
  }
  func.func @transform_16(%arg0: i32) -> (i32, i32) {
    %c0_i32 = arith.constant 0 : i32
    %c0_i32_0 = arith.constant 0 : i32
    return %arg0, %c0_i32 : i32, i32
  }
  func.func @transform_17(%arg0: i32) -> (i32, i32) {
    %c0_i32 = arith.constant 0 : i32
    %c0_i32_0 = arith.constant 0 : i32
    return %arg0, %c0_i32 : i32, i32
  }
}

module attributes {stable_mosaic.version = 14 : i64} {
  func.func @_mu_body(%arg0: i32, %arg1: memref<640x16xf32, #tpu.memory_space<vmem>>, %arg2: memref<40x16xf32, #tpu.memory_space<vmem>>, %arg3: memref<640x64xf32, #tpu.memory_space<vmem>>, %arg4: memref<640x1xf32, #tpu.memory_space<vmem>>, %arg5: memref<64x64xf32, #tpu.memory_space<vmem>>, %arg6: memref<1x64xf32, #tpu.memory_space<vmem>>, %arg7: memref<64x64xf32, #tpu.memory_space<vmem>>, %arg8: memref<1x64xf32, #tpu.memory_space<vmem>>, %arg9: memref<1x64xf32, #tpu.memory_space<vmem>>, %arg10: memref<40x640xf32, #tpu.memory_space<vmem>>, %arg11: memref<40x64xf32, #tpu.memory_space<vmem>>, %arg12: memref<64x64xf32, #tpu.memory_space<vmem>>, %arg13: memref<1x64xf32, #tpu.memory_space<vmem>>, %arg14: memref<64x64xf32, #tpu.memory_space<vmem>>, %arg15: memref<1x64xf32, #tpu.memory_space<vmem>>, %arg16: memref<64x64xf32, #tpu.memory_space<vmem>>, %arg17: memref<40x64xf32, #tpu.memory_space<vmem>>, %arg18: memref<40x64xf32, #tpu.memory_space<vmem>>) attributes {dimension_semantics = [#tpu.dimension_semantics<arbitrary>], iteration_bounds = array<i64: 250>, scalar_prefetch = 0 : i64, scratch_operands = 0 : i64, tpu.core_type = #tpu.core_type<tc>, window_params = [{transform_indices = @transform_0, window_bounds = array<i64: 640, 16>}, {transform_indices = @transform_1, window_bounds = array<i64: 40, 16>}, {transform_indices = @transform_2, window_bounds = array<i64: 640, 64>}, {transform_indices = @transform_3, window_bounds = array<i64: 640, 1>}, {pipeline_mode = #tpu.pipeline_mode<synchronous>, transform_indices = @transform_4, window_bounds = array<i64: 64, 64>}, {pipeline_mode = #tpu.pipeline_mode<synchronous>, transform_indices = @transform_5, window_bounds = array<i64: 1, 64>}, {pipeline_mode = #tpu.pipeline_mode<synchronous>, transform_indices = @transform_6, window_bounds = array<i64: 64, 64>}, {pipeline_mode = #tpu.pipeline_mode<synchronous>, transform_indices = @transform_7, window_bounds = array<i64: 1, 64>}, {pipeline_mode = #tpu.pipeline_mode<synchronous>, transform_indices = @transform_8, window_bounds = array<i64: 1, 64>}, {pipeline_mode = #tpu.pipeline_mode<synchronous>, transform_indices = @transform_9, window_bounds = array<i64: 40, 640>}, {transform_indices = @transform_10, window_bounds = array<i64: 40, 64>}, {pipeline_mode = #tpu.pipeline_mode<synchronous>, transform_indices = @transform_11, window_bounds = array<i64: 64, 64>}, {pipeline_mode = #tpu.pipeline_mode<synchronous>, transform_indices = @transform_12, window_bounds = array<i64: 1, 64>}, {pipeline_mode = #tpu.pipeline_mode<synchronous>, transform_indices = @transform_13, window_bounds = array<i64: 64, 64>}, {pipeline_mode = #tpu.pipeline_mode<synchronous>, transform_indices = @transform_14, window_bounds = array<i64: 1, 64>}, {pipeline_mode = #tpu.pipeline_mode<synchronous>, transform_indices = @transform_15, window_bounds = array<i64: 64, 64>}, {transform_indices = @transform_16, window_bounds = array<i64: 40, 64>}, {transform_indices = @transform_17, window_bounds = array<i64: 40, 64>}]} {
    %get3A = arith.constant 0 : index
    %get3A_0 = arith.constant 0 : index
    %get3A_1 = vector.load %arg2[%get3A, %get3A_0] : memref<40x16xf32, #tpu.memory_space<vmem>>, vector<40x16xf32>
    %reshape3A = vector.shape_cast %get3A_1 : vector<40x16xf32> to vector<40x1x16xf32>
    %broadcast_in_dim3A = vector.shape_cast %reshape3A : vector<40x1x16xf32> to vector<40x1x16xf32>
    %broadcast_in_dim3A_2 = vector.broadcast %broadcast_in_dim3A : vector<40x1x16xf32> to vector<40x16x16xf32>
    %get3A_3 = arith.constant 0 : index
    %get3A_4 = arith.constant 0 : index
    %get3A_5 = vector.load %arg1[%get3A_3, %get3A_4] : memref<640x16xf32, #tpu.memory_space<vmem>>, vector<640x16xf32>
    %reshape3A_6 = vector.shape_cast %broadcast_in_dim3A_2 : vector<40x16x16xf32> to vector<640x16xf32>
    %sub3A = arith.subf %get3A_5, %reshape3A_6 : vector<640x16xf32>
    %mul3A = arith.mulf %sub3A, %sub3A : vector<640x16xf32>
    %reduce_sum3A = arith.constant dense<0.000000e+00> : vector<640xf32>
    %reduce_sum3A_7 = vector.multi_reduction <add>, %mul3A, %reduce_sum3A [1] : vector<640x16xf32> to vector<640xf32>
    %broadcast_in_dim3A_8 = vector.shape_cast %reduce_sum3A_7 : vector<640xf32> to vector<640x1xf32>
    %get3A_9 = arith.constant 0 : index
    %get3A_10 = arith.constant 0 : index
    %get3A_11 = vector.load %arg4[%get3A_9, %get3A_10] : memref<640x1xf32, #tpu.memory_space<vmem>>, vector<640x1xf32>
    %gt3A = arith.constant 0.000000e+00 : f32
    %gt3A_12 = vector.broadcast %gt3A : f32 to vector<640x1xf32>
    %gt3A_13 = arith.cmpf ogt, %get3A_11, %gt3A_12 : vector<640x1xf32>
    %jit3A = arith.constant 1.000000e+00 : f32
    %broadcast_in_dim3A_14 = vector.broadcast %jit3A : f32 to vector<640x1xf32>
    %select_n3A = arith.select %gt3A_13, %broadcast_in_dim3A_8, %broadcast_in_dim3A_14 : vector<640x1xi1>, vector<640x1xf32>
    %sqrt3A = math.sqrt %select_n3A : vector<640x1xf32>
    %broadcast_in_dim3A_15 = vector.shape_cast %sqrt3A : vector<640x1xf32> to vector<640x1xf32>
    %broadcast_in_dim3A_16 = vector.broadcast %broadcast_in_dim3A_15 : vector<640x1xf32> to vector<640x64xf32>
    %get3A_17 = arith.constant 0 : index
    %get3A_18 = arith.constant 0 : index
    %get3A_19 = vector.load %arg9[%get3A_17, %get3A_18] : memref<1x64xf32, #tpu.memory_space<vmem>>, vector<1x64xf32>
    %sub3A_20 = vector.broadcast %get3A_19 : vector<1x64xf32> to vector<640x64xf32>
    %sub3A_21 = arith.subf %broadcast_in_dim3A_16, %sub3A_20 : vector<640x64xf32>
    %integer_pow3A = arith.mulf %sub3A_21, %sub3A_21 : vector<640x64xf32>
    %mul3A_22 = arith.constant -1.200500e+01 : f32
    %mul3A_23 = vector.broadcast %mul3A_22 : f32 to vector<640x64xf32>
    %mul3A_24 = arith.mulf %mul3A_23, %integer_pow3A : vector<640x64xf32>
    %exp3A = math.exp %mul3A_24 : vector<640x64xf32>
    %get3A_25 = arith.constant 0 : index
    %get3A_26 = arith.constant 0 : index
    %get3A_27 = vector.load %arg5[%get3A_25, %get3A_26] : memref<64x64xf32, #tpu.memory_space<vmem>>, vector<64x64xf32>
    %dot_general3A = arith.constant dense<0.000000e+00> : vector<640x64xf32>
    %dot_general3A_28 = tpu.matmul %exp3A, %get3A_27, %dot_general3A {dimension_numbers = #tpu.dot_dimension_numbers<[1], [0], [0], [1], [0, 0, 1, 1], [], []>, transpose_lhs_hint = false} : vector<640x64xf32>, vector<64x64xf32>, vector<640x64xf32> -> vector<640x64xf32>
    %get3A_29 = arith.constant 0 : index
    %get3A_30 = arith.constant 0 : index
    %get3A_31 = vector.load %arg6[%get3A_29, %get3A_30] : memref<1x64xf32, #tpu.memory_space<vmem>>, vector<1x64xf32>
    %add3A = vector.broadcast %get3A_31 : vector<1x64xf32> to vector<640x64xf32>
    %add3A_32 = arith.addf %dot_general3A_28, %add3A : vector<640x64xf32>
    %max3A = arith.constant 0.000000e+00 : f32
    %max3A_33 = vector.broadcast %max3A : f32 to vector<640x64xf32>
    %max3A_34 = arith.maximumf %add3A_32, %max3A_33 : vector<640x64xf32>
    %abs3A = math.absf %add3A_32 : vector<640x64xf32>
    %neg3A = arith.constant 0.000000e+00 : f32
    %neg3A_35 = vector.broadcast %neg3A : f32 to vector<640x64xf32>
    %neg3A_36 = arith.subf %neg3A_35, %abs3A : vector<640x64xf32>
    %exp3A_37 = math.exp %neg3A_36 : vector<640x64xf32>
    %add3A_38 = arith.constant 1.000000e+00 : f32
    %add3A_39 = vector.broadcast %add3A_38 : f32 to vector<640x64xf32>
    %add3A_40 = arith.addf %add3A_39, %exp3A_37 : vector<640x64xf32>
    %log3A = math.log %add3A_40 : vector<640x64xf32>
    %add3A_41 = arith.addf %max3A_34, %log3A : vector<640x64xf32>
    %sub3A_42 = arith.constant 0.693147182 : f32
    %sub3A_43 = vector.broadcast %sub3A_42 : f32 to vector<640x64xf32>
    %sub3A_44 = arith.subf %add3A_41, %sub3A_43 : vector<640x64xf32>
    %get3A_45 = arith.constant 0 : index
    %get3A_46 = arith.constant 0 : index
    %get3A_47 = vector.load %arg7[%get3A_45, %get3A_46] : memref<64x64xf32, #tpu.memory_space<vmem>>, vector<64x64xf32>
    %dot_general3A_48 = arith.constant dense<0.000000e+00> : vector<640x64xf32>
    %dot_general3A_49 = tpu.matmul %sub3A_44, %get3A_47, %dot_general3A_48 {dimension_numbers = #tpu.dot_dimension_numbers<[1], [0], [0], [1], [0, 0, 1, 1], [], []>, transpose_lhs_hint = false} : vector<640x64xf32>, vector<64x64xf32>, vector<640x64xf32> -> vector<640x64xf32>
    %get3A_50 = arith.constant 0 : index
    %get3A_51 = arith.constant 0 : index
    %get3A_52 = vector.load %arg8[%get3A_50, %get3A_51] : memref<1x64xf32, #tpu.memory_space<vmem>>, vector<1x64xf32>
    %add3A_53 = vector.broadcast %get3A_52 : vector<1x64xf32> to vector<640x64xf32>
    %add3A_54 = arith.addf %dot_general3A_49, %add3A_53 : vector<640x64xf32>
    %mul3A_55 = arith.constant 0.314159274 : f32
    %mul3A_56 = vector.broadcast %mul3A_55 : f32 to vector<640x1xf32>
    %mul3A_57 = arith.mulf %sqrt3A, %mul3A_56 : vector<640x1xf32>
    %cos3A = math.cos %mul3A_57 : vector<640x1xf32>
    %add3A_58 = arith.constant 1.000000e+00 : f32
    %add3A_59 = vector.broadcast %add3A_58 : f32 to vector<640x1xf32>
    %add3A_60 = arith.addf %cos3A, %add3A_59 : vector<640x1xf32>
    %mul3A_61 = arith.constant 5.000000e-01 : f32
    %mul3A_62 = vector.broadcast %mul3A_61 : f32 to vector<640x1xf32>
    %mul3A_63 = arith.mulf %mul3A_62, %add3A_60 : vector<640x1xf32>
    %mul3A_64 = arith.mulf %mul3A_63, %get3A_11 : vector<640x1xf32>
    %get3A_65 = arith.constant 0 : index
    %get3A_66 = arith.constant 0 : index
    %get3A_67 = vector.load %arg3[%get3A_65, %get3A_66] : memref<640x64xf32, #tpu.memory_space<vmem>>, vector<640x64xf32>
    %mul3A_68 = arith.mulf %get3A_67, %add3A_54 : vector<640x64xf32>
    %broadcast_in_dim3A_69 = vector.shape_cast %mul3A_64 : vector<640x1xf32> to vector<640x1xf32>
    %broadcast_in_dim3A_70 = vector.broadcast %broadcast_in_dim3A_69 : vector<640x1xf32> to vector<640x64xf32>
    %mul3A_71 = arith.mulf %mul3A_68, %broadcast_in_dim3A_70 : vector<640x64xf32>
    %get3A_72 = arith.constant 0 : index
    %get3A_73 = arith.constant 0 : index
    %get3A_74 = vector.load %arg10[%get3A_72, %get3A_73] : memref<40x640xf32, #tpu.memory_space<vmem>>, vector<40x640xf32>
    %dot_general3A_75 = arith.constant dense<0.000000e+00> : vector<40x64xf32>
    %dot_general3A_76 = tpu.matmul %get3A_74, %mul3A_71, %dot_general3A_75 {dimension_numbers = #tpu.dot_dimension_numbers<[1], [0], [0], [1], [0, 0, 1, 1], [], []>, transpose_lhs_hint = false} : vector<40x640xf32>, vector<640x64xf32>, vector<40x64xf32> -> vector<40x64xf32>
    %get3A_77 = arith.constant 0 : index
    %get3A_78 = arith.constant 0 : index
    %get3A_79 = vector.load %arg12[%get3A_77, %get3A_78] : memref<64x64xf32, #tpu.memory_space<vmem>>, vector<64x64xf32>
    %dot_general3A_80 = arith.constant dense<0.000000e+00> : vector<40x64xf32>
    %dot_general3A_81 = tpu.matmul %dot_general3A_76, %get3A_79, %dot_general3A_80 {dimension_numbers = #tpu.dot_dimension_numbers<[1], [0], [0], [1], [0, 0, 1, 1], [], []>, transpose_lhs_hint = false} : vector<40x64xf32>, vector<64x64xf32>, vector<40x64xf32> -> vector<40x64xf32>
    %get3A_82 = arith.constant 0 : index
    %get3A_83 = arith.constant 0 : index
    %get3A_84 = vector.load %arg13[%get3A_82, %get3A_83] : memref<1x64xf32, #tpu.memory_space<vmem>>, vector<1x64xf32>
    %add3A_85 = vector.broadcast %get3A_84 : vector<1x64xf32> to vector<40x64xf32>
    %add3A_86 = arith.addf %dot_general3A_81, %add3A_85 : vector<40x64xf32>
    %max3A_87 = arith.constant 0.000000e+00 : f32
    %max3A_88 = vector.broadcast %max3A_87 : f32 to vector<40x64xf32>
    %max3A_89 = arith.maximumf %add3A_86, %max3A_88 : vector<40x64xf32>
    %abs3A_90 = math.absf %add3A_86 : vector<40x64xf32>
    %neg3A_91 = arith.constant 0.000000e+00 : f32
    %neg3A_92 = vector.broadcast %neg3A_91 : f32 to vector<40x64xf32>
    %neg3A_93 = arith.subf %neg3A_92, %abs3A_90 : vector<40x64xf32>
    %exp3A_94 = math.exp %neg3A_93 : vector<40x64xf32>
    %add3A_95 = arith.constant 1.000000e+00 : f32
    %add3A_96 = vector.broadcast %add3A_95 : f32 to vector<40x64xf32>
    %add3A_97 = arith.addf %add3A_96, %exp3A_94 : vector<40x64xf32>
    %log3A_98 = math.log %add3A_97 : vector<40x64xf32>
    %add3A_99 = arith.addf %max3A_89, %log3A_98 : vector<40x64xf32>
    %sub3A_100 = arith.constant 0.693147182 : f32
    %sub3A_101 = vector.broadcast %sub3A_100 : f32 to vector<40x64xf32>
    %sub3A_102 = arith.subf %add3A_99, %sub3A_101 : vector<40x64xf32>
    %get3A_103 = arith.constant 0 : index
    %get3A_104 = arith.constant 0 : index
    %get3A_105 = vector.load %arg14[%get3A_103, %get3A_104] : memref<64x64xf32, #tpu.memory_space<vmem>>, vector<64x64xf32>
    %dot_general3A_106 = arith.constant dense<0.000000e+00> : vector<40x64xf32>
    %dot_general3A_107 = tpu.matmul %sub3A_102, %get3A_105, %dot_general3A_106 {dimension_numbers = #tpu.dot_dimension_numbers<[1], [0], [0], [1], [0, 0, 1, 1], [], []>, transpose_lhs_hint = false} : vector<40x64xf32>, vector<64x64xf32>, vector<40x64xf32> -> vector<40x64xf32>
    %get3A_108 = arith.constant 0 : index
    %get3A_109 = arith.constant 0 : index
    %get3A_110 = vector.load %arg15[%get3A_108, %get3A_109] : memref<1x64xf32, #tpu.memory_space<vmem>>, vector<1x64xf32>
    %add3A_111 = vector.broadcast %get3A_110 : vector<1x64xf32> to vector<40x64xf32>
    %add3A_112 = arith.addf %dot_general3A_107, %add3A_111 : vector<40x64xf32>
    %get3A_113 = arith.constant 0 : index
    %get3A_114 = arith.constant 0 : index
    %get3A_115 = vector.load %arg11[%get3A_113, %get3A_114] : memref<40x64xf32, #tpu.memory_space<vmem>>, vector<40x64xf32>
    %add3A_116 = arith.addf %get3A_115, %add3A_112 : vector<40x64xf32>
    %swap3A = arith.constant 0 : index
    %swap3A_117 = arith.constant 0 : index
    %swap3A_118 = vector.load %arg17[%swap3A, %swap3A_117] : memref<40x64xf32, #tpu.memory_space<vmem>>, vector<40x64xf32>
    tpu.vector_store %arg17[%swap3A, %swap3A_117], %add3A_116 {strides = array<i32>} : memref<40x64xf32, #tpu.memory_space<vmem>>, vector<40x64xf32>,
    %get3A_119 = arith.constant 0 : index
    %get3A_120 = arith.constant 0 : index
    %get3A_121 = vector.load %arg16[%get3A_119, %get3A_120] : memref<64x64xf32, #tpu.memory_space<vmem>>, vector<64x64xf32>
    %dot_general3A_122 = arith.constant dense<0.000000e+00> : vector<40x64xf32>
    %dot_general3A_123 = tpu.matmul %add3A_116, %get3A_121, %dot_general3A_122 {dimension_numbers = #tpu.dot_dimension_numbers<[1], [0], [0], [1], [0, 0, 1, 1], [], []>, transpose_lhs_hint = false} : vector<40x64xf32>, vector<64x64xf32>, vector<40x64xf32> -> vector<40x64xf32>
    %swap3A_124 = arith.constant 0 : index
    %swap3A_125 = arith.constant 0 : index
    %swap3A_126 = vector.load %arg18[%swap3A_124, %swap3A_125] : memref<40x64xf32, #tpu.memory_space<vmem>>, vector<40x64xf32>
    tpu.vector_store %arg18[%swap3A_124, %swap3A_125], %dot_general3A_123 {strides = array<i32>} : memref<40x64xf32, #tpu.memory_space<vmem>>, vector<40x64xf32>,
    return
  }
  func.func @transform_0(%arg0: i32) -> (i32, i32) {
    %add3A = arith.constant 0 : i32
    %add3A_0 = arith.addi %arg0, %add3A : i32
    %c0_i32 = arith.constant 0 : i32
    %c0_i32_1 = arith.constant 0 : i32
    return %add3A_0, %c0_i32 : i32, i32
  }
  func.func @transform_1(%arg0: i32) -> (i32, i32) {
    %add3A = arith.constant 0 : i32
    %add3A_0 = arith.addi %arg0, %add3A : i32
    %c0_i32 = arith.constant 0 : i32
    %c0_i32_1 = arith.constant 0 : i32
    return %add3A_0, %c0_i32 : i32, i32
  }
  func.func @transform_2(%arg0: i32) -> (i32, i32) {
    %add3A = arith.constant 0 : i32
    %add3A_0 = arith.addi %arg0, %add3A : i32
    %c0_i32 = arith.constant 0 : i32
    %c0_i32_1 = arith.constant 0 : i32
    return %add3A_0, %c0_i32 : i32, i32
  }
  func.func @transform_3(%arg0: i32) -> (i32, i32) {
    %c0_i32 = arith.constant 0 : i32
    %c0_i32_0 = arith.constant 0 : i32
    return %arg0, %c0_i32 : i32, i32
  }
  func.func @transform_4(%arg0: i32) -> (i32, i32) {
    %c0_i32 = arith.constant 0 : i32
    %c0_i32_0 = arith.constant 0 : i32
    %c0_i32_1 = arith.constant 0 : i32
    return %c0_i32, %c0_i32_0 : i32, i32
  }
  func.func @transform_5(%arg0: i32) -> (i32, i32) {
    %c0_i32 = arith.constant 0 : i32
    %c0_i32_0 = arith.constant 0 : i32
    %c0_i32_1 = arith.constant 0 : i32
    return %c0_i32, %c0_i32_0 : i32, i32
  }
  func.func @transform_6(%arg0: i32) -> (i32, i32) {
    %c0_i32 = arith.constant 0 : i32
    %c0_i32_0 = arith.constant 0 : i32
    %c0_i32_1 = arith.constant 0 : i32
    return %c0_i32, %c0_i32_0 : i32, i32
  }
  func.func @transform_7(%arg0: i32) -> (i32, i32) {
    %c0_i32 = arith.constant 0 : i32
    %c0_i32_0 = arith.constant 0 : i32
    %c0_i32_1 = arith.constant 0 : i32
    return %c0_i32, %c0_i32_0 : i32, i32
  }
  func.func @transform_8(%arg0: i32) -> (i32, i32) {
    %c0_i32 = arith.constant 0 : i32
    %c0_i32_0 = arith.constant 0 : i32
    %c0_i32_1 = arith.constant 0 : i32
    return %c0_i32, %c0_i32_0 : i32, i32
  }
  func.func @transform_9(%arg0: i32) -> (i32, i32) {
    %c0_i32 = arith.constant 0 : i32
    %c0_i32_0 = arith.constant 0 : i32
    %c0_i32_1 = arith.constant 0 : i32
    return %c0_i32, %c0_i32_0 : i32, i32
  }
  func.func @transform_10(%arg0: i32) -> (i32, i32) {
    %add3A = arith.constant 0 : i32
    %add3A_0 = arith.addi %arg0, %add3A : i32
    %c0_i32 = arith.constant 0 : i32
    %c0_i32_1 = arith.constant 0 : i32
    return %add3A_0, %c0_i32 : i32, i32
  }
  func.func @transform_11(%arg0: i32) -> (i32, i32) {
    %c0_i32 = arith.constant 0 : i32
    %c0_i32_0 = arith.constant 0 : i32
    %c0_i32_1 = arith.constant 0 : i32
    return %c0_i32, %c0_i32_0 : i32, i32
  }
  func.func @transform_12(%arg0: i32) -> (i32, i32) {
    %c0_i32 = arith.constant 0 : i32
    %c0_i32_0 = arith.constant 0 : i32
    %c0_i32_1 = arith.constant 0 : i32
    return %c0_i32, %c0_i32_0 : i32, i32
  }
  func.func @transform_13(%arg0: i32) -> (i32, i32) {
    %c0_i32 = arith.constant 0 : i32
    %c0_i32_0 = arith.constant 0 : i32
    %c0_i32_1 = arith.constant 0 : i32
    return %c0_i32, %c0_i32_0 : i32, i32
  }
  func.func @transform_14(%arg0: i32) -> (i32, i32) {
    %c0_i32 = arith.constant 0 : i32
    %c0_i32_0 = arith.constant 0 : i32
    %c0_i32_1 = arith.constant 0 : i32
    return %c0_i32, %c0_i32_0 : i32, i32
  }
  func.func @transform_15(%arg0: i32) -> (i32, i32) {
    %c0_i32 = arith.constant 0 : i32
    %c0_i32_0 = arith.constant 0 : i32
    %c0_i32_1 = arith.constant 0 : i32
    return %c0_i32, %c0_i32_0 : i32, i32
  }
  func.func @transform_16(%arg0: i32) -> (i32, i32) {
    %c0_i32 = arith.constant 0 : i32
    %c0_i32_0 = arith.constant 0 : i32
    return %arg0, %c0_i32 : i32, i32
  }
  func.func @transform_17(%arg0: i32) -> (i32, i32) {
    %c0_i32 = arith.constant 0 : i32
    %c0_i32_0 = arith.constant 0 : i32
    return %arg0, %c0_i32 : i32, i32
  }
}

module attributes {stable_mosaic.version = 14 : i64} {
  func.func @_mu_body(%arg0: i32, %arg1: memref<640x16xf32, #tpu.memory_space<vmem>>, %arg2: memref<40x16xf32, #tpu.memory_space<vmem>>, %arg3: memref<640x64xf32, #tpu.memory_space<vmem>>, %arg4: memref<640x1xf32, #tpu.memory_space<vmem>>, %arg5: memref<64x64xf32, #tpu.memory_space<vmem>>, %arg6: memref<1x64xf32, #tpu.memory_space<vmem>>, %arg7: memref<64x64xf32, #tpu.memory_space<vmem>>, %arg8: memref<1x64xf32, #tpu.memory_space<vmem>>, %arg9: memref<1x64xf32, #tpu.memory_space<vmem>>, %arg10: memref<40x640xf32, #tpu.memory_space<vmem>>, %arg11: memref<40x64xf32, #tpu.memory_space<vmem>>, %arg12: memref<64x64xf32, #tpu.memory_space<vmem>>, %arg13: memref<1x64xf32, #tpu.memory_space<vmem>>, %arg14: memref<64x64xf32, #tpu.memory_space<vmem>>, %arg15: memref<1x64xf32, #tpu.memory_space<vmem>>, %arg16: memref<64x64xf32, #tpu.memory_space<vmem>>, %arg17: memref<40x64xf32, #tpu.memory_space<vmem>>, %arg18: memref<40x64xf32, #tpu.memory_space<vmem>>) attributes {dimension_semantics = [#tpu.dimension_semantics<arbitrary>], iteration_bounds = array<i64: 250>, scalar_prefetch = 0 : i64, scratch_operands = 0 : i64, tpu.core_type = #tpu.core_type<tc>, window_params = [{transform_indices = @transform_0, window_bounds = array<i64: 640, 16>}, {transform_indices = @transform_1, window_bounds = array<i64: 40, 16>}, {transform_indices = @transform_2, window_bounds = array<i64: 640, 64>}, {transform_indices = @transform_3, window_bounds = array<i64: 640, 1>}, {pipeline_mode = #tpu.pipeline_mode<synchronous>, transform_indices = @transform_4, window_bounds = array<i64: 64, 64>}, {pipeline_mode = #tpu.pipeline_mode<synchronous>, transform_indices = @transform_5, window_bounds = array<i64: 1, 64>}, {pipeline_mode = #tpu.pipeline_mode<synchronous>, transform_indices = @transform_6, window_bounds = array<i64: 64, 64>}, {pipeline_mode = #tpu.pipeline_mode<synchronous>, transform_indices = @transform_7, window_bounds = array<i64: 1, 64>}, {pipeline_mode = #tpu.pipeline_mode<synchronous>, transform_indices = @transform_8, window_bounds = array<i64: 1, 64>}, {pipeline_mode = #tpu.pipeline_mode<synchronous>, transform_indices = @transform_9, window_bounds = array<i64: 40, 640>}, {transform_indices = @transform_10, window_bounds = array<i64: 40, 64>}, {pipeline_mode = #tpu.pipeline_mode<synchronous>, transform_indices = @transform_11, window_bounds = array<i64: 64, 64>}, {pipeline_mode = #tpu.pipeline_mode<synchronous>, transform_indices = @transform_12, window_bounds = array<i64: 1, 64>}, {pipeline_mode = #tpu.pipeline_mode<synchronous>, transform_indices = @transform_13, window_bounds = array<i64: 64, 64>}, {pipeline_mode = #tpu.pipeline_mode<synchronous>, transform_indices = @transform_14, window_bounds = array<i64: 1, 64>}, {pipeline_mode = #tpu.pipeline_mode<synchronous>, transform_indices = @transform_15, window_bounds = array<i64: 64, 64>}, {transform_indices = @transform_16, window_bounds = array<i64: 40, 64>}, {transform_indices = @transform_17, window_bounds = array<i64: 40, 64>}]} {
    %get3A = arith.constant 0 : index
    %get3A_0 = arith.constant 0 : index
    %get3A_1 = vector.load %arg2[%get3A, %get3A_0] : memref<40x16xf32, #tpu.memory_space<vmem>>, vector<40x16xf32>
    %reshape3A = vector.shape_cast %get3A_1 : vector<40x16xf32> to vector<40x1x16xf32>
    %broadcast_in_dim3A = vector.shape_cast %reshape3A : vector<40x1x16xf32> to vector<40x1x16xf32>
    %broadcast_in_dim3A_2 = vector.broadcast %broadcast_in_dim3A : vector<40x1x16xf32> to vector<40x16x16xf32>
    %get3A_3 = arith.constant 0 : index
    %get3A_4 = arith.constant 0 : index
    %get3A_5 = vector.load %arg1[%get3A_3, %get3A_4] : memref<640x16xf32, #tpu.memory_space<vmem>>, vector<640x16xf32>
    %reshape3A_6 = vector.shape_cast %broadcast_in_dim3A_2 : vector<40x16x16xf32> to vector<640x16xf32>
    %sub3A = arith.subf %get3A_5, %reshape3A_6 : vector<640x16xf32>
    %mul3A = arith.mulf %sub3A, %sub3A : vector<640x16xf32>
    %reduce_sum3A = arith.constant dense<0.000000e+00> : vector<640xf32>
    %reduce_sum3A_7 = vector.multi_reduction <add>, %mul3A, %reduce_sum3A [1] : vector<640x16xf32> to vector<640xf32>
    %broadcast_in_dim3A_8 = vector.shape_cast %reduce_sum3A_7 : vector<640xf32> to vector<640x1xf32>
    %get3A_9 = arith.constant 0 : index
    %get3A_10 = arith.constant 0 : index
    %get3A_11 = vector.load %arg4[%get3A_9, %get3A_10] : memref<640x1xf32, #tpu.memory_space<vmem>>, vector<640x1xf32>
    %gt3A = arith.constant 0.000000e+00 : f32
    %gt3A_12 = vector.broadcast %gt3A : f32 to vector<640x1xf32>
    %gt3A_13 = arith.cmpf ogt, %get3A_11, %gt3A_12 : vector<640x1xf32>
    %jit3A = arith.constant 1.000000e+00 : f32
    %broadcast_in_dim3A_14 = vector.broadcast %jit3A : f32 to vector<640x1xf32>
    %select_n3A = arith.select %gt3A_13, %broadcast_in_dim3A_8, %broadcast_in_dim3A_14 : vector<640x1xi1>, vector<640x1xf32>
    %sqrt3A = math.sqrt %select_n3A : vector<640x1xf32>
    %broadcast_in_dim3A_15 = vector.shape_cast %sqrt3A : vector<640x1xf32> to vector<640x1xf32>
    %broadcast_in_dim3A_16 = vector.broadcast %broadcast_in_dim3A_15 : vector<640x1xf32> to vector<640x64xf32>
    %get3A_17 = arith.constant 0 : index
    %get3A_18 = arith.constant 0 : index
    %get3A_19 = vector.load %arg9[%get3A_17, %get3A_18] : memref<1x64xf32, #tpu.memory_space<vmem>>, vector<1x64xf32>
    %sub3A_20 = vector.broadcast %get3A_19 : vector<1x64xf32> to vector<640x64xf32>
    %sub3A_21 = arith.subf %broadcast_in_dim3A_16, %sub3A_20 : vector<640x64xf32>
    %integer_pow3A = arith.mulf %sub3A_21, %sub3A_21 : vector<640x64xf32>
    %mul3A_22 = arith.constant -1.200500e+01 : f32
    %mul3A_23 = vector.broadcast %mul3A_22 : f32 to vector<640x64xf32>
    %mul3A_24 = arith.mulf %mul3A_23, %integer_pow3A : vector<640x64xf32>
    %exp3A = math.exp %mul3A_24 : vector<640x64xf32>
    %get3A_25 = arith.constant 0 : index
    %get3A_26 = arith.constant 0 : index
    %get3A_27 = vector.load %arg5[%get3A_25, %get3A_26] : memref<64x64xf32, #tpu.memory_space<vmem>>, vector<64x64xf32>
    %dot_general3A = arith.constant dense<0.000000e+00> : vector<640x64xf32>
    %dot_general3A_28 = tpu.matmul %exp3A, %get3A_27, %dot_general3A {dimension_numbers = #tpu.dot_dimension_numbers<[1], [0], [0], [1], [0, 0, 1, 1], [], []>, transpose_lhs_hint = false} : vector<640x64xf32>, vector<64x64xf32>, vector<640x64xf32> -> vector<640x64xf32>
    %get3A_29 = arith.constant 0 : index
    %get3A_30 = arith.constant 0 : index
    %get3A_31 = vector.load %arg6[%get3A_29, %get3A_30] : memref<1x64xf32, #tpu.memory_space<vmem>>, vector<1x64xf32>
    %add3A = vector.broadcast %get3A_31 : vector<1x64xf32> to vector<640x64xf32>
    %add3A_32 = arith.addf %dot_general3A_28, %add3A : vector<640x64xf32>
    %max3A = arith.constant 0.000000e+00 : f32
    %max3A_33 = vector.broadcast %max3A : f32 to vector<640x64xf32>
    %max3A_34 = arith.maximumf %add3A_32, %max3A_33 : vector<640x64xf32>
    %abs3A = math.absf %add3A_32 : vector<640x64xf32>
    %neg3A = arith.constant 0.000000e+00 : f32
    %neg3A_35 = vector.broadcast %neg3A : f32 to vector<640x64xf32>
    %neg3A_36 = arith.subf %neg3A_35, %abs3A : vector<640x64xf32>
    %exp3A_37 = math.exp %neg3A_36 : vector<640x64xf32>
    %add3A_38 = arith.constant 1.000000e+00 : f32
    %add3A_39 = vector.broadcast %add3A_38 : f32 to vector<640x64xf32>
    %add3A_40 = arith.addf %add3A_39, %exp3A_37 : vector<640x64xf32>
    %log3A = math.log %add3A_40 : vector<640x64xf32>
    %add3A_41 = arith.addf %max3A_34, %log3A : vector<640x64xf32>
    %sub3A_42 = arith.constant 0.693147182 : f32
    %sub3A_43 = vector.broadcast %sub3A_42 : f32 to vector<640x64xf32>
    %sub3A_44 = arith.subf %add3A_41, %sub3A_43 : vector<640x64xf32>
    %get3A_45 = arith.constant 0 : index
    %get3A_46 = arith.constant 0 : index
    %get3A_47 = vector.load %arg7[%get3A_45, %get3A_46] : memref<64x64xf32, #tpu.memory_space<vmem>>, vector<64x64xf32>
    %dot_general3A_48 = arith.constant dense<0.000000e+00> : vector<640x64xf32>
    %dot_general3A_49 = tpu.matmul %sub3A_44, %get3A_47, %dot_general3A_48 {dimension_numbers = #tpu.dot_dimension_numbers<[1], [0], [0], [1], [0, 0, 1, 1], [], []>, transpose_lhs_hint = false} : vector<640x64xf32>, vector<64x64xf32>, vector<640x64xf32> -> vector<640x64xf32>
    %get3A_50 = arith.constant 0 : index
    %get3A_51 = arith.constant 0 : index
    %get3A_52 = vector.load %arg8[%get3A_50, %get3A_51] : memref<1x64xf32, #tpu.memory_space<vmem>>, vector<1x64xf32>
    %add3A_53 = vector.broadcast %get3A_52 : vector<1x64xf32> to vector<640x64xf32>
    %add3A_54 = arith.addf %dot_general3A_49, %add3A_53 : vector<640x64xf32>
    %mul3A_55 = arith.constant 0.314159274 : f32
    %mul3A_56 = vector.broadcast %mul3A_55 : f32 to vector<640x1xf32>
    %mul3A_57 = arith.mulf %sqrt3A, %mul3A_56 : vector<640x1xf32>
    %cos3A = math.cos %mul3A_57 : vector<640x1xf32>
    %add3A_58 = arith.constant 1.000000e+00 : f32
    %add3A_59 = vector.broadcast %add3A_58 : f32 to vector<640x1xf32>
    %add3A_60 = arith.addf %cos3A, %add3A_59 : vector<640x1xf32>
    %mul3A_61 = arith.constant 5.000000e-01 : f32
    %mul3A_62 = vector.broadcast %mul3A_61 : f32 to vector<640x1xf32>
    %mul3A_63 = arith.mulf %mul3A_62, %add3A_60 : vector<640x1xf32>
    %mul3A_64 = arith.mulf %mul3A_63, %get3A_11 : vector<640x1xf32>
    %get3A_65 = arith.constant 0 : index
    %get3A_66 = arith.constant 0 : index
    %get3A_67 = vector.load %arg3[%get3A_65, %get3A_66] : memref<640x64xf32, #tpu.memory_space<vmem>>, vector<640x64xf32>
    %mul3A_68 = arith.mulf %get3A_67, %add3A_54 : vector<640x64xf32>
    %broadcast_in_dim3A_69 = vector.shape_cast %mul3A_64 : vector<640x1xf32> to vector<640x1xf32>
    %broadcast_in_dim3A_70 = vector.broadcast %broadcast_in_dim3A_69 : vector<640x1xf32> to vector<640x64xf32>
    %mul3A_71 = arith.mulf %mul3A_68, %broadcast_in_dim3A_70 : vector<640x64xf32>
    %get3A_72 = arith.constant 0 : index
    %get3A_73 = arith.constant 0 : index
    %get3A_74 = vector.load %arg10[%get3A_72, %get3A_73] : memref<40x640xf32, #tpu.memory_space<vmem>>, vector<40x640xf32>
    %dot_general3A_75 = arith.constant dense<0.000000e+00> : vector<40x64xf32>
    %dot_general3A_76 = tpu.matmul %get3A_74, %mul3A_71, %dot_general3A_75 {dimension_numbers = #tpu.dot_dimension_numbers<[1], [0], [0], [1], [0, 0, 1, 1], [], []>, transpose_lhs_hint = false} : vector<40x640xf32>, vector<640x64xf32>, vector<40x64xf32> -> vector<40x64xf32>
    %get3A_77 = arith.constant 0 : index
    %get3A_78 = arith.constant 0 : index
    %get3A_79 = vector.load %arg12[%get3A_77, %get3A_78] : memref<64x64xf32, #tpu.memory_space<vmem>>, vector<64x64xf32>
    %dot_general3A_80 = arith.constant dense<0.000000e+00> : vector<40x64xf32>
    %dot_general3A_81 = tpu.matmul %dot_general3A_76, %get3A_79, %dot_general3A_80 {dimension_numbers = #tpu.dot_dimension_numbers<[1], [0], [0], [1], [0, 0, 1, 1], [], []>, transpose_lhs_hint = false} : vector<40x64xf32>, vector<64x64xf32>, vector<40x64xf32> -> vector<40x64xf32>
    %get3A_82 = arith.constant 0 : index
    %get3A_83 = arith.constant 0 : index
    %get3A_84 = vector.load %arg13[%get3A_82, %get3A_83] : memref<1x64xf32, #tpu.memory_space<vmem>>, vector<1x64xf32>
    %add3A_85 = vector.broadcast %get3A_84 : vector<1x64xf32> to vector<40x64xf32>
    %add3A_86 = arith.addf %dot_general3A_81, %add3A_85 : vector<40x64xf32>
    %max3A_87 = arith.constant 0.000000e+00 : f32
    %max3A_88 = vector.broadcast %max3A_87 : f32 to vector<40x64xf32>
    %max3A_89 = arith.maximumf %add3A_86, %max3A_88 : vector<40x64xf32>
    %abs3A_90 = math.absf %add3A_86 : vector<40x64xf32>
    %neg3A_91 = arith.constant 0.000000e+00 : f32
    %neg3A_92 = vector.broadcast %neg3A_91 : f32 to vector<40x64xf32>
    %neg3A_93 = arith.subf %neg3A_92, %abs3A_90 : vector<40x64xf32>
    %exp3A_94 = math.exp %neg3A_93 : vector<40x64xf32>
    %add3A_95 = arith.constant 1.000000e+00 : f32
    %add3A_96 = vector.broadcast %add3A_95 : f32 to vector<40x64xf32>
    %add3A_97 = arith.addf %add3A_96, %exp3A_94 : vector<40x64xf32>
    %log3A_98 = math.log %add3A_97 : vector<40x64xf32>
    %add3A_99 = arith.addf %max3A_89, %log3A_98 : vector<40x64xf32>
    %sub3A_100 = arith.constant 0.693147182 : f32
    %sub3A_101 = vector.broadcast %sub3A_100 : f32 to vector<40x64xf32>
    %sub3A_102 = arith.subf %add3A_99, %sub3A_101 : vector<40x64xf32>
    %get3A_103 = arith.constant 0 : index
    %get3A_104 = arith.constant 0 : index
    %get3A_105 = vector.load %arg14[%get3A_103, %get3A_104] : memref<64x64xf32, #tpu.memory_space<vmem>>, vector<64x64xf32>
    %dot_general3A_106 = arith.constant dense<0.000000e+00> : vector<40x64xf32>
    %dot_general3A_107 = tpu.matmul %sub3A_102, %get3A_105, %dot_general3A_106 {dimension_numbers = #tpu.dot_dimension_numbers<[1], [0], [0], [1], [0, 0, 1, 1], [], []>, transpose_lhs_hint = false} : vector<40x64xf32>, vector<64x64xf32>, vector<40x64xf32> -> vector<40x64xf32>
    %get3A_108 = arith.constant 0 : index
    %get3A_109 = arith.constant 0 : index
    %get3A_110 = vector.load %arg15[%get3A_108, %get3A_109] : memref<1x64xf32, #tpu.memory_space<vmem>>, vector<1x64xf32>
    %add3A_111 = vector.broadcast %get3A_110 : vector<1x64xf32> to vector<40x64xf32>
    %add3A_112 = arith.addf %dot_general3A_107, %add3A_111 : vector<40x64xf32>
    %get3A_113 = arith.constant 0 : index
    %get3A_114 = arith.constant 0 : index
    %get3A_115 = vector.load %arg11[%get3A_113, %get3A_114] : memref<40x64xf32, #tpu.memory_space<vmem>>, vector<40x64xf32>
    %add3A_116 = arith.addf %get3A_115, %add3A_112 : vector<40x64xf32>
    %swap3A = arith.constant 0 : index
    %swap3A_117 = arith.constant 0 : index
    %swap3A_118 = vector.load %arg17[%swap3A, %swap3A_117] : memref<40x64xf32, #tpu.memory_space<vmem>>, vector<40x64xf32>
    tpu.vector_store %arg17[%swap3A, %swap3A_117], %add3A_116 {strides = array<i32>} : memref<40x64xf32, #tpu.memory_space<vmem>>, vector<40x64xf32>,
    %get3A_119 = arith.constant 0 : index
    %get3A_120 = arith.constant 0 : index
    %get3A_121 = vector.load %arg16[%get3A_119, %get3A_120] : memref<64x64xf32, #tpu.memory_space<vmem>>, vector<64x64xf32>
    %dot_general3A_122 = arith.constant dense<0.000000e+00> : vector<40x64xf32>
    %dot_general3A_123 = tpu.matmul %add3A_116, %get3A_121, %dot_general3A_122 {dimension_numbers = #tpu.dot_dimension_numbers<[1], [0], [0], [1], [0, 0, 1, 1], [], []>, transpose_lhs_hint = false} : vector<40x64xf32>, vector<64x64xf32>, vector<40x64xf32> -> vector<40x64xf32>
    %swap3A_124 = arith.constant 0 : index
    %swap3A_125 = arith.constant 0 : index
    %swap3A_126 = vector.load %arg18[%swap3A_124, %swap3A_125] : memref<40x64xf32, #tpu.memory_space<vmem>>, vector<40x64xf32>
    tpu.vector_store %arg18[%swap3A_124, %swap3A_125], %dot_general3A_123 {strides = array<i32>} : memref<40x64xf32, #tpu.memory_space<vmem>>, vector<40x64xf32>,
    return
  }
  func.func @transform_0(%arg0: i32) -> (i32, i32) {
    %add3A = arith.constant 256 : i32
    %add3A_0 = arith.addi %arg0, %add3A : i32
    %c0_i32 = arith.constant 0 : i32
    %c0_i32_1 = arith.constant 0 : i32
    return %add3A_0, %c0_i32 : i32, i32
  }
  func.func @transform_1(%arg0: i32) -> (i32, i32) {
    %add3A = arith.constant 250 : i32
    %add3A_0 = arith.addi %arg0, %add3A : i32
    %c0_i32 = arith.constant 0 : i32
    %c0_i32_1 = arith.constant 0 : i32
    return %add3A_0, %c0_i32 : i32, i32
  }
  func.func @transform_2(%arg0: i32) -> (i32, i32) {
    %add3A = arith.constant 256 : i32
    %add3A_0 = arith.addi %arg0, %add3A : i32
    %c0_i32 = arith.constant 0 : i32
    %c0_i32_1 = arith.constant 0 : i32
    return %add3A_0, %c0_i32 : i32, i32
  }
  func.func @transform_3(%arg0: i32) -> (i32, i32) {
    %c0_i32 = arith.constant 0 : i32
    %c0_i32_0 = arith.constant 0 : i32
    return %arg0, %c0_i32 : i32, i32
  }
  func.func @transform_4(%arg0: i32) -> (i32, i32) {
    %c0_i32 = arith.constant 0 : i32
    %c0_i32_0 = arith.constant 0 : i32
    %c0_i32_1 = arith.constant 0 : i32
    return %c0_i32, %c0_i32_0 : i32, i32
  }
  func.func @transform_5(%arg0: i32) -> (i32, i32) {
    %c0_i32 = arith.constant 0 : i32
    %c0_i32_0 = arith.constant 0 : i32
    %c0_i32_1 = arith.constant 0 : i32
    return %c0_i32, %c0_i32_0 : i32, i32
  }
  func.func @transform_6(%arg0: i32) -> (i32, i32) {
    %c0_i32 = arith.constant 0 : i32
    %c0_i32_0 = arith.constant 0 : i32
    %c0_i32_1 = arith.constant 0 : i32
    return %c0_i32, %c0_i32_0 : i32, i32
  }
  func.func @transform_7(%arg0: i32) -> (i32, i32) {
    %c0_i32 = arith.constant 0 : i32
    %c0_i32_0 = arith.constant 0 : i32
    %c0_i32_1 = arith.constant 0 : i32
    return %c0_i32, %c0_i32_0 : i32, i32
  }
  func.func @transform_8(%arg0: i32) -> (i32, i32) {
    %c0_i32 = arith.constant 0 : i32
    %c0_i32_0 = arith.constant 0 : i32
    %c0_i32_1 = arith.constant 0 : i32
    return %c0_i32, %c0_i32_0 : i32, i32
  }
  func.func @transform_9(%arg0: i32) -> (i32, i32) {
    %c0_i32 = arith.constant 0 : i32
    %c0_i32_0 = arith.constant 0 : i32
    %c0_i32_1 = arith.constant 0 : i32
    return %c0_i32, %c0_i32_0 : i32, i32
  }
  func.func @transform_10(%arg0: i32) -> (i32, i32) {
    %add3A = arith.constant 250 : i32
    %add3A_0 = arith.addi %arg0, %add3A : i32
    %c0_i32 = arith.constant 0 : i32
    %c0_i32_1 = arith.constant 0 : i32
    return %add3A_0, %c0_i32 : i32, i32
  }
  func.func @transform_11(%arg0: i32) -> (i32, i32) {
    %c0_i32 = arith.constant 0 : i32
    %c0_i32_0 = arith.constant 0 : i32
    %c0_i32_1 = arith.constant 0 : i32
    return %c0_i32, %c0_i32_0 : i32, i32
  }
  func.func @transform_12(%arg0: i32) -> (i32, i32) {
    %c0_i32 = arith.constant 0 : i32
    %c0_i32_0 = arith.constant 0 : i32
    %c0_i32_1 = arith.constant 0 : i32
    return %c0_i32, %c0_i32_0 : i32, i32
  }
  func.func @transform_13(%arg0: i32) -> (i32, i32) {
    %c0_i32 = arith.constant 0 : i32
    %c0_i32_0 = arith.constant 0 : i32
    %c0_i32_1 = arith.constant 0 : i32
    return %c0_i32, %c0_i32_0 : i32, i32
  }
  func.func @transform_14(%arg0: i32) -> (i32, i32) {
    %c0_i32 = arith.constant 0 : i32
    %c0_i32_0 = arith.constant 0 : i32
    %c0_i32_1 = arith.constant 0 : i32
    return %c0_i32, %c0_i32_0 : i32, i32
  }
  func.func @transform_15(%arg0: i32) -> (i32, i32) {
    %c0_i32 = arith.constant 0 : i32
    %c0_i32_0 = arith.constant 0 : i32
    %c0_i32_1 = arith.constant 0 : i32
    return %c0_i32, %c0_i32_0 : i32, i32
  }
  func.func @transform_16(%arg0: i32) -> (i32, i32) {
    %c0_i32 = arith.constant 0 : i32
    %c0_i32_0 = arith.constant 0 : i32
    return %arg0, %c0_i32 : i32, i32
  }
  func.func @transform_17(%arg0: i32) -> (i32, i32) {
    %c0_i32 = arith.constant 0 : i32
    %c0_i32_0 = arith.constant 0 : i32
    return %arg0, %c0_i32 : i32, i32
  }
}

module attributes {stable_mosaic.version = 14 : i64} {
  func.func @_mu_pool_body(%arg0: i32, %arg1: memref<640x16xf32, #tpu.memory_space<vmem>>, %arg2: memref<40x16xf32, #tpu.memory_space<vmem>>, %arg3: memref<640x64xf32, #tpu.memory_space<vmem>>, %arg4: memref<640x1xf32, #tpu.memory_space<vmem>>, %arg5: memref<64x64xf32, #tpu.memory_space<vmem>>, %arg6: memref<1x64xf32, #tpu.memory_space<vmem>>, %arg7: memref<64x64xf32, #tpu.memory_space<vmem>>, %arg8: memref<1x64xf32, #tpu.memory_space<vmem>>, %arg9: memref<1x64xf32, #tpu.memory_space<vmem>>, %arg10: memref<40x640xf32, #tpu.memory_space<vmem>>, %arg11: memref<40x64xf32, #tpu.memory_space<vmem>>, %arg12: memref<64x64xf32, #tpu.memory_space<vmem>>, %arg13: memref<1x64xf32, #tpu.memory_space<vmem>>, %arg14: memref<64x64xf32, #tpu.memory_space<vmem>>, %arg15: memref<1x64xf32, #tpu.memory_space<vmem>>, %arg16: memref<1x64xf32, #tpu.memory_space<vmem>>) attributes {dimension_semantics = [#tpu.dimension_semantics<arbitrary>], iteration_bounds = array<i64: 250>, scalar_prefetch = 0 : i64, scratch_operands = 0 : i64, tpu.core_type = #tpu.core_type<tc>, window_params = [{transform_indices = @transform_0, window_bounds = array<i64: 640, 16>}, {transform_indices = @transform_1, window_bounds = array<i64: 40, 16>}, {transform_indices = @transform_2, window_bounds = array<i64: 640, 64>}, {transform_indices = @transform_3, window_bounds = array<i64: 640, 1>}, {pipeline_mode = #tpu.pipeline_mode<synchronous>, transform_indices = @transform_4, window_bounds = array<i64: 64, 64>}, {pipeline_mode = #tpu.pipeline_mode<synchronous>, transform_indices = @transform_5, window_bounds = array<i64: 1, 64>}, {pipeline_mode = #tpu.pipeline_mode<synchronous>, transform_indices = @transform_6, window_bounds = array<i64: 64, 64>}, {pipeline_mode = #tpu.pipeline_mode<synchronous>, transform_indices = @transform_7, window_bounds = array<i64: 1, 64>}, {pipeline_mode = #tpu.pipeline_mode<synchronous>, transform_indices = @transform_8, window_bounds = array<i64: 1, 64>}, {pipeline_mode = #tpu.pipeline_mode<synchronous>, transform_indices = @transform_9, window_bounds = array<i64: 40, 640>}, {transform_indices = @transform_10, window_bounds = array<i64: 40, 64>}, {pipeline_mode = #tpu.pipeline_mode<synchronous>, transform_indices = @transform_11, window_bounds = array<i64: 64, 64>}, {pipeline_mode = #tpu.pipeline_mode<synchronous>, transform_indices = @transform_12, window_bounds = array<i64: 1, 64>}, {pipeline_mode = #tpu.pipeline_mode<synchronous>, transform_indices = @transform_13, window_bounds = array<i64: 64, 64>}, {pipeline_mode = #tpu.pipeline_mode<synchronous>, transform_indices = @transform_14, window_bounds = array<i64: 1, 64>}, {pipeline_mode = #tpu.pipeline_mode<synchronous>, transform_indices = @transform_15, window_bounds = array<i64: 1, 64>}]} {
    %get3A = arith.constant 0 : index
    %get3A_0 = arith.constant 0 : index
    %get3A_1 = vector.load %arg2[%get3A, %get3A_0] : memref<40x16xf32, #tpu.memory_space<vmem>>, vector<40x16xf32>
    %reshape3A = vector.shape_cast %get3A_1 : vector<40x16xf32> to vector<40x1x16xf32>
    %broadcast_in_dim3A = vector.shape_cast %reshape3A : vector<40x1x16xf32> to vector<40x1x16xf32>
    %broadcast_in_dim3A_2 = vector.broadcast %broadcast_in_dim3A : vector<40x1x16xf32> to vector<40x16x16xf32>
    %get3A_3 = arith.constant 0 : index
    %get3A_4 = arith.constant 0 : index
    %get3A_5 = vector.load %arg1[%get3A_3, %get3A_4] : memref<640x16xf32, #tpu.memory_space<vmem>>, vector<640x16xf32>
    %reshape3A_6 = vector.shape_cast %broadcast_in_dim3A_2 : vector<40x16x16xf32> to vector<640x16xf32>
    %sub3A = arith.subf %get3A_5, %reshape3A_6 : vector<640x16xf32>
    %mul3A = arith.mulf %sub3A, %sub3A : vector<640x16xf32>
    %reduce_sum3A = arith.constant dense<0.000000e+00> : vector<640xf32>
    %reduce_sum3A_7 = vector.multi_reduction <add>, %mul3A, %reduce_sum3A [1] : vector<640x16xf32> to vector<640xf32>
    %broadcast_in_dim3A_8 = vector.shape_cast %reduce_sum3A_7 : vector<640xf32> to vector<640x1xf32>
    %get3A_9 = arith.constant 0 : index
    %get3A_10 = arith.constant 0 : index
    %get3A_11 = vector.load %arg4[%get3A_9, %get3A_10] : memref<640x1xf32, #tpu.memory_space<vmem>>, vector<640x1xf32>
    %gt3A = arith.constant 0.000000e+00 : f32
    %gt3A_12 = vector.broadcast %gt3A : f32 to vector<640x1xf32>
    %gt3A_13 = arith.cmpf ogt, %get3A_11, %gt3A_12 : vector<640x1xf32>
    %jit3A = arith.constant 1.000000e+00 : f32
    %broadcast_in_dim3A_14 = vector.broadcast %jit3A : f32 to vector<640x1xf32>
    %select_n3A = arith.select %gt3A_13, %broadcast_in_dim3A_8, %broadcast_in_dim3A_14 : vector<640x1xi1>, vector<640x1xf32>
    %sqrt3A = math.sqrt %select_n3A : vector<640x1xf32>
    %broadcast_in_dim3A_15 = vector.shape_cast %sqrt3A : vector<640x1xf32> to vector<640x1xf32>
    %broadcast_in_dim3A_16 = vector.broadcast %broadcast_in_dim3A_15 : vector<640x1xf32> to vector<640x64xf32>
    %get3A_17 = arith.constant 0 : index
    %get3A_18 = arith.constant 0 : index
    %get3A_19 = vector.load %arg9[%get3A_17, %get3A_18] : memref<1x64xf32, #tpu.memory_space<vmem>>, vector<1x64xf32>
    %sub3A_20 = vector.broadcast %get3A_19 : vector<1x64xf32> to vector<640x64xf32>
    %sub3A_21 = arith.subf %broadcast_in_dim3A_16, %sub3A_20 : vector<640x64xf32>
    %integer_pow3A = arith.mulf %sub3A_21, %sub3A_21 : vector<640x64xf32>
    %mul3A_22 = arith.constant -1.200500e+01 : f32
    %mul3A_23 = vector.broadcast %mul3A_22 : f32 to vector<640x64xf32>
    %mul3A_24 = arith.mulf %mul3A_23, %integer_pow3A : vector<640x64xf32>
    %exp3A = math.exp %mul3A_24 : vector<640x64xf32>
    %get3A_25 = arith.constant 0 : index
    %get3A_26 = arith.constant 0 : index
    %get3A_27 = vector.load %arg5[%get3A_25, %get3A_26] : memref<64x64xf32, #tpu.memory_space<vmem>>, vector<64x64xf32>
    %dot_general3A = arith.constant dense<0.000000e+00> : vector<640x64xf32>
    %dot_general3A_28 = tpu.matmul %exp3A, %get3A_27, %dot_general3A {dimension_numbers = #tpu.dot_dimension_numbers<[1], [0], [0], [1], [0, 0, 1, 1], [], []>, transpose_lhs_hint = false} : vector<640x64xf32>, vector<64x64xf32>, vector<640x64xf32> -> vector<640x64xf32>
    %get3A_29 = arith.constant 0 : index
    %get3A_30 = arith.constant 0 : index
    %get3A_31 = vector.load %arg6[%get3A_29, %get3A_30] : memref<1x64xf32, #tpu.memory_space<vmem>>, vector<1x64xf32>
    %add3A = vector.broadcast %get3A_31 : vector<1x64xf32> to vector<640x64xf32>
    %add3A_32 = arith.addf %dot_general3A_28, %add3A : vector<640x64xf32>
    %max3A = arith.constant 0.000000e+00 : f32
    %max3A_33 = vector.broadcast %max3A : f32 to vector<640x64xf32>
    %max3A_34 = arith.maximumf %add3A_32, %max3A_33 : vector<640x64xf32>
    %abs3A = math.absf %add3A_32 : vector<640x64xf32>
    %neg3A = arith.constant 0.000000e+00 : f32
    %neg3A_35 = vector.broadcast %neg3A : f32 to vector<640x64xf32>
    %neg3A_36 = arith.subf %neg3A_35, %abs3A : vector<640x64xf32>
    %exp3A_37 = math.exp %neg3A_36 : vector<640x64xf32>
    %add3A_38 = arith.constant 1.000000e+00 : f32
    %add3A_39 = vector.broadcast %add3A_38 : f32 to vector<640x64xf32>
    %add3A_40 = arith.addf %add3A_39, %exp3A_37 : vector<640x64xf32>
    %log3A = math.log %add3A_40 : vector<640x64xf32>
    %add3A_41 = arith.addf %max3A_34, %log3A : vector<640x64xf32>
    %sub3A_42 = arith.constant 0.693147182 : f32
    %sub3A_43 = vector.broadcast %sub3A_42 : f32 to vector<640x64xf32>
    %sub3A_44 = arith.subf %add3A_41, %sub3A_43 : vector<640x64xf32>
    %get3A_45 = arith.constant 0 : index
    %get3A_46 = arith.constant 0 : index
    %get3A_47 = vector.load %arg7[%get3A_45, %get3A_46] : memref<64x64xf32, #tpu.memory_space<vmem>>, vector<64x64xf32>
    %dot_general3A_48 = arith.constant dense<0.000000e+00> : vector<640x64xf32>
    %dot_general3A_49 = tpu.matmul %sub3A_44, %get3A_47, %dot_general3A_48 {dimension_numbers = #tpu.dot_dimension_numbers<[1], [0], [0], [1], [0, 0, 1, 1], [], []>, transpose_lhs_hint = false} : vector<640x64xf32>, vector<64x64xf32>, vector<640x64xf32> -> vector<640x64xf32>
    %get3A_50 = arith.constant 0 : index
    %get3A_51 = arith.constant 0 : index
    %get3A_52 = vector.load %arg8[%get3A_50, %get3A_51] : memref<1x64xf32, #tpu.memory_space<vmem>>, vector<1x64xf32>
    %add3A_53 = vector.broadcast %get3A_52 : vector<1x64xf32> to vector<640x64xf32>
    %add3A_54 = arith.addf %dot_general3A_49, %add3A_53 : vector<640x64xf32>
    %mul3A_55 = arith.constant 0.314159274 : f32
    %mul3A_56 = vector.broadcast %mul3A_55 : f32 to vector<640x1xf32>
    %mul3A_57 = arith.mulf %sqrt3A, %mul3A_56 : vector<640x1xf32>
    %cos3A = math.cos %mul3A_57 : vector<640x1xf32>
    %add3A_58 = arith.constant 1.000000e+00 : f32
    %add3A_59 = vector.broadcast %add3A_58 : f32 to vector<640x1xf32>
    %add3A_60 = arith.addf %cos3A, %add3A_59 : vector<640x1xf32>
    %mul3A_61 = arith.constant 5.000000e-01 : f32
    %mul3A_62 = vector.broadcast %mul3A_61 : f32 to vector<640x1xf32>
    %mul3A_63 = arith.mulf %mul3A_62, %add3A_60 : vector<640x1xf32>
    %mul3A_64 = arith.mulf %mul3A_63, %get3A_11 : vector<640x1xf32>
    %get3A_65 = arith.constant 0 : index
    %get3A_66 = arith.constant 0 : index
    %get3A_67 = vector.load %arg3[%get3A_65, %get3A_66] : memref<640x64xf32, #tpu.memory_space<vmem>>, vector<640x64xf32>
    %mul3A_68 = arith.mulf %get3A_67, %add3A_54 : vector<640x64xf32>
    %broadcast_in_dim3A_69 = vector.shape_cast %mul3A_64 : vector<640x1xf32> to vector<640x1xf32>
    %broadcast_in_dim3A_70 = vector.broadcast %broadcast_in_dim3A_69 : vector<640x1xf32> to vector<640x64xf32>
    %mul3A_71 = arith.mulf %mul3A_68, %broadcast_in_dim3A_70 : vector<640x64xf32>
    %get3A_72 = arith.constant 0 : index
    %get3A_73 = arith.constant 0 : index
    %get3A_74 = vector.load %arg10[%get3A_72, %get3A_73] : memref<40x640xf32, #tpu.memory_space<vmem>>, vector<40x640xf32>
    %dot_general3A_75 = arith.constant dense<0.000000e+00> : vector<40x64xf32>
    %dot_general3A_76 = tpu.matmul %get3A_74, %mul3A_71, %dot_general3A_75 {dimension_numbers = #tpu.dot_dimension_numbers<[1], [0], [0], [1], [0, 0, 1, 1], [], []>, transpose_lhs_hint = false} : vector<40x640xf32>, vector<640x64xf32>, vector<40x64xf32> -> vector<40x64xf32>
    %get3A_77 = arith.constant 0 : index
    %get3A_78 = arith.constant 0 : index
    %get3A_79 = vector.load %arg12[%get3A_77, %get3A_78] : memref<64x64xf32, #tpu.memory_space<vmem>>, vector<64x64xf32>
    %dot_general3A_80 = arith.constant dense<0.000000e+00> : vector<40x64xf32>
    %dot_general3A_81 = tpu.matmul %dot_general3A_76, %get3A_79, %dot_general3A_80 {dimension_numbers = #tpu.dot_dimension_numbers<[1], [0], [0], [1], [0, 0, 1, 1], [], []>, transpose_lhs_hint = false} : vector<40x64xf32>, vector<64x64xf32>, vector<40x64xf32> -> vector<40x64xf32>
    %get3A_82 = arith.constant 0 : index
    %get3A_83 = arith.constant 0 : index
    %get3A_84 = vector.load %arg13[%get3A_82, %get3A_83] : memref<1x64xf32, #tpu.memory_space<vmem>>, vector<1x64xf32>
    %add3A_85 = vector.broadcast %get3A_84 : vector<1x64xf32> to vector<40x64xf32>
    %add3A_86 = arith.addf %dot_general3A_81, %add3A_85 : vector<40x64xf32>
    %max3A_87 = arith.constant 0.000000e+00 : f32
    %max3A_88 = vector.broadcast %max3A_87 : f32 to vector<40x64xf32>
    %max3A_89 = arith.maximumf %add3A_86, %max3A_88 : vector<40x64xf32>
    %abs3A_90 = math.absf %add3A_86 : vector<40x64xf32>
    %neg3A_91 = arith.constant 0.000000e+00 : f32
    %neg3A_92 = vector.broadcast %neg3A_91 : f32 to vector<40x64xf32>
    %neg3A_93 = arith.subf %neg3A_92, %abs3A_90 : vector<40x64xf32>
    %exp3A_94 = math.exp %neg3A_93 : vector<40x64xf32>
    %add3A_95 = arith.constant 1.000000e+00 : f32
    %add3A_96 = vector.broadcast %add3A_95 : f32 to vector<40x64xf32>
    %add3A_97 = arith.addf %add3A_96, %exp3A_94 : vector<40x64xf32>
    %log3A_98 = math.log %add3A_97 : vector<40x64xf32>
    %add3A_99 = arith.addf %max3A_89, %log3A_98 : vector<40x64xf32>
    %sub3A_100 = arith.constant 0.693147182 : f32
    %sub3A_101 = vector.broadcast %sub3A_100 : f32 to vector<40x64xf32>
    %sub3A_102 = arith.subf %add3A_99, %sub3A_101 : vector<40x64xf32>
    %get3A_103 = arith.constant 0 : index
    %get3A_104 = arith.constant 0 : index
    %get3A_105 = vector.load %arg14[%get3A_103, %get3A_104] : memref<64x64xf32, #tpu.memory_space<vmem>>, vector<64x64xf32>
    %dot_general3A_106 = arith.constant dense<0.000000e+00> : vector<40x64xf32>
    %dot_general3A_107 = tpu.matmul %sub3A_102, %get3A_105, %dot_general3A_106 {dimension_numbers = #tpu.dot_dimension_numbers<[1], [0], [0], [1], [0, 0, 1, 1], [], []>, transpose_lhs_hint = false} : vector<40x64xf32>, vector<64x64xf32>, vector<40x64xf32> -> vector<40x64xf32>
    %get3A_108 = arith.constant 0 : index
    %get3A_109 = arith.constant 0 : index
    %get3A_110 = vector.load %arg15[%get3A_108, %get3A_109] : memref<1x64xf32, #tpu.memory_space<vmem>>, vector<1x64xf32>
    %add3A_111 = vector.broadcast %get3A_110 : vector<1x64xf32> to vector<40x64xf32>
    %add3A_112 = arith.addf %dot_general3A_107, %add3A_111 : vector<40x64xf32>
    %get3A_113 = arith.constant 0 : index
    %get3A_114 = arith.constant 0 : index
    %get3A_115 = vector.load %arg11[%get3A_113, %get3A_114] : memref<40x64xf32, #tpu.memory_space<vmem>>, vector<40x64xf32>
    %add3A_116 = arith.addf %get3A_115, %add3A_112 : vector<40x64xf32>
    %eq3A = arith.constant 0 : i32
    %eq3A_117 = arith.cmpi eq, %arg0, %eq3A : i32
    %convert_element_type3A = arith.extui %eq3A_117 : i1 to i32
    %cond3A = arith.constant 0 : i32
    %cond3A_118 = arith.cmpi ne, %convert_element_type3A, %cond3A : i32
    scf.if %cond3A_118 {
      %broadcast_in_dim3A_130 = arith.constant 0.000000e+00 : f32
      %broadcast_in_dim3A_131 = vector.broadcast %broadcast_in_dim3A_130 : f32 to vector<1x64xf32>
      %swap3A_132 = arith.constant 0 : index
      %swap3A_133 = arith.constant 0 : index
      %swap3A_134 = vector.load %arg16[%swap3A_132, %swap3A_133] : memref<1x64xf32, #tpu.memory_space<vmem>>, vector<1x64xf32>
      tpu.vector_store %arg16[%swap3A_132, %swap3A_133], %broadcast_in_dim3A_131 {strides = array<i32>} : memref<1x64xf32, #tpu.memory_space<vmem>>, vector<1x64xf32>,
    } else {
    }
    %get3A_119 = arith.constant 0 : index
    %get3A_120 = arith.constant 0 : index
    %get3A_121 = vector.load %arg16[%get3A_119, %get3A_120] : memref<1x64xf32, #tpu.memory_space<vmem>>, vector<1x64xf32>
    %reduce_sum3A_122 = arith.constant dense<0.000000e+00> : vector<64xf32>
    %reduce_sum3A_123 = vector.multi_reduction <add>, %add3A_116, %reduce_sum3A_122 [0] : vector<40x64xf32> to vector<64xf32>
    %broadcast_in_dim3A_124 = vector.shape_cast %reduce_sum3A_123 : vector<64xf32> to vector<1x64xf32>
    %div3A = arith.constant 1.600000e+01 : f32
    %div3A_125 = vector.broadcast %div3A : f32 to vector<1x64xf32>
    %div3A_126 = arith.divf %broadcast_in_dim3A_124, %div3A_125 : vector<1x64xf32>
    %add3A_127 = arith.addf %get3A_121, %div3A_126 : vector<1x64xf32>
    %swap3A = arith.constant 0 : index
    %swap3A_128 = arith.constant 0 : index
    %swap3A_129 = vector.load %arg16[%swap3A, %swap3A_128] : memref<1x64xf32, #tpu.memory_space<vmem>>, vector<1x64xf32>
    tpu.vector_store %arg16[%swap3A, %swap3A_128], %add3A_127 {strides = array<i32>} : memref<1x64xf32, #tpu.memory_space<vmem>>, vector<1x64xf32>,
    return
  }
  func.func @transform_0(%arg0: i32) -> (i32, i32) {
    %add3A = arith.constant 256 : i32
    %add3A_0 = arith.addi %arg0, %add3A : i32
    %c0_i32 = arith.constant 0 : i32
    %c0_i32_1 = arith.constant 0 : i32
    return %add3A_0, %c0_i32 : i32, i32
  }
  func.func @transform_1(%arg0: i32) -> (i32, i32) {
    %add3A = arith.constant 250 : i32
    %add3A_0 = arith.addi %arg0, %add3A : i32
    %c0_i32 = arith.constant 0 : i32
    %c0_i32_1 = arith.constant 0 : i32
    return %add3A_0, %c0_i32 : i32, i32
  }
  func.func @transform_2(%arg0: i32) -> (i32, i32) {
    %add3A = arith.constant 256 : i32
    %add3A_0 = arith.addi %arg0, %add3A : i32
    %c0_i32 = arith.constant 0 : i32
    %c0_i32_1 = arith.constant 0 : i32
    return %add3A_0, %c0_i32 : i32, i32
  }
  func.func @transform_3(%arg0: i32) -> (i32, i32) {
    %c0_i32 = arith.constant 0 : i32
    %c0_i32_0 = arith.constant 0 : i32
    return %arg0, %c0_i32 : i32, i32
  }
  func.func @transform_4(%arg0: i32) -> (i32, i32) {
    %c0_i32 = arith.constant 0 : i32
    %c0_i32_0 = arith.constant 0 : i32
    %c0_i32_1 = arith.constant 0 : i32
    return %c0_i32, %c0_i32_0 : i32, i32
  }
  func.func @transform_5(%arg0: i32) -> (i32, i32) {
    %c0_i32 = arith.constant 0 : i32
    %c0_i32_0 = arith.constant 0 : i32
    %c0_i32_1 = arith.constant 0 : i32
    return %c0_i32, %c0_i32_0 : i32, i32
  }
  func.func @transform_6(%arg0: i32) -> (i32, i32) {
    %c0_i32 = arith.constant 0 : i32
    %c0_i32_0 = arith.constant 0 : i32
    %c0_i32_1 = arith.constant 0 : i32
    return %c0_i32, %c0_i32_0 : i32, i32
  }
  func.func @transform_7(%arg0: i32) -> (i32, i32) {
    %c0_i32 = arith.constant 0 : i32
    %c0_i32_0 = arith.constant 0 : i32
    %c0_i32_1 = arith.constant 0 : i32
    return %c0_i32, %c0_i32_0 : i32, i32
  }
  func.func @transform_8(%arg0: i32) -> (i32, i32) {
    %c0_i32 = arith.constant 0 : i32
    %c0_i32_0 = arith.constant 0 : i32
    %c0_i32_1 = arith.constant 0 : i32
    return %c0_i32, %c0_i32_0 : i32, i32
  }
  func.func @transform_9(%arg0: i32) -> (i32, i32) {
    %c0_i32 = arith.constant 0 : i32
    %c0_i32_0 = arith.constant 0 : i32
    %c0_i32_1 = arith.constant 0 : i32
    return %c0_i32, %c0_i32_0 : i32, i32
  }
  func.func @transform_10(%arg0: i32) -> (i32, i32) {
    %add3A = arith.constant 250 : i32
    %add3A_0 = arith.addi %arg0, %add3A : i32
    %c0_i32 = arith.constant 0 : i32
    %c0_i32_1 = arith.constant 0 : i32
    return %add3A_0, %c0_i32 : i32, i32
  }
  func.func @transform_11(%arg0: i32) -> (i32, i32) {
    %c0_i32 = arith.constant 0 : i32
    %c0_i32_0 = arith.constant 0 : i32
    %c0_i32_1 = arith.constant 0 : i32
    return %c0_i32, %c0_i32_0 : i32, i32
  }
  func.func @transform_12(%arg0: i32) -> (i32, i32) {
    %c0_i32 = arith.constant 0 : i32
    %c0_i32_0 = arith.constant 0 : i32
    %c0_i32_1 = arith.constant 0 : i32
    return %c0_i32, %c0_i32_0 : i32, i32
  }
  func.func @transform_13(%arg0: i32) -> (i32, i32) {
    %c0_i32 = arith.constant 0 : i32
    %c0_i32_0 = arith.constant 0 : i32
    %c0_i32_1 = arith.constant 0 : i32
    return %c0_i32, %c0_i32_0 : i32, i32
  }
  func.func @transform_14(%arg0: i32) -> (i32, i32) {
    %c0_i32 = arith.constant 0 : i32
    %c0_i32_0 = arith.constant 0 : i32
    %c0_i32_1 = arith.constant 0 : i32
    return %c0_i32, %c0_i32_0 : i32, i32
  }
  func.func @transform_15(%arg0: i32) -> (i32, i32) {
    %c0_i32 = arith.constant 0 : i32
    %c0_i32_0 = arith.constant 0 : i32
    %c0_i32_1 = arith.constant 0 : i32
    return %c0_i32, %c0_i32_0 : i32, i32
  }
}

module attributes {stable_mosaic.version = 14 : i64} {
  func.func @_mu_pool_body(%arg0: i32, %arg1: memref<640x16xf32, #tpu.memory_space<vmem>>, %arg2: memref<40x16xf32, #tpu.memory_space<vmem>>, %arg3: memref<640x64xf32, #tpu.memory_space<vmem>>, %arg4: memref<640x1xf32, #tpu.memory_space<vmem>>, %arg5: memref<64x64xf32, #tpu.memory_space<vmem>>, %arg6: memref<1x64xf32, #tpu.memory_space<vmem>>, %arg7: memref<64x64xf32, #tpu.memory_space<vmem>>, %arg8: memref<1x64xf32, #tpu.memory_space<vmem>>, %arg9: memref<1x64xf32, #tpu.memory_space<vmem>>, %arg10: memref<40x640xf32, #tpu.memory_space<vmem>>, %arg11: memref<40x64xf32, #tpu.memory_space<vmem>>, %arg12: memref<64x64xf32, #tpu.memory_space<vmem>>, %arg13: memref<1x64xf32, #tpu.memory_space<vmem>>, %arg14: memref<64x64xf32, #tpu.memory_space<vmem>>, %arg15: memref<1x64xf32, #tpu.memory_space<vmem>>, %arg16: memref<1x64xf32, #tpu.memory_space<vmem>>) attributes {dimension_semantics = [#tpu.dimension_semantics<arbitrary>], iteration_bounds = array<i64: 250>, scalar_prefetch = 0 : i64, scratch_operands = 0 : i64, tpu.core_type = #tpu.core_type<tc>, window_params = [{transform_indices = @transform_0, window_bounds = array<i64: 640, 16>}, {transform_indices = @transform_1, window_bounds = array<i64: 40, 16>}, {transform_indices = @transform_2, window_bounds = array<i64: 640, 64>}, {transform_indices = @transform_3, window_bounds = array<i64: 640, 1>}, {pipeline_mode = #tpu.pipeline_mode<synchronous>, transform_indices = @transform_4, window_bounds = array<i64: 64, 64>}, {pipeline_mode = #tpu.pipeline_mode<synchronous>, transform_indices = @transform_5, window_bounds = array<i64: 1, 64>}, {pipeline_mode = #tpu.pipeline_mode<synchronous>, transform_indices = @transform_6, window_bounds = array<i64: 64, 64>}, {pipeline_mode = #tpu.pipeline_mode<synchronous>, transform_indices = @transform_7, window_bounds = array<i64: 1, 64>}, {pipeline_mode = #tpu.pipeline_mode<synchronous>, transform_indices = @transform_8, window_bounds = array<i64: 1, 64>}, {pipeline_mode = #tpu.pipeline_mode<synchronous>, transform_indices = @transform_9, window_bounds = array<i64: 40, 640>}, {transform_indices = @transform_10, window_bounds = array<i64: 40, 64>}, {pipeline_mode = #tpu.pipeline_mode<synchronous>, transform_indices = @transform_11, window_bounds = array<i64: 64, 64>}, {pipeline_mode = #tpu.pipeline_mode<synchronous>, transform_indices = @transform_12, window_bounds = array<i64: 1, 64>}, {pipeline_mode = #tpu.pipeline_mode<synchronous>, transform_indices = @transform_13, window_bounds = array<i64: 64, 64>}, {pipeline_mode = #tpu.pipeline_mode<synchronous>, transform_indices = @transform_14, window_bounds = array<i64: 1, 64>}, {pipeline_mode = #tpu.pipeline_mode<synchronous>, transform_indices = @transform_15, window_bounds = array<i64: 1, 64>}]} {
    %get3A = arith.constant 0 : index
    %get3A_0 = arith.constant 0 : index
    %get3A_1 = vector.load %arg2[%get3A, %get3A_0] : memref<40x16xf32, #tpu.memory_space<vmem>>, vector<40x16xf32>
    %reshape3A = vector.shape_cast %get3A_1 : vector<40x16xf32> to vector<40x1x16xf32>
    %broadcast_in_dim3A = vector.shape_cast %reshape3A : vector<40x1x16xf32> to vector<40x1x16xf32>
    %broadcast_in_dim3A_2 = vector.broadcast %broadcast_in_dim3A : vector<40x1x16xf32> to vector<40x16x16xf32>
    %get3A_3 = arith.constant 0 : index
    %get3A_4 = arith.constant 0 : index
    %get3A_5 = vector.load %arg1[%get3A_3, %get3A_4] : memref<640x16xf32, #tpu.memory_space<vmem>>, vector<640x16xf32>
    %reshape3A_6 = vector.shape_cast %broadcast_in_dim3A_2 : vector<40x16x16xf32> to vector<640x16xf32>
    %sub3A = arith.subf %get3A_5, %reshape3A_6 : vector<640x16xf32>
    %mul3A = arith.mulf %sub3A, %sub3A : vector<640x16xf32>
    %reduce_sum3A = arith.constant dense<0.000000e+00> : vector<640xf32>
    %reduce_sum3A_7 = vector.multi_reduction <add>, %mul3A, %reduce_sum3A [1] : vector<640x16xf32> to vector<640xf32>
    %broadcast_in_dim3A_8 = vector.shape_cast %reduce_sum3A_7 : vector<640xf32> to vector<640x1xf32>
    %get3A_9 = arith.constant 0 : index
    %get3A_10 = arith.constant 0 : index
    %get3A_11 = vector.load %arg4[%get3A_9, %get3A_10] : memref<640x1xf32, #tpu.memory_space<vmem>>, vector<640x1xf32>
    %gt3A = arith.constant 0.000000e+00 : f32
    %gt3A_12 = vector.broadcast %gt3A : f32 to vector<640x1xf32>
    %gt3A_13 = arith.cmpf ogt, %get3A_11, %gt3A_12 : vector<640x1xf32>
    %jit3A = arith.constant 1.000000e+00 : f32
    %broadcast_in_dim3A_14 = vector.broadcast %jit3A : f32 to vector<640x1xf32>
    %select_n3A = arith.select %gt3A_13, %broadcast_in_dim3A_8, %broadcast_in_dim3A_14 : vector<640x1xi1>, vector<640x1xf32>
    %sqrt3A = math.sqrt %select_n3A : vector<640x1xf32>
    %broadcast_in_dim3A_15 = vector.shape_cast %sqrt3A : vector<640x1xf32> to vector<640x1xf32>
    %broadcast_in_dim3A_16 = vector.broadcast %broadcast_in_dim3A_15 : vector<640x1xf32> to vector<640x64xf32>
    %get3A_17 = arith.constant 0 : index
    %get3A_18 = arith.constant 0 : index
    %get3A_19 = vector.load %arg9[%get3A_17, %get3A_18] : memref<1x64xf32, #tpu.memory_space<vmem>>, vector<1x64xf32>
    %sub3A_20 = vector.broadcast %get3A_19 : vector<1x64xf32> to vector<640x64xf32>
    %sub3A_21 = arith.subf %broadcast_in_dim3A_16, %sub3A_20 : vector<640x64xf32>
    %integer_pow3A = arith.mulf %sub3A_21, %sub3A_21 : vector<640x64xf32>
    %mul3A_22 = arith.constant -1.200500e+01 : f32
    %mul3A_23 = vector.broadcast %mul3A_22 : f32 to vector<640x64xf32>
    %mul3A_24 = arith.mulf %mul3A_23, %integer_pow3A : vector<640x64xf32>
    %exp3A = math.exp %mul3A_24 : vector<640x64xf32>
    %get3A_25 = arith.constant 0 : index
    %get3A_26 = arith.constant 0 : index
    %get3A_27 = vector.load %arg5[%get3A_25, %get3A_26] : memref<64x64xf32, #tpu.memory_space<vmem>>, vector<64x64xf32>
    %dot_general3A = arith.constant dense<0.000000e+00> : vector<640x64xf32>
    %dot_general3A_28 = tpu.matmul %exp3A, %get3A_27, %dot_general3A {dimension_numbers = #tpu.dot_dimension_numbers<[1], [0], [0], [1], [0, 0, 1, 1], [], []>, transpose_lhs_hint = false} : vector<640x64xf32>, vector<64x64xf32>, vector<640x64xf32> -> vector<640x64xf32>
    %get3A_29 = arith.constant 0 : index
    %get3A_30 = arith.constant 0 : index
    %get3A_31 = vector.load %arg6[%get3A_29, %get3A_30] : memref<1x64xf32, #tpu.memory_space<vmem>>, vector<1x64xf32>
    %add3A = vector.broadcast %get3A_31 : vector<1x64xf32> to vector<640x64xf32>
    %add3A_32 = arith.addf %dot_general3A_28, %add3A : vector<640x64xf32>
    %max3A = arith.constant 0.000000e+00 : f32
    %max3A_33 = vector.broadcast %max3A : f32 to vector<640x64xf32>
    %max3A_34 = arith.maximumf %add3A_32, %max3A_33 : vector<640x64xf32>
    %abs3A = math.absf %add3A_32 : vector<640x64xf32>
    %neg3A = arith.constant 0.000000e+00 : f32
    %neg3A_35 = vector.broadcast %neg3A : f32 to vector<640x64xf32>
    %neg3A_36 = arith.subf %neg3A_35, %abs3A : vector<640x64xf32>
    %exp3A_37 = math.exp %neg3A_36 : vector<640x64xf32>
    %add3A_38 = arith.constant 1.000000e+00 : f32
    %add3A_39 = vector.broadcast %add3A_38 : f32 to vector<640x64xf32>
    %add3A_40 = arith.addf %add3A_39, %exp3A_37 : vector<640x64xf32>
    %log3A = math.log %add3A_40 : vector<640x64xf32>
    %add3A_41 = arith.addf %max3A_34, %log3A : vector<640x64xf32>
    %sub3A_42 = arith.constant 0.693147182 : f32
    %sub3A_43 = vector.broadcast %sub3A_42 : f32 to vector<640x64xf32>
    %sub3A_44 = arith.subf %add3A_41, %sub3A_43 : vector<640x64xf32>
    %get3A_45 = arith.constant 0 : index
    %get3A_46 = arith.constant 0 : index
    %get3A_47 = vector.load %arg7[%get3A_45, %get3A_46] : memref<64x64xf32, #tpu.memory_space<vmem>>, vector<64x64xf32>
    %dot_general3A_48 = arith.constant dense<0.000000e+00> : vector<640x64xf32>
    %dot_general3A_49 = tpu.matmul %sub3A_44, %get3A_47, %dot_general3A_48 {dimension_numbers = #tpu.dot_dimension_numbers<[1], [0], [0], [1], [0, 0, 1, 1], [], []>, transpose_lhs_hint = false} : vector<640x64xf32>, vector<64x64xf32>, vector<640x64xf32> -> vector<640x64xf32>
    %get3A_50 = arith.constant 0 : index
    %get3A_51 = arith.constant 0 : index
    %get3A_52 = vector.load %arg8[%get3A_50, %get3A_51] : memref<1x64xf32, #tpu.memory_space<vmem>>, vector<1x64xf32>
    %add3A_53 = vector.broadcast %get3A_52 : vector<1x64xf32> to vector<640x64xf32>
    %add3A_54 = arith.addf %dot_general3A_49, %add3A_53 : vector<640x64xf32>
    %mul3A_55 = arith.constant 0.314159274 : f32
    %mul3A_56 = vector.broadcast %mul3A_55 : f32 to vector<640x1xf32>
    %mul3A_57 = arith.mulf %sqrt3A, %mul3A_56 : vector<640x1xf32>
    %cos3A = math.cos %mul3A_57 : vector<640x1xf32>
    %add3A_58 = arith.constant 1.000000e+00 : f32
    %add3A_59 = vector.broadcast %add3A_58 : f32 to vector<640x1xf32>
    %add3A_60 = arith.addf %cos3A, %add3A_59 : vector<640x1xf32>
    %mul3A_61 = arith.constant 5.000000e-01 : f32
    %mul3A_62 = vector.broadcast %mul3A_61 : f32 to vector<640x1xf32>
    %mul3A_63 = arith.mulf %mul3A_62, %add3A_60 : vector<640x1xf32>
    %mul3A_64 = arith.mulf %mul3A_63, %get3A_11 : vector<640x1xf32>
    %get3A_65 = arith.constant 0 : index
    %get3A_66 = arith.constant 0 : index
    %get3A_67 = vector.load %arg3[%get3A_65, %get3A_66] : memref<640x64xf32, #tpu.memory_space<vmem>>, vector<640x64xf32>
    %mul3A_68 = arith.mulf %get3A_67, %add3A_54 : vector<640x64xf32>
    %broadcast_in_dim3A_69 = vector.shape_cast %mul3A_64 : vector<640x1xf32> to vector<640x1xf32>
    %broadcast_in_dim3A_70 = vector.broadcast %broadcast_in_dim3A_69 : vector<640x1xf32> to vector<640x64xf32>
    %mul3A_71 = arith.mulf %mul3A_68, %broadcast_in_dim3A_70 : vector<640x64xf32>
    %get3A_72 = arith.constant 0 : index
    %get3A_73 = arith.constant 0 : index
    %get3A_74 = vector.load %arg10[%get3A_72, %get3A_73] : memref<40x640xf32, #tpu.memory_space<vmem>>, vector<40x640xf32>
    %dot_general3A_75 = arith.constant dense<0.000000e+00> : vector<40x64xf32>
    %dot_general3A_76 = tpu.matmul %get3A_74, %mul3A_71, %dot_general3A_75 {dimension_numbers = #tpu.dot_dimension_numbers<[1], [0], [0], [1], [0, 0, 1, 1], [], []>, transpose_lhs_hint = false} : vector<40x640xf32>, vector<640x64xf32>, vector<40x64xf32> -> vector<40x64xf32>
    %get3A_77 = arith.constant 0 : index
    %get3A_78 = arith.constant 0 : index
    %get3A_79 = vector.load %arg12[%get3A_77, %get3A_78] : memref<64x64xf32, #tpu.memory_space<vmem>>, vector<64x64xf32>
    %dot_general3A_80 = arith.constant dense<0.000000e+00> : vector<40x64xf32>
    %dot_general3A_81 = tpu.matmul %dot_general3A_76, %get3A_79, %dot_general3A_80 {dimension_numbers = #tpu.dot_dimension_numbers<[1], [0], [0], [1], [0, 0, 1, 1], [], []>, transpose_lhs_hint = false} : vector<40x64xf32>, vector<64x64xf32>, vector<40x64xf32> -> vector<40x64xf32>
    %get3A_82 = arith.constant 0 : index
    %get3A_83 = arith.constant 0 : index
    %get3A_84 = vector.load %arg13[%get3A_82, %get3A_83] : memref<1x64xf32, #tpu.memory_space<vmem>>, vector<1x64xf32>
    %add3A_85 = vector.broadcast %get3A_84 : vector<1x64xf32> to vector<40x64xf32>
    %add3A_86 = arith.addf %dot_general3A_81, %add3A_85 : vector<40x64xf32>
    %max3A_87 = arith.constant 0.000000e+00 : f32
    %max3A_88 = vector.broadcast %max3A_87 : f32 to vector<40x64xf32>
    %max3A_89 = arith.maximumf %add3A_86, %max3A_88 : vector<40x64xf32>
    %abs3A_90 = math.absf %add3A_86 : vector<40x64xf32>
    %neg3A_91 = arith.constant 0.000000e+00 : f32
    %neg3A_92 = vector.broadcast %neg3A_91 : f32 to vector<40x64xf32>
    %neg3A_93 = arith.subf %neg3A_92, %abs3A_90 : vector<40x64xf32>
    %exp3A_94 = math.exp %neg3A_93 : vector<40x64xf32>
    %add3A_95 = arith.constant 1.000000e+00 : f32
    %add3A_96 = vector.broadcast %add3A_95 : f32 to vector<40x64xf32>
    %add3A_97 = arith.addf %add3A_96, %exp3A_94 : vector<40x64xf32>
    %log3A_98 = math.log %add3A_97 : vector<40x64xf32>
    %add3A_99 = arith.addf %max3A_89, %log3A_98 : vector<40x64xf32>
    %sub3A_100 = arith.constant 0.693147182 : f32
    %sub3A_101 = vector.broadcast %sub3A_100 : f32 to vector<40x64xf32>
    %sub3A_102 = arith.subf %add3A_99, %sub3A_101 : vector<40x64xf32>
    %get3A_103 = arith.constant 0 : index
    %get3A_104 = arith.constant 0 : index
    %get3A_105 = vector.load %arg14[%get3A_103, %get3A_104] : memref<64x64xf32, #tpu.memory_space<vmem>>, vector<64x64xf32>
    %dot_general3A_106 = arith.constant dense<0.000000e+00> : vector<40x64xf32>
    %dot_general3A_107 = tpu.matmul %sub3A_102, %get3A_105, %dot_general3A_106 {dimension_numbers = #tpu.dot_dimension_numbers<[1], [0], [0], [1], [0, 0, 1, 1], [], []>, transpose_lhs_hint = false} : vector<40x64xf32>, vector<64x64xf32>, vector<40x64xf32> -> vector<40x64xf32>
    %get3A_108 = arith.constant 0 : index
    %get3A_109 = arith.constant 0 : index
    %get3A_110 = vector.load %arg15[%get3A_108, %get3A_109] : memref<1x64xf32, #tpu.memory_space<vmem>>, vector<1x64xf32>
    %add3A_111 = vector.broadcast %get3A_110 : vector<1x64xf32> to vector<40x64xf32>
    %add3A_112 = arith.addf %dot_general3A_107, %add3A_111 : vector<40x64xf32>
    %get3A_113 = arith.constant 0 : index
    %get3A_114 = arith.constant 0 : index
    %get3A_115 = vector.load %arg11[%get3A_113, %get3A_114] : memref<40x64xf32, #tpu.memory_space<vmem>>, vector<40x64xf32>
    %add3A_116 = arith.addf %get3A_115, %add3A_112 : vector<40x64xf32>
    %eq3A = arith.constant 0 : i32
    %eq3A_117 = arith.cmpi eq, %arg0, %eq3A : i32
    %convert_element_type3A = arith.extui %eq3A_117 : i1 to i32
    %cond3A = arith.constant 0 : i32
    %cond3A_118 = arith.cmpi ne, %convert_element_type3A, %cond3A : i32
    scf.if %cond3A_118 {
      %broadcast_in_dim3A_130 = arith.constant 0.000000e+00 : f32
      %broadcast_in_dim3A_131 = vector.broadcast %broadcast_in_dim3A_130 : f32 to vector<1x64xf32>
      %swap3A_132 = arith.constant 0 : index
      %swap3A_133 = arith.constant 0 : index
      %swap3A_134 = vector.load %arg16[%swap3A_132, %swap3A_133] : memref<1x64xf32, #tpu.memory_space<vmem>>, vector<1x64xf32>
      tpu.vector_store %arg16[%swap3A_132, %swap3A_133], %broadcast_in_dim3A_131 {strides = array<i32>} : memref<1x64xf32, #tpu.memory_space<vmem>>, vector<1x64xf32>,
    } else {
    }
    %get3A_119 = arith.constant 0 : index
    %get3A_120 = arith.constant 0 : index
    %get3A_121 = vector.load %arg16[%get3A_119, %get3A_120] : memref<1x64xf32, #tpu.memory_space<vmem>>, vector<1x64xf32>
    %reduce_sum3A_122 = arith.constant dense<0.000000e+00> : vector<64xf32>
    %reduce_sum3A_123 = vector.multi_reduction <add>, %add3A_116, %reduce_sum3A_122 [0] : vector<40x64xf32> to vector<64xf32>
    %broadcast_in_dim3A_124 = vector.shape_cast %reduce_sum3A_123 : vector<64xf32> to vector<1x64xf32>
    %div3A = arith.constant 1.600000e+01 : f32
    %div3A_125 = vector.broadcast %div3A : f32 to vector<1x64xf32>
    %div3A_126 = arith.divf %broadcast_in_dim3A_124, %div3A_125 : vector<1x64xf32>
    %add3A_127 = arith.addf %get3A_121, %div3A_126 : vector<1x64xf32>
    %swap3A = arith.constant 0 : index
    %swap3A_128 = arith.constant 0 : index
    %swap3A_129 = vector.load %arg16[%swap3A, %swap3A_128] : memref<1x64xf32, #tpu.memory_space<vmem>>, vector<1x64xf32>
    tpu.vector_store %arg16[%swap3A, %swap3A_128], %add3A_127 {strides = array<i32>} : memref<1x64xf32, #tpu.memory_space<vmem>>, vector<1x64xf32>,
    return
  }
  func.func @transform_0(%arg0: i32) -> (i32, i32) {
    %add3A = arith.constant 0 : i32
    %add3A_0 = arith.addi %arg0, %add3A : i32
    %c0_i32 = arith.constant 0 : i32
    %c0_i32_1 = arith.constant 0 : i32
    return %add3A_0, %c0_i32 : i32, i32
  }
  func.func @transform_1(%arg0: i32) -> (i32, i32) {
    %add3A = arith.constant 0 : i32
    %add3A_0 = arith.addi %arg0, %add3A : i32
    %c0_i32 = arith.constant 0 : i32
    %c0_i32_1 = arith.constant 0 : i32
    return %add3A_0, %c0_i32 : i32, i32
  }
  func.func @transform_2(%arg0: i32) -> (i32, i32) {
    %add3A = arith.constant 0 : i32
    %add3A_0 = arith.addi %arg0, %add3A : i32
    %c0_i32 = arith.constant 0 : i32
    %c0_i32_1 = arith.constant 0 : i32
    return %add3A_0, %c0_i32 : i32, i32
  }
  func.func @transform_3(%arg0: i32) -> (i32, i32) {
    %c0_i32 = arith.constant 0 : i32
    %c0_i32_0 = arith.constant 0 : i32
    return %arg0, %c0_i32 : i32, i32
  }
  func.func @transform_4(%arg0: i32) -> (i32, i32) {
    %c0_i32 = arith.constant 0 : i32
    %c0_i32_0 = arith.constant 0 : i32
    %c0_i32_1 = arith.constant 0 : i32
    return %c0_i32, %c0_i32_0 : i32, i32
  }
  func.func @transform_5(%arg0: i32) -> (i32, i32) {
    %c0_i32 = arith.constant 0 : i32
    %c0_i32_0 = arith.constant 0 : i32
    %c0_i32_1 = arith.constant 0 : i32
    return %c0_i32, %c0_i32_0 : i32, i32
  }
  func.func @transform_6(%arg0: i32) -> (i32, i32) {
    %c0_i32 = arith.constant 0 : i32
    %c0_i32_0 = arith.constant 0 : i32
    %c0_i32_1 = arith.constant 0 : i32
    return %c0_i32, %c0_i32_0 : i32, i32
  }
  func.func @transform_7(%arg0: i32) -> (i32, i32) {
    %c0_i32 = arith.constant 0 : i32
    %c0_i32_0 = arith.constant 0 : i32
    %c0_i32_1 = arith.constant 0 : i32
    return %c0_i32, %c0_i32_0 : i32, i32
  }
  func.func @transform_8(%arg0: i32) -> (i32, i32) {
    %c0_i32 = arith.constant 0 : i32
    %c0_i32_0 = arith.constant 0 : i32
    %c0_i32_1 = arith.constant 0 : i32
    return %c0_i32, %c0_i32_0 : i32, i32
  }
  func.func @transform_9(%arg0: i32) -> (i32, i32) {
    %c0_i32 = arith.constant 0 : i32
    %c0_i32_0 = arith.constant 0 : i32
    %c0_i32_1 = arith.constant 0 : i32
    return %c0_i32, %c0_i32_0 : i32, i32
  }
  func.func @transform_10(%arg0: i32) -> (i32, i32) {
    %add3A = arith.constant 0 : i32
    %add3A_0 = arith.addi %arg0, %add3A : i32
    %c0_i32 = arith.constant 0 : i32
    %c0_i32_1 = arith.constant 0 : i32
    return %add3A_0, %c0_i32 : i32, i32
  }
  func.func @transform_11(%arg0: i32) -> (i32, i32) {
    %c0_i32 = arith.constant 0 : i32
    %c0_i32_0 = arith.constant 0 : i32
    %c0_i32_1 = arith.constant 0 : i32
    return %c0_i32, %c0_i32_0 : i32, i32
  }
  func.func @transform_12(%arg0: i32) -> (i32, i32) {
    %c0_i32 = arith.constant 0 : i32
    %c0_i32_0 = arith.constant 0 : i32
    %c0_i32_1 = arith.constant 0 : i32
    return %c0_i32, %c0_i32_0 : i32, i32
  }
  func.func @transform_13(%arg0: i32) -> (i32, i32) {
    %c0_i32 = arith.constant 0 : i32
    %c0_i32_0 = arith.constant 0 : i32
    %c0_i32_1 = arith.constant 0 : i32
    return %c0_i32, %c0_i32_0 : i32, i32
  }
  func.func @transform_14(%arg0: i32) -> (i32, i32) {
    %c0_i32 = arith.constant 0 : i32
    %c0_i32_0 = arith.constant 0 : i32
    %c0_i32_1 = arith.constant 0 : i32
    return %c0_i32, %c0_i32_0 : i32, i32
  }
  func.func @transform_15(%arg0: i32) -> (i32, i32) {
    %c0_i32 = arith.constant 0 : i32
    %c0_i32_0 = arith.constant 0 : i32
    %c0_i32_1 = arith.constant 0 : i32
    return %c0_i32, %c0_i32_0 : i32, i32
  }
}

module attributes {stable_mosaic.version = 14 : i64} {
  func.func @_head_body(%arg0: memref<1x64xf32, #tpu.memory_space<vmem>>, %arg1: memref<1x64xf32, #tpu.memory_space<vmem>>, %arg2: memref<1x8xf32, #tpu.memory_space<vmem>>, %arg3: memref<64x64xf32, #tpu.memory_space<vmem>>, %arg4: memref<64x64xf32, #tpu.memory_space<vmem>>, %arg5: memref<8x64xf32, #tpu.memory_space<vmem>>, %arg6: memref<1x64xf32, #tpu.memory_space<vmem>>, %arg7: memref<1x1xf32, #tpu.memory_space<vmem>>, %arg8: memref<64x1xf32, #tpu.memory_space<vmem>>, %arg9: memref<1x1xf32, #tpu.memory_space<vmem>>, %arg10: memref<1x1xf32, #tpu.memory_space<vmem>>) attributes {dimension_semantics = [], scalar_prefetch = 0 : i64, scratch_operands = 0 : i64, tpu.core_type = #tpu.core_type<tc>} {
    %get3A = arith.constant 0 : index
    %get3A_0 = arith.constant 0 : index
    %get3A_1 = vector.load %arg0[%get3A, %get3A_0] : memref<1x64xf32, #tpu.memory_space<vmem>>, vector<1x64xf32>
    %get3A_2 = arith.constant 0 : index
    %get3A_3 = arith.constant 0 : index
    %get3A_4 = vector.load %arg3[%get3A_2, %get3A_3] : memref<64x64xf32, #tpu.memory_space<vmem>>, vector<64x64xf32>
    %dot_general3A = arith.constant dense<0.000000e+00> : vector<1x64xf32>
    %dot_general3A_5 = tpu.matmul %get3A_1, %get3A_4, %dot_general3A {dimension_numbers = #tpu.dot_dimension_numbers<[1], [0], [0], [1], [0, 0, 1, 1], [], []>, transpose_lhs_hint = false} : vector<1x64xf32>, vector<64x64xf32>, vector<1x64xf32> -> vector<1x64xf32>
    %get3A_6 = arith.constant 0 : index
    %get3A_7 = arith.constant 0 : index
    %get3A_8 = vector.load %arg1[%get3A_6, %get3A_7] : memref<1x64xf32, #tpu.memory_space<vmem>>, vector<1x64xf32>
    %get3A_9 = arith.constant 0 : index
    %get3A_10 = arith.constant 0 : index
    %get3A_11 = vector.load %arg4[%get3A_9, %get3A_10] : memref<64x64xf32, #tpu.memory_space<vmem>>, vector<64x64xf32>
    %dot_general3A_12 = arith.constant dense<0.000000e+00> : vector<1x64xf32>
    %dot_general3A_13 = tpu.matmul %get3A_8, %get3A_11, %dot_general3A_12 {dimension_numbers = #tpu.dot_dimension_numbers<[1], [0], [0], [1], [0, 0, 1, 1], [], []>, transpose_lhs_hint = false} : vector<1x64xf32>, vector<64x64xf32>, vector<1x64xf32> -> vector<1x64xf32>
    %add3A = arith.addf %dot_general3A_5, %dot_general3A_13 : vector<1x64xf32>
    %get3A_14 = arith.constant 0 : index
    %get3A_15 = arith.constant 0 : index
    %get3A_16 = vector.load %arg2[%get3A_14, %get3A_15] : memref<1x8xf32, #tpu.memory_space<vmem>>, vector<1x8xf32>
    %get3A_17 = arith.constant 0 : index
    %get3A_18 = arith.constant 0 : index
    %get3A_19 = vector.load %arg5[%get3A_17, %get3A_18] : memref<8x64xf32, #tpu.memory_space<vmem>>, vector<8x64xf32>
    %dot_general3A_20 = arith.constant dense<0.000000e+00> : vector<1x64xf32>
    %dot_general3A_21 = tpu.matmul %get3A_16, %get3A_19, %dot_general3A_20 {dimension_numbers = #tpu.dot_dimension_numbers<[1], [0], [0], [1], [0, 0, 1, 1], [], []>, transpose_lhs_hint = false} : vector<1x8xf32>, vector<8x64xf32>, vector<1x64xf32> -> vector<1x64xf32>
    %add3A_22 = arith.addf %add3A, %dot_general3A_21 : vector<1x64xf32>
    %get3A_23 = arith.constant 0 : index
    %get3A_24 = arith.constant 0 : index
    %get3A_25 = vector.load %arg6[%get3A_23, %get3A_24] : memref<1x64xf32, #tpu.memory_space<vmem>>, vector<1x64xf32>
    %add3A_26 = arith.addf %add3A_22, %get3A_25 : vector<1x64xf32>
    %ge3A = arith.constant 0.000000e+00 : f32
    %ge3A_27 = vector.broadcast %ge3A : f32 to vector<1x64xf32>
    %ge3A_28 = arith.cmpf oge, %add3A_26, %ge3A_27 : vector<1x64xf32>
    %get3A_29 = arith.constant 0 : index
    %get3A_30 = arith.constant 0 : index
    %get3A_31 = vector.load %arg7[%get3A_29, %get3A_30] : memref<1x1xf32, #tpu.memory_space<vmem>>, vector<1x1xf32>
    %mul3A = vector.broadcast %get3A_31 : vector<1x1xf32> to vector<1x64xf32>
    %mul3A_32 = arith.mulf %mul3A, %add3A_26 : vector<1x64xf32>
    %select_n3A = arith.select %ge3A_28, %add3A_26, %mul3A_32 : vector<1x64xi1>, vector<1x64xf32>
    %get3A_33 = arith.constant 0 : index
    %get3A_34 = arith.constant 0 : index
    %get3A_35 = vector.load %arg8[%get3A_33, %get3A_34] : memref<64x1xf32, #tpu.memory_space<vmem>>, vector<64x1xf32>
    %dot_general3A_36 = arith.constant dense<0.000000e+00> : vector<1x1xf32>
    %dot_general3A_37 = tpu.matmul %select_n3A, %get3A_35, %dot_general3A_36 {dimension_numbers = #tpu.dot_dimension_numbers<[1], [0], [0], [1], [0, 0, 1, 1], [], []>, transpose_lhs_hint = false} : vector<1x64xf32>, vector<64x1xf32>, vector<1x1xf32> -> vector<1x1xf32>
    %get3A_38 = arith.constant 0 : index
    %get3A_39 = arith.constant 0 : index
    %get3A_40 = vector.load %arg9[%get3A_38, %get3A_39] : memref<1x1xf32, #tpu.memory_space<vmem>>, vector<1x1xf32>
    %add3A_41 = arith.addf %dot_general3A_37, %get3A_40 : vector<1x1xf32>
    %exp3A = math.exp %add3A_41 : vector<1x1xf32>
    %swap3A = arith.constant 0 : index
    %swap3A_42 = arith.constant 0 : index
    %swap3A_43 = vector.load %arg10[%swap3A, %swap3A_42] : memref<1x1xf32, #tpu.memory_space<vmem>>, vector<1x1xf32>
    tpu.vector_store %arg10[%swap3A, %swap3A_42], %exp3A {strides = array<i32>} : memref<1x1xf32, #tpu.memory_space<vmem>>, vector<1x1xf32>,
    return
  }
}

</mosaic_0001>

<sc_bundles>
// kernel: kernel.17.cloned.1.call-start
scs
__scs_entry_jumppad:
0x0: {  	(pc) =	sbr.rel $0x88, $3  }
0x1: {  	(tag) =	ssettag $0x0;
	lr =	simm.s32 $0x1  }
0x2: {  	[smem:$0x3F8B] =	sst lr;
	_ =	strace $0xD0000000  }
0x3: {  	_ = 	snop  }
0x4: {  	_ = 	snop  }
0x5: {  	_ = 	snop  }
0x6: {  	_ = 	snop  }
0x7: {  	_ = 	snop  }
__scs_overlays_trampoline_lowered:
0x8: {  	[smem:$0x3F9A] =	sst s0  }
0x9: {  	[smem:$0x3F9B] =	sst s1  }
0xa: {  	[smem:$0x3F9C] =	sst s2  }
0xb: {  	[smem:$0x3F9D] =	sst s3  }
0xc: {  	[smem:$0x3F9E] =	sst s4  }
0xd: {  	[smem:$0x3F9F] =	sst s5  }
0xe: {  	[smem:$0x3FA0] =	sst s6  }
0xf: {  	[smem:$0x3FA1] =	sst s7  }
0x10: {  	[smem:$0x3FA2] =	sst s8  }
0x11: {  	[smem:$0x3FA3] =	sst s9;
	s0 =	simm.s32 @!p0 $0x0  }
0x12: {  	s1 =	sld [smem:$0x3F89];
	s0 =	simm.s32 @p0 $0x1  }
0x13: {  	[smem:$0x3FA4] =	sst s0;
	s0 =	simm.s32 @!p1 $0x0  }
0x14: {  	s2 =	sld [smem:$0x3F88];
	s0 =	simm.s32 @p1 $0x1  }
0x15: {  	[smem:$0x3FA5] =	sst s0;
	s0 =	simm.s32 @!p2 $0x0  }
0x16: {  	s3 =	sld [smem:$0x3FDB];
	s0 =	simm.s32 @p2 $0x1  }
0x17: {  	s4 =	simm.s32 $0x1BF5;
	[smem:$0x3FA7] =	sst s0  }
0x18: {  	s0 =	sld [smem:$0x3F8A];
	_ =	swait.ge [sflag:s4], $0x0  }
0x19: {  	s7 =	sld [smem:$0x3F8B]  }
0x1a: {  	s8 =	sadd.s32 $0xFFFFE003, lr  }
0x1b: {  	s9 =	sadd.s32 $0xFFFFFEF7, lr;
	s5 =	simm.s32 $0xFFFFFFFF;
	p2 =	slt.u32 s8, $0xFFFFF086  }
0x1c: {  	p1 =	slt.u32 s9, $0xF7A;
	s5 =	simm.s32 @!p2 $0x0  }
0x1d: {  	s5 =	simm.s32 @p1 $0x1;
	p0 =	seq.s32 s7, s2  }
0x1e: {  	s7 =	smul.u32 @!p0 $0xF7A, s2;
	p2 =	seq.s32 @!p0 s5, $0x0  }
0x1f: {  	s9 =	smul.u32 $0xF7A, s1;
	s8 =	simm.s32 @!p0 $0x1BF5;
	p2 =	por !p2, p0  }
0x20: {  	[sflag:s8] =	ssyncset.s32 @!p0 $0xFFFFF086;
	s6 =	sadd.s32 @!p0 s3, s7;
	s7 =	simm.s32 @!p0 $0x108  }
0x21: {  	s3 =	sadd.s32 s3, s9;
	s6 =	sadd.s32 @!p0 $0x88, s6;
	s7 =	simm.s32 @p2 $0x1082  }
0x22: {  	[simem:s7], [sflag:s8] =	dma.local @!p0 [hbm:s6], $0xF7A  }
0x23: {  	s9 =	sor.u32 $0xD0000000, s2;
	s6 =	simm.s32 $0x108;
	_ =	swait.ge @!p0 [sflag:s8], $0x0  }
0x24: {  	s3 =	sadd.s32 $0x88, s3;
	s6 =	simm.s32 @!p1 $0x1082;
	[sflag:s4] =	ssyncset.s32 $0xFFFFF086  }
0x25: {  	[simem:s6], [sflag:s4] =	dma.local [hbm:s3], $0xF7A  }
0x26: {  	[smem:$0x3F8B] =	sst s1;
	(tag) =	ssettag s2;
	_ =	strace s9  }
0x27: {  	s1 =	sld [smem:$0x3F9B]  }
0x28: {  	s2 =	sld [smem:$0x3F9C]  }
0x29: {  	s4 =	sld [smem:$0x3F9E]  }
0x2a: {  	p0 =	seq.s32 s5, $0x0;
	s5 =	sld [smem:$0x3F9F]  }
0x2b: {  	s6 =	sld [smem:$0x3FA0]  }
0x2c: {  	s7 =	sld [smem:$0x3FA1]  }
0x2d: {  	s3 =	simm.s32 $0x108;
	s8 =	sld [smem:$0x3FA2]  }
0x2e: {  	s3 =	simm.s32 @!p0 $0x1082;
	s9 =	sld [smem:$0x3FA3]  }
0x2f: {  	lr =	sadd.s32 s0, s3;
	s0 =	sld [smem:$0x3F9A]  }
0x30: {  	s3 =	sld [smem:$0x3F9D]  }
0x31: {  	[smem:$0x3FA6] =	sst s10  }
0x32: {  	s10 =	sld [smem:$0x3FA4];
	_ =	sdelay $0x3  }
0x33: {  	p0 =	seq.s32 s10, $0x1;
	s10 =	sld [smem:$0x3FA6];
	_ =	sdelay $0x3  }
0x34: {  	[smem:$0x3FA6] =	sst s10  }
0x35: {  	s10 =	sld [smem:$0x3FA5];
	_ =	sdelay $0x3  }
0x36: {  	p1 =	seq.s32 s10, $0x1;
	s10 =	sld [smem:$0x3FA6];
	_ =	sdelay $0x3  }
0x37: {  	[smem:$0x3FA6] =	sst s10  }
0x38: {  	s10 =	sld [smem:$0x3FA7]  }
0x39: {  	_ = 	snop;
	(pc) =	sbr.ind lr, $3  }
0x3a: {  	_ = 	snop  }
0x3b: {  	_ = 	snop  }
0x3c: {  	p2 =	seq.s32 s10, $0x1;
	s10 =	sld [smem:$0x3FA6]  }
0x3d: {  	_ =	shalt  }
0x3e: {  	_ =	shalt  }
0x3f: {  	_ =	shalt  }
0x40: {  	_ =	shalt  }
0x41: {  	_ =	shalt  }
0x42: {  	_ =	shalt  }
0x43: {  	_ =	shalt  }
0x44: {  	_ =	shalt  }
0x45: {  	_ =	shalt  }
0x46: {  	_ =	shalt  }
0x47: {  	_ =	shalt  }
0x48: {  	_ =	shalt  }
0x49: {  	_ =	shalt  }
0x4a: {  	_ =	shalt  }
0x4b: {  	_ =	shalt  }
0x4c: {  	_ =	shalt  }
0x4d: {  	_ =	shalt  }
0x4e: {  	_ =	shalt  }
0x4f: {  	_ =	shalt  }
0x50: {  	_ =	shalt  }
0x51: {  	_ =	shalt  }
0x52: {  	_ =	shalt  }
0x53: {  	_ =	shalt  }
0x54: {  	_ =	shalt  }
0x55: {  	_ =	shalt  }
0x56: {  	_ =	shalt  }
0x57: {  	_ =	shalt  }
0x58: {  	_ =	shalt  }
0x59: {  	_ =	shalt  }
0x5a: {  	_ =	shalt  }
0x5b: {  	_ =	shalt  }
0x5c: {  	_ =	shalt  }
0x5d: {  	_ =	shalt  }
0x5e: {  	_ =	shalt  }
0x5f: {  	_ =	shalt  }
0x60: {  	_ =	shalt  }
0x61: {  	_ =	shalt  }
0x62: {  	_ =	shalt  }
0x63: {  	_ =	shalt  }
0x64: {  	_ =	shalt  }
0x65: {  	_ =	shalt  }
0x66: {  	_ =	shalt  }
0x67: {  	_ =	shalt  }
0x68: {  	_ =	shalt  }
0x69: {  	_ =	shalt  }
0x6a: {  	_ =	shalt  }
0x6b: {  	_ =	shalt  }
0x6c: {  	_ =	shalt  }
0x6d: {  	_ =	shalt  }
0x6e: {  	_ =	shalt  }
0x6f: {  	_ =	shalt  }
0x70: {  	_ =	shalt  }
0x71: {  	_ =	shalt  }
0x72: {  	_ =	shalt  }
0x73: {  	_ =	shalt  }
0x74: {  	_ =	shalt  }
0x75: {  	_ =	shalt  }
0x76: {  	_ =	shalt  }
0x77: {  	_ =	shalt  }
0x78: {  	_ =	shalt  }
0x79: {  	_ =	shalt  }
0x7a: {  	_ =	shalt  }
0x7b: {  	_ =	shalt  }
0x7c: {  	_ =	shalt  }
0x7d: {  	_ =	shalt  }
0x7e: {  	_ =	shalt  }
0x7f: {  	_ =	shalt  }
0x80: {  	_ =	shalt  }
0x81: {  	_ =	shalt  }
0x82: {  	_ =	shalt  }
0x83: {  	_ =	shalt  }
0x84: {  	_ =	shalt  }
0x85: {  	_ =	shalt  }
0x86: {  	_ =	shalt  }
0x87: {  	_ =	shalt  }
.Lfunc_end0:
.L_simem_size_0:
called_computation_lowered:
.L_overlay_start_0:
0x88: {  	s2 =	sld [smem:$0x3FD9]  }
0x89: {  	s3 =	sld [smem:$0x3FFE];
	_ =	sdelay $0x1  }
0x8a: {  	s1 =	srdreg.scid  }
0x8b: {  	s0 =	sand.u32 $0x1, s1  }
0x8c: {  	s17 =	sshll.u32 s0, $0xA;
	s2 =	sadd.s32 s3, s2  }
0x8d: {  	s2 =	sadd.s32 s2, s17  }
0x8e: {  	[smem:$0x3FB2] =	sst s2  }
0x8f: {  	_ = 	snop  }
0x90: {  	(tm) =	ssettm $0x1  }
0x91: {  	s18 =	sld [smem:$0x3FFB];
	_ =	sdelay $0x3  }
0x92: {  	_ =	strace s18  }
0x93: {  	s2 =	sld [smem:$0x3FFC];
	_ =	sdelay $0x3  }
0x94: {  	_ =	strace s2  }
0x95: {  	s2 =	sld [smem:$0x3FFD];
	_ =	sdelay $0x3  }
0x96: {  	_ =	strace s2  }
0x97: {  	_ =	strace $0x8FFFFFFF  }
0x98: {  	s19 =	sld [smem:$0x3FDB];
	_ =	sdelay $0x1  }
0x99: {  	s20 =	simm.s32 $_scs_section_size  }
0x9a: {  	s4 =	simm.s32 $_size__tile_overlayer_lowered;
	s5 =	simm.s32 $_tile_overlayer_lowered  }
0x9b: {  	s6 =	simm.s32 $0x1BFF;
	s21 =	sshll.u32 s5, $0x1;
	s3 =	sadd.s32 s20, s19  }
0x9c: {  	s22 =	simm.s32 $0x0;
	s4 =	sshll.u32 s4, $0x1;
	s5 =	sadd.s32 s21, s3  }
0x9d: {  	[timem:s22], [sflag:s6] =	dma.local [hbm:s5], s4  }
0x9e: {  	_ =	swait.ge [sflag:s6], s4  }
0x9f: {  	s4 =	ssub.s32 $0x0, s4;
	[sflag:s6] =	ssyncset.done $0x0  }
0xa0: {  	[sflag:s6] =	ssyncadd.s32 s4;
	_ =	sdelay $0x1  }
0xa1: {  	s23 =	simm.s32 $0x1B8B  }
0xa2: {  	_ =	swait.ge [sflag:s23], $0x1  }
0xa3: {  	[sflag:s23] =	ssyncset.done $0x0  }
0xa4: {  	[sflag:s23] =	ssyncadd.s32 $0xFFFFFFFF  }
0xa5: {  	s4 =	sld [smem:$0x0]  }
0xa6: {  	s5 =	sand.u32 $0xFFFFFFFE, s1  }
0xa7: {  	p0 =	sne.s32 s1, s5  }
0xa8: {  	s5 =	sshll.u32 @p0 s5, $0xE  }
0xa9: {  	s5 =	sadd.s32 @p0 $0x11B8D, s5;
	s6 =	sshll.u32 @p0 s4, $0x11  }
0xaa: {  	s5 =	sor.u32 @p0 s6, s5  }
0xab: {  	[sflag:s5] =	ssyncadd.remote.s32 @p0 $0x1;
	_ =	sdelay $0x1  }
0xac: {  	s5 =	simm.s32 @p0 $0x1B8D  }
0xad: {  	_ =	swait.eq @p0 [sflag:s5], $0x1  }
0xae: {  	[sflag:s5] =	ssyncadd.s32 @p0 $0xFFFFFFFF  }
0xaf: {  	s6 =	sshll.u32 @!p0 s1, $0xE  }
0xb0: {  	s6 =	sor.u32 @!p0 $0x4000, s6;
	s5 =	simm.s32 @!p0 $0x1B8D  }
0xb1: {  	s4 =	sshll.u32 @!p0 s4, $0x11;
	s6 =	sadd.s32 @!p0 $0x11B8D, s6;
	_ =	swait.eq @!p0 [sflag:s5], $0x1  }
0xb2: {  	s4 =	sor.u32 @!p0 s4, s6;
	[sflag:s5] =	ssyncadd.s32 @!p0 $0xFFFFFFFF  }
0xb3: {  	s25 =	simm.s32 $0x1B8E;
	s24 =	sld [smem:$0x3FFE];
	[sflag:s4] =	ssyncadd.remote.s32 @!p0 $0x1  }
0xb4: {  	s26 =	simm.s32 $execute0_lowered;
	[smem:$0x3FD2] =	sst s25  }
0xb5: {  	s5 =	sshll.u32 s26, $0x1;
	_ =	strace $0x80000049;
	[dreg:$0x1] =	wrdreg $0xFFFFFFFF  }
0xb6: {  	s28 =	simm.s32 $_size_execute0_lowered;
	s3 =	sadd.s32 s3, s5;
	[dreg:$0x0] =	wrdreg $0x0  }
0xb7: {  	s5 =	sshll.u32 s28, $0x1;
	[dreg:$0x2] =	wrdreg s3  }
0xb8: {  	[dreg:$0x3] =	wrdreg s5  }
0xb9: {  	[dreg:$0x4] =	wrdreg $0xC0  }
0xba: {  	_ =	task [dreg:s22], $0x5FFFF  }
0xbb: {  	[dreg:$0x1] =	wrdreg $0xFFFFFFFF  }
0xbc: {  	[dreg:$0x0] =	wrdreg $0x60  }
0xbd: {  	[dreg:$0x2] =	wrdreg s24  }
0xbe: {  	[dreg:$0x3] =	wrdreg $0x9  }
0xbf: {  	_ =	task.clear_ibuf [dreg:s22], $0x4FFFF;
	_ =	strace $0x90000049  }
0xc0: {  	s29 =	simm.s32 $0x9;
	_ =	strace $0x8000004B  }
0xc1: {  	_ =	swait.ge [sflag:s29], $0x1  }
0xc2: {  	[sflag:s29] =	ssyncadd.s32 $0xFFFFFFFF  }
0xc3: {  	_ =	strace $0x9000004B  }
0xc4: {  	_ =	sfence  }
0xc5: {  	s30 =	sld [smem:$0x0];
	_ =	sdelay $0x2  }
0xc6: {  	s31 =	sshll.u32 s1, $0xD;
	s1 =	sshrl.u32 s1, $0x2  }
0xc7: {  	s4 =	sand.u32 $0x4000, s31;
	s1 =	sadd.s32 s1, s30  }
0xc8: {  	s0 =	sor.u32 s4, s0;
	s1 =	sshll.u32 s1, $0x11  }
0xc9: {  	s0 =	sor.u32 s1, s0  }
0xca: {  	s0 =	sadd.s32 $0x8F2B, s0  }
0xcb: {  	[sflag:s0] =	ssyncadd.remote.s32 $0x1  }
0xcc: {  	_ =	sfence.sel $0xFFFF  }
0xcd: {  	[dreg:$0x0] =	wrdreg $0xFFFFFFFF;
	(pc) =	sbr.abs _section_cstart, $3  }
0xce: {  	[dreg:$0x1] =	wrdreg $0xFFFFFFFF  }
0xcf: {  	_ =	task.clear_ibuf [dreg:s22], $0x2FFFF;
	_ =	strace $0x9FFFFFFF  }
0xd0: {  	(tm) =	ssettm $0x7FFFFFFF  }
0xd1: {  	_ =	shalt  }
tec
execute0_lowered:
.L_overlay_start_1:
0x0: {  	(tag) =	ssettag $0x1  }
0x1: {  	s4 =	rddreg [dreg:$0x0]  }
0x2: {  	s0 =	rddreg [dreg:$0x1];
	s2 =	simm.s32 $0x0  }
0x3: {  	s3 =	srdreg.scid;
	s1 =	stileid.u32;
	s13 =	simm.s32 $0x2D00  }
0x4: {  	s14 =	simm.s32 $0x3;
	s15 =	simm.s32 $0x4;
	s16 =	simm.s32 $0x5  }
0x5: {  	s17 =	simm.s32 $0x6;
	s18 =	simm.s32 $0x0;
	s6 =	smul.u32 $0xA000, s1  }
0x6: {  	[smem:$0x7FF] =	sst s2;
	s5 =	sand.u32 $0x1, s3;
	s8 =	smul.u32 $0x5000, s1  }
0x7: {  	s3 =	sadd.s32 $0xA9800, s4;
	s9 =	sadd.s32 $0xB3600, s4;
	s11 =	smul.u32 $0x2800, s5  }
0x8: {  	s12 =	sadd.s32 $0xBD600, s4;
	s7 =	ssub.s32 $0x2, s5;
	s5 =	smul.u32 $0x5000, s5  }
0x9: {  	_ =	strace $0x8000004A;
	s10 =	sshrl.u32 s7, $0x1;
	s6 =	sadd.s32 s6, s12  }
0xa: {  	s26 =	ssub.s32 s7, s10;
	s28 =	sadd.s32 s11, s8;
	s5 =	sadd.s32 s5, s6  }
0xb: {  	s10 =	simm.s32 $0x1;
	s11 =	simm.s32 $0x500;
	s7 =	sor.u32 $0x280, s28  }
0xc: {  	s4 =	smax.u32 s26, $0x1;
	s29 =	sshrl.u32 s28, $0x3;
	s30 =	sshll.u32 s7, $0x1  }
0xd: {  	s6 =	sadd.s32 s29, s9;
	s31 =	sshrl.u32 s7, $0x3;
	s7 =	sadd.s32 s30, s12  }
0xe: {  	s8 =	sadd.s32 s31, s9;
	s9 =	simm.s32 $0x280;
	s12 =	simm.s32 $0x2  }
.LBB2_1:
0xf: {  	s19 =	sadd.s32 $0x0, s6  }
0x10: {  	[tilespmem:s2], [sflag:$0x1] =	stream.linear.gather [hbm4b:s19+s2], $0x280, $0x38;
	[tilespmem:$0x5500] =	vst v63  }
0x11: {  	s31 =	sadd.s32 $0x0, s8  }
0x12: {  	[tilespmem:s9], [sflag:$0x2] =	stream.linear.gather [hbm4b:s31+s2], $0x280, $0x38;
	[tilespmem:$0x5500] =	vst v63  }
0x13: {  	_ =	swait.ge [sflag:s10], $0x280  }
0x14: {  	[sflag:s10] =	ssyncset.done $0x0  }
0x15: {  	[sflag:s10] =	ssyncadd.s32 $0xFFFFFD80  }
0x16: {  	[tilespmem:s11], [sflag:$0x3] =	stream.indirect.gather [hbm4b:s3+s9], $0x10, s2, s9, $0xb8;
	[tilespmem:$0x5500] =	vst v63  }
0x17: {  	_ =	swait.ge [sflag:s12], $0x280  }
0x18: {  	[sflag:s12] =	ssyncset.done $0x0  }
0x19: {  	[sflag:s12] =	ssyncadd.s32 $0xFFFFFD80  }
0x1a: {  	[tilespmem:s13], [sflag:$0x4] =	stream.indirect.gather [hbm4b:s3+s9], $0x10, s9, s9, $0xb8;
	[tilespmem:$0x5500] =	vst v63  }
0x1b: {  	_ =	swait.ge [sflag:s14], $0x2800  }
0x1c: {  	[sflag:s14] =	ssyncset.done $0x0  }
0x1d: {  	[sflag:s14] =	ssyncadd.s32 $0xFFFFD800  }
0x1e: {  	[hbm4b:s5+s2] =	stream.linear.scatter [tilespmem:s11], [sflag:$0x5], $0x2800, $0x38;
	[tilespmem:$0x5500] =	vst v63  }
0x1f: {  	_ =	swait.ge [sflag:s15], $0x2800  }
0x20: {  	[sflag:s15] =	ssyncset.done $0x0  }
0x21: {  	[sflag:s15] =	ssyncadd.s32 $0xFFFFD800  }
0x22: {  	[hbm4b:s7+s2] =	stream.linear.scatter [tilespmem:s13], [sflag:$0x6], $0x2800, $0x38;
	[tilespmem:$0x5500] =	vst v63  }
0x23: {  	_ =	swait.ge [sflag:s16], $0x2800  }
0x24: {  	[sflag:s16] =	ssyncset.done $0x0  }
0x25: {  	[sflag:s16] =	ssyncadd.s32 $0xFFFFD800  }
0x26: {  	s21 =	simm.s32 $0xA0;
	s22 =	simm.s32 $0x140;
	_ =	swait.ge [sflag:s17], $0x2800  }
0x27: {  	s20 =	sadd.s32 $0xA00, s5;
	s19 =	sadd.s32 $0xA00, s7;
	[sflag:s17] =	ssyncset.done $0x0  }
.LBB2_2:
0x28: {  	s23 =	sadd.s32 s21, s6  }
0x29: {  	[sflag:s17] =	ssyncadd.s32 $0xFFFFD800;
	s24 =	smov.u32 s22;
	s25 =	sadd.s32 $0xA0, s22  }
0x2a: {  	[tilespmem:s2], [sflag:$0x1] =	stream.linear.gather [hbm4b:s23+s2], $0x280, $0x38;
	[tilespmem:$0x5500] =	vst v63  }
0x2b: {  	p0 =	sne.s32 s22, $0x460;
	s22 =	sadd.s32 s21, s8;
	s21 =	smov.u32 s24  }
0x2c: {  	[tilespmem:s9], [sflag:$0x2] =	stream.linear.gather [hbm4b:s22+s2], $0x280, $0x38;
	[tilespmem:$0x5500] =	vst v63  }
0x2d: {  	_ =	swait.ge [sflag:s10], $0x280  }
0x2e: {  	[sflag:s10] =	ssyncset.done $0x0  }
0x2f: {  	[sflag:s10] =	ssyncadd.s32 $0xFFFFFD80  }
0x30: {  	[tilespmem:s11], [sflag:$0x3] =	stream.indirect.gather [hbm4b:s3+s9], $0x10, s2, s9, $0xb8;
	[tilespmem:$0x5500] =	vst v63  }
0x31: {  	_ =	swait.ge [sflag:s12], $0x280  }
0x32: {  	[sflag:s12] =	ssyncset.done $0x0  }
0x33: {  	[sflag:s12] =	ssyncadd.s32 $0xFFFFFD80  }
0x34: {  	[tilespmem:s13], [sflag:$0x4] =	stream.indirect.gather [hbm4b:s3+s9], $0x10, s9, s9, $0xb8;
	[tilespmem:$0x5500] =	vst v63  }
0x35: {  	_ =	swait.ge [sflag:s14], $0x2800  }
0x36: {  	[sflag:s14] =	ssyncset.done $0x0  }
0x37: {  	[sflag:s14] =	ssyncadd.s32 $0xFFFFD800  }
0x38: {  	[hbm4b:s20+s2] =	stream.linear.scatter [tilespmem:s11], [sflag:$0x5], $0x2800, $0x38;
	[tilespmem:$0x5500] =	vst v63  }
0x39: {  	_ =	swait.ge [sflag:s15], $0x2800  }
0x3a: {  	[sflag:s15] =	ssyncset.done $0x0  }
0x3b: {  	[sflag:s15] =	ssyncadd.s32 $0xFFFFD800  }
0x3c: {  	[hbm4b:s19+s2] =	stream.linear.scatter [tilespmem:s13], [sflag:$0x6], $0x2800, $0x38;
	[tilespmem:$0x5500] =	vst v63  }
.Ltmp0:
0x3d: {  	_ =	swait.ge [sflag:s16], $0x2800;
	(pc) =	sbr.rel @p0 .LBB2_2-.Ltmp0, $4  }
0x3e: {  	[sflag:s16] =	ssyncset.done $0x0  }
0x3f: {  	[sflag:s16] =	ssyncadd.s32 $0xFFFFD800  }
0x40: {  	s22 =	smov.u32 s25;
	_ =	swait.ge [sflag:s17], $0x2800  }
0x41: {  	s20 =	sadd.s32 $0xA00, s20;
	s19 =	sadd.s32 $0xA00, s19;
	[sflag:s17] =	ssyncset.done $0x0  }
0x42: {  	s22 =	sadd.s32 s21, s6;
	[sflag:s17] =	ssyncadd.s32 $0xFFFFD800  }
0x43: {  	[tilespmem:s2], [sflag:$0x1] =	stream.linear.gather [hbm4b:s22+s2], $0x280, $0x38;
	[tilespmem:$0x5500] =	vst v63  }
0x44: {  	s31 =	sadd.s32 s21, s8  }
0x45: {  	[tilespmem:s9], [sflag:$0x2] =	stream.linear.gather [hbm4b:s31+s2], $0x280, $0x38;
	[tilespmem:$0x5500] =	vst v63  }
0x46: {  	_ =	swait.ge [sflag:s10], $0x280  }
0x47: {  	[sflag:s10] =	ssyncset.done $0x0  }
0x48: {  	[sflag:s10] =	ssyncadd.s32 $0xFFFFFD80  }
0x49: {  	[tilespmem:s11], [sflag:$0x3] =	stream.indirect.gather [hbm4b:s3+s9], $0x10, s2, s9, $0xb8;
	[tilespmem:$0x5500] =	vst v63  }
0x4a: {  	_ =	swait.ge [sflag:s12], $0x280  }
0x4b: {  	[sflag:s12] =	ssyncset.done $0x0  }
0x4c: {  	[sflag:s12] =	ssyncadd.s32 $0xFFFFFD80  }
0x4d: {  	[tilespmem:s13], [sflag:$0x4] =	stream.indirect.gather [hbm4b:s3+s9], $0x10, s9, s9, $0xb8;
	[tilespmem:$0x5500] =	vst v63  }
0x4e: {  	_ =	swait.ge [sflag:s14], $0x2800  }
0x4f: {  	[sflag:s14] =	ssyncset.done $0x0  }
0x50: {  	[sflag:s14] =	ssyncadd.s32 $0xFFFFD800  }
0x51: {  	[hbm4b:s20+s2] =	stream.linear.scatter [tilespmem:s11], [sflag:$0x5], $0x2800, $0x38;
	[tilespmem:$0x5500] =	vst v63  }
0x52: {  	_ =	swait.ge [sflag:s15], $0x2800  }
0x53: {  	[sflag:s15] =	ssyncset.done $0x0  }
0x54: {  	s18 =	sadd.s32 $0x1, s18;
	[sflag:s15] =	ssyncadd.s32 $0xFFFFD800  }
0x55: {  	[hbm4b:s19+s2] =	stream.linear.scatter [tilespmem:s13], [sflag:$0x6], $0x2800, $0x38;
	[tilespmem:$0x5500] =	vst v63  }
0x56: {  	p0 =	sne.s32 s18, s4;
	_ =	swait.ge [sflag:s16], $0x2800  }
.Ltmp1:
0x57: {  	[sflag:s16] =	ssyncset.done $0x0;
	(pc) =	sbr.rel @p0 .LBB2_1-.Ltmp1, $4  }
0x58: {  	[sflag:s16] =	ssyncadd.s32 $0xFFFFD800  }
0x59: {  	_ =	swait.ge [sflag:s17], $0x2800  }
0x5a: {  	[sflag:s17] =	ssyncset.done $0x0  }
0x5b: {  	[sflag:s17] =	ssyncadd.s32 $0xFFFFD800  }
0x5c: {  	_ =	sfence.sel $0x180000  }
0x5d: {  	[bflag:$0x0] =	sbarrier.arrive $0xFFFF  }
0x5e: {  	p0 =	sne.s32 s1, $0x0;
	_ =	strace $0x9000004A  }
0x5f: {  	s0 =	sadd.s32 @!p0 $0x100000, s0;
	[bflag:$0x2] =	sbarrier.arrive $0xFFFF  }
0x60: {  	[sflag:s0] =	ssyncadd.tile.s32 @!p0 $0x1;
	_ =	shalt  }
.Lfunc_end2:
_tile_overlayer_lowered:
.L_overlay_start_2:
0x61: {  	(tag) =	ssettag $0x2  }
0x62: {  	s0 =	rddreg [dreg:$0x0];
	s2 =	stileid.u32  }
0x63: {  	s1 =	rddreg [dreg:$0x1];
	p0 =	sne.s32 s2, $0x0  }
0x64: {  	s3 =	rddreg [dreg:$0x2];
	[bflag:$0x3] =	sbarrier.arrive $0xFFFF;
	s2 =	simm.s32 @!p0 $0x1C07  }
0x65: {  	[timem:s3], [sflag:s2] =	dma.local @!p0 [hbm:s0], s1  }
0x66: {  	s0 =	simm.s32 @!p0 $0x7  }
0x67: {  	_ =	swait.ge @!p0 [sflag:s0], s1  }
0x68: {  	s1 =	ssub.s32 @!p0 $0x0, s1;
	[sflag:s0] =	ssyncset.done @!p0 $0x0  }
0x69: {  	[sflag:s0] =	ssyncadd.s32 @!p0 s1  }
0x6a: {  	[bflag:$0x3] =	sbarrier.arrive $0xFFFF  }
0x6b: {  	_ =	shalt  }

// kernel: kernel.20.cloned.1.call-start
scs
__scs_entry_jumppad:
0x0: {  	(pc) =	sbr.rel $0x88, $3  }
0x1: {  	(tag) =	ssettag $0x0;
	lr =	simm.s32 $0x1  }
0x2: {  	[smem:$0x3F8B] =	sst lr;
	_ =	strace $0xD0000000  }
0x3: {  	_ = 	snop  }
0x4: {  	_ = 	snop  }
0x5: {  	_ = 	snop  }
0x6: {  	_ = 	snop  }
0x7: {  	_ = 	snop  }
__scs_overlays_trampoline_lowered:
0x8: {  	[smem:$0x3F9A] =	sst s0  }
0x9: {  	[smem:$0x3F9B] =	sst s1  }
0xa: {  	[smem:$0x3F9C] =	sst s2  }
0xb: {  	[smem:$0x3F9D] =	sst s3  }
0xc: {  	[smem:$0x3F9E] =	sst s4  }
0xd: {  	[smem:$0x3F9F] =	sst s5  }
0xe: {  	[smem:$0x3FA0] =	sst s6  }
0xf: {  	[smem:$0x3FA1] =	sst s7  }
0x10: {  	[smem:$0x3FA2] =	sst s8  }
0x11: {  	[smem:$0x3FA3] =	sst s9;
	s0 =	simm.s32 @!p0 $0x0  }
0x12: {  	s1 =	sld [smem:$0x3F89];
	s0 =	simm.s32 @p0 $0x1  }
0x13: {  	[smem:$0x3FA4] =	sst s0;
	s0 =	simm.s32 @!p1 $0x0  }
0x14: {  	s2 =	sld [smem:$0x3F88];
	s0 =	simm.s32 @p1 $0x1  }
0x15: {  	[smem:$0x3FA5] =	sst s0;
	s0 =	simm.s32 @!p2 $0x0  }
0x16: {  	s3 =	sld [smem:$0x3FDB];
	s0 =	simm.s32 @p2 $0x1  }
0x17: {  	s4 =	simm.s32 $0x1BF5;
	[smem:$0x3FA7] =	sst s0  }
0x18: {  	s0 =	sld [smem:$0x3F8A];
	_ =	swait.ge [sflag:s4], $0x0  }
0x19: {  	s7 =	sld [smem:$0x3F8B]  }
0x1a: {  	s8 =	sadd.s32 $0xFFFFE003, lr  }
0x1b: {  	s9 =	sadd.s32 $0xFFFFFEF7, lr;
	s5 =	simm.s32 $0xFFFFFFFF;
	p2 =	slt.u32 s8, $0xFFFFF086  }
0x1c: {  	p1 =	slt.u32 s9, $0xF7A;
	s5 =	simm.s32 @!p2 $0x0  }
0x1d: {  	s5 =	simm.s32 @p1 $0x1;
	p0 =	seq.s32 s7, s2  }
0x1e: {  	s7 =	smul.u32 @!p0 $0xF7A, s2;
	p2 =	seq.s32 @!p0 s5, $0x0  }
0x1f: {  	s9 =	smul.u32 $0xF7A, s1;
	s8 =	simm.s32 @!p0 $0x1BF5;
	p2 =	por !p2, p0  }
0x20: {  	[sflag:s8] =	ssyncset.s32 @!p0 $0xFFFFF086;
	s6 =	sadd.s32 @!p0 s3, s7;
	s7 =	simm.s32 @!p0 $0x108  }
0x21: {  	s3 =	sadd.s32 s3, s9;
	s6 =	sadd.s32 @!p0 $0x88, s6;
	s7 =	simm.s32 @p2 $0x1082  }
0x22: {  	[simem:s7], [sflag:s8] =	dma.local @!p0 [hbm:s6], $0xF7A  }
0x23: {  	s9 =	sor.u32 $0xD0000000, s2;
	s6 =	simm.s32 $0x108;
	_ =	swait.ge @!p0 [sflag:s8], $0x0  }
0x24: {  	s3 =	sadd.s32 $0x88, s3;
	s6 =	simm.s32 @!p1 $0x1082;
	[sflag:s4] =	ssyncset.s32 $0xFFFFF086  }
0x25: {  	[simem:s6], [sflag:s4] =	dma.local [hbm:s3], $0xF7A  }
0x26: {  	[smem:$0x3F8B] =	sst s1;
	(tag) =	ssettag s2;
	_ =	strace s9  }
0x27: {  	s1 =	sld [smem:$0x3F9B]  }
0x28: {  	s2 =	sld [smem:$0x3F9C]  }
0x29: {  	s4 =	sld [smem:$0x3F9E]  }
0x2a: {  	p0 =	seq.s32 s5, $0x0;
	s5 =	sld [smem:$0x3F9F]  }
0x2b: {  	s6 =	sld [smem:$0x3FA0]  }
0x2c: {  	s7 =	sld [smem:$0x3FA1]  }
0x2d: {  	s3 =	simm.s32 $0x108;
	s8 =	sld [smem:$0x3FA2]  }
0x2e: {  	s3 =	simm.s32 @!p0 $0x1082;
	s9 =	sld [smem:$0x3FA3]  }
0x2f: {  	lr =	sadd.s32 s0, s3;
	s0 =	sld [smem:$0x3F9A]  }
0x30: {  	s3 =	sld [smem:$0x3F9D]  }
0x31: {  	[smem:$0x3FA6] =	sst s10  }
0x32: {  	s10 =	sld [smem:$0x3FA4];
	_ =	sdelay $0x3  }
0x33: {  	p0 =	seq.s32 s10, $0x1;
	s10 =	sld [smem:$0x3FA6];
	_ =	sdelay $0x3  }
0x34: {  	[smem:$0x3FA6] =	sst s10  }
0x35: {  	s10 =	sld [smem:$0x3FA5];
	_ =	sdelay $0x3  }
0x36: {  	p1 =	seq.s32 s10, $0x1;
	s10 =	sld [smem:$0x3FA6];
	_ =	sdelay $0x3  }
0x37: {  	[smem:$0x3FA6] =	sst s10  }
0x38: {  	s10 =	sld [smem:$0x3FA7]  }
0x39: {  	_ = 	snop;
	(pc) =	sbr.ind lr, $3  }
0x3a: {  	_ = 	snop  }
0x3b: {  	_ = 	snop  }
0x3c: {  	p2 =	seq.s32 s10, $0x1;
	s10 =	sld [smem:$0x3FA6]  }
0x3d: {  	_ =	shalt  }
0x3e: {  	_ =	shalt  }
0x3f: {  	_ =	shalt  }
0x40: {  	_ =	shalt  }
0x41: {  	_ =	shalt  }
0x42: {  	_ =	shalt  }
0x43: {  	_ =	shalt  }
0x44: {  	_ =	shalt  }
0x45: {  	_ =	shalt  }
0x46: {  	_ =	shalt  }
0x47: {  	_ =	shalt  }
0x48: {  	_ =	shalt  }
0x49: {  	_ =	shalt  }
0x4a: {  	_ =	shalt  }
0x4b: {  	_ =	shalt  }
0x4c: {  	_ =	shalt  }
0x4d: {  	_ =	shalt  }
0x4e: {  	_ =	shalt  }
0x4f: {  	_ =	shalt  }
0x50: {  	_ =	shalt  }
0x51: {  	_ =	shalt  }
0x52: {  	_ =	shalt  }
0x53: {  	_ =	shalt  }
0x54: {  	_ =	shalt  }
0x55: {  	_ =	shalt  }
0x56: {  	_ =	shalt  }
0x57: {  	_ =	shalt  }
0x58: {  	_ =	shalt  }
0x59: {  	_ =	shalt  }
0x5a: {  	_ =	shalt  }
0x5b: {  	_ =	shalt  }
0x5c: {  	_ =	shalt  }
0x5d: {  	_ =	shalt  }
0x5e: {  	_ =	shalt  }
0x5f: {  	_ =	shalt  }
0x60: {  	_ =	shalt  }
0x61: {  	_ =	shalt  }
0x62: {  	_ =	shalt  }
0x63: {  	_ =	shalt  }
0x64: {  	_ =	shalt  }
0x65: {  	_ =	shalt  }
0x66: {  	_ =	shalt  }
0x67: {  	_ =	shalt  }
0x68: {  	_ =	shalt  }
0x69: {  	_ =	shalt  }
0x6a: {  	_ =	shalt  }
0x6b: {  	_ =	shalt  }
0x6c: {  	_ =	shalt  }
0x6d: {  	_ =	shalt  }
0x6e: {  	_ =	shalt  }
0x6f: {  	_ =	shalt  }
0x70: {  	_ =	shalt  }
0x71: {  	_ =	shalt  }
0x72: {  	_ =	shalt  }
0x73: {  	_ =	shalt  }
0x74: {  	_ =	shalt  }
0x75: {  	_ =	shalt  }
0x76: {  	_ =	shalt  }
0x77: {  	_ =	shalt  }
0x78: {  	_ =	shalt  }
0x79: {  	_ =	shalt  }
0x7a: {  	_ =	shalt  }
0x7b: {  	_ =	shalt  }
0x7c: {  	_ =	shalt  }
0x7d: {  	_ =	shalt  }
0x7e: {  	_ =	shalt  }
0x7f: {  	_ =	shalt  }
0x80: {  	_ =	shalt  }
0x81: {  	_ =	shalt  }
0x82: {  	_ =	shalt  }
0x83: {  	_ =	shalt  }
0x84: {  	_ =	shalt  }
0x85: {  	_ =	shalt  }
0x86: {  	_ =	shalt  }
0x87: {  	_ =	shalt  }
.Lfunc_end0:
.L_simem_size_0:
called_computation.1_lowered:
.L_overlay_start_0:
0x88: {  	s2 =	sld [smem:$0x3FD9]  }
0x89: {  	s3 =	sld [smem:$0x3FFE];
	_ =	sdelay $0x1  }
0x8a: {  	s1 =	srdreg.scid  }
0x8b: {  	s0 =	sand.u32 $0x1, s1  }
0x8c: {  	s16 =	sshll.u32 s0, $0xA;
	s2 =	sadd.s32 s3, s2  }
0x8d: {  	s2 =	sadd.s32 s2, s16  }
0x8e: {  	[smem:$0x3FB2] =	sst s2  }
0x8f: {  	_ = 	snop  }
0x90: {  	(tm) =	ssettm $0x1  }
0x91: {  	s17 =	sld [smem:$0x3FFB];
	_ =	sdelay $0x3  }
0x92: {  	_ =	strace s17  }
0x93: {  	s2 =	sld [smem:$0x3FFC];
	_ =	sdelay $0x3  }
0x94: {  	_ =	strace s2  }
0x95: {  	s2 =	sld [smem:$0x3FFD];
	_ =	sdelay $0x3  }
0x96: {  	_ =	strace s2  }
0x97: {  	_ =	strace $0x8FFFFFFF  }
0x98: {  	s18 =	sld [smem:$0x3FDB];
	_ =	sdelay $0x1  }
0x99: {  	s19 =	simm.s32 $_scs_section_size  }
0x9a: {  	s4 =	simm.s32 $_size__tile_overlayer_lowered;
	s5 =	simm.s32 $_tile_overlayer_lowered  }
0x9b: {  	s22 =	simm.s32 $0x1BFF;
	s21 =	sshll.u32 s5, $0x1;
	s2 =	sadd.s32 s19, s18  }
0x9c: {  	s6 =	simm.s32 $0x0;
	s20 =	sshll.u32 s4, $0x1;
	s4 =	sadd.s32 s21, s2  }
0x9d: {  	[timem:s6], [sflag:s22] =	dma.local [hbm:s4], s20  }
0x9e: {  	_ =	swait.ge [sflag:s22], s20  }
0x9f: {  	s3 =	ssub.s32 $0x0, s20;
	[sflag:s22] =	ssyncset.done $0x0  }
0xa0: {  	[sflag:s22] =	ssyncadd.s32 s3;
	_ =	sdelay $0x1  }
0xa1: {  	s23 =	simm.s32 $0x1B8B  }
0xa2: {  	_ =	swait.ge [sflag:s23], $0x1  }
0xa3: {  	[sflag:s23] =	ssyncset.done $0x0  }
0xa4: {  	s25 =	simm.s32 $0x1B8E;
	s24 =	sld [smem:$0x3FFE];
	[sflag:s23] =	ssyncadd.s32 $0xFFFFFFFF  }
0xa5: {  	s26 =	simm.s32 $execute0_lowered;
	[smem:$0x3FD2] =	sst s25  }
0xa6: {  	s4 =	sshll.u32 s26, $0x1;
	_ =	strace $0x80000046;
	[dreg:$0x1] =	wrdreg $0xFFFFFFFF  }
0xa7: {  	s28 =	simm.s32 $_size_execute0_lowered;
	s2 =	sadd.s32 s2, s4;
	[dreg:$0x0] =	wrdreg $0x0  }
0xa8: {  	s4 =	sshll.u32 s28, $0x1;
	[dreg:$0x2] =	wrdreg s2  }
0xa9: {  	[dreg:$0x3] =	wrdreg s4  }
0xaa: {  	[dreg:$0x4] =	wrdreg $0xC0  }
0xab: {  	_ =	task [dreg:s6], $0x5FFFF  }
0xac: {  	[dreg:$0x1] =	wrdreg $0xFFFFFFFF  }
0xad: {  	[dreg:$0x0] =	wrdreg $0x60  }
0xae: {  	[dreg:$0x2] =	wrdreg s24  }
0xaf: {  	[dreg:$0x3] =	wrdreg $0xA  }
0xb0: {  	_ =	task.clear_ibuf [dreg:s6], $0x4FFFF;
	_ =	strace $0x90000046  }
0xb1: {  	s29 =	simm.s32 $0xA;
	_ =	strace $0x80000048  }
0xb2: {  	_ =	swait.ge [sflag:s29], $0x1  }
0xb3: {  	[sflag:s29] =	ssyncadd.s32 $0xFFFFFFFF  }
0xb4: {  	_ =	strace $0x90000048  }
0xb5: {  	_ =	sfence  }
0xb6: {  	s30 =	sld [smem:$0x0];
	_ =	sdelay $0x2  }
0xb7: {  	s31 =	sshll.u32 s1, $0xD;
	s1 =	sshrl.u32 s1, $0x2  }
0xb8: {  	s3 =	sand.u32 $0x4000, s31;
	s1 =	sadd.s32 s1, s30  }
0xb9: {  	s0 =	sor.u32 s3, s0;
	s1 =	sshll.u32 s1, $0x11  }
0xba: {  	s0 =	sor.u32 s1, s0  }
0xbb: {  	s0 =	sadd.s32 $0x8F2B, s0  }
0xbc: {  	[sflag:s0] =	ssyncadd.remote.s32 $0x1  }
0xbd: {  	_ =	sfence.sel $0xFFFF  }
0xbe: {  	[dreg:$0x0] =	wrdreg $0xFFFFFFFF;
	(pc) =	sbr.abs _section_cstart, $3  }
0xbf: {  	[dreg:$0x1] =	wrdreg $0xFFFFFFFF  }
0xc0: {  	_ =	task.clear_ibuf [dreg:s6], $0x2FFFF;
	_ =	strace $0x9FFFFFFF  }
0xc1: {  	(tm) =	ssettm $0x7FFFFFFF  }
tec
execute0_lowered:
.L_overlay_start_1:
0x0: {  	(tag) =	ssettag $0x1  }
0x1: {  	s1 =	srdreg.scid;
	s0 =	stileid.u32  }
0x2: {  	s6 =	sand.u32 $0x1, s1;
	s30 =	sshll.u32 s0, $0x1  }
0x3: {  	s8 =	rddreg [dreg:$0x0];
	s7 =	sor.u32 s6, s30  }
0x4: {  	s2 =	simm.s32 $0x0;
	s1 =	rddreg [dreg:$0x1];
	s3 =	smul.u32 $0x4F, s7  }
0x5: {  	s4 =	simm.s32 $0x1;
	[smem:$0x7FF] =	sst s2  }
0x6: {  	s5 =	sadd.s32 $0xBE00, s8;
	_ =	strace $0x80000047;
	s3 =	sadd.s32 s3, s8  }
0x7: {  	s10 =	ssub.s32 $0x2, s6;
	s9 =	smul.u32 $0x13C0, s7;
	s3 =	sadd.s32 $0xC200, s3  }
0x8: {  	[tilespmem:s2], [sflag:$0x1] =	stream.linear.gather [hbm4b:s3+s2], $0x278, $0x38;
	[tilespmem:$0xA078] =	vst v63  }
0x9: {  	s6 =	simm.s32 $0x278;
	s31 =	sshrl.u32 s10, $0x1;
	_ =	swait.ge [sflag:s4], $0x278  }
0xa: {  	s8 =	sadd.s32 s9, s8;
	s9 =	ssub.s32 s10, s31;
	[sflag:s4] =	ssyncset.done $0x0  }
0xb: {  	s7 =	simm.s32 $0x2;
	s10 =	smax.u32 s9, $0x1;
	[sflag:s4] =	ssyncadd.s32 $0xFFFFFD88  }
0xc: {  	[tilespmem:s6], [sflag:$0x2] =	stream.indirect.gather [hbm4b:s5+s6], $0x40, s2, s6, $0xb8;
	[tilespmem:$0xA078] =	vst v63  }
0xd: {  	p0 =	sne.s32 s10, $0x1;
	_ =	swait.ge [sflag:s7], $0x9E00  }
.Ltmp0:
0xe: {  	[sflag:s7] =	ssyncset.done $0x0;
	(pc) =	sbr.rel @!p0 .LBB2_2-.Ltmp0, $4  }
0xf: {  	s8 =	sadd.s32 $0xCC00, s8;
	s9 =	simm.s32 $0x3;
	[sflag:s7] =	ssyncadd.s32 $0xFFFF6200  }
0x10: {  	[hbm4b:s8+s2] =	stream.linear.scatter [tilespmem:s6], [sflag:$0x3], $0x9E00, $0x38;
	[tilespmem:$0xA078] =	vst v63  }
0x11: {  	_ =	swait.ge [sflag:s9], $0x9E00  }
0x12: {  	s10 =	sadd.s32 $0xFFFFFFFF, s10;
	[sflag:s9] =	ssyncset.done $0x0  }
.LBB2_1:
0x13: {  	p0 =	sne.s32 s10, $0x1;
	s10 =	sadd.s32 $0xFFFFFFFF, s10;
	[sflag:s9] =	ssyncadd.s32 $0xFFFF6200  }
0x14: {  	[tilespmem:s2], [sflag:$0x1] =	stream.linear.gather [hbm4b:s3+s2], $0x278, $0x38;
	[tilespmem:$0xA078] =	vst v63  }
0x15: {  	_ =	swait.ge [sflag:s4], $0x278  }
0x16: {  	[sflag:s4] =	ssyncset.done $0x0  }
0x17: {  	[sflag:s4] =	ssyncadd.s32 $0xFFFFFD88  }
0x18: {  	[tilespmem:s6], [sflag:$0x2] =	stream.indirect.gather [hbm4b:s5+s6], $0x40, s2, s6, $0xb8;
	[tilespmem:$0xA078] =	vst v63  }
0x19: {  	_ =	swait.ge [sflag:s7], $0x9E00  }
.Ltmp1:
0x1a: {  	[sflag:s7] =	ssyncset.done $0x0;
	(pc) =	sbr.rel @p0 .LBB2_1-.Ltmp1, $4  }
0x1b: {  	[sflag:s7] =	ssyncadd.s32 $0xFFFF6200  }
0x1c: {  	[hbm4b:s8+s2] =	stream.linear.scatter [tilespmem:s6], [sflag:$0x3], $0x9E00, $0x38;
	[tilespmem:$0xA078] =	vst v63  }
0x1d: {  	_ =	swait.ge [sflag:s9], $0x9E00  }
0x1e: {  	[sflag:s9] =	ssyncset.done $0x0  }
.LBB2_2:
0x1f: {  	[sflag:s9] =	ssyncadd.s32 $0xFFFF6200  }
0x20: {  	_ =	sfence.sel $0x180000  }
0x21: {  	[bflag:$0x0] =	sbarrier.arrive $0xFFFF  }
0x22: {  	p0 =	sne.s32 s0, $0x0;
	_ =	strace $0x90000047  }
0x23: {  	s0 =	sadd.s32 @!p0 $0x100000, s1;
	[bflag:$0x2] =	sbarrier.arrive $0xFFFF  }
0x24: {  	[sflag:s0] =	ssyncadd.tile.s32 @!p0 $0x1;
	_ =	shalt  }
.Lfunc_end2:
_tile_overlayer_lowered:
.L_overlay_start_2:
0x25: {  	(tag) =	ssettag $0x2  }
0x26: {  	s0 =	rddreg [dreg:$0x0];
	s2 =	stileid.u32  }
0x27: {  	s1 =	rddreg [dreg:$0x1];
	p0 =	sne.s32 s2, $0x0  }
0x28: {  	s3 =	rddreg [dreg:$0x2];
	[bflag:$0x3] =	sbarrier.arrive $0xFFFF;
	s2 =	simm.s32 @!p0 $0x1C04  }
0x29: {  	[timem:s3], [sflag:s2] =	dma.local @!p0 [hbm:s0], s1  }
0x2a: {  	s0 =	simm.s32 @!p0 $0x4  }
0x2b: {  	_ =	swait.ge @!p0 [sflag:s0], s1  }
0x2c: {  	s1 =	ssub.s32 @!p0 $0x0, s1;
	[sflag:s0] =	ssyncset.done @!p0 $0x0  }
0x2d: {  	[sflag:s0] =	ssyncadd.s32 @!p0 s1  }
0x2e: {  	[bflag:$0x3] =	sbarrier.arrive $0xFFFF  }
0x2f: {  	_ =	shalt  }

// kernel: kernel.23.cloned.1.call-start
scs
__scs_entry_jumppad:
0x0: {  	(pc) =	sbr.rel $0x88, $3  }
0x1: {  	(tag) =	ssettag $0x0;
	lr =	simm.s32 $0x1  }
0x2: {  	[smem:$0x3F8B] =	sst lr;
	_ =	strace $0xD0000000  }
0x3: {  	_ = 	snop  }
0x4: {  	_ = 	snop  }
0x5: {  	_ = 	snop  }
0x6: {  	_ = 	snop  }
0x7: {  	_ = 	snop  }
__scs_overlays_trampoline_lowered:
0x8: {  	[smem:$0x3F9A] =	sst s0  }
0x9: {  	[smem:$0x3F9B] =	sst s1  }
0xa: {  	[smem:$0x3F9C] =	sst s2  }
0xb: {  	[smem:$0x3F9D] =	sst s3  }
0xc: {  	[smem:$0x3F9E] =	sst s4  }
0xd: {  	[smem:$0x3F9F] =	sst s5  }
0xe: {  	[smem:$0x3FA0] =	sst s6  }
0xf: {  	[smem:$0x3FA1] =	sst s7  }
0x10: {  	[smem:$0x3FA2] =	sst s8  }
0x11: {  	[smem:$0x3FA3] =	sst s9;
	s0 =	simm.s32 @!p0 $0x0  }
0x12: {  	s1 =	sld [smem:$0x3F89];
	s0 =	simm.s32 @p0 $0x1  }
0x13: {  	[smem:$0x3FA4] =	sst s0;
	s0 =	simm.s32 @!p1 $0x0  }
0x14: {  	s2 =	sld [smem:$0x3F88];
	s0 =	simm.s32 @p1 $0x1  }
0x15: {  	[smem:$0x3FA5] =	sst s0;
	s0 =	simm.s32 @!p2 $0x0  }
0x16: {  	s3 =	sld [smem:$0x3FDB];
	s0 =	simm.s32 @p2 $0x1  }
0x17: {  	s4 =	simm.s32 $0x1BF5;
	[smem:$0x3FA7] =	sst s0  }
0x18: {  	s0 =	sld [smem:$0x3F8A];
	_ =	swait.ge [sflag:s4], $0x0  }
0x19: {  	s7 =	sld [smem:$0x3F8B]  }
0x1a: {  	s8 =	sadd.s32 $0xFFFFE003, lr  }
0x1b: {  	s9 =	sadd.s32 $0xFFFFFEF7, lr;
	s5 =	simm.s32 $0xFFFFFFFF;
	p2 =	slt.u32 s8, $0xFFFFF086  }
0x1c: {  	p1 =	slt.u32 s9, $0xF7A;
	s5 =	simm.s32 @!p2 $0x0  }
0x1d: {  	s5 =	simm.s32 @p1 $0x1;
	p0 =	seq.s32 s7, s2  }
0x1e: {  	s7 =	smul.u32 @!p0 $0xF7A, s2;
	p2 =	seq.s32 @!p0 s5, $0x0  }
0x1f: {  	s9 =	smul.u32 $0xF7A, s1;
	s8 =	simm.s32 @!p0 $0x1BF5;
	p2 =	por !p2, p0  }
0x20: {  	[sflag:s8] =	ssyncset.s32 @!p0 $0xFFFFF086;
	s6 =	sadd.s32 @!p0 s3, s7;
	s7 =	simm.s32 @!p0 $0x108  }
0x21: {  	s3 =	sadd.s32 s3, s9;
	s6 =	sadd.s32 @!p0 $0x88, s6;
	s7 =	simm.s32 @p2 $0x1082  }
0x22: {  	[simem:s7], [sflag:s8] =	dma.local @!p0 [hbm:s6], $0xF7A  }
0x23: {  	s9 =	sor.u32 $0xD0000000, s2;
	s6 =	simm.s32 $0x108;
	_ =	swait.ge @!p0 [sflag:s8], $0x0  }
0x24: {  	s3 =	sadd.s32 $0x88, s3;
	s6 =	simm.s32 @!p1 $0x1082;
	[sflag:s4] =	ssyncset.s32 $0xFFFFF086  }
0x25: {  	[simem:s6], [sflag:s4] =	dma.local [hbm:s3], $0xF7A  }
0x26: {  	[smem:$0x3F8B] =	sst s1;
	(tag) =	ssettag s2;
	_ =	strace s9  }
0x27: {  	s1 =	sld [smem:$0x3F9B]  }
0x28: {  	s2 =	sld [smem:$0x3F9C]  }
0x29: {  	s4 =	sld [smem:$0x3F9E]  }
0x2a: {  	p0 =	seq.s32 s5, $0x0;
	s5 =	sld [smem:$0x3F9F]  }
0x2b: {  	s6 =	sld [smem:$0x3FA0]  }
0x2c: {  	s7 =	sld [smem:$0x3FA1]  }
0x2d: {  	s3 =	simm.s32 $0x108;
	s8 =	sld [smem:$0x3FA2]  }
0x2e: {  	s3 =	simm.s32 @!p0 $0x1082;
	s9 =	sld [smem:$0x3FA3]  }
0x2f: {  	lr =	sadd.s32 s0, s3;
	s0 =	sld [smem:$0x3F9A]  }
0x30: {  	s3 =	sld [smem:$0x3F9D]  }
0x31: {  	[smem:$0x3FA6] =	sst s10  }
0x32: {  	s10 =	sld [smem:$0x3FA4];
	_ =	sdelay $0x3  }
0x33: {  	p0 =	seq.s32 s10, $0x1;
	s10 =	sld [smem:$0x3FA6];
	_ =	sdelay $0x3  }
0x34: {  	[smem:$0x3FA6] =	sst s10  }
0x35: {  	s10 =	sld [smem:$0x3FA5];
	_ =	sdelay $0x3  }
0x36: {  	p1 =	seq.s32 s10, $0x1;
	s10 =	sld [smem:$0x3FA6];
	_ =	sdelay $0x3  }
0x37: {  	[smem:$0x3FA6] =	sst s10  }
0x38: {  	s10 =	sld [smem:$0x3FA7]  }
0x39: {  	_ = 	snop;
	(pc) =	sbr.ind lr, $3  }
0x3a: {  	_ = 	snop  }
0x3b: {  	_ = 	snop  }
0x3c: {  	p2 =	seq.s32 s10, $0x1;
	s10 =	sld [smem:$0x3FA6]  }
0x3d: {  	_ =	shalt  }
0x3e: {  	_ =	shalt  }
0x3f: {  	_ =	shalt  }
0x40: {  	_ =	shalt  }
0x41: {  	_ =	shalt  }
0x42: {  	_ =	shalt  }
0x43: {  	_ =	shalt  }
0x44: {  	_ =	shalt  }
0x45: {  	_ =	shalt  }
0x46: {  	_ =	shalt  }
0x47: {  	_ =	shalt  }
0x48: {  	_ =	shalt  }
0x49: {  	_ =	shalt  }
0x4a: {  	_ =	shalt  }
0x4b: {  	_ =	shalt  }
0x4c: {  	_ =	shalt  }
0x4d: {  	_ =	shalt  }
0x4e: {  	_ =	shalt  }
0x4f: {  	_ =	shalt  }
0x50: {  	_ =	shalt  }
0x51: {  	_ =	shalt  }
0x52: {  	_ =	shalt  }
0x53: {  	_ =	shalt  }
0x54: {  	_ =	shalt  }
0x55: {  	_ =	shalt  }
0x56: {  	_ =	shalt  }
0x57: {  	_ =	shalt  }
0x58: {  	_ =	shalt  }
0x59: {  	_ =	shalt  }
0x5a: {  	_ =	shalt  }
0x5b: {  	_ =	shalt  }
0x5c: {  	_ =	shalt  }
0x5d: {  	_ =	shalt  }
0x5e: {  	_ =	shalt  }
0x5f: {  	_ =	shalt  }
0x60: {  	_ =	shalt  }
0x61: {  	_ =	shalt  }
0x62: {  	_ =	shalt  }
0x63: {  	_ =	shalt  }
0x64: {  	_ =	shalt  }
0x65: {  	_ =	shalt  }
0x66: {  	_ =	shalt  }
0x67: {  	_ =	shalt  }
0x68: {  	_ =	shalt  }
0x69: {  	_ =	shalt  }
0x6a: {  	_ =	shalt  }
0x6b: {  	_ =	shalt  }
0x6c: {  	_ =	shalt  }
0x6d: {  	_ =	shalt  }
0x6e: {  	_ =	shalt  }
0x6f: {  	_ =	shalt  }
0x70: {  	_ =	shalt  }
0x71: {  	_ =	shalt  }
0x72: {  	_ =	shalt  }
0x73: {  	_ =	shalt  }
0x74: {  	_ =	shalt  }
0x75: {  	_ =	shalt  }
0x76: {  	_ =	shalt  }
0x77: {  	_ =	shalt  }
0x78: {  	_ =	shalt  }
0x79: {  	_ =	shalt  }
0x7a: {  	_ =	shalt  }
0x7b: {  	_ =	shalt  }
0x7c: {  	_ =	shalt  }
0x7d: {  	_ =	shalt  }
0x7e: {  	_ =	shalt  }
0x7f: {  	_ =	shalt  }
0x80: {  	_ =	shalt  }
0x81: {  	_ =	shalt  }
0x82: {  	_ =	shalt  }
0x83: {  	_ =	shalt  }
0x84: {  	_ =	shalt  }
0x85: {  	_ =	shalt  }
0x86: {  	_ =	shalt  }
0x87: {  	_ =	shalt  }
.Lfunc_end0:
.L_simem_size_0:
called_computation.2_lowered:
.L_overlay_start_0:
0x88: {  	s2 =	sld [smem:$0x3FD9]  }
0x89: {  	s3 =	sld [smem:$0x3FFE];
	_ =	sdelay $0x1  }
0x8a: {  	s1 =	srdreg.scid  }
0x8b: {  	s0 =	sand.u32 $0x1, s1  }
0x8c: {  	s17 =	sshll.u32 s0, $0xA;
	s2 =	sadd.s32 s3, s2  }
0x8d: {  	s2 =	sadd.s32 s2, s17  }
0x8e: {  	[smem:$0x3FB2] =	sst s2  }
0x8f: {  	_ = 	snop  }
0x90: {  	(tm) =	ssettm $0x1  }
0x91: {  	s18 =	sld [smem:$0x3FFB];
	_ =	sdelay $0x3  }
0x92: {  	_ =	strace s18  }
0x93: {  	s2 =	sld [smem:$0x3FFC];
	_ =	sdelay $0x3  }
0x94: {  	_ =	strace s2  }
0x95: {  	s2 =	sld [smem:$0x3FFD];
	_ =	sdelay $0x3  }
0x96: {  	_ =	strace s2  }
0x97: {  	_ =	strace $0x8FFFFFFF  }
0x98: {  	s19 =	sld [smem:$0x3FDB];
	_ =	sdelay $0x1  }
0x99: {  	s20 =	simm.s32 $_scs_section_size  }
0x9a: {  	s4 =	simm.s32 $_size__tile_overlayer_lowered;
	s5 =	simm.s32 $_tile_overlayer_lowered  }
0x9b: {  	s6 =	simm.s32 $0x1BFF;
	s21 =	sshll.u32 s5, $0x1;
	s3 =	sadd.s32 s20, s19  }
0x9c: {  	s22 =	simm.s32 $0x0;
	s4 =	sshll.u32 s4, $0x1;
	s5 =	sadd.s32 s21, s3  }
0x9d: {  	[timem:s22], [sflag:s6] =	dma.local [hbm:s5], s4  }
0x9e: {  	_ =	swait.ge [sflag:s6], s4  }
0x9f: {  	s4 =	ssub.s32 $0x0, s4;
	[sflag:s6] =	ssyncset.done $0x0  }
0xa0: {  	[sflag:s6] =	ssyncadd.s32 s4;
	_ =	sdelay $0x1  }
0xa1: {  	s23 =	simm.s32 $0x1B8B  }
0xa2: {  	_ =	swait.ge [sflag:s23], $0x1  }
0xa3: {  	[sflag:s23] =	ssyncset.done $0x0  }
0xa4: {  	[sflag:s23] =	ssyncadd.s32 $0xFFFFFFFF  }
0xa5: {  	s4 =	sld [smem:$0x0]  }
0xa6: {  	s5 =	sand.u32 $0xFFFFFFFE, s1  }
0xa7: {  	p0 =	sne.s32 s1, s5  }
0xa8: {  	s5 =	sshll.u32 @p0 s5, $0xE  }
0xa9: {  	s5 =	sadd.s32 @p0 $0x11B8D, s5;
	s6 =	sshll.u32 @p0 s4, $0x11  }
0xaa: {  	s5 =	sor.u32 @p0 s6, s5  }
0xab: {  	[sflag:s5] =	ssyncadd.remote.s32 @p0 $0x1;
	_ =	sdelay $0x1  }
0xac: {  	s5 =	simm.s32 @p0 $0x1B8D  }
0xad: {  	_ =	swait.eq @p0 [sflag:s5], $0x1  }
0xae: {  	[sflag:s5] =	ssyncadd.s32 @p0 $0xFFFFFFFF  }
0xaf: {  	s6 =	sshll.u32 @!p0 s1, $0xE  }
0xb0: {  	s6 =	sor.u32 @!p0 $0x4000, s6;
	s5 =	simm.s32 @!p0 $0x1B8D  }
0xb1: {  	s4 =	sshll.u32 @!p0 s4, $0x11;
	s6 =	sadd.s32 @!p0 $0x11B8D, s6;
	_ =	swait.eq @!p0 [sflag:s5], $0x1  }
0xb2: {  	s4 =	sor.u32 @!p0 s4, s6;
	[sflag:s5] =	ssyncadd.s32 @!p0 $0xFFFFFFFF  }
0xb3: {  	s25 =	simm.s32 $0x1B8E;
	s24 =	sld [smem:$0x3FFE];
	[sflag:s4] =	ssyncadd.remote.s32 @!p0 $0x1  }
0xb4: {  	s26 =	simm.s32 $execute0_lowered;
	[smem:$0x3FD2] =	sst s25  }
0xb5: {  	s5 =	sshll.u32 s26, $0x1;
	_ =	strace $0x8000004C;
	[dreg:$0x1] =	wrdreg $0xFFFFFFFF  }
0xb6: {  	s28 =	simm.s32 $_size_execute0_lowered;
	s3 =	sadd.s32 s3, s5;
	[dreg:$0x0] =	wrdreg $0x0  }
0xb7: {  	s5 =	sshll.u32 s28, $0x1;
	[dreg:$0x2] =	wrdreg s3  }
0xb8: {  	[dreg:$0x3] =	wrdreg s5  }
0xb9: {  	[dreg:$0x4] =	wrdreg $0xC0  }
0xba: {  	_ =	task [dreg:s22], $0x5FFFF  }
0xbb: {  	[dreg:$0x1] =	wrdreg $0xFFFFFFFF  }
0xbc: {  	[dreg:$0x0] =	wrdreg $0x60  }
0xbd: {  	[dreg:$0x2] =	wrdreg s24  }
0xbe: {  	[dreg:$0x3] =	wrdreg $0xA  }
0xbf: {  	_ =	task.clear_ibuf [dreg:s22], $0x4FFFF;
	_ =	strace $0x9000004C  }
0xc0: {  	s29 =	simm.s32 $0xA;
	_ =	strace $0x8000004E  }
0xc1: {  	_ =	swait.ge [sflag:s29], $0x1  }
0xc2: {  	[sflag:s29] =	ssyncadd.s32 $0xFFFFFFFF  }
0xc3: {  	_ =	strace $0x9000004E  }
0xc4: {  	_ =	sfence  }
0xc5: {  	s30 =	sld [smem:$0x0];
	_ =	sdelay $0x2  }
0xc6: {  	s31 =	sshll.u32 s1, $0xD;
	s1 =	sshrl.u32 s1, $0x2  }
0xc7: {  	s4 =	sand.u32 $0x4000, s31;
	s1 =	sadd.s32 s1, s30  }
0xc8: {  	s0 =	sor.u32 s4, s0;
	s1 =	sshll.u32 s1, $0x11  }
0xc9: {  	s0 =	sor.u32 s1, s0  }
0xca: {  	s0 =	sadd.s32 $0x8F2B, s0  }
0xcb: {  	[sflag:s0] =	ssyncadd.remote.s32 $0x1  }
0xcc: {  	_ =	sfence.sel $0xFFFF  }
0xcd: {  	[dreg:$0x0] =	wrdreg $0xFFFFFFFF;
	(pc) =	sbr.abs _section_cstart, $3  }
0xce: {  	[dreg:$0x1] =	wrdreg $0xFFFFFFFF  }
0xcf: {  	_ =	task.clear_ibuf [dreg:s22], $0x2FFFF;
	_ =	strace $0x9FFFFFFF  }
0xd0: {  	(tm) =	ssettm $0x7FFFFFFF  }
0xd1: {  	_ =	shalt  }
tec
execute0_lowered:
.L_overlay_start_1:
0x0: {  	(tag) =	ssettag $0x1  }
0x1: {  	s4 =	rddreg [dreg:$0x0]  }
0x2: {  	s0 =	rddreg [dreg:$0x1];
	s2 =	simm.s32 $0x0  }
0x3: {  	s3 =	srdreg.scid;
	s1 =	stileid.u32;
	s13 =	simm.s32 $0xA500  }
0x4: {  	s14 =	simm.s32 $0x3;
	s15 =	simm.s32 $0x4;
	s16 =	simm.s32 $0x5  }
0x5: {  	s17 =	simm.s32 $0x6;
	s18 =	simm.s32 $0x0;
	s6 =	smul.u32 $0x28000, s1  }
0x6: {  	[smem:$0x7FF] =	sst s2;
	s5 =	sand.u32 $0x1, s3;
	s8 =	smul.u32 $0x5000, s1  }
0x7: {  	s3 =	sadd.s32 $0xBE00, s4;
	s9 =	sadd.s32 $0xB3600, s4;
	s11 =	smul.u32 $0x2800, s5  }
0x8: {  	s12 =	sadd.s32 $0x1ACE00, s4;
	s7 =	ssub.s32 $0x2, s5;
	s5 =	smul.u32 $0x14000, s5  }
0x9: {  	_ =	strace $0x8000004D;
	s10 =	sshrl.u32 s7, $0x1;
	s6 =	sadd.s32 s6, s12  }
0xa: {  	s26 =	ssub.s32 s7, s10;
	s28 =	sadd.s32 s11, s8;
	s5 =	sadd.s32 s5, s6  }
0xb: {  	s10 =	simm.s32 $0x1;
	s11 =	simm.s32 $0x500;
	s7 =	sor.u32 $0x280, s28  }
0xc: {  	s4 =	smax.u32 s26, $0x1;
	s29 =	sshrl.u32 s28, $0x3;
	s30 =	sshll.u32 s7, $0x3  }
0xd: {  	s6 =	sadd.s32 s29, s9;
	s31 =	sshrl.u32 s7, $0x3;
	s7 =	sadd.s32 s30, s12  }
0xe: {  	s8 =	sadd.s32 s31, s9;
	s9 =	simm.s32 $0x280;
	s12 =	simm.s32 $0x2  }
.LBB2_1:
0xf: {  	s19 =	sadd.s32 $0x0, s6  }
0x10: {  	[tilespmem:s2], [sflag:$0x1] =	stream.linear.gather [hbm4b:s19+s2], $0x280, $0x38;
	[tilespmem:$0x14500] =	vst v63  }
0x11: {  	s31 =	sadd.s32 $0x0, s8  }
0x12: {  	[tilespmem:s9], [sflag:$0x2] =	stream.linear.gather [hbm4b:s31+s2], $0x280, $0x38;
	[tilespmem:$0x14500] =	vst v63  }
0x13: {  	_ =	swait.ge [sflag:s10], $0x280  }
0x14: {  	[sflag:s10] =	ssyncset.done $0x0  }
0x15: {  	[sflag:s10] =	ssyncadd.s32 $0xFFFFFD80  }
0x16: {  	[tilespmem:s11], [sflag:$0x3] =	stream.indirect.gather [hbm4b:s3+s9], $0x40, s2, s9, $0xb8;
	[tilespmem:$0x14500] =	vst v63  }
0x17: {  	_ =	swait.ge [sflag:s12], $0x280  }
0x18: {  	[sflag:s12] =	ssyncset.done $0x0  }
0x19: {  	[sflag:s12] =	ssyncadd.s32 $0xFFFFFD80  }
0x1a: {  	[tilespmem:s13], [sflag:$0x4] =	stream.indirect.gather [hbm4b:s3+s9], $0x40, s9, s9, $0xb8;
	[tilespmem:$0x14500] =	vst v63  }
0x1b: {  	_ =	swait.ge [sflag:s14], $0xA000  }
0x1c: {  	[sflag:s14] =	ssyncset.done $0x0  }
0x1d: {  	[sflag:s14] =	ssyncadd.s32 $0xFFFF6000  }
0x1e: {  	[hbm4b:s5+s2] =	stream.linear.scatter [tilespmem:s11], [sflag:$0x5], $0xA000, $0x38;
	[tilespmem:$0x14500] =	vst v63  }
0x1f: {  	_ =	swait.ge [sflag:s15], $0xA000  }
0x20: {  	[sflag:s15] =	ssyncset.done $0x0  }
0x21: {  	[sflag:s15] =	ssyncadd.s32 $0xFFFF6000  }
0x22: {  	[hbm4b:s7+s2] =	stream.linear.scatter [tilespmem:s13], [sflag:$0x6], $0xA000, $0x38;
	[tilespmem:$0x14500] =	vst v63  }
0x23: {  	_ =	swait.ge [sflag:s16], $0xA000  }
0x24: {  	[sflag:s16] =	ssyncset.done $0x0  }
0x25: {  	[sflag:s16] =	ssyncadd.s32 $0xFFFF6000  }
0x26: {  	s21 =	simm.s32 $0xA0;
	s22 =	simm.s32 $0x140;
	_ =	swait.ge [sflag:s17], $0xA000  }
0x27: {  	s20 =	sadd.s32 $0x2800, s5;
	s19 =	sadd.s32 $0x2800, s7;
	[sflag:s17] =	ssyncset.done $0x0  }
.LBB2_2:
0x28: {  	s23 =	sadd.s32 s21, s6  }
0x29: {  	[sflag:s17] =	ssyncadd.s32 $0xFFFF6000;
	s24 =	smov.u32 s22;
	s25 =	sadd.s32 $0xA0, s22  }
0x2a: {  	[tilespmem:s2], [sflag:$0x1] =	stream.linear.gather [hbm4b:s23+s2], $0x280, $0x38;
	[tilespmem:$0x14500] =	vst v63  }
0x2b: {  	p0 =	sne.s32 s22, $0x460;
	s22 =	sadd.s32 s21, s8;
	s21 =	smov.u32 s24  }
0x2c: {  	[tilespmem:s9], [sflag:$0x2] =	stream.linear.gather [hbm4b:s22+s2], $0x280, $0x38;
	[tilespmem:$0x14500] =	vst v63  }
0x2d: {  	_ =	swait.ge [sflag:s10], $0x280  }
0x2e: {  	[sflag:s10] =	ssyncset.done $0x0  }
0x2f: {  	[sflag:s10] =	ssyncadd.s32 $0xFFFFFD80  }
0x30: {  	[tilespmem:s11], [sflag:$0x3] =	stream.indirect.gather [hbm4b:s3+s9], $0x40, s2, s9, $0xb8;
	[tilespmem:$0x14500] =	vst v63  }
0x31: {  	_ =	swait.ge [sflag:s12], $0x280  }
0x32: {  	[sflag:s12] =	ssyncset.done $0x0  }
0x33: {  	[sflag:s12] =	ssyncadd.s32 $0xFFFFFD80  }
0x34: {  	[tilespmem:s13], [sflag:$0x4] =	stream.indirect.gather [hbm4b:s3+s9], $0x40, s9, s9, $0xb8;
	[tilespmem:$0x14500] =	vst v63  }
0x35: {  	_ =	swait.ge [sflag:s14], $0xA000  }
0x36: {  	[sflag:s14] =	ssyncset.done $0x0  }
0x37: {  	[sflag:s14] =	ssyncadd.s32 $0xFFFF6000  }
0x38: {  	[hbm4b:s20+s2] =	stream.linear.scatter [tilespmem:s11], [sflag:$0x5], $0xA000, $0x38;
	[tilespmem:$0x14500] =	vst v63  }
0x39: {  	_ =	swait.ge [sflag:s15], $0xA000  }
0x3a: {  	[sflag:s15] =	ssyncset.done $0x0  }
0x3b: {  	[sflag:s15] =	ssyncadd.s32 $0xFFFF6000  }
0x3c: {  	[hbm4b:s19+s2] =	stream.linear.scatter [tilespmem:s13], [sflag:$0x6], $0xA000, $0x38;
	[tilespmem:$0x14500] =	vst v63  }
.Ltmp0:
0x3d: {  	_ =	swait.ge [sflag:s16], $0xA000;
	(pc) =	sbr.rel @p0 .LBB2_2-.Ltmp0, $4  }
0x3e: {  	[sflag:s16] =	ssyncset.done $0x0  }
0x3f: {  	[sflag:s16] =	ssyncadd.s32 $0xFFFF6000  }
0x40: {  	s22 =	smov.u32 s25;
	_ =	swait.ge [sflag:s17], $0xA000  }
0x41: {  	s20 =	sadd.s32 $0x2800, s20;
	s19 =	sadd.s32 $0x2800, s19;
	[sflag:s17] =	ssyncset.done $0x0  }
0x42: {  	s22 =	sadd.s32 s21, s6;
	[sflag:s17] =	ssyncadd.s32 $0xFFFF6000  }
0x43: {  	[tilespmem:s2], [sflag:$0x1] =	stream.linear.gather [hbm4b:s22+s2], $0x280, $0x38;
	[tilespmem:$0x14500] =	vst v63  }
0x44: {  	s31 =	sadd.s32 s21, s8  }
0x45: {  	[tilespmem:s9], [sflag:$0x2] =	stream.linear.gather [hbm4b:s31+s2], $0x280, $0x38;
	[tilespmem:$0x14500] =	vst v63  }
0x46: {  	_ =	swait.ge [sflag:s10], $0x280  }
0x47: {  	[sflag:s10] =	ssyncset.done $0x0  }
0x48: {  	[sflag:s10] =	ssyncadd.s32 $0xFFFFFD80  }
0x49: {  	[tilespmem:s11], [sflag:$0x3] =	stream.indirect.gather [hbm4b:s3+s9], $0x40, s2, s9, $0xb8;
	[tilespmem:$0x14500] =	vst v63  }
0x4a: {  	_ =	swait.ge [sflag:s12], $0x280  }
0x4b: {  	[sflag:s12] =	ssyncset.done $0x0  }
0x4c: {  	[sflag:s12] =	ssyncadd.s32 $0xFFFFFD80  }
0x4d: {  	[tilespmem:s13], [sflag:$0x4] =	stream.indirect.gather [hbm4b:s3+s9], $0x40, s9, s9, $0xb8;
	[tilespmem:$0x14500] =	vst v63  }
0x4e: {  	_ =	swait.ge [sflag:s14], $0xA000  }
0x4f: {  	[sflag:s14] =	ssyncset.done $0x0  }
0x50: {  	[sflag:s14] =	ssyncadd.s32 $0xFFFF6000  }
0x51: {  	[hbm4b:s20+s2] =	stream.linear.scatter [tilespmem:s11], [sflag:$0x5], $0xA000, $0x38;
	[tilespmem:$0x14500] =	vst v63  }
0x52: {  	_ =	swait.ge [sflag:s15], $0xA000  }
0x53: {  	[sflag:s15] =	ssyncset.done $0x0  }
0x54: {  	s18 =	sadd.s32 $0x1, s18;
	[sflag:s15] =	ssyncadd.s32 $0xFFFF6000  }
0x55: {  	[hbm4b:s19+s2] =	stream.linear.scatter [tilespmem:s13], [sflag:$0x6], $0xA000, $0x38;
	[tilespmem:$0x14500] =	vst v63  }
0x56: {  	p0 =	sne.s32 s18, s4;
	_ =	swait.ge [sflag:s16], $0xA000  }
.Ltmp1:
0x57: {  	[sflag:s16] =	ssyncset.done $0x0;
	(pc) =	sbr.rel @p0 .LBB2_1-.Ltmp1, $4  }
0x58: {  	[sflag:s16] =	ssyncadd.s32 $0xFFFF6000  }
0x59: {  	_ =	swait.ge [sflag:s17], $0xA000  }
0x5a: {  	[sflag:s17] =	ssyncset.done $0x0  }
0x5b: {  	[sflag:s17] =	ssyncadd.s32 $0xFFFF6000  }
0x5c: {  	_ =	sfence.sel $0x180000  }
0x5d: {  	[bflag:$0x0] =	sbarrier.arrive $0xFFFF  }
0x5e: {  	p0 =	sne.s32 s1, $0x0;
	_ =	strace $0x9000004D  }
0x5f: {  	s0 =	sadd.s32 @!p0 $0x100000, s0;
	[bflag:$0x2] =	sbarrier.arrive $0xFFFF  }
0x60: {  	[sflag:s0] =	ssyncadd.tile.s32 @!p0 $0x1;
	_ =	shalt  }
.Lfunc_end2:
_tile_overlayer_lowered:
.L_overlay_start_2:
0x61: {  	(tag) =	ssettag $0x2  }
0x62: {  	s0 =	rddreg [dreg:$0x0];
	s2 =	stileid.u32  }
0x63: {  	s1 =	rddreg [dreg:$0x1];
	p0 =	sne.s32 s2, $0x0  }
0x64: {  	s3 =	rddreg [dreg:$0x2];
	[bflag:$0x3] =	sbarrier.arrive $0xFFFF;
	s2 =	simm.s32 @!p0 $0x1C07  }
0x65: {  	[timem:s3], [sflag:s2] =	dma.local @!p0 [hbm:s0], s1  }
0x66: {  	s0 =	simm.s32 @!p0 $0x7  }
0x67: {  	_ =	swait.ge @!p0 [sflag:s0], s1  }
0x68: {  	s1 =	ssub.s32 @!p0 $0x0, s1;
	[sflag:s0] =	ssyncset.done @!p0 $0x0  }
0x69: {  	[sflag:s0] =	ssyncadd.s32 @!p0 s1  }
0x6a: {  	[bflag:$0x3] =	sbarrier.arrive $0xFFFF  }
0x6b: {  	_ =	shalt  }

// kernel: kernel.26.cloned.1.call-start
scs
__scs_entry_jumppad:
0x0: {  	(pc) =	sbr.rel $0x88, $3  }
0x1: {  	(tag) =	ssettag $0x0;
	lr =	simm.s32 $0x1  }
0x2: {  	[smem:$0x3F8B] =	sst lr;
	_ =	strace $0xD0000000  }
0x3: {  	_ = 	snop  }
0x4: {  	_ = 	snop  }
0x5: {  	_ = 	snop  }
0x6: {  	_ = 	snop  }
0x7: {  	_ = 	snop  }
__scs_overlays_trampoline_lowered:
0x8: {  	[smem:$0x3F9A] =	sst s0  }
0x9: {  	[smem:$0x3F9B] =	sst s1  }
0xa: {  	[smem:$0x3F9C] =	sst s2  }
0xb: {  	[smem:$0x3F9D] =	sst s3  }
0xc: {  	[smem:$0x3F9E] =	sst s4  }
0xd: {  	[smem:$0x3F9F] =	sst s5  }
0xe: {  	[smem:$0x3FA0] =	sst s6  }
0xf: {  	[smem:$0x3FA1] =	sst s7  }
0x10: {  	[smem:$0x3FA2] =	sst s8  }
0x11: {  	[smem:$0x3FA3] =	sst s9;
	s0 =	simm.s32 @!p0 $0x0  }
0x12: {  	s1 =	sld [smem:$0x3F89];
	s0 =	simm.s32 @p0 $0x1  }
0x13: {  	[smem:$0x3FA4] =	sst s0;
	s0 =	simm.s32 @!p1 $0x0  }
0x14: {  	s2 =	sld [smem:$0x3F88];
	s0 =	simm.s32 @p1 $0x1  }
0x15: {  	[smem:$0x3FA5] =	sst s0;
	s0 =	simm.s32 @!p2 $0x0  }
0x16: {  	s3 =	sld [smem:$0x3FDB];
	s0 =	simm.s32 @p2 $0x1  }
0x17: {  	s4 =	simm.s32 $0x1BF5;
	[smem:$0x3FA7] =	sst s0  }
0x18: {  	s0 =	sld [smem:$0x3F8A];
	_ =	swait.ge [sflag:s4], $0x0  }
0x19: {  	s7 =	sld [smem:$0x3F8B]  }
0x1a: {  	s8 =	sadd.s32 $0xFFFFE003, lr  }
0x1b: {  	s9 =	sadd.s32 $0xFFFFFEF7, lr;
	s5 =	simm.s32 $0xFFFFFFFF;
	p2 =	slt.u32 s8, $0xFFFFF086  }
0x1c: {  	p1 =	slt.u32 s9, $0xF7A;
	s5 =	simm.s32 @!p2 $0x0  }
0x1d: {  	s5 =	simm.s32 @p1 $0x1;
	p0 =	seq.s32 s7, s2  }
0x1e: {  	s7 =	smul.u32 @!p0 $0xF7A, s2;
	p2 =	seq.s32 @!p0 s5, $0x0  }
0x1f: {  	s9 =	smul.u32 $0xF7A, s1;
	s8 =	simm.s32 @!p0 $0x1BF5;
	p2 =	por !p2, p0  }
0x20: {  	[sflag:s8] =	ssyncset.s32 @!p0 $0xFFFFF086;
	s6 =	sadd.s32 @!p0 s3, s7;
	s7 =	simm.s32 @!p0 $0x108  }
0x21: {  	s3 =	sadd.s32 s3, s9;
	s6 =	sadd.s32 @!p0 $0x88, s6;
	s7 =	simm.s32 @p2 $0x1082  }
0x22: {  	[simem:s7], [sflag:s8] =	dma.local @!p0 [hbm:s6], $0xF7A  }
0x23: {  	s9 =	sor.u32 $0xD0000000, s2;
	s6 =	simm.s32 $0x108;
	_ =	swait.ge @!p0 [sflag:s8], $0x0  }
0x24: {  	s3 =	sadd.s32 $0x88, s3;
	s6 =	simm.s32 @!p1 $0x1082;
	[sflag:s4] =	ssyncset.s32 $0xFFFFF086  }
0x25: {  	[simem:s6], [sflag:s4] =	dma.local [hbm:s3], $0xF7A  }
0x26: {  	[smem:$0x3F8B] =	sst s1;
	(tag) =	ssettag s2;
	_ =	strace s9  }
0x27: {  	s1 =	sld [smem:$0x3F9B]  }
0x28: {  	s2 =	sld [smem:$0x3F9C]  }
0x29: {  	s4 =	sld [smem:$0x3F9E]  }
0x2a: {  	p0 =	seq.s32 s5, $0x0;
	s5 =	sld [smem:$0x3F9F]  }
0x2b: {  	s6 =	sld [smem:$0x3FA0]  }
0x2c: {  	s7 =	sld [smem:$0x3FA1]  }
0x2d: {  	s3 =	simm.s32 $0x108;
	s8 =	sld [smem:$0x3FA2]  }
0x2e: {  	s3 =	simm.s32 @!p0 $0x1082;
	s9 =	sld [smem:$0x3FA3]  }
0x2f: {  	lr =	sadd.s32 s0, s3;
	s0 =	sld [smem:$0x3F9A]  }
0x30: {  	s3 =	sld [smem:$0x3F9D]  }
0x31: {  	[smem:$0x3FA6] =	sst s10  }
0x32: {  	s10 =	sld [smem:$0x3FA4];
	_ =	sdelay $0x3  }
0x33: {  	p0 =	seq.s32 s10, $0x1;
	s10 =	sld [smem:$0x3FA6];
	_ =	sdelay $0x3  }
0x34: {  	[smem:$0x3FA6] =	sst s10  }
0x35: {  	s10 =	sld [smem:$0x3FA5];
	_ =	sdelay $0x3  }
0x36: {  	p1 =	seq.s32 s10, $0x1;
	s10 =	sld [smem:$0x3FA6];
	_ =	sdelay $0x3  }
0x37: {  	[smem:$0x3FA6] =	sst s10  }
0x38: {  	s10 =	sld [smem:$0x3FA7]  }
0x39: {  	_ = 	snop;
	(pc) =	sbr.ind lr, $3  }
0x3a: {  	_ = 	snop  }
0x3b: {  	_ = 	snop  }
0x3c: {  	p2 =	seq.s32 s10, $0x1;
	s10 =	sld [smem:$0x3FA6]  }
0x3d: {  	_ =	shalt  }
0x3e: {  	_ =	shalt  }
0x3f: {  	_ =	shalt  }
0x40: {  	_ =	shalt  }
0x41: {  	_ =	shalt  }
0x42: {  	_ =	shalt  }
0x43: {  	_ =	shalt  }
0x44: {  	_ =	shalt  }
0x45: {  	_ =	shalt  }
0x46: {  	_ =	shalt  }
0x47: {  	_ =	shalt  }
0x48: {  	_ =	shalt  }
0x49: {  	_ =	shalt  }
0x4a: {  	_ =	shalt  }
0x4b: {  	_ =	shalt  }
0x4c: {  	_ =	shalt  }
0x4d: {  	_ =	shalt  }
0x4e: {  	_ =	shalt  }
0x4f: {  	_ =	shalt  }
0x50: {  	_ =	shalt  }
0x51: {  	_ =	shalt  }
0x52: {  	_ =	shalt  }
0x53: {  	_ =	shalt  }
0x54: {  	_ =	shalt  }
0x55: {  	_ =	shalt  }
0x56: {  	_ =	shalt  }
0x57: {  	_ =	shalt  }
0x58: {  	_ =	shalt  }
0x59: {  	_ =	shalt  }
0x5a: {  	_ =	shalt  }
0x5b: {  	_ =	shalt  }
0x5c: {  	_ =	shalt  }
0x5d: {  	_ =	shalt  }
0x5e: {  	_ =	shalt  }
0x5f: {  	_ =	shalt  }
0x60: {  	_ =	shalt  }
0x61: {  	_ =	shalt  }
0x62: {  	_ =	shalt  }
0x63: {  	_ =	shalt  }
0x64: {  	_ =	shalt  }
0x65: {  	_ =	shalt  }
0x66: {  	_ =	shalt  }
0x67: {  	_ =	shalt  }
0x68: {  	_ =	shalt  }
0x69: {  	_ =	shalt  }
0x6a: {  	_ =	shalt  }
0x6b: {  	_ =	shalt  }
0x6c: {  	_ =	shalt  }
0x6d: {  	_ =	shalt  }
0x6e: {  	_ =	shalt  }
0x6f: {  	_ =	shalt  }
0x70: {  	_ =	shalt  }
0x71: {  	_ =	shalt  }
0x72: {  	_ =	shalt  }
0x73: {  	_ =	shalt  }
0x74: {  	_ =	shalt  }
0x75: {  	_ =	shalt  }
0x76: {  	_ =	shalt  }
0x77: {  	_ =	shalt  }
0x78: {  	_ =	shalt  }
0x79: {  	_ =	shalt  }
0x7a: {  	_ =	shalt  }
0x7b: {  	_ =	shalt  }
0x7c: {  	_ =	shalt  }
0x7d: {  	_ =	shalt  }
0x7e: {  	_ =	shalt  }
0x7f: {  	_ =	shalt  }
0x80: {  	_ =	shalt  }
0x81: {  	_ =	shalt  }
0x82: {  	_ =	shalt  }
0x83: {  	_ =	shalt  }
0x84: {  	_ =	shalt  }
0x85: {  	_ =	shalt  }
0x86: {  	_ =	shalt  }
0x87: {  	_ =	shalt  }
.Lfunc_end0:
.L_simem_size_0:
called_computation.3_lowered:
.L_overlay_start_0:
0x88: {  	s2 =	sld [smem:$0x3FD9]  }
0x89: {  	s3 =	sld [smem:$0x3FFE];
	_ =	sdelay $0x1  }
0x8a: {  	s1 =	srdreg.scid  }
0x8b: {  	s0 =	sand.u32 $0x1, s1  }
0x8c: {  	s16 =	sshll.u32 s0, $0xA;
	s2 =	sadd.s32 s3, s2  }
0x8d: {  	s2 =	sadd.s32 s2, s16  }
0x8e: {  	[smem:$0x3FB2] =	sst s2  }
0x8f: {  	_ = 	snop  }
0x90: {  	(tm) =	ssettm $0x1  }
0x91: {  	s17 =	sld [smem:$0x3FFB];
	_ =	sdelay $0x3  }
0x92: {  	_ =	strace s17  }
0x93: {  	s2 =	sld [smem:$0x3FFC];
	_ =	sdelay $0x3  }
0x94: {  	_ =	strace s2  }
0x95: {  	s2 =	sld [smem:$0x3FFD];
	_ =	sdelay $0x3  }
0x96: {  	_ =	strace s2  }
0x97: {  	_ =	strace $0x8FFFFFFF  }
0x98: {  	s18 =	sld [smem:$0x3FDB];
	_ =	sdelay $0x1  }
0x99: {  	s19 =	simm.s32 $_scs_section_size  }
0x9a: {  	s4 =	simm.s32 $_size__tile_overlayer_lowered;
	s5 =	simm.s32 $_tile_overlayer_lowered  }
0x9b: {  	s22 =	simm.s32 $0x1BFF;
	s21 =	sshll.u32 s5, $0x1;
	s2 =	sadd.s32 s19, s18  }
0x9c: {  	s6 =	simm.s32 $0x0;
	s20 =	sshll.u32 s4, $0x1;
	s4 =	sadd.s32 s21, s2  }
0x9d: {  	[timem:s6], [sflag:s22] =	dma.local [hbm:s4], s20  }
0x9e: {  	_ =	swait.ge [sflag:s22], s20  }
0x9f: {  	s3 =	ssub.s32 $0x0, s20;
	[sflag:s22] =	ssyncset.done $0x0  }
0xa0: {  	[sflag:s22] =	ssyncadd.s32 s3;
	_ =	sdelay $0x1  }
0xa1: {  	s23 =	simm.s32 $0x1B8B  }
0xa2: {  	_ =	swait.ge [sflag:s23], $0x1  }
0xa3: {  	[sflag:s23] =	ssyncset.done $0x0  }
0xa4: {  	s25 =	simm.s32 $0x1B8E;
	s24 =	sld [smem:$0x3FFE];
	[sflag:s23] =	ssyncadd.s32 $0xFFFFFFFF  }
0xa5: {  	s26 =	simm.s32 $execute0_lowered;
	[smem:$0x3FD2] =	sst s25  }
0xa6: {  	s4 =	sshll.u32 s26, $0x1;
	_ =	strace $0x8000004F;
	[dreg:$0x1] =	wrdreg $0xFFFFFFFF  }
0xa7: {  	s28 =	simm.s32 $_size_execute0_lowered;
	s2 =	sadd.s32 s2, s4;
	[dreg:$0x0] =	wrdreg $0x0  }
0xa8: {  	s4 =	sshll.u32 s28, $0x1;
	[dreg:$0x2] =	wrdreg s2  }
0xa9: {  	[dreg:$0x3] =	wrdreg s4  }
0xaa: {  	[dreg:$0x4] =	wrdreg $0xC0  }
0xab: {  	_ =	task [dreg:s6], $0x5FFFF  }
0xac: {  	[dreg:$0x1] =	wrdreg $0xFFFFFFFF  }
0xad: {  	[dreg:$0x0] =	wrdreg $0x60  }
0xae: {  	[dreg:$0x2] =	wrdreg s24  }
0xaf: {  	[dreg:$0x3] =	wrdreg $0x9  }
0xb0: {  	_ =	task.clear_ibuf [dreg:s6], $0x4FFFF;
	_ =	strace $0x9000004F  }
0xb1: {  	s29 =	simm.s32 $0x9;
	_ =	strace $0x80000051  }
0xb2: {  	_ =	swait.ge [sflag:s29], $0x1  }
0xb3: {  	[sflag:s29] =	ssyncadd.s32 $0xFFFFFFFF  }
0xb4: {  	_ =	strace $0x90000051  }
0xb5: {  	_ =	sfence  }
0xb6: {  	s30 =	sld [smem:$0x0];
	_ =	sdelay $0x2  }
0xb7: {  	s31 =	sshll.u32 s1, $0xD;
	s1 =	sshrl.u32 s1, $0x2  }
0xb8: {  	s3 =	sand.u32 $0x4000, s31;
	s1 =	sadd.s32 s1, s30  }
0xb9: {  	s0 =	sor.u32 s3, s0;
	s1 =	sshll.u32 s1, $0x11  }
0xba: {  	s0 =	sor.u32 s1, s0  }
0xbb: {  	s0 =	sadd.s32 $0x8F2B, s0  }
0xbc: {  	[sflag:s0] =	ssyncadd.remote.s32 $0x1  }
0xbd: {  	_ =	sfence.sel $0xFFFF  }
0xbe: {  	[dreg:$0x0] =	wrdreg $0xFFFFFFFF;
	(pc) =	sbr.abs _section_cstart, $3  }
0xbf: {  	[dreg:$0x1] =	wrdreg $0xFFFFFFFF  }
0xc0: {  	_ =	task.clear_ibuf [dreg:s6], $0x2FFFF;
	_ =	strace $0x9FFFFFFF  }
0xc1: {  	(tm) =	ssettm $0x7FFFFFFF  }
tec
execute0_lowered:
.L_overlay_start_1:
0x0: {  	(tag) =	ssettag $0x1  }
0x1: {  	s4 =	rddreg [dreg:$0x0]  }
0x2: {  	s0 =	rddreg [dreg:$0x1];
	s2 =	simm.s32 $0x0  }
0x3: {  	s3 =	srdreg.scid;
	s1 =	stileid.u32;
	s13 =	simm.s32 $0xA500  }
0x4: {  	s14 =	simm.s32 $0x3;
	s15 =	simm.s32 $0x4;
	s16 =	simm.s32 $0x5  }
0x5: {  	s17 =	simm.s32 $0x6;
	s18 =	simm.s32 $0x0;
	s6 =	smul.u32 $0x28000, s1  }
0x6: {  	[smem:$0x7FF] =	sst s2;
	s5 =	sand.u32 $0x1, s3;
	s8 =	smul.u32 $0x5000, s1  }
0x7: {  	s3 =	sadd.s32 $0x10B800, s4;
	s9 =	sadd.s32 $0xB3600, s4;
	s11 =	smul.u32 $0x2800, s5  }
0x8: {  	s12 =	sadd.s32 $0x15DE00, s4;
	s7 =	ssub.s32 $0x2, s5;
	s5 =	smul.u32 $0x14000, s5  }
0x9: {  	_ =	strace $0x80000050;
	s10 =	sshrl.u32 s7, $0x1;
	s6 =	sadd.s32 s6, s12  }
0xa: {  	s26 =	ssub.s32 s7, s10;
	s28 =	sadd.s32 s11, s8;
	s5 =	sadd.s32 s5, s6  }
0xb: {  	s10 =	simm.s32 $0x1;
	s11 =	simm.s32 $0x500;
	s7 =	sor.u32 $0x280, s28  }
0xc: {  	s4 =	smax.u32 s26, $0x1;
	s29 =	sshrl.u32 s28, $0x3;
	s30 =	sshll.u32 s7, $0x3  }
0xd: {  	s6 =	sadd.s32 s29, s9;
	s31 =	sshrl.u32 s7, $0x3;
	s7 =	sadd.s32 s30, s12  }
0xe: {  	s8 =	sadd.s32 s31, s9;
	s9 =	simm.s32 $0x280;
	s12 =	simm.s32 $0x2  }
.LBB2_1:
0xf: {  	s19 =	sadd.s32 $0x0, s6  }
0x10: {  	[tilespmem:s2], [sflag:$0x1] =	stream.linear.gather [hbm4b:s19+s2], $0x280, $0x38;
	[tilespmem:$0x14500] =	vst v63  }
0x11: {  	s31 =	sadd.s32 $0x0, s8  }
0x12: {  	[tilespmem:s9], [sflag:$0x2] =	stream.linear.gather [hbm4b:s31+s2], $0x280, $0x38;
	[tilespmem:$0x14500] =	vst v63  }
0x13: {  	_ =	swait.ge [sflag:s10], $0x280  }
0x14: {  	[sflag:s10] =	ssyncset.done $0x0  }
0x15: {  	[sflag:s10] =	ssyncadd.s32 $0xFFFFFD80  }
0x16: {  	[tilespmem:s11], [sflag:$0x3] =	stream.indirect.gather [hbm4b:s3+s9], $0x40, s2, s9, $0xb8;
	[tilespmem:$0x14500] =	vst v63  }
0x17: {  	_ =	swait.ge [sflag:s12], $0x280  }
0x18: {  	[sflag:s12] =	ssyncset.done $0x0  }
0x19: {  	[sflag:s12] =	ssyncadd.s32 $0xFFFFFD80  }
0x1a: {  	[tilespmem:s13], [sflag:$0x4] =	stream.indirect.gather [hbm4b:s3+s9], $0x40, s9, s9, $0xb8;
	[tilespmem:$0x14500] =	vst v63  }
0x1b: {  	_ =	swait.ge [sflag:s14], $0xA000  }
0x1c: {  	[sflag:s14] =	ssyncset.done $0x0  }
0x1d: {  	[sflag:s14] =	ssyncadd.s32 $0xFFFF6000  }
0x1e: {  	[hbm4b:s5+s2] =	stream.linear.scatter [tilespmem:s11], [sflag:$0x5], $0xA000, $0x38;
	[tilespmem:$0x14500] =	vst v63  }
0x1f: {  	_ =	swait.ge [sflag:s15], $0xA000  }
0x20: {  	[sflag:s15] =	ssyncset.done $0x0  }
0x21: {  	[sflag:s15] =	ssyncadd.s32 $0xFFFF6000  }
0x22: {  	[hbm4b:s7+s2] =	stream.linear.scatter [tilespmem:s13], [sflag:$0x6], $0xA000, $0x38;
	[tilespmem:$0x14500] =	vst v63  }
0x23: {  	_ =	swait.ge [sflag:s16], $0xA000  }
0x24: {  	[sflag:s16] =	ssyncset.done $0x0  }
0x25: {  	[sflag:s16] =	ssyncadd.s32 $0xFFFF6000  }
0x26: {  	s21 =	simm.s32 $0xA0;
	s22 =	simm.s32 $0x140;
	_ =	swait.ge [sflag:s17], $0xA000  }
0x27: {  	s20 =	sadd.s32 $0x2800, s5;
	s19 =	sadd.s32 $0x2800, s7;
	[sflag:s17] =	ssyncset.done $0x0  }
.LBB2_2:
0x28: {  	s23 =	sadd.s32 s21, s6  }
0x29: {  	[sflag:s17] =	ssyncadd.s32 $0xFFFF6000;
	s24 =	smov.u32 s22;
	s25 =	sadd.s32 $0xA0, s22  }
0x2a: {  	[tilespmem:s2], [sflag:$0x1] =	stream.linear.gather [hbm4b:s23+s2], $0x280, $0x38;
	[tilespmem:$0x14500] =	vst v63  }
0x2b: {  	p0 =	sne.s32 s22, $0x460;
	s22 =	sadd.s32 s21, s8;
	s21 =	smov.u32 s24  }
0x2c: {  	[tilespmem:s9], [sflag:$0x2] =	stream.linear.gather [hbm4b:s22+s2], $0x280, $0x38;
	[tilespmem:$0x14500] =	vst v63  }
0x2d: {  	_ =	swait.ge [sflag:s10], $0x280  }
0x2e: {  	[sflag:s10] =	ssyncset.done $0x0  }
0x2f: {  	[sflag:s10] =	ssyncadd.s32 $0xFFFFFD80  }
0x30: {  	[tilespmem:s11], [sflag:$0x3] =	stream.indirect.gather [hbm4b:s3+s9], $0x40, s2, s9, $0xb8;
	[tilespmem:$0x14500] =	vst v63  }
0x31: {  	_ =	swait.ge [sflag:s12], $0x280  }
0x32: {  	[sflag:s12] =	ssyncset.done $0x0  }
0x33: {  	[sflag:s12] =	ssyncadd.s32 $0xFFFFFD80  }
0x34: {  	[tilespmem:s13], [sflag:$0x4] =	stream.indirect.gather [hbm4b:s3+s9], $0x40, s9, s9, $0xb8;
	[tilespmem:$0x14500] =	vst v63  }
0x35: {  	_ =	swait.ge [sflag:s14], $0xA000  }
0x36: {  	[sflag:s14] =	ssyncset.done $0x0  }
0x37: {  	[sflag:s14] =	ssyncadd.s32 $0xFFFF6000  }
0x38: {  	[hbm4b:s20+s2] =	stream.linear.scatter [tilespmem:s11], [sflag:$0x5], $0xA000, $0x38;
	[tilespmem:$0x14500] =	vst v63  }
0x39: {  	_ =	swait.ge [sflag:s15], $0xA000  }
0x3a: {  	[sflag:s15] =	ssyncset.done $0x0  }
0x3b: {  	[sflag:s15] =	ssyncadd.s32 $0xFFFF6000  }
0x3c: {  	[hbm4b:s19+s2] =	stream.linear.scatter [tilespmem:s13], [sflag:$0x6], $0xA000, $0x38;
	[tilespmem:$0x14500] =	vst v63  }
.Ltmp0:
0x3d: {  	_ =	swait.ge [sflag:s16], $0xA000;
	(pc) =	sbr.rel @p0 .LBB2_2-.Ltmp0, $4  }
0x3e: {  	[sflag:s16] =	ssyncset.done $0x0  }
0x3f: {  	[sflag:s16] =	ssyncadd.s32 $0xFFFF6000  }
0x40: {  	s22 =	smov.u32 s25;
	_ =	swait.ge [sflag:s17], $0xA000  }
0x41: {  	s20 =	sadd.s32 $0x2800, s20;
	s19 =	sadd.s32 $0x2800, s19;
	[sflag:s17] =	ssyncset.done $0x0  }
0x42: {  	s22 =	sadd.s32 s21, s6;
	[sflag:s17] =	ssyncadd.s32 $0xFFFF6000  }
0x43: {  	[tilespmem:s2], [sflag:$0x1] =	stream.linear.gather [hbm4b:s22+s2], $0x280, $0x38;
	[tilespmem:$0x14500] =	vst v63  }
0x44: {  	s31 =	sadd.s32 s21, s8  }
0x45: {  	[tilespmem:s9], [sflag:$0x2] =	stream.linear.gather [hbm4b:s31+s2], $0x280, $0x38;
	[tilespmem:$0x14500] =	vst v63  }
0x46: {  	_ =	swait.ge [sflag:s10], $0x280  }
0x47: {  	[sflag:s10] =	ssyncset.done $0x0  }
0x48: {  	[sflag:s10] =	ssyncadd.s32 $0xFFFFFD80  }
0x49: {  	[tilespmem:s11], [sflag:$0x3] =	stream.indirect.gather [hbm4b:s3+s9], $0x40, s2, s9, $0xb8;
	[tilespmem:$0x14500] =	vst v63  }
0x4a: {  	_ =	swait.ge [sflag:s12], $0x280  }
0x4b: {  	[sflag:s12] =	ssyncset.done $0x0  }
0x4c: {  	[sflag:s12] =	ssyncadd.s32 $0xFFFFFD80  }
0x4d: {  	[tilespmem:s13], [sflag:$0x4] =	stream.indirect.gather [hbm4b:s3+s9], $0x40, s9, s9, $0xb8;
	[tilespmem:$0x14500] =	vst v63  }
0x4e: {  	_ =	swait.ge [sflag:s14], $0xA000  }
0x4f: {  	[sflag:s14] =	ssyncset.done $0x0  }
0x50: {  	[sflag:s14] =	ssyncadd.s32 $0xFFFF6000  }
0x51: {  	[hbm4b:s20+s2] =	stream.linear.scatter [tilespmem:s11], [sflag:$0x5], $0xA000, $0x38;
	[tilespmem:$0x14500] =	vst v63  }
0x52: {  	_ =	swait.ge [sflag:s15], $0xA000  }
0x53: {  	[sflag:s15] =	ssyncset.done $0x0  }
0x54: {  	s18 =	sadd.s32 $0x1, s18;
	[sflag:s15] =	ssyncadd.s32 $0xFFFF6000  }
0x55: {  	[hbm4b:s19+s2] =	stream.linear.scatter [tilespmem:s13], [sflag:$0x6], $0xA000, $0x38;
	[tilespmem:$0x14500] =	vst v63  }
0x56: {  	p0 =	sne.s32 s18, s4;
	_ =	swait.ge [sflag:s16], $0xA000  }
.Ltmp1:
0x57: {  	[sflag:s16] =	ssyncset.done $0x0;
	(pc) =	sbr.rel @p0 .LBB2_1-.Ltmp1, $4  }
0x58: {  	[sflag:s16] =	ssyncadd.s32 $0xFFFF6000  }
0x59: {  	_ =	swait.ge [sflag:s17], $0xA000  }
0x5a: {  	[sflag:s17] =	ssyncset.done $0x0  }
0x5b: {  	[sflag:s17] =	ssyncadd.s32 $0xFFFF6000  }
0x5c: {  	_ =	sfence.sel $0x180000  }
0x5d: {  	[bflag:$0x0] =	sbarrier.arrive $0xFFFF  }
0x5e: {  	p0 =	sne.s32 s1, $0x0;
	_ =	strace $0x90000050  }
0x5f: {  	s0 =	sadd.s32 @!p0 $0x100000, s0;
	[bflag:$0x2] =	sbarrier.arrive $0xFFFF  }
0x60: {  	[sflag:s0] =	ssyncadd.tile.s32 @!p0 $0x1;
	_ =	shalt  }
.Lfunc_end2:
_tile_overlayer_lowered:
.L_overlay_start_2:
0x61: {  	(tag) =	ssettag $0x2  }
0x62: {  	s0 =	rddreg [dreg:$0x0];
	s2 =	stileid.u32  }
0x63: {  	s1 =	rddreg [dreg:$0x1];
	p0 =	sne.s32 s2, $0x0  }
0x64: {  	s3 =	rddreg [dreg:$0x2];
	[bflag:$0x3] =	sbarrier.arrive $0xFFFF;
	s2 =	simm.s32 @!p0 $0x1C07  }
0x65: {  	[timem:s3], [sflag:s2] =	dma.local @!p0 [hbm:s0], s1  }
0x66: {  	s0 =	simm.s32 @!p0 $0x7  }
0x67: {  	_ =	swait.ge @!p0 [sflag:s0], s1  }
0x68: {  	s1 =	ssub.s32 @!p0 $0x0, s1;
	[sflag:s0] =	ssyncset.done @!p0 $0x0  }
0x69: {  	[sflag:s0] =	ssyncadd.s32 @!p0 s1  }
0x6a: {  	[bflag:$0x3] =	sbarrier.arrive $0xFFFF  }
0x6b: {  	_ =	shalt  }

// kernel: kernel.29.cloned.1.call-start
scs
__scs_entry_jumppad:
0x0: {  	(pc) =	sbr.rel $0x88, $3  }
0x1: {  	(tag) =	ssettag $0x0;
	lr =	simm.s32 $0x1  }
0x2: {  	[smem:$0x3F8B] =	sst lr;
	_ =	strace $0xD0000000  }
0x3: {  	_ = 	snop  }
0x4: {  	_ = 	snop  }
0x5: {  	_ = 	snop  }
0x6: {  	_ = 	snop  }
0x7: {  	_ = 	snop  }
__scs_overlays_trampoline_lowered:
0x8: {  	[smem:$0x3F9A] =	sst s0  }
0x9: {  	[smem:$0x3F9B] =	sst s1  }
0xa: {  	[smem:$0x3F9C] =	sst s2  }
0xb: {  	[smem:$0x3F9D] =	sst s3  }
0xc: {  	[smem:$0x3F9E] =	sst s4  }
0xd: {  	[smem:$0x3F9F] =	sst s5  }
0xe: {  	[smem:$0x3FA0] =	sst s6  }
0xf: {  	[smem:$0x3FA1] =	sst s7  }
0x10: {  	[smem:$0x3FA2] =	sst s8  }
0x11: {  	[smem:$0x3FA3] =	sst s9;
	s0 =	simm.s32 @!p0 $0x0  }
0x12: {  	s1 =	sld [smem:$0x3F89];
	s0 =	simm.s32 @p0 $0x1  }
0x13: {  	[smem:$0x3FA4] =	sst s0;
	s0 =	simm.s32 @!p1 $0x0  }
0x14: {  	s2 =	sld [smem:$0x3F88];
	s0 =	simm.s32 @p1 $0x1  }
0x15: {  	[smem:$0x3FA5] =	sst s0;
	s0 =	simm.s32 @!p2 $0x0  }
0x16: {  	s3 =	sld [smem:$0x3FDB];
	s0 =	simm.s32 @p2 $0x1  }
0x17: {  	s4 =	simm.s32 $0x1BF5;
	[smem:$0x3FA7] =	sst s0  }
0x18: {  	s0 =	sld [smem:$0x3F8A];
	_ =	swait.ge [sflag:s4], $0x0  }
0x19: {  	s7 =	sld [smem:$0x3F8B]  }
0x1a: {  	s8 =	sadd.s32 $0xFFFFE003, lr  }
0x1b: {  	s9 =	sadd.s32 $0xFFFFFEF7, lr;
	s5 =	simm.s32 $0xFFFFFFFF;
	p2 =	slt.u32 s8, $0xFFFFF086  }
0x1c: {  	p1 =	slt.u32 s9, $0xF7A;
	s5 =	simm.s32 @!p2 $0x0  }
0x1d: {  	s5 =	simm.s32 @p1 $0x1;
	p0 =	seq.s32 s7, s2  }
0x1e: {  	s7 =	smul.u32 @!p0 $0xF7A, s2;
	p2 =	seq.s32 @!p0 s5, $0x0  }
0x1f: {  	s9 =	smul.u32 $0xF7A, s1;
	s8 =	simm.s32 @!p0 $0x1BF5;
	p2 =	por !p2, p0  }
0x20: {  	[sflag:s8] =	ssyncset.s32 @!p0 $0xFFFFF086;
	s6 =	sadd.s32 @!p0 s3, s7;
	s7 =	simm.s32 @!p0 $0x108  }
0x21: {  	s3 =	sadd.s32 s3, s9;
	s6 =	sadd.s32 @!p0 $0x88, s6;
	s7 =	simm.s32 @p2 $0x1082  }
0x22: {  	[simem:s7], [sflag:s8] =	dma.local @!p0 [hbm:s6], $0xF7A  }
0x23: {  	s9 =	sor.u32 $0xD0000000, s2;
	s6 =	simm.s32 $0x108;
	_ =	swait.ge @!p0 [sflag:s8], $0x0  }
0x24: {  	s3 =	sadd.s32 $0x88, s3;
	s6 =	simm.s32 @!p1 $0x1082;
	[sflag:s4] =	ssyncset.s32 $0xFFFFF086  }
0x25: {  	[simem:s6], [sflag:s4] =	dma.local [hbm:s3], $0xF7A  }
0x26: {  	[smem:$0x3F8B] =	sst s1;
	(tag) =	ssettag s2;
	_ =	strace s9  }
0x27: {  	s1 =	sld [smem:$0x3F9B]  }
0x28: {  	s2 =	sld [smem:$0x3F9C]  }
0x29: {  	s4 =	sld [smem:$0x3F9E]  }
0x2a: {  	p0 =	seq.s32 s5, $0x0;
	s5 =	sld [smem:$0x3F9F]  }
0x2b: {  	s6 =	sld [smem:$0x3FA0]  }
0x2c: {  	s7 =	sld [smem:$0x3FA1]  }
0x2d: {  	s3 =	simm.s32 $0x108;
	s8 =	sld [smem:$0x3FA2]  }
0x2e: {  	s3 =	simm.s32 @!p0 $0x1082;
	s9 =	sld [smem:$0x3FA3]  }
0x2f: {  	lr =	sadd.s32 s0, s3;
	s0 =	sld [smem:$0x3F9A]  }
0x30: {  	s3 =	sld [smem:$0x3F9D]  }
0x31: {  	[smem:$0x3FA6] =	sst s10  }
0x32: {  	s10 =	sld [smem:$0x3FA4];
	_ =	sdelay $0x3  }
0x33: {  	p0 =	seq.s32 s10, $0x1;
	s10 =	sld [smem:$0x3FA6];
	_ =	sdelay $0x3  }
0x34: {  	[smem:$0x3FA6] =	sst s10  }
0x35: {  	s10 =	sld [smem:$0x3FA5];
	_ =	sdelay $0x3  }
0x36: {  	p1 =	seq.s32 s10, $0x1;
	s10 =	sld [smem:$0x3FA6];
	_ =	sdelay $0x3  }
0x37: {  	[smem:$0x3FA6] =	sst s10  }
0x38: {  	s10 =	sld [smem:$0x3FA7]  }
0x39: {  	_ = 	snop;
	(pc) =	sbr.ind lr, $3  }
0x3a: {  	_ = 	snop  }
0x3b: {  	_ = 	snop  }
0x3c: {  	p2 =	seq.s32 s10, $0x1;
	s10 =	sld [smem:$0x3FA6]  }
0x3d: {  	_ =	shalt  }
0x3e: {  	_ =	shalt  }
0x3f: {  	_ =	shalt  }
0x40: {  	_ =	shalt  }
0x41: {  	_ =	shalt  }
0x42: {  	_ =	shalt  }
0x43: {  	_ =	shalt  }
0x44: {  	_ =	shalt  }
0x45: {  	_ =	shalt  }
0x46: {  	_ =	shalt  }
0x47: {  	_ =	shalt  }
0x48: {  	_ =	shalt  }
0x49: {  	_ =	shalt  }
0x4a: {  	_ =	shalt  }
0x4b: {  	_ =	shalt  }
0x4c: {  	_ =	shalt  }
0x4d: {  	_ =	shalt  }
0x4e: {  	_ =	shalt  }
0x4f: {  	_ =	shalt  }
0x50: {  	_ =	shalt  }
0x51: {  	_ =	shalt  }
0x52: {  	_ =	shalt  }
0x53: {  	_ =	shalt  }
0x54: {  	_ =	shalt  }
0x55: {  	_ =	shalt  }
0x56: {  	_ =	shalt  }
0x57: {  	_ =	shalt  }
0x58: {  	_ =	shalt  }
0x59: {  	_ =	shalt  }
0x5a: {  	_ =	shalt  }
0x5b: {  	_ =	shalt  }
0x5c: {  	_ =	shalt  }
0x5d: {  	_ =	shalt  }
0x5e: {  	_ =	shalt  }
0x5f: {  	_ =	shalt  }
0x60: {  	_ =	shalt  }
0x61: {  	_ =	shalt  }
0x62: {  	_ =	shalt  }
0x63: {  	_ =	shalt  }
0x64: {  	_ =	shalt  }
0x65: {  	_ =	shalt  }
0x66: {  	_ =	shalt  }
0x67: {  	_ =	shalt  }
0x68: {  	_ =	shalt  }
0x69: {  	_ =	shalt  }
0x6a: {  	_ =	shalt  }
0x6b: {  	_ =	shalt  }
0x6c: {  	_ =	shalt  }
0x6d: {  	_ =	shalt  }
0x6e: {  	_ =	shalt  }
0x6f: {  	_ =	shalt  }
0x70: {  	_ =	shalt  }
0x71: {  	_ =	shalt  }
0x72: {  	_ =	shalt  }
0x73: {  	_ =	shalt  }
0x74: {  	_ =	shalt  }
0x75: {  	_ =	shalt  }
0x76: {  	_ =	shalt  }
0x77: {  	_ =	shalt  }
0x78: {  	_ =	shalt  }
0x79: {  	_ =	shalt  }
0x7a: {  	_ =	shalt  }
0x7b: {  	_ =	shalt  }
0x7c: {  	_ =	shalt  }
0x7d: {  	_ =	shalt  }
0x7e: {  	_ =	shalt  }
0x7f: {  	_ =	shalt  }
0x80: {  	_ =	shalt  }
0x81: {  	_ =	shalt  }
0x82: {  	_ =	shalt  }
0x83: {  	_ =	shalt  }
0x84: {  	_ =	shalt  }
0x85: {  	_ =	shalt  }
0x86: {  	_ =	shalt  }
0x87: {  	_ =	shalt  }
.Lfunc_end0:
.L_simem_size_0:
called_computation.4_lowered:
.L_overlay_start_0:
0x88: {  	s2 =	sld [smem:$0x3FD9]  }
0x89: {  	s3 =	sld [smem:$0x3FFE];
	_ =	sdelay $0x1  }
0x8a: {  	s1 =	srdreg.scid  }
0x8b: {  	s0 =	sand.u32 $0x1, s1  }
0x8c: {  	s16 =	sshll.u32 s0, $0xA;
	s2 =	sadd.s32 s3, s2  }
0x8d: {  	s2 =	sadd.s32 s2, s16  }
0x8e: {  	[smem:$0x3FB2] =	sst s2  }
0x8f: {  	_ = 	snop  }
0x90: {  	(tm) =	ssettm $0x1  }
0x91: {  	s17 =	sld [smem:$0x3FFB];
	_ =	sdelay $0x3  }
0x92: {  	_ =	strace s17  }
0x93: {  	s2 =	sld [smem:$0x3FFC];
	_ =	sdelay $0x3  }
0x94: {  	_ =	strace s2  }
0x95: {  	s2 =	sld [smem:$0x3FFD];
	_ =	sdelay $0x3  }
0x96: {  	_ =	strace s2  }
0x97: {  	_ =	strace $0x8FFFFFFF  }
0x98: {  	s18 =	sld [smem:$0x3FDB];
	_ =	sdelay $0x1  }
0x99: {  	s19 =	simm.s32 $_scs_section_size  }
0x9a: {  	s4 =	simm.s32 $_size__tile_overlayer_lowered;
	s5 =	simm.s32 $_tile_overlayer_lowered  }
0x9b: {  	s22 =	simm.s32 $0x1BFF;
	s21 =	sshll.u32 s5, $0x1;
	s2 =	sadd.s32 s19, s18  }
0x9c: {  	s6 =	simm.s32 $0x0;
	s20 =	sshll.u32 s4, $0x1;
	s4 =	sadd.s32 s21, s2  }
0x9d: {  	[timem:s6], [sflag:s22] =	dma.local [hbm:s4], s20  }
0x9e: {  	_ =	swait.ge [sflag:s22], s20  }
0x9f: {  	s3 =	ssub.s32 $0x0, s20;
	[sflag:s22] =	ssyncset.done $0x0  }
0xa0: {  	[sflag:s22] =	ssyncadd.s32 s3;
	_ =	sdelay $0x1  }
0xa1: {  	s23 =	simm.s32 $0x1B8B  }
0xa2: {  	_ =	swait.ge [sflag:s23], $0x1  }
0xa3: {  	[sflag:s23] =	ssyncset.done $0x0  }
0xa4: {  	s25 =	simm.s32 $0x1B8E;
	s24 =	sld [smem:$0x3FFE];
	[sflag:s23] =	ssyncadd.s32 $0xFFFFFFFF  }
0xa5: {  	s26 =	simm.s32 $execute0_lowered;
	[smem:$0x3FD2] =	sst s25  }
0xa6: {  	s4 =	sshll.u32 s26, $0x1;
	_ =	strace $0x80000052;
	[dreg:$0x1] =	wrdreg $0xFFFFFFFF  }
0xa7: {  	s28 =	simm.s32 $_size_execute0_lowered;
	s2 =	sadd.s32 s2, s4;
	[dreg:$0x0] =	wrdreg $0x0  }
0xa8: {  	s4 =	sshll.u32 s28, $0x1;
	[dreg:$0x2] =	wrdreg s2  }
0xa9: {  	[dreg:$0x3] =	wrdreg s4  }
0xaa: {  	[dreg:$0x4] =	wrdreg $0xC0  }
0xab: {  	_ =	task [dreg:s6], $0x5FFFF  }
0xac: {  	[dreg:$0x1] =	wrdreg $0xFFFFFFFF  }
0xad: {  	[dreg:$0x0] =	wrdreg $0x60  }
0xae: {  	[dreg:$0x2] =	wrdreg s24  }
0xaf: {  	[dreg:$0x3] =	wrdreg $0x9  }
0xb0: {  	_ =	task.clear_ibuf [dreg:s6], $0x4FFFF;
	_ =	strace $0x90000052  }
0xb1: {  	s29 =	simm.s32 $0x9;
	_ =	strace $0x80000054  }
0xb2: {  	_ =	swait.ge [sflag:s29], $0x1  }
0xb3: {  	[sflag:s29] =	ssyncadd.s32 $0xFFFFFFFF  }
0xb4: {  	_ =	strace $0x90000054  }
0xb5: {  	_ =	sfence  }
0xb6: {  	s30 =	sld [smem:$0x0];
	_ =	sdelay $0x2  }
0xb7: {  	s31 =	sshll.u32 s1, $0xD;
	s1 =	sshrl.u32 s1, $0x2  }
0xb8: {  	s3 =	sand.u32 $0x4000, s31;
	s1 =	sadd.s32 s1, s30  }
0xb9: {  	s0 =	sor.u32 s3, s0;
	s1 =	sshll.u32 s1, $0x11  }
0xba: {  	s0 =	sor.u32 s1, s0  }
0xbb: {  	s0 =	sadd.s32 $0x8F2B, s0  }
0xbc: {  	[sflag:s0] =	ssyncadd.remote.s32 $0x1  }
0xbd: {  	_ =	sfence.sel $0xFFFF  }
0xbe: {  	[dreg:$0x0] =	wrdreg $0xFFFFFFFF;
	(pc) =	sbr.abs _section_cstart, $3  }
0xbf: {  	[dreg:$0x1] =	wrdreg $0xFFFFFFFF  }
0xc0: {  	_ =	task.clear_ibuf [dreg:s6], $0x2FFFF;
	_ =	strace $0x9FFFFFFF  }
0xc1: {  	(tm) =	ssettm $0x7FFFFFFF  }
tec
execute0_lowered:
.L_overlay_start_1:
0x0: {  	(tag) =	ssettag $0x1  }
0x1: {  	s4 =	rddreg [dreg:$0x0]  }
0x2: {  	s0 =	rddreg [dreg:$0x1];
	s2 =	simm.s32 $0x0  }
0x3: {  	s3 =	srdreg.scid;
	s1 =	stileid.u32;
	s13 =	simm.s32 $0xA500  }
0x4: {  	s14 =	simm.s32 $0x3;
	s15 =	simm.s32 $0x4;
	s16 =	simm.s32 $0x5  }
0x5: {  	s17 =	simm.s32 $0x6;
	s18 =	simm.s32 $0x0;
	s6 =	smul.u32 $0x28000, s1  }
0x6: {  	[smem:$0x7FF] =	sst s2;
	s5 =	sand.u32 $0x1, s3;
	s8 =	smul.u32 $0x5000, s1  }
0x7: {  	s3 =	sadd.s32 $0x10B800, s4;
	s9 =	sadd.s32 $0xB3600, s4;
	s11 =	smul.u32 $0x2800, s5  }
0x8: {  	s12 =	sadd.s32 $0x132A00, s4;
	s7 =	ssub.s32 $0x2, s5;
	s5 =	smul.u32 $0x14000, s5  }
0x9: {  	_ =	strace $0x80000053;
	s10 =	sshrl.u32 s7, $0x1;
	s6 =	sadd.s32 s6, s12  }
0xa: {  	s26 =	ssub.s32 s7, s10;
	s28 =	sadd.s32 s11, s8;
	s5 =	sadd.s32 s5, s6  }
0xb: {  	s10 =	simm.s32 $0x1;
	s11 =	simm.s32 $0x500;
	s7 =	sor.u32 $0x280, s28  }
0xc: {  	s4 =	smax.u32 s26, $0x1;
	s29 =	sshrl.u32 s28, $0x3;
	s30 =	sshll.u32 s7, $0x3  }
0xd: {  	s6 =	sadd.s32 s29, s9;
	s31 =	sshrl.u32 s7, $0x3;
	s7 =	sadd.s32 s30, s12  }
0xe: {  	s8 =	sadd.s32 s31, s9;
	s9 =	simm.s32 $0x280;
	s12 =	simm.s32 $0x2  }
.LBB2_1:
0xf: {  	s19 =	sadd.s32 $0x0, s6  }
0x10: {  	[tilespmem:s2], [sflag:$0x1] =	stream.linear.gather [hbm4b:s19+s2], $0x280, $0x38;
	[tilespmem:$0x14500] =	vst v63  }
0x11: {  	s31 =	sadd.s32 $0x0, s8  }
0x12: {  	[tilespmem:s9], [sflag:$0x2] =	stream.linear.gather [hbm4b:s31+s2], $0x280, $0x38;
	[tilespmem:$0x14500] =	vst v63  }
0x13: {  	_ =	swait.ge [sflag:s10], $0x280  }
0x14: {  	[sflag:s10] =	ssyncset.done $0x0  }
0x15: {  	[sflag:s10] =	ssyncadd.s32 $0xFFFFFD80  }
0x16: {  	[tilespmem:s11], [sflag:$0x3] =	stream.indirect.gather [hbm4b:s3+s9], $0x40, s2, s9, $0xb8;
	[tilespmem:$0x14500] =	vst v63  }
0x17: {  	_ =	swait.ge [sflag:s12], $0x280  }
0x18: {  	[sflag:s12] =	ssyncset.done $0x0  }
0x19: {  	[sflag:s12] =	ssyncadd.s32 $0xFFFFFD80  }
0x1a: {  	[tilespmem:s13], [sflag:$0x4] =	stream.indirect.gather [hbm4b:s3+s9], $0x40, s9, s9, $0xb8;
	[tilespmem:$0x14500] =	vst v63  }
0x1b: {  	_ =	swait.ge [sflag:s14], $0xA000  }
0x1c: {  	[sflag:s14] =	ssyncset.done $0x0  }
0x1d: {  	[sflag:s14] =	ssyncadd.s32 $0xFFFF6000  }
0x1e: {  	[hbm4b:s5+s2] =	stream.linear.scatter [tilespmem:s11], [sflag:$0x5], $0xA000, $0x38;
	[tilespmem:$0x14500] =	vst v63  }
0x1f: {  	_ =	swait.ge [sflag:s15], $0xA000  }
0x20: {  	[sflag:s15] =	ssyncset.done $0x0  }
0x21: {  	[sflag:s15] =	ssyncadd.s32 $0xFFFF6000  }
0x22: {  	[hbm4b:s7+s2] =	stream.linear.scatter [tilespmem:s13], [sflag:$0x6], $0xA000, $0x38;
	[tilespmem:$0x14500] =	vst v63  }
0x23: {  	_ =	swait.ge [sflag:s16], $0xA000  }
0x24: {  	[sflag:s16] =	ssyncset.done $0x0  }
0x25: {  	[sflag:s16] =	ssyncadd.s32 $0xFFFF6000  }
0x26: {  	s21 =	simm.s32 $0xA0;
	s22 =	simm.s32 $0x140;
	_ =	swait.ge [sflag:s17], $0xA000  }
0x27: {  	s20 =	sadd.s32 $0x2800, s5;
	s19 =	sadd.s32 $0x2800, s7;
	[sflag:s17] =	ssyncset.done $0x0  }
.LBB2_2:
0x28: {  	s23 =	sadd.s32 s21, s6  }
0x29: {  	[sflag:s17] =	ssyncadd.s32 $0xFFFF6000;
	s24 =	smov.u32 s22;
	s25 =	sadd.s32 $0xA0, s22  }
0x2a: {  	[tilespmem:s2], [sflag:$0x1] =	stream.linear.gather [hbm4b:s23+s2], $0x280, $0x38;
	[tilespmem:$0x14500] =	vst v63  }
0x2b: {  	p0 =	sne.s32 s22, $0x460;
	s22 =	sadd.s32 s21, s8;
	s21 =	smov.u32 s24  }
0x2c: {  	[tilespmem:s9], [sflag:$0x2] =	stream.linear.gather [hbm4b:s22+s2], $0x280, $0x38;
	[tilespmem:$0x14500] =	vst v63  }
0x2d: {  	_ =	swait.ge [sflag:s10], $0x280  }
0x2e: {  	[sflag:s10] =	ssyncset.done $0x0  }
0x2f: {  	[sflag:s10] =	ssyncadd.s32 $0xFFFFFD80  }
0x30: {  	[tilespmem:s11], [sflag:$0x3] =	stream.indirect.gather [hbm4b:s3+s9], $0x40, s2, s9, $0xb8;
	[tilespmem:$0x14500] =	vst v63  }
0x31: {  	_ =	swait.ge [sflag:s12], $0x280  }
0x32: {  	[sflag:s12] =	ssyncset.done $0x0  }
0x33: {  	[sflag:s12] =	ssyncadd.s32 $0xFFFFFD80  }
0x34: {  	[tilespmem:s13], [sflag:$0x4] =	stream.indirect.gather [hbm4b:s3+s9], $0x40, s9, s9, $0xb8;
	[tilespmem:$0x14500] =	vst v63  }
0x35: {  	_ =	swait.ge [sflag:s14], $0xA000  }
0x36: {  	[sflag:s14] =	ssyncset.done $0x0  }
0x37: {  	[sflag:s14] =	ssyncadd.s32 $0xFFFF6000  }
0x38: {  	[hbm4b:s20+s2] =	stream.linear.scatter [tilespmem:s11], [sflag:$0x5], $0xA000, $0x38;
	[tilespmem:$0x14500] =	vst v63  }
0x39: {  	_ =	swait.ge [sflag:s15], $0xA000  }
0x3a: {  	[sflag:s15] =	ssyncset.done $0x0  }
0x3b: {  	[sflag:s15] =	ssyncadd.s32 $0xFFFF6000  }
0x3c: {  	[hbm4b:s19+s2] =	stream.linear.scatter [tilespmem:s13], [sflag:$0x6], $0xA000, $0x38;
	[tilespmem:$0x14500] =	vst v63  }
.Ltmp0:
0x3d: {  	_ =	swait.ge [sflag:s16], $0xA000;
	(pc) =	sbr.rel @p0 .LBB2_2-.Ltmp0, $4  }
0x3e: {  	[sflag:s16] =	ssyncset.done $0x0  }
0x3f: {  	[sflag:s16] =	ssyncadd.s32 $0xFFFF6000  }
0x40: {  	s22 =	smov.u32 s25;
	_ =	swait.ge [sflag:s17], $0xA000  }
0x41: {  	s20 =	sadd.s32 $0x2800, s20;
	s19 =	sadd.s32 $0x2800, s19;
	[sflag:s17] =	ssyncset.done $0x0  }
0x42: {  	s22 =	sadd.s32 s21, s6;
	[sflag:s17] =	ssyncadd.s32 $0xFFFF6000  }
0x43: {  	[tilespmem:s2], [sflag:$0x1] =	stream.linear.gather [hbm4b:s22+s2], $0x280, $0x38;
	[tilespmem:$0x14500] =	vst v63  }
0x44: {  	s31 =	sadd.s32 s21, s8  }
0x45: {  	[tilespmem:s9], [sflag:$0x2] =	stream.linear.gather [hbm4b:s31+s2], $0x280, $0x38;
	[tilespmem:$0x14500] =	vst v63  }
0x46: {  	_ =	swait.ge [sflag:s10], $0x280  }
0x47: {  	[sflag:s10] =	ssyncset.done $0x0  }
0x48: {  	[sflag:s10] =	ssyncadd.s32 $0xFFFFFD80  }
0x49: {  	[tilespmem:s11], [sflag:$0x3] =	stream.indirect.gather [hbm4b:s3+s9], $0x40, s2, s9, $0xb8;
	[tilespmem:$0x14500] =	vst v63  }
0x4a: {  	_ =	swait.ge [sflag:s12], $0x280  }
0x4b: {  	[sflag:s12] =	ssyncset.done $0x0  }
0x4c: {  	[sflag:s12] =	ssyncadd.s32 $0xFFFFFD80  }
0x4d: {  	[tilespmem:s13], [sflag:$0x4] =	stream.indirect.gather [hbm4b:s3+s9], $0x40, s9, s9, $0xb8;
	[tilespmem:$0x14500] =	vst v63  }
0x4e: {  	_ =	swait.ge [sflag:s14], $0xA000  }
0x4f: {  	[sflag:s14] =	ssyncset.done $0x0  }
0x50: {  	[sflag:s14] =	ssyncadd.s32 $0xFFFF6000  }
0x51: {  	[hbm4b:s20+s2] =	stream.linear.scatter [tilespmem:s11], [sflag:$0x5], $0xA000, $0x38;
	[tilespmem:$0x14500] =	vst v63  }
0x52: {  	_ =	swait.ge [sflag:s15], $0xA000  }
0x53: {  	[sflag:s15] =	ssyncset.done $0x0  }
0x54: {  	s18 =	sadd.s32 $0x1, s18;
	[sflag:s15] =	ssyncadd.s32 $0xFFFF6000  }
0x55: {  	[hbm4b:s19+s2] =	stream.linear.scatter [tilespmem:s13], [sflag:$0x6], $0xA000, $0x38;
	[tilespmem:$0x14500] =	vst v63  }
0x56: {  	p0 =	sne.s32 s18, s4;
	_ =	swait.ge [sflag:s16], $0xA000  }
.Ltmp1:
0x57: {  	[sflag:s16] =	ssyncset.done $0x0;
	(pc) =	sbr.rel @p0 .LBB2_1-.Ltmp1, $4  }
0x58: {  	[sflag:s16] =	ssyncadd.s32 $0xFFFF6000  }
0x59: {  	_ =	swait.ge [sflag:s17], $0xA000  }
0x5a: {  	[sflag:s17] =	ssyncset.done $0x0  }
0x5b: {  	[sflag:s17] =	ssyncadd.s32 $0xFFFF6000  }
0x5c: {  	_ =	sfence.sel $0x180000  }
0x5d: {  	[bflag:$0x0] =	sbarrier.arrive $0xFFFF  }
0x5e: {  	p0 =	sne.s32 s1, $0x0;
	_ =	strace $0x90000053  }
0x5f: {  	s0 =	sadd.s32 @!p0 $0x100000, s0;
	[bflag:$0x2] =	sbarrier.arrive $0xFFFF  }
0x60: {  	[sflag:s0] =	ssyncadd.tile.s32 @!p0 $0x1;
	_ =	shalt  }
.Lfunc_end2:
_tile_overlayer_lowered:
.L_overlay_start_2:
0x61: {  	(tag) =	ssettag $0x2  }
0x62: {  	s0 =	rddreg [dreg:$0x0];
	s2 =	stileid.u32  }
0x63: {  	s1 =	rddreg [dreg:$0x1];
	p0 =	sne.s32 s2, $0x0  }
0x64: {  	s3 =	rddreg [dreg:$0x2];
	[bflag:$0x3] =	sbarrier.arrive $0xFFFF;
	s2 =	simm.s32 @!p0 $0x1C07  }
0x65: {  	[timem:s3], [sflag:s2] =	dma.local @!p0 [hbm:s0], s1  }
0x66: {  	s0 =	simm.s32 @!p0 $0x7  }
0x67: {  	_ =	swait.ge @!p0 [sflag:s0], s1  }
0x68: {  	s1 =	ssub.s32 @!p0 $0x0, s1;
	[sflag:s0] =	ssyncset.done @!p0 $0x0  }
0x69: {  	[sflag:s0] =	ssyncadd.s32 @!p0 s1  }
0x6a: {  	[bflag:$0x3] =	sbarrier.arrive $0xFFFF  }
0x6b: {  	_ =	shalt  }

</sc_bundles>
